<compile_context>
chip_gen: v7x
topology: tpu7x:2x2x1
jax: 0.10.2.dev20260603
libtpu: 0.0.44.dev20260713+nightly
codegen_flags: <defaults>
</compile_context>

<pallas_src>
import jax
import jax.numpy as jnp
from jax import lax
from jax.experimental import pallas as pl
from jax.experimental.pallas import tpu as pltpu
from jax.experimental.pallas import tpu_sc as plsc

WIDTH = 1024
HEIGHT = 1024
N = 524288

NC = 2
NS = 16
NW = NC * NS
PPW = N // NW

ACC = 528
BASE = 504
ACC_WORDS = ACC * ACC
ZCHUNK = ACC_WORDS // NS
CHUNK = 128
NCHUNK = PPW // CHUNK
SUB = CHUNK // 16
IDX_OFF = (2 + BASE) * ACC + (2 + BASE)
_mesh = plsc.VectorSubcoreMesh(core_axis_name="c", subcore_axis_name="s",
                               num_cores=NC, num_subcores=NS)


def _splat_body(x_hbm, y_hbm, v_hbm, out_hbm,
                xv, yv, vv, idxb, valb, zv, acc, sem0, sem1):
  cid = lax.axis_index("c")
  sid = lax.axis_index("s")
  wid = cid * NS + sid
  pbase = wid * PPW

  pltpu.sync_copy(x_hbm.at[pl.ds(pbase, PPW)], xv)
  pltpu.sync_copy(y_hbm.at[pl.ds(pbase, PPW)], yv)
  pltpu.sync_copy(v_hbm.at[pl.ds(pbase, PPW)], vv)

  def _zero(i, c):
    zv[pl.ds(i * 16, 16)] = jnp.zeros((16,), jnp.float32)
    return c
  lax.fori_loop(0, ZCHUNK // 16, _zero, 0, unroll=8)
  pltpu.sync_copy(zv, acc.at[pl.ds(sid * ZCHUNK, ZCHUNK)])
  plsc.subcore_barrier()

  def _fill(g, p):
    def _sub(c, _c):
      off = g * CHUNK + c * 16
      xs = xv[pl.ds(off, 16)]
      ys = yv[pl.ds(off, 16)]
      vs = vv[pl.ds(off, 16)]
      xp = (xs + 1.0) * 512.0
      yp = (ys + 1.0) * 512.0
      xi = xp.astype(jnp.int32)
      yi = yp.astype(jnp.int32)
      xf = xp - xi.astype(jnp.float32)
      yf = yp - yi.astype(jnp.float32)
      wx = [jnp.exp(-2.0 * (xf - (o - 2.0)) * (xf - (o - 2.0)))
            for o in range(5)]
      wy = [jnp.exp(-2.0 * (yf - (o - 2.0)) * (yf - (o - 2.0)))
            for o in range(5)]
      sx = ((wx[0] + wx[1]) + (wx[2] + wx[3])) + wx[4]
      sy = ((wy[0] + wy[1]) + (wy[2] + wy[3])) + wy[4]
      r = vs / (sx * sy)
      bidx = yi * ACC + xi - IDX_OFF
      for j in range(5):
        vyj = wy[j] * r
        for i in range(5):
          o = j * 5 + i
          idxb[p, o, pl.ds(c * 16, 16)] = bidx + (j * ACC + i)
          valb[p, o, pl.ds(c * 16, 16)] = wx[i] * vyj
      return _c
    lax.fori_loop(0, SUB, _sub, 0)

  def _fire(p, sem):
    for o in range(25):
      pltpu.async_copy(valb.at[p, o], acc.at[idxb.at[p, o]], sem, add=True)

  def _drain(p, sem):
    for o in range(25):
      pltpu.make_async_copy(valb.at[p, o], acc.at[idxb.at[p, o]], sem).wait()

  def _pair(t, carry):
    @pl.when(t > 0)
    def _():
      _drain(0, sem0)
    _fill(2 * t, 0)
    _fire(0, sem0)

    @pl.when(t > 0)
    def _():
      _drain(1, sem1)
    _fill(2 * t + 1, 1)
    _fire(1, sem1)
    return carry
  lax.fori_loop(0, NCHUNK // 2, _pair, 0)
  _drain(0, sem0)
  _drain(1, sem1)

  plsc.subcore_barrier()
  pltpu.sync_copy(acc.at[pl.ds(sid * ZCHUNK, ZCHUNK)], zv)
  pltpu.sync_copy(zv, out_hbm.at[pl.ds(cid * ACC_WORDS + sid * ZCHUNK, ZCHUNK)])


_splat = pl.kernel(
    _splat_body,
    out_type=jax.ShapeDtypeStruct((NC * ACC_WORDS,), jnp.float32),
    mesh=_mesh,
    scratch_types=[
        pltpu.VMEM((PPW,), jnp.float32),
        pltpu.VMEM((PPW,), jnp.float32),
        pltpu.VMEM((PPW,), jnp.float32),
        pltpu.VMEM((2, 25, CHUNK), jnp.int32),
        pltpu.VMEM((2, 25, CHUNK), jnp.float32),
        pltpu.VMEM((ZCHUNK,), jnp.float32),
        pltpu.VMEM_SHARED((ACC_WORDS,), jnp.float32),
        pltpu.SemaphoreType.DMA,
        pltpu.SemaphoreType.DMA,
    ],
)


def _combine_body(p_ref, o_ref):
  o_ref[...] = jnp.zeros((HEIGHT, WIDTH), jnp.float32)
  live = 1024 - BASE
  s = p_ref[0, :live, :live] + p_ref[1, :live, :live]
  o_ref[BASE:, BASE:] = s


_combine = pl.pallas_call(
    _combine_body,
    out_shape=jax.ShapeDtypeStruct((HEIGHT, WIDTH), jnp.float32),
)


@jax.jit
def kernel(x, y, values):
  parts = _splat(x, y, values)
  return _combine(parts.reshape(NC, ACC, ACC))

# --- scband reference (transcript-rebuilt; emitter-appended) ---
"""Pipeline reference for scband-differentiable-square-sensor-75892072120707 (READ-ONLY COPY).

The authoritative reference and input builder live on the scoring server;
editing this copy changes nothing except your own understanding.
"""

import jax, jax.numpy as jnp
import numpy as np

WIDTH = 1024
HEIGHT = 1024
X0 = -1.0
Y0 = -1.0
DX = 2.0 / WIDTH
DY = 2.0 / HEIGHT
SIGMA = 0.5
KERNEL_SIZE = 2
EDGE_WIDTH = 0.0

_offset_range = jnp.arange(-KERNEL_SIZE, KERNEL_SIZE + 1)
_dxo, _dyo = jnp.meshgrid(_offset_range, _offset_range, indexing='xy')
OFFSET_X = _dxo.flatten()
OFFSET_Y = _dyo.flatten()


def _square_edge_distance(x_frac, y_frac, dx, dy):
    dist_to_edge_x = jnp.minimum(x_frac, 1 - x_frac) * dx
    dist_to_edge_y = jnp.minimum(y_frac, 1 - y_frac) * dy
    return jnp.minimum(dist_to_edge_x, dist_to_edge_y)


def setup_inputs(seed: int = 0) -> dict:
    key = jax.random.key(seed)
    k1, k2, k3 = jax.random.split(key, 3)
    N = 524288
    x = jax.random.uniform(k1, (N,), dtype=jnp.float32)
    y = jax.random.uniform(k2, (N,), dtype=jnp.float32)
    values = jax.random.normal(k3, (N,), dtype=jnp.float32)
    return {"x": x, "y": y, "values": values}


def reference(x, y, values):
    x_pix = (x - X0) / DX
    y_pix = (y - Y0) / DY
    xi_base = jnp.floor(x_pix).astype(jnp.int32)
    yi_base = jnp.floor(y_pix).astype(jnp.int32)
    x_frac = x_pix - xi_base
    y_frac = y_pix - yi_base
    if EDGE_WIDTH > 0:
        dist_to_edge = _square_edge_distance(x_frac, y_frac, DX, DY)
        on_edge = dist_to_edge < EDGE_WIDTH
        values = jnp.where(on_edge, 0.0, values)
    xi = xi_base[:, None] + OFFSET_X[None, :]
    yi = yi_base[:, None] + OFFSET_Y[None, :]
    dist_x = x_frac[:, None] - OFFSET_X[None, :]
    dist_y = y_frac[:, None] - OFFSET_Y[None, :]
    weights = jnp.exp(-0.5 * (dist_x ** 2 + dist_y ** 2) / SIGMA ** 2)
    weights = weights / jnp.sum(weights, axis=1, keepdims=True)
    valid = (xi >= 0) & (xi < WIDTH) & (yi >= 0) & (yi < HEIGHT)
    xi = jnp.clip(xi, 0, WIDTH - 1)
    yi = jnp.clip(yi, 0, HEIGHT - 1)
    splatted_values = values[:, None] * weights * valid
    flat_idx = (yi * WIDTH + xi).flatten()
    img_flat = jax.ops.segment_sum(splatted_values.flatten(), flat_idx, num_segments=HEIGHT * WIDTH)
    return img_flat.reshape(HEIGHT, WIDTH)

if __name__ == "__main__":
    import jax
    _d = setup_inputs()
    print(jax.jit(kernel)(*tuple(_d.values())))

</pallas_src>

<mosaic_0001>
#map = affine_map<(d0, d1) -> (0)>
module attributes {stable_mosaic.version = 14 : i64} {
  func.func @_splat_body(%arg0: i32, %arg1: i32, %arg2: memref<524288xf32, #tpu.memory_space<hbm>>, %arg3: memref<524288xf32, #tpu.memory_space<hbm>>, %arg4: memref<524288xf32, #tpu.memory_space<hbm>>, %arg5: memref<557568xf32, #tpu.memory_space<hbm>>, %arg6: memref<16384xf32, #tpu.memory_space<vmem>>, %arg7: memref<16384xf32, #tpu.memory_space<vmem>>, %arg8: memref<16384xf32, #tpu.memory_space<vmem>>, %arg9: memref<2x25x128xi32, #tpu.memory_space<vmem>>, %arg10: memref<2x25x128xf32, #tpu.memory_space<vmem>>, %arg11: memref<17424xf32, #tpu.memory_space<vmem>>, %arg12: memref<278784xf32, #tpu.memory_space<vmem_shared>>, %arg13: memref<!tpu.dma_semaphore, #tpu.memory_space<semaphore_mem>>, %arg14: memref<!tpu.dma_semaphore, #tpu.memory_space<semaphore_mem>>) attributes {dimension_semantics = [#tpu.dimension_semantics<core_parallel>, #tpu.dimension_semantics<subcore_parallel>], iteration_bounds = array<i64: 2, 16>, scalar_prefetch = 0 : i64, scratch_operands = 9 : i64, tpu.core_type = #tpu.core_type<sc_vector_subcore>, window_params = [{transform_indices = #map}, {transform_indices = #map}, {transform_indices = #map}, {transform_indices = #map}]} {
    %mul3A = arith.constant 16 : i32
    %mul3A_0 = arith.muli %arg0, %mul3A : i32
    %add3A = arith.addi %mul3A_0, %arg1 : i32
    %mul3A_1 = arith.constant 16384 : i32
    %mul3A_2 = arith.muli %add3A, %mul3A_1 : i32
    "tpu.region"() ({
      %run_scoped3A = tpu.sem_alloc : memref<!tpu.dma_semaphore, #tpu.memory_space<semaphore_mem>>
      %dma_start3A = tpu.memref_slice %arg2[%mul3A_2] : memref<524288xf32, #tpu.memory_space<hbm>> -> memref<16384xf32, #tpu.memory_space<hbm>>
      %dma_start3A_631 = tpu.memref_slice %arg2[%mul3A_2] : memref<524288xf32, #tpu.memory_space<hbm>> -> memref<16384xf32, #tpu.memory_space<hbm>>
      tpu.enqueue_dma source(%dma_start3A_631 : memref<16384xf32, #tpu.memory_space<hbm>>) target(%arg6 : memref<16384xf32, #tpu.memory_space<vmem>>) target_semaphore(%run_scoped3A : memref<!tpu.dma_semaphore, #tpu.memory_space<semaphore_mem>>)
      %dma_wait3A_632 = tpu.memref_slice %arg2[%mul3A_2] : memref<524288xf32, #tpu.memory_space<hbm>> -> memref<16384xf32, #tpu.memory_space<hbm>>
      %dma_wait3A_633 = tpu.memref_slice %arg2[%mul3A_2] : memref<524288xf32, #tpu.memory_space<hbm>> -> memref<16384xf32, #tpu.memory_space<hbm>>
      tpu.wait_dma2 semaphore(%run_scoped3A : memref<!tpu.dma_semaphore, #tpu.memory_space<semaphore_mem>>) src(%dma_wait3A_633 : memref<16384xf32, #tpu.memory_space<hbm>>) dst(%arg6 : memref<16384xf32, #tpu.memory_space<vmem>>)
      tpu.yield
    }) : () -> ()
    "tpu.region"() ({
      %run_scoped3A = tpu.sem_alloc : memref<!tpu.dma_semaphore, #tpu.memory_space<semaphore_mem>>
      %dma_start3A = tpu.memref_slice %arg3[%mul3A_2] : memref<524288xf32, #tpu.memory_space<hbm>> -> memref<16384xf32, #tpu.memory_space<hbm>>
      %dma_start3A_631 = tpu.memref_slice %arg3[%mul3A_2] : memref<524288xf32, #tpu.memory_space<hbm>> -> memref<16384xf32, #tpu.memory_space<hbm>>
      tpu.enqueue_dma source(%dma_start3A_631 : memref<16384xf32, #tpu.memory_space<hbm>>) target(%arg7 : memref<16384xf32, #tpu.memory_space<vmem>>) target_semaphore(%run_scoped3A : memref<!tpu.dma_semaphore, #tpu.memory_space<semaphore_mem>>)
      %dma_wait3A_632 = tpu.memref_slice %arg3[%mul3A_2] : memref<524288xf32, #tpu.memory_space<hbm>> -> memref<16384xf32, #tpu.memory_space<hbm>>
      %dma_wait3A_633 = tpu.memref_slice %arg3[%mul3A_2] : memref<524288xf32, #tpu.memory_space<hbm>> -> memref<16384xf32, #tpu.memory_space<hbm>>
      tpu.wait_dma2 semaphore(%run_scoped3A : memref<!tpu.dma_semaphore, #tpu.memory_space<semaphore_mem>>) src(%dma_wait3A_633 : memref<16384xf32, #tpu.memory_space<hbm>>) dst(%arg7 : memref<16384xf32, #tpu.memory_space<vmem>>)
      tpu.yield
    }) : () -> ()
    "tpu.region"() ({
      %run_scoped3A = tpu.sem_alloc : memref<!tpu.dma_semaphore, #tpu.memory_space<semaphore_mem>>
      %dma_start3A = tpu.memref_slice %arg4[%mul3A_2] : memref<524288xf32, #tpu.memory_space<hbm>> -> memref<16384xf32, #tpu.memory_space<hbm>>
      %dma_start3A_631 = tpu.memref_slice %arg4[%mul3A_2] : memref<524288xf32, #tpu.memory_space<hbm>> -> memref<16384xf32, #tpu.memory_space<hbm>>
      tpu.enqueue_dma source(%dma_start3A_631 : memref<16384xf32, #tpu.memory_space<hbm>>) target(%arg8 : memref<16384xf32, #tpu.memory_space<vmem>>) target_semaphore(%run_scoped3A : memref<!tpu.dma_semaphore, #tpu.memory_space<semaphore_mem>>)
      %dma_wait3A_632 = tpu.memref_slice %arg4[%mul3A_2] : memref<524288xf32, #tpu.memory_space<hbm>> -> memref<16384xf32, #tpu.memory_space<hbm>>
      %dma_wait3A_633 = tpu.memref_slice %arg4[%mul3A_2] : memref<524288xf32, #tpu.memory_space<hbm>> -> memref<16384xf32, #tpu.memory_space<hbm>>
      tpu.wait_dma2 semaphore(%run_scoped3A : memref<!tpu.dma_semaphore, #tpu.memory_space<semaphore_mem>>) src(%dma_wait3A_633 : memref<16384xf32, #tpu.memory_space<hbm>>) dst(%arg8 : memref<16384xf32, #tpu.memory_space<vmem>>)
      tpu.yield
    }) : () -> ()
    %scan3A = arith.constant 0 : i32
    %scan3A_3 = arith.constant 0 : i32
    %scan3A_4 = arith.constant 1088 : i32
    %scan3A_5 = arith.addi %scan3A_3, %scan3A_4 : i32
    %scan3A_6 = arith.constant 8 : i32
    scf.for %scan3A_631 = %scan3A_3 to %scan3A_5 step %scan3A_6  : i32 {
      %broadcast_in_dim3A_632 = arith.constant 0.000000e+00 : f32
      %broadcast_in_dim3A_633 = vector.broadcast %broadcast_in_dim3A_632 : f32 to vector<16xf32>
      %mul3A_634 = arith.constant 16 : i32
      %mul3A_635 = arith.muli %scan3A_631, %mul3A_634 : i32
      %swap3A_636 = arith.index_cast %mul3A_635 : i32 to index
      %swap3A_637 = tpu.vector_load %arg11[%swap3A_636] {strides = array<i32>} : memref<17424xf32, #tpu.memory_space<vmem>>, vector<16xf32>,
      %swap3A_638 = vector.shape_cast %swap3A_637 : vector<16xf32> to vector<16xf32>
      %swap3A_639 = vector.shape_cast %broadcast_in_dim3A_633 : vector<16xf32> to vector<16xf32>
      tpu.vector_store %arg11[%swap3A_636], %swap3A_639 {strides = array<i32>} : memref<17424xf32, #tpu.memory_space<vmem>>, vector<16xf32>,
      %scan3A_640 = arith.constant 1 : i32
      %scan3A_641 = arith.addi %scan3A_631, %scan3A_640 : i32
      %broadcast_in_dim3A_642 = arith.constant 0.000000e+00 : f32
      %broadcast_in_dim3A_643 = vector.broadcast %broadcast_in_dim3A_642 : f32 to vector<16xf32>
      %mul3A_644 = arith.constant 16 : i32
      %mul3A_645 = arith.muli %scan3A_641, %mul3A_644 : i32
      %swap3A_646 = arith.index_cast %mul3A_645 : i32 to index
      %swap3A_647 = tpu.vector_load %arg11[%swap3A_646] {strides = array<i32>} : memref<17424xf32, #tpu.memory_space<vmem>>, vector<16xf32>,
      %swap3A_648 = vector.shape_cast %swap3A_647 : vector<16xf32> to vector<16xf32>
      %swap3A_649 = vector.shape_cast %broadcast_in_dim3A_643 : vector<16xf32> to vector<16xf32>
      tpu.vector_store %arg11[%swap3A_646], %swap3A_649 {strides = array<i32>} : memref<17424xf32, #tpu.memory_space<vmem>>, vector<16xf32>,
      %scan3A_650 = arith.constant 2 : i32
      %scan3A_651 = arith.addi %scan3A_631, %scan3A_650 : i32
      %broadcast_in_dim3A_652 = arith.constant 0.000000e+00 : f32
      %broadcast_in_dim3A_653 = vector.broadcast %broadcast_in_dim3A_652 : f32 to vector<16xf32>
      %mul3A_654 = arith.constant 16 : i32
      %mul3A_655 = arith.muli %scan3A_651, %mul3A_654 : i32
      %swap3A_656 = arith.index_cast %mul3A_655 : i32 to index
      %swap3A_657 = tpu.vector_load %arg11[%swap3A_656] {strides = array<i32>} : memref<17424xf32, #tpu.memory_space<vmem>>, vector<16xf32>,
      %swap3A_658 = vector.shape_cast %swap3A_657 : vector<16xf32> to vector<16xf32>
      %swap3A_659 = vector.shape_cast %broadcast_in_dim3A_653 : vector<16xf32> to vector<16xf32>
      tpu.vector_store %arg11[%swap3A_656], %swap3A_659 {strides = array<i32>} : memref<17424xf32, #tpu.memory_space<vmem>>, vector<16xf32>,
      %scan3A_660 = arith.constant 3 : i32
      %scan3A_661 = arith.addi %scan3A_631, %scan3A_660 : i32
      %broadcast_in_dim3A_662 = arith.constant 0.000000e+00 : f32
      %broadcast_in_dim3A_663 = vector.broadcast %broadcast_in_dim3A_662 : f32 to vector<16xf32>
      %mul3A_664 = arith.constant 16 : i32
      %mul3A_665 = arith.muli %scan3A_661, %mul3A_664 : i32
      %swap3A_666 = arith.index_cast %mul3A_665 : i32 to index
      %swap3A_667 = tpu.vector_load %arg11[%swap3A_666] {strides = array<i32>} : memref<17424xf32, #tpu.memory_space<vmem>>, vector<16xf32>,
      %swap3A_668 = vector.shape_cast %swap3A_667 : vector<16xf32> to vector<16xf32>
      %swap3A_669 = vector.shape_cast %broadcast_in_dim3A_663 : vector<16xf32> to vector<16xf32>
      tpu.vector_store %arg11[%swap3A_666], %swap3A_669 {strides = array<i32>} : memref<17424xf32, #tpu.memory_space<vmem>>, vector<16xf32>,
      %scan3A_670 = arith.constant 4 : i32
      %scan3A_671 = arith.addi %scan3A_631, %scan3A_670 : i32
      %broadcast_in_dim3A_672 = arith.constant 0.000000e+00 : f32
      %broadcast_in_dim3A_673 = vector.broadcast %broadcast_in_dim3A_672 : f32 to vector<16xf32>
      %mul3A_674 = arith.constant 16 : i32
      %mul3A_675 = arith.muli %scan3A_671, %mul3A_674 : i32
      %swap3A_676 = arith.index_cast %mul3A_675 : i32 to index
      %swap3A_677 = tpu.vector_load %arg11[%swap3A_676] {strides = array<i32>} : memref<17424xf32, #tpu.memory_space<vmem>>, vector<16xf32>,
      %swap3A_678 = vector.shape_cast %swap3A_677 : vector<16xf32> to vector<16xf32>
      %swap3A_679 = vector.shape_cast %broadcast_in_dim3A_673 : vector<16xf32> to vector<16xf32>
      tpu.vector_store %arg11[%swap3A_676], %swap3A_679 {strides = array<i32>} : memref<17424xf32, #tpu.memory_space<vmem>>, vector<16xf32>,
      %scan3A_680 = arith.constant 5 : i32
      %scan3A_681 = arith.addi %scan3A_631, %scan3A_680 : i32
      %broadcast_in_dim3A_682 = arith.constant 0.000000e+00 : f32
      %broadcast_in_dim3A_683 = vector.broadcast %broadcast_in_dim3A_682 : f32 to vector<16xf32>
      %mul3A_684 = arith.constant 16 : i32
      %mul3A_685 = arith.muli %scan3A_681, %mul3A_684 : i32
      %swap3A_686 = arith.index_cast %mul3A_685 : i32 to index
      %swap3A_687 = tpu.vector_load %arg11[%swap3A_686] {strides = array<i32>} : memref<17424xf32, #tpu.memory_space<vmem>>, vector<16xf32>,
      %swap3A_688 = vector.shape_cast %swap3A_687 : vector<16xf32> to vector<16xf32>
      %swap3A_689 = vector.shape_cast %broadcast_in_dim3A_683 : vector<16xf32> to vector<16xf32>
      tpu.vector_store %arg11[%swap3A_686], %swap3A_689 {strides = array<i32>} : memref<17424xf32, #tpu.memory_space<vmem>>, vector<16xf32>,
      %scan3A_690 = arith.constant 6 : i32
      %scan3A_691 = arith.addi %scan3A_631, %scan3A_690 : i32
      %broadcast_in_dim3A_692 = arith.constant 0.000000e+00 : f32
      %broadcast_in_dim3A_693 = vector.broadcast %broadcast_in_dim3A_692 : f32 to vector<16xf32>
      %mul3A_694 = arith.constant 16 : i32
      %mul3A_695 = arith.muli %scan3A_691, %mul3A_694 : i32
      %swap3A_696 = arith.index_cast %mul3A_695 : i32 to index
      %swap3A_697 = tpu.vector_load %arg11[%swap3A_696] {strides = array<i32>} : memref<17424xf32, #tpu.memory_space<vmem>>, vector<16xf32>,
      %swap3A_698 = vector.shape_cast %swap3A_697 : vector<16xf32> to vector<16xf32>
      %swap3A_699 = vector.shape_cast %broadcast_in_dim3A_693 : vector<16xf32> to vector<16xf32>
      tpu.vector_store %arg11[%swap3A_696], %swap3A_699 {strides = array<i32>} : memref<17424xf32, #tpu.memory_space<vmem>>, vector<16xf32>,
      %scan3A_700 = arith.constant 7 : i32
      %scan3A_701 = arith.addi %scan3A_631, %scan3A_700 : i32
      %broadcast_in_dim3A_702 = arith.constant 0.000000e+00 : f32
      %broadcast_in_dim3A_703 = vector.broadcast %broadcast_in_dim3A_702 : f32 to vector<16xf32>
      %mul3A_704 = arith.constant 16 : i32
      %mul3A_705 = arith.muli %scan3A_701, %mul3A_704 : i32
      %swap3A_706 = arith.index_cast %mul3A_705 : i32 to index
      %swap3A_707 = tpu.vector_load %arg11[%swap3A_706] {strides = array<i32>} : memref<17424xf32, #tpu.memory_space<vmem>>, vector<16xf32>,
      %swap3A_708 = vector.shape_cast %swap3A_707 : vector<16xf32> to vector<16xf32>
      %swap3A_709 = vector.shape_cast %broadcast_in_dim3A_703 : vector<16xf32> to vector<16xf32>
      tpu.vector_store %arg11[%swap3A_706], %swap3A_709 {strides = array<i32>} : memref<17424xf32, #tpu.memory_space<vmem>>, vector<16xf32>,
    }
    %scan3A_7 = arith.constant 1088 : i32
    %scan3A_8 = arith.addi %scan3A_3, %scan3A_7 : i32
    %broadcast_in_dim3A = arith.constant 0.000000e+00 : f32
    %broadcast_in_dim3A_9 = vector.broadcast %broadcast_in_dim3A : f32 to vector<16xf32>
    %mul3A_10 = arith.constant 16 : i32
    %mul3A_11 = arith.muli %scan3A_8, %mul3A_10 : i32
    %swap3A = arith.index_cast %mul3A_11 : i32 to index
    %swap3A_12 = tpu.vector_load %arg11[%swap3A] {strides = array<i32>} : memref<17424xf32, #tpu.memory_space<vmem>>, vector<16xf32>,
    %swap3A_13 = vector.shape_cast %swap3A_12 : vector<16xf32> to vector<16xf32>
    %swap3A_14 = vector.shape_cast %broadcast_in_dim3A_9 : vector<16xf32> to vector<16xf32>
    tpu.vector_store %arg11[%swap3A], %swap3A_14 {strides = array<i32>} : memref<17424xf32, #tpu.memory_space<vmem>>, vector<16xf32>,
    %scan3A_15 = arith.constant 1089 : i32
    %mul3A_16 = arith.constant 17424 : i32
    %mul3A_17 = arith.muli %arg1, %mul3A_16 : i32
    "tpu.region"() ({
      %run_scoped3A = tpu.sem_alloc : memref<!tpu.dma_semaphore, #tpu.memory_space<semaphore_mem>>
      %dma_start3A = tpu.memref_slice %arg12[%mul3A_17] : memref<278784xf32, #tpu.memory_space<vmem_shared>> -> memref<17424xf32, #tpu.memory_space<vmem_shared>>
      %dma_start3A_631 = tpu.memref_slice %arg12[%mul3A_17] : memref<278784xf32, #tpu.memory_space<vmem_shared>> -> memref<17424xf32, #tpu.memory_space<vmem_shared>>
      tpu.enqueue_dma source(%arg11 : memref<17424xf32, #tpu.memory_space<vmem>>) target(%dma_start3A_631 : memref<17424xf32, #tpu.memory_space<vmem_shared>>) target_semaphore(%run_scoped3A : memref<!tpu.dma_semaphore, #tpu.memory_space<semaphore_mem>>)
      %dma_wait3A_632 = tpu.memref_slice %arg12[%mul3A_17] : memref<278784xf32, #tpu.memory_space<vmem_shared>> -> memref<17424xf32, #tpu.memory_space<vmem_shared>>
      %dma_wait3A_633 = tpu.memref_slice %arg12[%mul3A_17] : memref<278784xf32, #tpu.memory_space<vmem_shared>> -> memref<17424xf32, #tpu.memory_space<vmem_shared>>
      tpu.wait_dma2 semaphore(%run_scoped3A : memref<!tpu.dma_semaphore, #tpu.memory_space<semaphore_mem>>) src(%arg11 : memref<17424xf32, #tpu.memory_space<vmem>>) dst(%dma_wait3A_633 : memref<17424xf32, #tpu.memory_space<vmem_shared>>)
      tpu.yield
    }) : () -> ()
    %barrier3A = arith.constant 0 : index
    tpu.barrier barrier_id(%barrier3A)
    %scan3A_18 = arith.constant 0 : i32
    %scan3A_19 = arith.constant 0 : i32
    %scan3A_20 = arith.constant 64 : i32
    %scan3A_21 = arith.addi %scan3A_19, %scan3A_20 : i32
    %scan3A_22 = arith.constant 1 : i32
    scf.for %scan3A_631 = %scan3A_19 to %scan3A_21 step %scan3A_22  : i32 {
      %gt3A = arith.constant 0 : i32
      %gt3A_632 = arith.cmpi sgt, %scan3A_631, %gt3A : i32
      %convert_element_type3A = arith.extui %gt3A_632 : i1 to i32
      %cond3A = arith.constant 0 : i32
      %cond3A_633 = arith.cmpi ne, %convert_element_type3A, %cond3A : i32
      scf.if %cond3A_633 {
        %dma_wait3A_1256 = arith.constant 0 : i32
        %dma_wait3A_1257 = arith.constant 0 : i32
        %dma_wait3A_1258 = arith.constant 0 : i32
        %dma_wait3A_1259 = arith.constant 0 : i32
        %dma_wait3A_1260 = arith.constant 0 : i32
        %dma_wait3A_1261 = tpu.memref_slice %arg10[%dma_wait3A_1256, %dma_wait3A_1257, %dma_wait3A_1260] : memref<2x25x128xf32, #tpu.memory_space<vmem>> -> memref<1x1x128xf32, #tpu.memory_space<vmem>>
        %dma_wait3A_1262 = tpu.memref_squeeze %dma_wait3A_1261 : memref<1x1x128xf32, #tpu.memory_space<vmem>> -> memref<128xf32, #tpu.memory_space<vmem>>
        %dma_wait3A_1263 = arith.constant 0 : i32
        %dma_wait3A_1264 = tpu.memref_slice %arg9[%dma_wait3A_1258, %dma_wait3A_1259, %dma_wait3A_1263] : memref<2x25x128xi32, #tpu.memory_space<vmem>> -> memref<1x1x128xi32, #tpu.memory_space<vmem>>
        %dma_wait3A_1265 = tpu.memref_squeeze %dma_wait3A_1264 : memref<1x1x128xi32, #tpu.memory_space<vmem>> -> memref<128xi32, #tpu.memory_space<vmem>>
        %dma_wait3A_1266 = arith.constant 0 : i32
        %dma_wait3A_1267 = tpu.memref_slice %arg12[%dma_wait3A_1266] : memref<278784xf32, #tpu.memory_space<vmem_shared>> -> memref<278784xf32, #tpu.memory_space<vmem_shared>>
        tpu.wait_indirect_dma semaphore(%arg13 : memref<!tpu.dma_semaphore, #tpu.memory_space<semaphore_mem>>) src(%dma_wait3A_1262 : memref<128xf32, #tpu.memory_space<vmem>>) dst(%dma_wait3A_1267 : memref<278784xf32, #tpu.memory_space<vmem_shared>>)
        %dma_wait3A_1268 = arith.constant 0 : i32
        %dma_wait3A_1269 = arith.constant 1 : i32
        %dma_wait3A_1270 = arith.constant 0 : i32
        %dma_wait3A_1271 = arith.constant 1 : i32
        %dma_wait3A_1272 = arith.constant 0 : i32
        %dma_wait3A_1273 = tpu.memref_slice %arg10[%dma_wait3A_1268, %dma_wait3A_1269, %dma_wait3A_1272] : memref<2x25x128xf32, #tpu.memory_space<vmem>> -> memref<1x1x128xf32, #tpu.memory_space<vmem>>
        %dma_wait3A_1274 = tpu.memref_squeeze %dma_wait3A_1273 : memref<1x1x128xf32, #tpu.memory_space<vmem>> -> memref<128xf32, #tpu.memory_space<vmem>>
        %dma_wait3A_1275 = arith.constant 0 : i32
        %dma_wait3A_1276 = tpu.memref_slice %arg9[%dma_wait3A_1270, %dma_wait3A_1271, %dma_wait3A_1275] : memref<2x25x128xi32, #tpu.memory_space<vmem>> -> memref<1x1x128xi32, #tpu.memory_space<vmem>>
        %dma_wait3A_1277 = tpu.memref_squeeze %dma_wait3A_1276 : memref<1x1x128xi32, #tpu.memory_space<vmem>> -> memref<128xi32, #tpu.memory_space<vmem>>
        %dma_wait3A_1278 = arith.constant 0 : i32
        %dma_wait3A_1279 = tpu.memref_slice %arg12[%dma_wait3A_1278] : memref<278784xf32, #tpu.memory_space<vmem_shared>> -> memref<278784xf32, #tpu.memory_space<vmem_shared>>
        tpu.wait_indirect_dma semaphore(%arg13 : memref<!tpu.dma_semaphore, #tpu.memory_space<semaphore_mem>>) src(%dma_wait3A_1274 : memref<128xf32, #tpu.memory_space<vmem>>) dst(%dma_wait3A_1279 : memref<278784xf32, #tpu.memory_space<vmem_shared>>)
        %dma_wait3A_1280 = arith.constant 0 : i32
        %dma_wait3A_1281 = arith.constant 2 : i32
        %dma_wait3A_1282 = arith.constant 0 : i32
        %dma_wait3A_1283 = arith.constant 2 : i32
        %dma_wait3A_1284 = arith.constant 0 : i32
        %dma_wait3A_1285 = tpu.memref_slice %arg10[%dma_wait3A_1280, %dma_wait3A_1281, %dma_wait3A_1284] : memref<2x25x128xf32, #tpu.memory_space<vmem>> -> memref<1x1x128xf32, #tpu.memory_space<vmem>>
        %dma_wait3A_1286 = tpu.memref_squeeze %dma_wait3A_1285 : memref<1x1x128xf32, #tpu.memory_space<vmem>> -> memref<128xf32, #tpu.memory_space<vmem>>
        %dma_wait3A_1287 = arith.constant 0 : i32
        %dma_wait3A_1288 = tpu.memref_slice %arg9[%dma_wait3A_1282, %dma_wait3A_1283, %dma_wait3A_1287] : memref<2x25x128xi32, #tpu.memory_space<vmem>> -> memref<1x1x128xi32, #tpu.memory_space<vmem>>
        %dma_wait3A_1289 = tpu.memref_squeeze %dma_wait3A_1288 : memref<1x1x128xi32, #tpu.memory_space<vmem>> -> memref<128xi32, #tpu.memory_space<vmem>>
        %dma_wait3A_1290 = arith.constant 0 : i32
        %dma_wait3A_1291 = tpu.memref_slice %arg12[%dma_wait3A_1290] : memref<278784xf32, #tpu.memory_space<vmem_shared>> -> memref<278784xf32, #tpu.memory_space<vmem_shared>>
        tpu.wait_indirect_dma semaphore(%arg13 : memref<!tpu.dma_semaphore, #tpu.memory_space<semaphore_mem>>) src(%dma_wait3A_1286 : memref<128xf32, #tpu.memory_space<vmem>>) dst(%dma_wait3A_1291 : memref<278784xf32, #tpu.memory_space<vmem_shared>>)
        %dma_wait3A_1292 = arith.constant 0 : i32
        %dma_wait3A_1293 = arith.constant 3 : i32
        %dma_wait3A_1294 = arith.constant 0 : i32
        %dma_wait3A_1295 = arith.constant 3 : i32
        %dma_wait3A_1296 = arith.constant 0 : i32
        %dma_wait3A_1297 = tpu.memref_slice %arg10[%dma_wait3A_1292, %dma_wait3A_1293, %dma_wait3A_1296] : memref<2x25x128xf32, #tpu.memory_space<vmem>> -> memref<1x1x128xf32, #tpu.memory_space<vmem>>
        %dma_wait3A_1298 = tpu.memref_squeeze %dma_wait3A_1297 : memref<1x1x128xf32, #tpu.memory_space<vmem>> -> memref<128xf32, #tpu.memory_space<vmem>>
        %dma_wait3A_1299 = arith.constant 0 : i32
        %dma_wait3A_1300 = tpu.memref_slice %arg9[%dma_wait3A_1294, %dma_wait3A_1295, %dma_wait3A_1299] : memref<2x25x128xi32, #tpu.memory_space<vmem>> -> memref<1x1x128xi32, #tpu.memory_space<vmem>>
        %dma_wait3A_1301 = tpu.memref_squeeze %dma_wait3A_1300 : memref<1x1x128xi32, #tpu.memory_space<vmem>> -> memref<128xi32, #tpu.memory_space<vmem>>
        %dma_wait3A_1302 = arith.constant 0 : i32
        %dma_wait3A_1303 = tpu.memref_slice %arg12[%dma_wait3A_1302] : memref<278784xf32, #tpu.memory_space<vmem_shared>> -> memref<278784xf32, #tpu.memory_space<vmem_shared>>
        tpu.wait_indirect_dma semaphore(%arg13 : memref<!tpu.dma_semaphore, #tpu.memory_space<semaphore_mem>>) src(%dma_wait3A_1298 : memref<128xf32, #tpu.memory_space<vmem>>) dst(%dma_wait3A_1303 : memref<278784xf32, #tpu.memory_space<vmem_shared>>)
        %dma_wait3A_1304 = arith.constant 0 : i32
        %dma_wait3A_1305 = arith.constant 4 : i32
        %dma_wait3A_1306 = arith.constant 0 : i32
        %dma_wait3A_1307 = arith.constant 4 : i32
        %dma_wait3A_1308 = arith.constant 0 : i32
        %dma_wait3A_1309 = tpu.memref_slice %arg10[%dma_wait3A_1304, %dma_wait3A_1305, %dma_wait3A_1308] : memref<2x25x128xf32, #tpu.memory_space<vmem>> -> memref<1x1x128xf32, #tpu.memory_space<vmem>>
        %dma_wait3A_1310 = tpu.memref_squeeze %dma_wait3A_1309 : memref<1x1x128xf32, #tpu.memory_space<vmem>> -> memref<128xf32, #tpu.memory_space<vmem>>
        %dma_wait3A_1311 = arith.constant 0 : i32
        %dma_wait3A_1312 = tpu.memref_slice %arg9[%dma_wait3A_1306, %dma_wait3A_1307, %dma_wait3A_1311] : memref<2x25x128xi32, #tpu.memory_space<vmem>> -> memref<1x1x128xi32, #tpu.memory_space<vmem>>
        %dma_wait3A_1313 = tpu.memref_squeeze %dma_wait3A_1312 : memref<1x1x128xi32, #tpu.memory_space<vmem>> -> memref<128xi32, #tpu.memory_space<vmem>>
        %dma_wait3A_1314 = arith.constant 0 : i32
        %dma_wait3A_1315 = tpu.memref_slice %arg12[%dma_wait3A_1314] : memref<278784xf32, #tpu.memory_space<vmem_shared>> -> memref<278784xf32, #tpu.memory_space<vmem_shared>>
        tpu.wait_indirect_dma semaphore(%arg13 : memref<!tpu.dma_semaphore, #tpu.memory_space<semaphore_mem>>) src(%dma_wait3A_1310 : memref<128xf32, #tpu.memory_space<vmem>>) dst(%dma_wait3A_1315 : memref<278784xf32, #tpu.memory_space<vmem_shared>>)
        %dma_wait3A_1316 = arith.constant 0 : i32
        %dma_wait3A_1317 = arith.constant 5 : i32
        %dma_wait3A_1318 = arith.constant 0 : i32
        %dma_wait3A_1319 = arith.constant 5 : i32
        %dma_wait3A_1320 = arith.constant 0 : i32
        %dma_wait3A_1321 = tpu.memref_slice %arg10[%dma_wait3A_1316, %dma_wait3A_1317, %dma_wait3A_1320] : memref<2x25x128xf32, #tpu.memory_space<vmem>> -> memref<1x1x128xf32, #tpu.memory_space<vmem>>
        %dma_wait3A_1322 = tpu.memref_squeeze %dma_wait3A_1321 : memref<1x1x128xf32, #tpu.memory_space<vmem>> -> memref<128xf32, #tpu.memory_space<vmem>>
        %dma_wait3A_1323 = arith.constant 0 : i32
        %dma_wait3A_1324 = tpu.memref_slice %arg9[%dma_wait3A_1318, %dma_wait3A_1319, %dma_wait3A_1323] : memref<2x25x128xi32, #tpu.memory_space<vmem>> -> memref<1x1x128xi32, #tpu.memory_space<vmem>>
        %dma_wait3A_1325 = tpu.memref_squeeze %dma_wait3A_1324 : memref<1x1x128xi32, #tpu.memory_space<vmem>> -> memref<128xi32, #tpu.memory_space<vmem>>
        %dma_wait3A_1326 = arith.constant 0 : i32
        %dma_wait3A_1327 = tpu.memref_slice %arg12[%dma_wait3A_1326] : memref<278784xf32, #tpu.memory_space<vmem_shared>> -> memref<278784xf32, #tpu.memory_space<vmem_shared>>
        tpu.wait_indirect_dma semaphore(%arg13 : memref<!tpu.dma_semaphore, #tpu.memory_space<semaphore_mem>>) src(%dma_wait3A_1322 : memref<128xf32, #tpu.memory_space<vmem>>) dst(%dma_wait3A_1327 : memref<278784xf32, #tpu.memory_space<vmem_shared>>)
        %dma_wait3A_1328 = arith.constant 0 : i32
        %dma_wait3A_1329 = arith.constant 6 : i32
        %dma_wait3A_1330 = arith.constant 0 : i32
        %dma_wait3A_1331 = arith.constant 6 : i32
        %dma_wait3A_1332 = arith.constant 0 : i32
        %dma_wait3A_1333 = tpu.memref_slice %arg10[%dma_wait3A_1328, %dma_wait3A_1329, %dma_wait3A_1332] : memref<2x25x128xf32, #tpu.memory_space<vmem>> -> memref<1x1x128xf32, #tpu.memory_space<vmem>>
        %dma_wait3A_1334 = tpu.memref_squeeze %dma_wait3A_1333 : memref<1x1x128xf32, #tpu.memory_space<vmem>> -> memref<128xf32, #tpu.memory_space<vmem>>
        %dma_wait3A_1335 = arith.constant 0 : i32
        %dma_wait3A_1336 = tpu.memref_slice %arg9[%dma_wait3A_1330, %dma_wait3A_1331, %dma_wait3A_1335] : memref<2x25x128xi32, #tpu.memory_space<vmem>> -> memref<1x1x128xi32, #tpu.memory_space<vmem>>
        %dma_wait3A_1337 = tpu.memref_squeeze %dma_wait3A_1336 : memref<1x1x128xi32, #tpu.memory_space<vmem>> -> memref<128xi32, #tpu.memory_space<vmem>>
        %dma_wait3A_1338 = arith.constant 0 : i32
        %dma_wait3A_1339 = tpu.memref_slice %arg12[%dma_wait3A_1338] : memref<278784xf32, #tpu.memory_space<vmem_shared>> -> memref<278784xf32, #tpu.memory_space<vmem_shared>>
        tpu.wait_indirect_dma semaphore(%arg13 : memref<!tpu.dma_semaphore, #tpu.memory_space<semaphore_mem>>) src(%dma_wait3A_1334 : memref<128xf32, #tpu.memory_space<vmem>>) dst(%dma_wait3A_1339 : memref<278784xf32, #tpu.memory_space<vmem_shared>>)
        %dma_wait3A_1340 = arith.constant 0 : i32
        %dma_wait3A_1341 = arith.constant 7 : i32
        %dma_wait3A_1342 = arith.constant 0 : i32
        %dma_wait3A_1343 = arith.constant 7 : i32
        %dma_wait3A_1344 = arith.constant 0 : i32
        %dma_wait3A_1345 = tpu.memref_slice %arg10[%dma_wait3A_1340, %dma_wait3A_1341, %dma_wait3A_1344] : memref<2x25x128xf32, #tpu.memory_space<vmem>> -> memref<1x1x128xf32, #tpu.memory_space<vmem>>
        %dma_wait3A_1346 = tpu.memref_squeeze %dma_wait3A_1345 : memref<1x1x128xf32, #tpu.memory_space<vmem>> -> memref<128xf32, #tpu.memory_space<vmem>>
        %dma_wait3A_1347 = arith.constant 0 : i32
        %dma_wait3A_1348 = tpu.memref_slice %arg9[%dma_wait3A_1342, %dma_wait3A_1343, %dma_wait3A_1347] : memref<2x25x128xi32, #tpu.memory_space<vmem>> -> memref<1x1x128xi32, #tpu.memory_space<vmem>>
        %dma_wait3A_1349 = tpu.memref_squeeze %dma_wait3A_1348 : memref<1x1x128xi32, #tpu.memory_space<vmem>> -> memref<128xi32, #tpu.memory_space<vmem>>
        %dma_wait3A_1350 = arith.constant 0 : i32
        %dma_wait3A_1351 = tpu.memref_slice %arg12[%dma_wait3A_1350] : memref<278784xf32, #tpu.memory_space<vmem_shared>> -> memref<278784xf32, #tpu.memory_space<vmem_shared>>
        tpu.wait_indirect_dma semaphore(%arg13 : memref<!tpu.dma_semaphore, #tpu.memory_space<semaphore_mem>>) src(%dma_wait3A_1346 : memref<128xf32, #tpu.memory_space<vmem>>) dst(%dma_wait3A_1351 : memref<278784xf32, #tpu.memory_space<vmem_shared>>)
        %dma_wait3A_1352 = arith.constant 0 : i32
        %dma_wait3A_1353 = arith.constant 8 : i32
        %dma_wait3A_1354 = arith.constant 0 : i32
        %dma_wait3A_1355 = arith.constant 8 : i32
        %dma_wait3A_1356 = arith.constant 0 : i32
        %dma_wait3A_1357 = tpu.memref_slice %arg10[%dma_wait3A_1352, %dma_wait3A_1353, %dma_wait3A_1356] : memref<2x25x128xf32, #tpu.memory_space<vmem>> -> memref<1x1x128xf32, #tpu.memory_space<vmem>>
        %dma_wait3A_1358 = tpu.memref_squeeze %dma_wait3A_1357 : memref<1x1x128xf32, #tpu.memory_space<vmem>> -> memref<128xf32, #tpu.memory_space<vmem>>
        %dma_wait3A_1359 = arith.constant 0 : i32
        %dma_wait3A_1360 = tpu.memref_slice %arg9[%dma_wait3A_1354, %dma_wait3A_1355, %dma_wait3A_1359] : memref<2x25x128xi32, #tpu.memory_space<vmem>> -> memref<1x1x128xi32, #tpu.memory_space<vmem>>
        %dma_wait3A_1361 = tpu.memref_squeeze %dma_wait3A_1360 : memref<1x1x128xi32, #tpu.memory_space<vmem>> -> memref<128xi32, #tpu.memory_space<vmem>>
        %dma_wait3A_1362 = arith.constant 0 : i32
        %dma_wait3A_1363 = tpu.memref_slice %arg12[%dma_wait3A_1362] : memref<278784xf32, #tpu.memory_space<vmem_shared>> -> memref<278784xf32, #tpu.memory_space<vmem_shared>>
        tpu.wait_indirect_dma semaphore(%arg13 : memref<!tpu.dma_semaphore, #tpu.memory_space<semaphore_mem>>) src(%dma_wait3A_1358 : memref<128xf32, #tpu.memory_space<vmem>>) dst(%dma_wait3A_1363 : memref<278784xf32, #tpu.memory_space<vmem_shared>>)
        %dma_wait3A_1364 = arith.constant 0 : i32
        %dma_wait3A_1365 = arith.constant 9 : i32
        %dma_wait3A_1366 = arith.constant 0 : i32
        %dma_wait3A_1367 = arith.constant 9 : i32
        %dma_wait3A_1368 = arith.constant 0 : i32
        %dma_wait3A_1369 = tpu.memref_slice %arg10[%dma_wait3A_1364, %dma_wait3A_1365, %dma_wait3A_1368] : memref<2x25x128xf32, #tpu.memory_space<vmem>> -> memref<1x1x128xf32, #tpu.memory_space<vmem>>
        %dma_wait3A_1370 = tpu.memref_squeeze %dma_wait3A_1369 : memref<1x1x128xf32, #tpu.memory_space<vmem>> -> memref<128xf32, #tpu.memory_space<vmem>>
        %dma_wait3A_1371 = arith.constant 0 : i32
        %dma_wait3A_1372 = tpu.memref_slice %arg9[%dma_wait3A_1366, %dma_wait3A_1367, %dma_wait3A_1371] : memref<2x25x128xi32, #tpu.memory_space<vmem>> -> memref<1x1x128xi32, #tpu.memory_space<vmem>>
        %dma_wait3A_1373 = tpu.memref_squeeze %dma_wait3A_1372 : memref<1x1x128xi32, #tpu.memory_space<vmem>> -> memref<128xi32, #tpu.memory_space<vmem>>
        %dma_wait3A_1374 = arith.constant 0 : i32
        %dma_wait3A_1375 = tpu.memref_slice %arg12[%dma_wait3A_1374] : memref<278784xf32, #tpu.memory_space<vmem_shared>> -> memref<278784xf32, #tpu.memory_space<vmem_shared>>
        tpu.wait_indirect_dma semaphore(%arg13 : memref<!tpu.dma_semaphore, #tpu.memory_space<semaphore_mem>>) src(%dma_wait3A_1370 : memref<128xf32, #tpu.memory_space<vmem>>) dst(%dma_wait3A_1375 : memref<278784xf32, #tpu.memory_space<vmem_shared>>)
        %dma_wait3A_1376 = arith.constant 0 : i32
        %dma_wait3A_1377 = arith.constant 10 : i32
        %dma_wait3A_1378 = arith.constant 0 : i32
        %dma_wait3A_1379 = arith.constant 10 : i32
        %dma_wait3A_1380 = arith.constant 0 : i32
        %dma_wait3A_1381 = tpu.memref_slice %arg10[%dma_wait3A_1376, %dma_wait3A_1377, %dma_wait3A_1380] : memref<2x25x128xf32, #tpu.memory_space<vmem>> -> memref<1x1x128xf32, #tpu.memory_space<vmem>>
        %dma_wait3A_1382 = tpu.memref_squeeze %dma_wait3A_1381 : memref<1x1x128xf32, #tpu.memory_space<vmem>> -> memref<128xf32, #tpu.memory_space<vmem>>
        %dma_wait3A_1383 = arith.constant 0 : i32
        %dma_wait3A_1384 = tpu.memref_slice %arg9[%dma_wait3A_1378, %dma_wait3A_1379, %dma_wait3A_1383] : memref<2x25x128xi32, #tpu.memory_space<vmem>> -> memref<1x1x128xi32, #tpu.memory_space<vmem>>
        %dma_wait3A_1385 = tpu.memref_squeeze %dma_wait3A_1384 : memref<1x1x128xi32, #tpu.memory_space<vmem>> -> memref<128xi32, #tpu.memory_space<vmem>>
        %dma_wait3A_1386 = arith.constant 0 : i32
        %dma_wait3A_1387 = tpu.memref_slice %arg12[%dma_wait3A_1386] : memref<278784xf32, #tpu.memory_space<vmem_shared>> -> memref<278784xf32, #tpu.memory_space<vmem_shared>>
        tpu.wait_indirect_dma semaphore(%arg13 : memref<!tpu.dma_semaphore, #tpu.memory_space<semaphore_mem>>) src(%dma_wait3A_1382 : memref<128xf32, #tpu.memory_space<vmem>>) dst(%dma_wait3A_1387 : memref<278784xf32, #tpu.memory_space<vmem_shared>>)
        %dma_wait3A_1388 = arith.constant 0 : i32
        %dma_wait3A_1389 = arith.constant 11 : i32
        %dma_wait3A_1390 = arith.constant 0 : i32
        %dma_wait3A_1391 = arith.constant 11 : i32
        %dma_wait3A_1392 = arith.constant 0 : i32
        %dma_wait3A_1393 = tpu.memref_slice %arg10[%dma_wait3A_1388, %dma_wait3A_1389, %dma_wait3A_1392] : memref<2x25x128xf32, #tpu.memory_space<vmem>> -> memref<1x1x128xf32, #tpu.memory_space<vmem>>
        %dma_wait3A_1394 = tpu.memref_squeeze %dma_wait3A_1393 : memref<1x1x128xf32, #tpu.memory_space<vmem>> -> memref<128xf32, #tpu.memory_space<vmem>>
        %dma_wait3A_1395 = arith.constant 0 : i32
        %dma_wait3A_1396 = tpu.memref_slice %arg9[%dma_wait3A_1390, %dma_wait3A_1391, %dma_wait3A_1395] : memref<2x25x128xi32, #tpu.memory_space<vmem>> -> memref<1x1x128xi32, #tpu.memory_space<vmem>>
        %dma_wait3A_1397 = tpu.memref_squeeze %dma_wait3A_1396 : memref<1x1x128xi32, #tpu.memory_space<vmem>> -> memref<128xi32, #tpu.memory_space<vmem>>
        %dma_wait3A_1398 = arith.constant 0 : i32
        %dma_wait3A_1399 = tpu.memref_slice %arg12[%dma_wait3A_1398] : memref<278784xf32, #tpu.memory_space<vmem_shared>> -> memref<278784xf32, #tpu.memory_space<vmem_shared>>
        tpu.wait_indirect_dma semaphore(%arg13 : memref<!tpu.dma_semaphore, #tpu.memory_space<semaphore_mem>>) src(%dma_wait3A_1394 : memref<128xf32, #tpu.memory_space<vmem>>) dst(%dma_wait3A_1399 : memref<278784xf32, #tpu.memory_space<vmem_shared>>)
        %dma_wait3A_1400 = arith.constant 0 : i32
        %dma_wait3A_1401 = arith.constant 12 : i32
        %dma_wait3A_1402 = arith.constant 0 : i32
        %dma_wait3A_1403 = arith.constant 12 : i32
        %dma_wait3A_1404 = arith.constant 0 : i32
        %dma_wait3A_1405 = tpu.memref_slice %arg10[%dma_wait3A_1400, %dma_wait3A_1401, %dma_wait3A_1404] : memref<2x25x128xf32, #tpu.memory_space<vmem>> -> memref<1x1x128xf32, #tpu.memory_space<vmem>>
        %dma_wait3A_1406 = tpu.memref_squeeze %dma_wait3A_1405 : memref<1x1x128xf32, #tpu.memory_space<vmem>> -> memref<128xf32, #tpu.memory_space<vmem>>
        %dma_wait3A_1407 = arith.constant 0 : i32
        %dma_wait3A_1408 = tpu.memref_slice %arg9[%dma_wait3A_1402, %dma_wait3A_1403, %dma_wait3A_1407] : memref<2x25x128xi32, #tpu.memory_space<vmem>> -> memref<1x1x128xi32, #tpu.memory_space<vmem>>
        %dma_wait3A_1409 = tpu.memref_squeeze %dma_wait3A_1408 : memref<1x1x128xi32, #tpu.memory_space<vmem>> -> memref<128xi32, #tpu.memory_space<vmem>>
        %dma_wait3A_1410 = arith.constant 0 : i32
        %dma_wait3A_1411 = tpu.memref_slice %arg12[%dma_wait3A_1410] : memref<278784xf32, #tpu.memory_space<vmem_shared>> -> memref<278784xf32, #tpu.memory_space<vmem_shared>>
        tpu.wait_indirect_dma semaphore(%arg13 : memref<!tpu.dma_semaphore, #tpu.memory_space<semaphore_mem>>) src(%dma_wait3A_1406 : memref<128xf32, #tpu.memory_space<vmem>>) dst(%dma_wait3A_1411 : memref<278784xf32, #tpu.memory_space<vmem_shared>>)
        %dma_wait3A_1412 = arith.constant 0 : i32
        %dma_wait3A_1413 = arith.constant 13 : i32
        %dma_wait3A_1414 = arith.constant 0 : i32
        %dma_wait3A_1415 = arith.constant 13 : i32
        %dma_wait3A_1416 = arith.constant 0 : i32
        %dma_wait3A_1417 = tpu.memref_slice %arg10[%dma_wait3A_1412, %dma_wait3A_1413, %dma_wait3A_1416] : memref<2x25x128xf32, #tpu.memory_space<vmem>> -> memref<1x1x128xf32, #tpu.memory_space<vmem>>
        %dma_wait3A_1418 = tpu.memref_squeeze %dma_wait3A_1417 : memref<1x1x128xf32, #tpu.memory_space<vmem>> -> memref<128xf32, #tpu.memory_space<vmem>>
        %dma_wait3A_1419 = arith.constant 0 : i32
        %dma_wait3A_1420 = tpu.memref_slice %arg9[%dma_wait3A_1414, %dma_wait3A_1415, %dma_wait3A_1419] : memref<2x25x128xi32, #tpu.memory_space<vmem>> -> memref<1x1x128xi32, #tpu.memory_space<vmem>>
        %dma_wait3A_1421 = tpu.memref_squeeze %dma_wait3A_1420 : memref<1x1x128xi32, #tpu.memory_space<vmem>> -> memref<128xi32, #tpu.memory_space<vmem>>
        %dma_wait3A_1422 = arith.constant 0 : i32
        %dma_wait3A_1423 = tpu.memref_slice %arg12[%dma_wait3A_1422] : memref<278784xf32, #tpu.memory_space<vmem_shared>> -> memref<278784xf32, #tpu.memory_space<vmem_shared>>
        tpu.wait_indirect_dma semaphore(%arg13 : memref<!tpu.dma_semaphore, #tpu.memory_space<semaphore_mem>>) src(%dma_wait3A_1418 : memref<128xf32, #tpu.memory_space<vmem>>) dst(%dma_wait3A_1423 : memref<278784xf32, #tpu.memory_space<vmem_shared>>)
        %dma_wait3A_1424 = arith.constant 0 : i32
        %dma_wait3A_1425 = arith.constant 14 : i32
        %dma_wait3A_1426 = arith.constant 0 : i32
        %dma_wait3A_1427 = arith.constant 14 : i32
        %dma_wait3A_1428 = arith.constant 0 : i32
        %dma_wait3A_1429 = tpu.memref_slice %arg10[%dma_wait3A_1424, %dma_wait3A_1425, %dma_wait3A_1428] : memref<2x25x128xf32, #tpu.memory_space<vmem>> -> memref<1x1x128xf32, #tpu.memory_space<vmem>>
        %dma_wait3A_1430 = tpu.memref_squeeze %dma_wait3A_1429 : memref<1x1x128xf32, #tpu.memory_space<vmem>> -> memref<128xf32, #tpu.memory_space<vmem>>
        %dma_wait3A_1431 = arith.constant 0 : i32
        %dma_wait3A_1432 = tpu.memref_slice %arg9[%dma_wait3A_1426, %dma_wait3A_1427, %dma_wait3A_1431] : memref<2x25x128xi32, #tpu.memory_space<vmem>> -> memref<1x1x128xi32, #tpu.memory_space<vmem>>
        %dma_wait3A_1433 = tpu.memref_squeeze %dma_wait3A_1432 : memref<1x1x128xi32, #tpu.memory_space<vmem>> -> memref<128xi32, #tpu.memory_space<vmem>>
        %dma_wait3A_1434 = arith.constant 0 : i32
        %dma_wait3A_1435 = tpu.memref_slice %arg12[%dma_wait3A_1434] : memref<278784xf32, #tpu.memory_space<vmem_shared>> -> memref<278784xf32, #tpu.memory_space<vmem_shared>>
        tpu.wait_indirect_dma semaphore(%arg13 : memref<!tpu.dma_semaphore, #tpu.memory_space<semaphore_mem>>) src(%dma_wait3A_1430 : memref<128xf32, #tpu.memory_space<vmem>>) dst(%dma_wait3A_1435 : memref<278784xf32, #tpu.memory_space<vmem_shared>>)
        %dma_wait3A_1436 = arith.constant 0 : i32
        %dma_wait3A_1437 = arith.constant 15 : i32
        %dma_wait3A_1438 = arith.constant 0 : i32
        %dma_wait3A_1439 = arith.constant 15 : i32
        %dma_wait3A_1440 = arith.constant 0 : i32
        %dma_wait3A_1441 = tpu.memref_slice %arg10[%dma_wait3A_1436, %dma_wait3A_1437, %dma_wait3A_1440] : memref<2x25x128xf32, #tpu.memory_space<vmem>> -> memref<1x1x128xf32, #tpu.memory_space<vmem>>
        %dma_wait3A_1442 = tpu.memref_squeeze %dma_wait3A_1441 : memref<1x1x128xf32, #tpu.memory_space<vmem>> -> memref<128xf32, #tpu.memory_space<vmem>>
        %dma_wait3A_1443 = arith.constant 0 : i32
        %dma_wait3A_1444 = tpu.memref_slice %arg9[%dma_wait3A_1438, %dma_wait3A_1439, %dma_wait3A_1443] : memref<2x25x128xi32, #tpu.memory_space<vmem>> -> memref<1x1x128xi32, #tpu.memory_space<vmem>>
        %dma_wait3A_1445 = tpu.memref_squeeze %dma_wait3A_1444 : memref<1x1x128xi32, #tpu.memory_space<vmem>> -> memref<128xi32, #tpu.memory_space<vmem>>
        %dma_wait3A_1446 = arith.constant 0 : i32
        %dma_wait3A_1447 = tpu.memref_slice %arg12[%dma_wait3A_1446] : memref<278784xf32, #tpu.memory_space<vmem_shared>> -> memref<278784xf32, #tpu.memory_space<vmem_shared>>
        tpu.wait_indirect_dma semaphore(%arg13 : memref<!tpu.dma_semaphore, #tpu.memory_space<semaphore_mem>>) src(%dma_wait3A_1442 : memref<128xf32, #tpu.memory_space<vmem>>) dst(%dma_wait3A_1447 : memref<278784xf32, #tpu.memory_space<vmem_shared>>)
        %dma_wait3A_1448 = arith.constant 0 : i32
        %dma_wait3A_1449 = arith.constant 16 : i32
        %dma_wait3A_1450 = arith.constant 0 : i32
        %dma_wait3A_1451 = arith.constant 16 : i32
        %dma_wait3A_1452 = arith.constant 0 : i32
        %dma_wait3A_1453 = tpu.memref_slice %arg10[%dma_wait3A_1448, %dma_wait3A_1449, %dma_wait3A_1452] : memref<2x25x128xf32, #tpu.memory_space<vmem>> -> memref<1x1x128xf32, #tpu.memory_space<vmem>>
        %dma_wait3A_1454 = tpu.memref_squeeze %dma_wait3A_1453 : memref<1x1x128xf32, #tpu.memory_space<vmem>> -> memref<128xf32, #tpu.memory_space<vmem>>
        %dma_wait3A_1455 = arith.constant 0 : i32
        %dma_wait3A_1456 = tpu.memref_slice %arg9[%dma_wait3A_1450, %dma_wait3A_1451, %dma_wait3A_1455] : memref<2x25x128xi32, #tpu.memory_space<vmem>> -> memref<1x1x128xi32, #tpu.memory_space<vmem>>
        %dma_wait3A_1457 = tpu.memref_squeeze %dma_wait3A_1456 : memref<1x1x128xi32, #tpu.memory_space<vmem>> -> memref<128xi32, #tpu.memory_space<vmem>>
        %dma_wait3A_1458 = arith.constant 0 : i32
        %dma_wait3A_1459 = tpu.memref_slice %arg12[%dma_wait3A_1458] : memref<278784xf32, #tpu.memory_space<vmem_shared>> -> memref<278784xf32, #tpu.memory_space<vmem_shared>>
        tpu.wait_indirect_dma semaphore(%arg13 : memref<!tpu.dma_semaphore, #tpu.memory_space<semaphore_mem>>) src(%dma_wait3A_1454 : memref<128xf32, #tpu.memory_space<vmem>>) dst(%dma_wait3A_1459 : memref<278784xf32, #tpu.memory_space<vmem_shared>>)
        %dma_wait3A_1460 = arith.constant 0 : i32
        %dma_wait3A_1461 = arith.constant 17 : i32
        %dma_wait3A_1462 = arith.constant 0 : i32
        %dma_wait3A_1463 = arith.constant 17 : i32
        %dma_wait3A_1464 = arith.constant 0 : i32
        %dma_wait3A_1465 = tpu.memref_slice %arg10[%dma_wait3A_1460, %dma_wait3A_1461, %dma_wait3A_1464] : memref<2x25x128xf32, #tpu.memory_space<vmem>> -> memref<1x1x128xf32, #tpu.memory_space<vmem>>
        %dma_wait3A_1466 = tpu.memref_squeeze %dma_wait3A_1465 : memref<1x1x128xf32, #tpu.memory_space<vmem>> -> memref<128xf32, #tpu.memory_space<vmem>>
        %dma_wait3A_1467 = arith.constant 0 : i32
        %dma_wait3A_1468 = tpu.memref_slice %arg9[%dma_wait3A_1462, %dma_wait3A_1463, %dma_wait3A_1467] : memref<2x25x128xi32, #tpu.memory_space<vmem>> -> memref<1x1x128xi32, #tpu.memory_space<vmem>>
        %dma_wait3A_1469 = tpu.memref_squeeze %dma_wait3A_1468 : memref<1x1x128xi32, #tpu.memory_space<vmem>> -> memref<128xi32, #tpu.memory_space<vmem>>
        %dma_wait3A_1470 = arith.constant 0 : i32
        %dma_wait3A_1471 = tpu.memref_slice %arg12[%dma_wait3A_1470] : memref<278784xf32, #tpu.memory_space<vmem_shared>> -> memref<278784xf32, #tpu.memory_space<vmem_shared>>
        tpu.wait_indirect_dma semaphore(%arg13 : memref<!tpu.dma_semaphore, #tpu.memory_space<semaphore_mem>>) src(%dma_wait3A_1466 : memref<128xf32, #tpu.memory_space<vmem>>) dst(%dma_wait3A_1471 : memref<278784xf32, #tpu.memory_space<vmem_shared>>)
        %dma_wait3A_1472 = arith.constant 0 : i32
        %dma_wait3A_1473 = arith.constant 18 : i32
        %dma_wait3A_1474 = arith.constant 0 : i32
        %dma_wait3A_1475 = arith.constant 18 : i32
        %dma_wait3A_1476 = arith.constant 0 : i32
        %dma_wait3A_1477 = tpu.memref_slice %arg10[%dma_wait3A_1472, %dma_wait3A_1473, %dma_wait3A_1476] : memref<2x25x128xf32, #tpu.memory_space<vmem>> -> memref<1x1x128xf32, #tpu.memory_space<vmem>>
        %dma_wait3A_1478 = tpu.memref_squeeze %dma_wait3A_1477 : memref<1x1x128xf32, #tpu.memory_space<vmem>> -> memref<128xf32, #tpu.memory_space<vmem>>
        %dma_wait3A_1479 = arith.constant 0 : i32
        %dma_wait3A_1480 = tpu.memref_slice %arg9[%dma_wait3A_1474, %dma_wait3A_1475, %dma_wait3A_1479] : memref<2x25x128xi32, #tpu.memory_space<vmem>> -> memref<1x1x128xi32, #tpu.memory_space<vmem>>
        %dma_wait3A_1481 = tpu.memref_squeeze %dma_wait3A_1480 : memref<1x1x128xi32, #tpu.memory_space<vmem>> -> memref<128xi32, #tpu.memory_space<vmem>>
        %dma_wait3A_1482 = arith.constant 0 : i32
        %dma_wait3A_1483 = tpu.memref_slice %arg12[%dma_wait3A_1482] : memref<278784xf32, #tpu.memory_space<vmem_shared>> -> memref<278784xf32, #tpu.memory_space<vmem_shared>>
        tpu.wait_indirect_dma semaphore(%arg13 : memref<!tpu.dma_semaphore, #tpu.memory_space<semaphore_mem>>) src(%dma_wait3A_1478 : memref<128xf32, #tpu.memory_space<vmem>>) dst(%dma_wait3A_1483 : memref<278784xf32, #tpu.memory_space<vmem_shared>>)
        %dma_wait3A_1484 = arith.constant 0 : i32
        %dma_wait3A_1485 = arith.constant 19 : i32
        %dma_wait3A_1486 = arith.constant 0 : i32
        %dma_wait3A_1487 = arith.constant 19 : i32
        %dma_wait3A_1488 = arith.constant 0 : i32
        %dma_wait3A_1489 = tpu.memref_slice %arg10[%dma_wait3A_1484, %dma_wait3A_1485, %dma_wait3A_1488] : memref<2x25x128xf32, #tpu.memory_space<vmem>> -> memref<1x1x128xf32, #tpu.memory_space<vmem>>
        %dma_wait3A_1490 = tpu.memref_squeeze %dma_wait3A_1489 : memref<1x1x128xf32, #tpu.memory_space<vmem>> -> memref<128xf32, #tpu.memory_space<vmem>>
        %dma_wait3A_1491 = arith.constant 0 : i32
        %dma_wait3A_1492 = tpu.memref_slice %arg9[%dma_wait3A_1486, %dma_wait3A_1487, %dma_wait3A_1491] : memref<2x25x128xi32, #tpu.memory_space<vmem>> -> memref<1x1x128xi32, #tpu.memory_space<vmem>>
        %dma_wait3A_1493 = tpu.memref_squeeze %dma_wait3A_1492 : memref<1x1x128xi32, #tpu.memory_space<vmem>> -> memref<128xi32, #tpu.memory_space<vmem>>
        %dma_wait3A_1494 = arith.constant 0 : i32
        %dma_wait3A_1495 = tpu.memref_slice %arg12[%dma_wait3A_1494] : memref<278784xf32, #tpu.memory_space<vmem_shared>> -> memref<278784xf32, #tpu.memory_space<vmem_shared>>
        tpu.wait_indirect_dma semaphore(%arg13 : memref<!tpu.dma_semaphore, #tpu.memory_space<semaphore_mem>>) src(%dma_wait3A_1490 : memref<128xf32, #tpu.memory_space<vmem>>) dst(%dma_wait3A_1495 : memref<278784xf32, #tpu.memory_space<vmem_shared>>)
        %dma_wait3A_1496 = arith.constant 0 : i32
        %dma_wait3A_1497 = arith.constant 20 : i32
        %dma_wait3A_1498 = arith.constant 0 : i32
        %dma_wait3A_1499 = arith.constant 20 : i32
        %dma_wait3A_1500 = arith.constant 0 : i32
        %dma_wait3A_1501 = tpu.memref_slice %arg10[%dma_wait3A_1496, %dma_wait3A_1497, %dma_wait3A_1500] : memref<2x25x128xf32, #tpu.memory_space<vmem>> -> memref<1x1x128xf32, #tpu.memory_space<vmem>>
        %dma_wait3A_1502 = tpu.memref_squeeze %dma_wait3A_1501 : memref<1x1x128xf32, #tpu.memory_space<vmem>> -> memref<128xf32, #tpu.memory_space<vmem>>
        %dma_wait3A_1503 = arith.constant 0 : i32
        %dma_wait3A_1504 = tpu.memref_slice %arg9[%dma_wait3A_1498, %dma_wait3A_1499, %dma_wait3A_1503] : memref<2x25x128xi32, #tpu.memory_space<vmem>> -> memref<1x1x128xi32, #tpu.memory_space<vmem>>
        %dma_wait3A_1505 = tpu.memref_squeeze %dma_wait3A_1504 : memref<1x1x128xi32, #tpu.memory_space<vmem>> -> memref<128xi32, #tpu.memory_space<vmem>>
        %dma_wait3A_1506 = arith.constant 0 : i32
        %dma_wait3A_1507 = tpu.memref_slice %arg12[%dma_wait3A_1506] : memref<278784xf32, #tpu.memory_space<vmem_shared>> -> memref<278784xf32, #tpu.memory_space<vmem_shared>>
        tpu.wait_indirect_dma semaphore(%arg13 : memref<!tpu.dma_semaphore, #tpu.memory_space<semaphore_mem>>) src(%dma_wait3A_1502 : memref<128xf32, #tpu.memory_space<vmem>>) dst(%dma_wait3A_1507 : memref<278784xf32, #tpu.memory_space<vmem_shared>>)
        %dma_wait3A_1508 = arith.constant 0 : i32
        %dma_wait3A_1509 = arith.constant 21 : i32
        %dma_wait3A_1510 = arith.constant 0 : i32
        %dma_wait3A_1511 = arith.constant 21 : i32
        %dma_wait3A_1512 = arith.constant 0 : i32
        %dma_wait3A_1513 = tpu.memref_slice %arg10[%dma_wait3A_1508, %dma_wait3A_1509, %dma_wait3A_1512] : memref<2x25x128xf32, #tpu.memory_space<vmem>> -> memref<1x1x128xf32, #tpu.memory_space<vmem>>
        %dma_wait3A_1514 = tpu.memref_squeeze %dma_wait3A_1513 : memref<1x1x128xf32, #tpu.memory_space<vmem>> -> memref<128xf32, #tpu.memory_space<vmem>>
        %dma_wait3A_1515 = arith.constant 0 : i32
        %dma_wait3A_1516 = tpu.memref_slice %arg9[%dma_wait3A_1510, %dma_wait3A_1511, %dma_wait3A_1515] : memref<2x25x128xi32, #tpu.memory_space<vmem>> -> memref<1x1x128xi32, #tpu.memory_space<vmem>>
        %dma_wait3A_1517 = tpu.memref_squeeze %dma_wait3A_1516 : memref<1x1x128xi32, #tpu.memory_space<vmem>> -> memref<128xi32, #tpu.memory_space<vmem>>
        %dma_wait3A_1518 = arith.constant 0 : i32
        %dma_wait3A_1519 = tpu.memref_slice %arg12[%dma_wait3A_1518] : memref<278784xf32, #tpu.memory_space<vmem_shared>> -> memref<278784xf32, #tpu.memory_space<vmem_shared>>
        tpu.wait_indirect_dma semaphore(%arg13 : memref<!tpu.dma_semaphore, #tpu.memory_space<semaphore_mem>>) src(%dma_wait3A_1514 : memref<128xf32, #tpu.memory_space<vmem>>) dst(%dma_wait3A_1519 : memref<278784xf32, #tpu.memory_space<vmem_shared>>)
        %dma_wait3A_1520 = arith.constant 0 : i32
        %dma_wait3A_1521 = arith.constant 22 : i32
        %dma_wait3A_1522 = arith.constant 0 : i32
        %dma_wait3A_1523 = arith.constant 22 : i32
        %dma_wait3A_1524 = arith.constant 0 : i32
        %dma_wait3A_1525 = tpu.memref_slice %arg10[%dma_wait3A_1520, %dma_wait3A_1521, %dma_wait3A_1524] : memref<2x25x128xf32, #tpu.memory_space<vmem>> -> memref<1x1x128xf32, #tpu.memory_space<vmem>>
        %dma_wait3A_1526 = tpu.memref_squeeze %dma_wait3A_1525 : memref<1x1x128xf32, #tpu.memory_space<vmem>> -> memref<128xf32, #tpu.memory_space<vmem>>
        %dma_wait3A_1527 = arith.constant 0 : i32
        %dma_wait3A_1528 = tpu.memref_slice %arg9[%dma_wait3A_1522, %dma_wait3A_1523, %dma_wait3A_1527] : memref<2x25x128xi32, #tpu.memory_space<vmem>> -> memref<1x1x128xi32, #tpu.memory_space<vmem>>
        %dma_wait3A_1529 = tpu.memref_squeeze %dma_wait3A_1528 : memref<1x1x128xi32, #tpu.memory_space<vmem>> -> memref<128xi32, #tpu.memory_space<vmem>>
        %dma_wait3A_1530 = arith.constant 0 : i32
        %dma_wait3A_1531 = tpu.memref_slice %arg12[%dma_wait3A_1530] : memref<278784xf32, #tpu.memory_space<vmem_shared>> -> memref<278784xf32, #tpu.memory_space<vmem_shared>>
        tpu.wait_indirect_dma semaphore(%arg13 : memref<!tpu.dma_semaphore, #tpu.memory_space<semaphore_mem>>) src(%dma_wait3A_1526 : memref<128xf32, #tpu.memory_space<vmem>>) dst(%dma_wait3A_1531 : memref<278784xf32, #tpu.memory_space<vmem_shared>>)
        %dma_wait3A_1532 = arith.constant 0 : i32
        %dma_wait3A_1533 = arith.constant 23 : i32
        %dma_wait3A_1534 = arith.constant 0 : i32
        %dma_wait3A_1535 = arith.constant 23 : i32
        %dma_wait3A_1536 = arith.constant 0 : i32
        %dma_wait3A_1537 = tpu.memref_slice %arg10[%dma_wait3A_1532, %dma_wait3A_1533, %dma_wait3A_1536] : memref<2x25x128xf32, #tpu.memory_space<vmem>> -> memref<1x1x128xf32, #tpu.memory_space<vmem>>
        %dma_wait3A_1538 = tpu.memref_squeeze %dma_wait3A_1537 : memref<1x1x128xf32, #tpu.memory_space<vmem>> -> memref<128xf32, #tpu.memory_space<vmem>>
        %dma_wait3A_1539 = arith.constant 0 : i32
        %dma_wait3A_1540 = tpu.memref_slice %arg9[%dma_wait3A_1534, %dma_wait3A_1535, %dma_wait3A_1539] : memref<2x25x128xi32, #tpu.memory_space<vmem>> -> memref<1x1x128xi32, #tpu.memory_space<vmem>>
        %dma_wait3A_1541 = tpu.memref_squeeze %dma_wait3A_1540 : memref<1x1x128xi32, #tpu.memory_space<vmem>> -> memref<128xi32, #tpu.memory_space<vmem>>
        %dma_wait3A_1542 = arith.constant 0 : i32
        %dma_wait3A_1543 = tpu.memref_slice %arg12[%dma_wait3A_1542] : memref<278784xf32, #tpu.memory_space<vmem_shared>> -> memref<278784xf32, #tpu.memory_space<vmem_shared>>
        tpu.wait_indirect_dma semaphore(%arg13 : memref<!tpu.dma_semaphore, #tpu.memory_space<semaphore_mem>>) src(%dma_wait3A_1538 : memref<128xf32, #tpu.memory_space<vmem>>) dst(%dma_wait3A_1543 : memref<278784xf32, #tpu.memory_space<vmem_shared>>)
        %dma_wait3A_1544 = arith.constant 0 : i32
        %dma_wait3A_1545 = arith.constant 24 : i32
        %dma_wait3A_1546 = arith.constant 0 : i32
        %dma_wait3A_1547 = arith.constant 24 : i32
        %dma_wait3A_1548 = arith.constant 0 : i32
        %dma_wait3A_1549 = tpu.memref_slice %arg10[%dma_wait3A_1544, %dma_wait3A_1545, %dma_wait3A_1548] : memref<2x25x128xf32, #tpu.memory_space<vmem>> -> memref<1x1x128xf32, #tpu.memory_space<vmem>>
        %dma_wait3A_1550 = tpu.memref_squeeze %dma_wait3A_1549 : memref<1x1x128xf32, #tpu.memory_space<vmem>> -> memref<128xf32, #tpu.memory_space<vmem>>
        %dma_wait3A_1551 = arith.constant 0 : i32
        %dma_wait3A_1552 = tpu.memref_slice %arg9[%dma_wait3A_1546, %dma_wait3A_1547, %dma_wait3A_1551] : memref<2x25x128xi32, #tpu.memory_space<vmem>> -> memref<1x1x128xi32, #tpu.memory_space<vmem>>
        %dma_wait3A_1553 = tpu.memref_squeeze %dma_wait3A_1552 : memref<1x1x128xi32, #tpu.memory_space<vmem>> -> memref<128xi32, #tpu.memory_space<vmem>>
        %dma_wait3A_1554 = arith.constant 0 : i32
        %dma_wait3A_1555 = tpu.memref_slice %arg12[%dma_wait3A_1554] : memref<278784xf32, #tpu.memory_space<vmem_shared>> -> memref<278784xf32, #tpu.memory_space<vmem_shared>>
        tpu.wait_indirect_dma semaphore(%arg13 : memref<!tpu.dma_semaphore, #tpu.memory_space<semaphore_mem>>) src(%dma_wait3A_1550 : memref<128xf32, #tpu.memory_space<vmem>>) dst(%dma_wait3A_1555 : memref<278784xf32, #tpu.memory_space<vmem_shared>>)
      } else {
      }
      %mul3A_634 = arith.constant 2 : i32
      %mul3A_635 = arith.muli %mul3A_634, %scan3A_631 : i32
      %scan3A_636 = arith.constant 0 : i32
      %scan3A_637 = arith.constant 0 : i32
      %scan3A_638 = arith.constant 8 : i32
      %scan3A_639 = arith.addi %scan3A_637, %scan3A_638 : i32
      %scan3A_640 = arith.constant 1 : i32
      scf.for %scan3A_1256 = %scan3A_637 to %scan3A_639 step %scan3A_640  : i32 {
        %mul3A_1257 = arith.constant 128 : i32
        %mul3A_1258 = arith.muli %mul3A_635, %mul3A_1257 : i32
        %mul3A_1259 = arith.constant 16 : i32
        %mul3A_1260 = arith.muli %scan3A_1256, %mul3A_1259 : i32
        %add3A_1261 = arith.addi %mul3A_1258, %mul3A_1260 : i32
        %get3A = arith.index_cast %add3A_1261 : i32 to index
        %get3A_1262 = tpu.vector_load %arg6[%get3A] {strides = array<i32>} : memref<16384xf32, #tpu.memory_space<vmem>>, vector<16xf32>,
        %get3A_1263 = vector.shape_cast %get3A_1262 : vector<16xf32> to vector<16xf32>
        %get3A_1264 = arith.index_cast %add3A_1261 : i32 to index
        %get3A_1265 = tpu.vector_load %arg7[%get3A_1264] {strides = array<i32>} : memref<16384xf32, #tpu.memory_space<vmem>>, vector<16xf32>,
        %get3A_1266 = vector.shape_cast %get3A_1265 : vector<16xf32> to vector<16xf32>
        %get3A_1267 = arith.index_cast %add3A_1261 : i32 to index
        %get3A_1268 = tpu.vector_load %arg8[%get3A_1267] {strides = array<i32>} : memref<16384xf32, #tpu.memory_space<vmem>>, vector<16xf32>,
        %get3A_1269 = vector.shape_cast %get3A_1268 : vector<16xf32> to vector<16xf32>
        %add3A_1270 = arith.constant 1.000000e+00 : f32
        %add3A_1271 = vector.broadcast %add3A_1270 : f32 to vector<16xf32>
        %add3A_1272 = arith.addf %get3A_1263, %add3A_1271 : vector<16xf32>
        %mul3A_1273 = arith.constant 5.120000e+02 : f32
        %mul3A_1274 = vector.broadcast %mul3A_1273 : f32 to vector<16xf32>
        %mul3A_1275 = arith.mulf %add3A_1272, %mul3A_1274 : vector<16xf32>
        %add3A_1276 = arith.constant 1.000000e+00 : f32
        %add3A_1277 = vector.broadcast %add3A_1276 : f32 to vector<16xf32>
        %add3A_1278 = arith.addf %get3A_1266, %add3A_1277 : vector<16xf32>
        %mul3A_1279 = arith.constant 5.120000e+02 : f32
        %mul3A_1280 = vector.broadcast %mul3A_1279 : f32 to vector<16xf32>
        %mul3A_1281 = arith.mulf %add3A_1278, %mul3A_1280 : vector<16xf32>
        %convert_element_type3A_1282 = arith.fptosi %mul3A_1275 : vector<16xf32> to vector<16xi32>
        %convert_element_type3A_1283 = arith.fptosi %mul3A_1281 : vector<16xf32> to vector<16xi32>
        %convert_element_type3A_1284 = arith.sitofp %convert_element_type3A_1282 : vector<16xi32> to vector<16xf32>
        %sub3A = arith.subf %mul3A_1275, %convert_element_type3A_1284 : vector<16xf32>
        %convert_element_type3A_1285 = arith.sitofp %convert_element_type3A_1283 : vector<16xi32> to vector<16xf32>
        %sub3A_1286 = arith.subf %mul3A_1281, %convert_element_type3A_1285 : vector<16xf32>
        %sub3A_1287 = arith.constant -2.000000e+00 : f32
        %sub3A_1288 = vector.broadcast %sub3A_1287 : f32 to vector<16xf32>
        %sub3A_1289 = arith.subf %sub3A, %sub3A_1288 : vector<16xf32>
        %mul3A_1290 = arith.constant -2.000000e+00 : f32
        %mul3A_1291 = vector.broadcast %mul3A_1290 : f32 to vector<16xf32>
        %mul3A_1292 = arith.mulf %mul3A_1291, %sub3A_1289 : vector<16xf32>
        %sub3A_1293 = arith.constant -2.000000e+00 : f32
        %sub3A_1294 = vector.broadcast %sub3A_1293 : f32 to vector<16xf32>
        %sub3A_1295 = arith.subf %sub3A, %sub3A_1294 : vector<16xf32>
        %mul3A_1296 = arith.mulf %mul3A_1292, %sub3A_1295 : vector<16xf32>
        %exp3A = math.exp %mul3A_1296 : vector<16xf32>
        %sub3A_1297 = arith.constant -1.000000e+00 : f32
        %sub3A_1298 = vector.broadcast %sub3A_1297 : f32 to vector<16xf32>
        %sub3A_1299 = arith.subf %sub3A, %sub3A_1298 : vector<16xf32>
        %mul3A_1300 = arith.constant -2.000000e+00 : f32
        %mul3A_1301 = vector.broadcast %mul3A_1300 : f32 to vector<16xf32>
        %mul3A_1302 = arith.mulf %mul3A_1301, %sub3A_1299 : vector<16xf32>
        %sub3A_1303 = arith.constant -1.000000e+00 : f32
        %sub3A_1304 = vector.broadcast %sub3A_1303 : f32 to vector<16xf32>
        %sub3A_1305 = arith.subf %sub3A, %sub3A_1304 : vector<16xf32>
        %mul3A_1306 = arith.mulf %mul3A_1302, %sub3A_1305 : vector<16xf32>
        %exp3A_1307 = math.exp %mul3A_1306 : vector<16xf32>
        %sub3A_1308 = arith.constant 0.000000e+00 : f32
        %sub3A_1309 = vector.broadcast %sub3A_1308 : f32 to vector<16xf32>
        %sub3A_1310 = arith.subf %sub3A, %sub3A_1309 : vector<16xf32>
        %mul3A_1311 = arith.constant -2.000000e+00 : f32
        %mul3A_1312 = vector.broadcast %mul3A_1311 : f32 to vector<16xf32>
        %mul3A_1313 = arith.mulf %mul3A_1312, %sub3A_1310 : vector<16xf32>
        %sub3A_1314 = arith.constant 0.000000e+00 : f32
        %sub3A_1315 = vector.broadcast %sub3A_1314 : f32 to vector<16xf32>
        %sub3A_1316 = arith.subf %sub3A, %sub3A_1315 : vector<16xf32>
        %mul3A_1317 = arith.mulf %mul3A_1313, %sub3A_1316 : vector<16xf32>
        %exp3A_1318 = math.exp %mul3A_1317 : vector<16xf32>
        %sub3A_1319 = arith.constant 1.000000e+00 : f32
        %sub3A_1320 = vector.broadcast %sub3A_1319 : f32 to vector<16xf32>
        %sub3A_1321 = arith.subf %sub3A, %sub3A_1320 : vector<16xf32>
        %mul3A_1322 = arith.constant -2.000000e+00 : f32
        %mul3A_1323 = vector.broadcast %mul3A_1322 : f32 to vector<16xf32>
        %mul3A_1324 = arith.mulf %mul3A_1323, %sub3A_1321 : vector<16xf32>
        %sub3A_1325 = arith.constant 1.000000e+00 : f32
        %sub3A_1326 = vector.broadcast %sub3A_1325 : f32 to vector<16xf32>
        %sub3A_1327 = arith.subf %sub3A, %sub3A_1326 : vector<16xf32>
        %mul3A_1328 = arith.mulf %mul3A_1324, %sub3A_1327 : vector<16xf32>
        %exp3A_1329 = math.exp %mul3A_1328 : vector<16xf32>
        %sub3A_1330 = arith.constant 2.000000e+00 : f32
        %sub3A_1331 = vector.broadcast %sub3A_1330 : f32 to vector<16xf32>
        %sub3A_1332 = arith.subf %sub3A, %sub3A_1331 : vector<16xf32>
        %mul3A_1333 = arith.constant -2.000000e+00 : f32
        %mul3A_1334 = vector.broadcast %mul3A_1333 : f32 to vector<16xf32>
        %mul3A_1335 = arith.mulf %mul3A_1334, %sub3A_1332 : vector<16xf32>
        %sub3A_1336 = arith.constant 2.000000e+00 : f32
        %sub3A_1337 = vector.broadcast %sub3A_1336 : f32 to vector<16xf32>
        %sub3A_1338 = arith.subf %sub3A, %sub3A_1337 : vector<16xf32>
        %mul3A_1339 = arith.mulf %mul3A_1335, %sub3A_1338 : vector<16xf32>
        %exp3A_1340 = math.exp %mul3A_1339 : vector<16xf32>
        %sub3A_1341 = arith.constant -2.000000e+00 : f32
        %sub3A_1342 = vector.broadcast %sub3A_1341 : f32 to vector<16xf32>
        %sub3A_1343 = arith.subf %sub3A_1286, %sub3A_1342 : vector<16xf32>
        %mul3A_1344 = arith.constant -2.000000e+00 : f32
        %mul3A_1345 = vector.broadcast %mul3A_1344 : f32 to vector<16xf32>
        %mul3A_1346 = arith.mulf %mul3A_1345, %sub3A_1343 : vector<16xf32>
        %sub3A_1347 = arith.constant -2.000000e+00 : f32
        %sub3A_1348 = vector.broadcast %sub3A_1347 : f32 to vector<16xf32>
        %sub3A_1349 = arith.subf %sub3A_1286, %sub3A_1348 : vector<16xf32>
        %mul3A_1350 = arith.mulf %mul3A_1346, %sub3A_1349 : vector<16xf32>
        %exp3A_1351 = math.exp %mul3A_1350 : vector<16xf32>
        %sub3A_1352 = arith.constant -1.000000e+00 : f32
        %sub3A_1353 = vector.broadcast %sub3A_1352 : f32 to vector<16xf32>
        %sub3A_1354 = arith.subf %sub3A_1286, %sub3A_1353 : vector<16xf32>
        %mul3A_1355 = arith.constant -2.000000e+00 : f32
        %mul3A_1356 = vector.broadcast %mul3A_1355 : f32 to vector<16xf32>
        %mul3A_1357 = arith.mulf %mul3A_1356, %sub3A_1354 : vector<16xf32>
        %sub3A_1358 = arith.constant -1.000000e+00 : f32
        %sub3A_1359 = vector.broadcast %sub3A_1358 : f32 to vector<16xf32>
        %sub3A_1360 = arith.subf %sub3A_1286, %sub3A_1359 : vector<16xf32>
        %mul3A_1361 = arith.mulf %mul3A_1357, %sub3A_1360 : vector<16xf32>
        %exp3A_1362 = math.exp %mul3A_1361 : vector<16xf32>
        %sub3A_1363 = arith.constant 0.000000e+00 : f32
        %sub3A_1364 = vector.broadcast %sub3A_1363 : f32 to vector<16xf32>
        %sub3A_1365 = arith.subf %sub3A_1286, %sub3A_1364 : vector<16xf32>
        %mul3A_1366 = arith.constant -2.000000e+00 : f32
        %mul3A_1367 = vector.broadcast %mul3A_1366 : f32 to vector<16xf32>
        %mul3A_1368 = arith.mulf %mul3A_1367, %sub3A_1365 : vector<16xf32>
        %sub3A_1369 = arith.constant 0.000000e+00 : f32
        %sub3A_1370 = vector.broadcast %sub3A_1369 : f32 to vector<16xf32>
        %sub3A_1371 = arith.subf %sub3A_1286, %sub3A_1370 : vector<16xf32>
        %mul3A_1372 = arith.mulf %mul3A_1368, %sub3A_1371 : vector<16xf32>
        %exp3A_1373 = math.exp %mul3A_1372 : vector<16xf32>
        %sub3A_1374 = arith.constant 1.000000e+00 : f32
        %sub3A_1375 = vector.broadcast %sub3A_1374 : f32 to vector<16xf32>
        %sub3A_1376 = arith.subf %sub3A_1286, %sub3A_1375 : vector<16xf32>
        %mul3A_1377 = arith.constant -2.000000e+00 : f32
        %mul3A_1378 = vector.broadcast %mul3A_1377 : f32 to vector<16xf32>
        %mul3A_1379 = arith.mulf %mul3A_1378, %sub3A_1376 : vector<16xf32>
        %sub3A_1380 = arith.constant 1.000000e+00 : f32
        %sub3A_1381 = vector.broadcast %sub3A_1380 : f32 to vector<16xf32>
        %sub3A_1382 = arith.subf %sub3A_1286, %sub3A_1381 : vector<16xf32>
        %mul3A_1383 = arith.mulf %mul3A_1379, %sub3A_1382 : vector<16xf32>
        %exp3A_1384 = math.exp %mul3A_1383 : vector<16xf32>
        %sub3A_1385 = arith.constant 2.000000e+00 : f32
        %sub3A_1386 = vector.broadcast %sub3A_1385 : f32 to vector<16xf32>
        %sub3A_1387 = arith.subf %sub3A_1286, %sub3A_1386 : vector<16xf32>
        %mul3A_1388 = arith.constant -2.000000e+00 : f32
        %mul3A_1389 = vector.broadcast %mul3A_1388 : f32 to vector<16xf32>
        %mul3A_1390 = arith.mulf %mul3A_1389, %sub3A_1387 : vector<16xf32>
        %sub3A_1391 = arith.constant 2.000000e+00 : f32
        %sub3A_1392 = vector.broadcast %sub3A_1391 : f32 to vector<16xf32>
        %sub3A_1393 = arith.subf %sub3A_1286, %sub3A_1392 : vector<16xf32>
        %mul3A_1394 = arith.mulf %mul3A_1390, %sub3A_1393 : vector<16xf32>
        %exp3A_1395 = math.exp %mul3A_1394 : vector<16xf32>
        %add3A_1396 = arith.addf %exp3A, %exp3A_1307 : vector<16xf32>
        %add3A_1397 = arith.addf %exp3A_1318, %exp3A_1329 : vector<16xf32>
        %add3A_1398 = arith.addf %add3A_1396, %add3A_1397 : vector<16xf32>
        %add3A_1399 = arith.addf %add3A_1398, %exp3A_1340 : vector<16xf32>
        %add3A_1400 = arith.addf %exp3A_1351, %exp3A_1362 : vector<16xf32>
        %add3A_1401 = arith.addf %exp3A_1373, %exp3A_1384 : vector<16xf32>
        %add3A_1402 = arith.addf %add3A_1400, %add3A_1401 : vector<16xf32>
        %add3A_1403 = arith.addf %add3A_1402, %exp3A_1395 : vector<16xf32>
        %mul3A_1404 = arith.mulf %add3A_1399, %add3A_1403 : vector<16xf32>
        %div3A = arith.divf %get3A_1269, %mul3A_1404 : vector<16xf32>
        %mul3A_1405 = arith.constant 528 : i32
        %mul3A_1406 = vector.broadcast %mul3A_1405 : i32 to vector<16xi32>
        %mul3A_1407 = arith.muli %convert_element_type3A_1283, %mul3A_1406 : vector<16xi32>
        %add3A_1408 = arith.addi %mul3A_1407, %convert_element_type3A_1282 : vector<16xi32>
        %sub3A_1409 = arith.constant 267674 : i32
        %sub3A_1410 = vector.broadcast %sub3A_1409 : i32 to vector<16xi32>
        %sub3A_1411 = arith.subi %add3A_1408, %sub3A_1410 : vector<16xi32>
        %mul3A_1412 = arith.mulf %exp3A_1351, %div3A : vector<16xf32>
        %add3A_1413 = arith.constant 0 : i32
        %add3A_1414 = vector.broadcast %add3A_1413 : i32 to vector<16xi32>
        %add3A_1415 = arith.addi %sub3A_1411, %add3A_1414 : vector<16xi32>
        %mul3A_1416 = arith.constant 16 : i32
        %mul3A_1417 = arith.muli %scan3A_1256, %mul3A_1416 : i32
        %swap3A_1418 = arith.constant 0 : i32
        %swap3A_1419 = arith.constant 0 : i32
        %swap3A_1420 = arith.index_cast %swap3A_1418 : i32 to index
        %swap3A_1421 = arith.index_cast %swap3A_1419 : i32 to index
        %swap3A_1422 = arith.index_cast %mul3A_1417 : i32 to index
        %swap3A_1423 = tpu.vector_load %arg9[%swap3A_1420, %swap3A_1421, %swap3A_1422] {strides = array<i32>} : memref<2x25x128xi32, #tpu.memory_space<vmem>>, vector<1x1x16xi32>,
        %swap3A_1424 = vector.shape_cast %swap3A_1423 : vector<1x1x16xi32> to vector<16xi32>
        %swap3A_1425 = vector.shape_cast %add3A_1415 : vector<16xi32> to vector<1x1x16xi32>
        tpu.vector_store %arg9[%swap3A_1420, %swap3A_1421, %swap3A_1422], %swap3A_1425 {strides = array<i32>} : memref<2x25x128xi32, #tpu.memory_space<vmem>>, vector<1x1x16xi32>,
        %mul3A_1426 = arith.mulf %exp3A, %mul3A_1412 : vector<16xf32>
        %mul3A_1427 = arith.constant 16 : i32
        %mul3A_1428 = arith.muli %scan3A_1256, %mul3A_1427 : i32
        %swap3A_1429 = arith.constant 0 : i32
        %swap3A_1430 = arith.constant 0 : i32
        %swap3A_1431 = arith.index_cast %swap3A_1429 : i32 to index
        %swap3A_1432 = arith.index_cast %swap3A_1430 : i32 to index
        %swap3A_1433 = arith.index_cast %mul3A_1428 : i32 to index
        %swap3A_1434 = tpu.vector_load %arg10[%swap3A_1431, %swap3A_1432, %swap3A_1433] {strides = array<i32>} : memref<2x25x128xf32, #tpu.memory_space<vmem>>, vector<1x1x16xf32>,
        %swap3A_1435 = vector.shape_cast %swap3A_1434 : vector<1x1x16xf32> to vector<16xf32>
        %swap3A_1436 = vector.shape_cast %mul3A_1426 : vector<16xf32> to vector<1x1x16xf32>
        tpu.vector_store %arg10[%swap3A_1431, %swap3A_1432, %swap3A_1433], %swap3A_1436 {strides = array<i32>} : memref<2x25x128xf32, #tpu.memory_space<vmem>>, vector<1x1x16xf32>,
        %add3A_1437 = arith.constant 1 : i32
        %add3A_1438 = vector.broadcast %add3A_1437 : i32 to vector<16xi32>
        %add3A_1439 = arith.addi %sub3A_1411, %add3A_1438 : vector<16xi32>
        %mul3A_1440 = arith.constant 16 : i32
        %mul3A_1441 = arith.muli %scan3A_1256, %mul3A_1440 : i32
        %swap3A_1442 = arith.constant 0 : i32
        %swap3A_1443 = arith.constant 1 : i32
        %swap3A_1444 = arith.index_cast %swap3A_1442 : i32 to index
        %swap3A_1445 = arith.index_cast %swap3A_1443 : i32 to index
        %swap3A_1446 = arith.index_cast %mul3A_1441 : i32 to index
        %swap3A_1447 = tpu.vector_load %arg9[%swap3A_1444, %swap3A_1445, %swap3A_1446] {strides = array<i32>} : memref<2x25x128xi32, #tpu.memory_space<vmem>>, vector<1x1x16xi32>,
        %swap3A_1448 = vector.shape_cast %swap3A_1447 : vector<1x1x16xi32> to vector<16xi32>
        %swap3A_1449 = vector.shape_cast %add3A_1439 : vector<16xi32> to vector<1x1x16xi32>
        tpu.vector_store %arg9[%swap3A_1444, %swap3A_1445, %swap3A_1446], %swap3A_1449 {strides = array<i32>} : memref<2x25x128xi32, #tpu.memory_space<vmem>>, vector<1x1x16xi32>,
        %mul3A_1450 = arith.mulf %exp3A_1307, %mul3A_1412 : vector<16xf32>
        %mul3A_1451 = arith.constant 16 : i32
        %mul3A_1452 = arith.muli %scan3A_1256, %mul3A_1451 : i32
        %swap3A_1453 = arith.constant 0 : i32
        %swap3A_1454 = arith.constant 1 : i32
        %swap3A_1455 = arith.index_cast %swap3A_1453 : i32 to index
        %swap3A_1456 = arith.index_cast %swap3A_1454 : i32 to index
        %swap3A_1457 = arith.index_cast %mul3A_1452 : i32 to index
        %swap3A_1458 = tpu.vector_load %arg10[%swap3A_1455, %swap3A_1456, %swap3A_1457] {strides = array<i32>} : memref<2x25x128xf32, #tpu.memory_space<vmem>>, vector<1x1x16xf32>,
        %swap3A_1459 = vector.shape_cast %swap3A_1458 : vector<1x1x16xf32> to vector<16xf32>
        %swap3A_1460 = vector.shape_cast %mul3A_1450 : vector<16xf32> to vector<1x1x16xf32>
        tpu.vector_store %arg10[%swap3A_1455, %swap3A_1456, %swap3A_1457], %swap3A_1460 {strides = array<i32>} : memref<2x25x128xf32, #tpu.memory_space<vmem>>, vector<1x1x16xf32>,
        %add3A_1461 = arith.constant 2 : i32
        %add3A_1462 = vector.broadcast %add3A_1461 : i32 to vector<16xi32>
        %add3A_1463 = arith.addi %sub3A_1411, %add3A_1462 : vector<16xi32>
        %mul3A_1464 = arith.constant 16 : i32
        %mul3A_1465 = arith.muli %scan3A_1256, %mul3A_1464 : i32
        %swap3A_1466 = arith.constant 0 : i32
        %swap3A_1467 = arith.constant 2 : i32
        %swap3A_1468 = arith.index_cast %swap3A_1466 : i32 to index
        %swap3A_1469 = arith.index_cast %swap3A_1467 : i32 to index
        %swap3A_1470 = arith.index_cast %mul3A_1465 : i32 to index
        %swap3A_1471 = tpu.vector_load %arg9[%swap3A_1468, %swap3A_1469, %swap3A_1470] {strides = array<i32>} : memref<2x25x128xi32, #tpu.memory_space<vmem>>, vector<1x1x16xi32>,
        %swap3A_1472 = vector.shape_cast %swap3A_1471 : vector<1x1x16xi32> to vector<16xi32>
        %swap3A_1473 = vector.shape_cast %add3A_1463 : vector<16xi32> to vector<1x1x16xi32>
        tpu.vector_store %arg9[%swap3A_1468, %swap3A_1469, %swap3A_1470], %swap3A_1473 {strides = array<i32>} : memref<2x25x128xi32, #tpu.memory_space<vmem>>, vector<1x1x16xi32>,
        %mul3A_1474 = arith.mulf %exp3A_1318, %mul3A_1412 : vector<16xf32>
        %mul3A_1475 = arith.constant 16 : i32
        %mul3A_1476 = arith.muli %scan3A_1256, %mul3A_1475 : i32
        %swap3A_1477 = arith.constant 0 : i32
        %swap3A_1478 = arith.constant 2 : i32
        %swap3A_1479 = arith.index_cast %swap3A_1477 : i32 to index
        %swap3A_1480 = arith.index_cast %swap3A_1478 : i32 to index
        %swap3A_1481 = arith.index_cast %mul3A_1476 : i32 to index
        %swap3A_1482 = tpu.vector_load %arg10[%swap3A_1479, %swap3A_1480, %swap3A_1481] {strides = array<i32>} : memref<2x25x128xf32, #tpu.memory_space<vmem>>, vector<1x1x16xf32>,
        %swap3A_1483 = vector.shape_cast %swap3A_1482 : vector<1x1x16xf32> to vector<16xf32>
        %swap3A_1484 = vector.shape_cast %mul3A_1474 : vector<16xf32> to vector<1x1x16xf32>
        tpu.vector_store %arg10[%swap3A_1479, %swap3A_1480, %swap3A_1481], %swap3A_1484 {strides = array<i32>} : memref<2x25x128xf32, #tpu.memory_space<vmem>>, vector<1x1x16xf32>,
        %add3A_1485 = arith.constant 3 : i32
        %add3A_1486 = vector.broadcast %add3A_1485 : i32 to vector<16xi32>
        %add3A_1487 = arith.addi %sub3A_1411, %add3A_1486 : vector<16xi32>
        %mul3A_1488 = arith.constant 16 : i32
        %mul3A_1489 = arith.muli %scan3A_1256, %mul3A_1488 : i32
        %swap3A_1490 = arith.constant 0 : i32
        %swap3A_1491 = arith.constant 3 : i32
        %swap3A_1492 = arith.index_cast %swap3A_1490 : i32 to index
        %swap3A_1493 = arith.index_cast %swap3A_1491 : i32 to index
        %swap3A_1494 = arith.index_cast %mul3A_1489 : i32 to index
        %swap3A_1495 = tpu.vector_load %arg9[%swap3A_1492, %swap3A_1493, %swap3A_1494] {strides = array<i32>} : memref<2x25x128xi32, #tpu.memory_space<vmem>>, vector<1x1x16xi32>,
        %swap3A_1496 = vector.shape_cast %swap3A_1495 : vector<1x1x16xi32> to vector<16xi32>
        %swap3A_1497 = vector.shape_cast %add3A_1487 : vector<16xi32> to vector<1x1x16xi32>
        tpu.vector_store %arg9[%swap3A_1492, %swap3A_1493, %swap3A_1494], %swap3A_1497 {strides = array<i32>} : memref<2x25x128xi32, #tpu.memory_space<vmem>>, vector<1x1x16xi32>,
        %mul3A_1498 = arith.mulf %exp3A_1329, %mul3A_1412 : vector<16xf32>
        %mul3A_1499 = arith.constant 16 : i32
        %mul3A_1500 = arith.muli %scan3A_1256, %mul3A_1499 : i32
        %swap3A_1501 = arith.constant 0 : i32
        %swap3A_1502 = arith.constant 3 : i32
        %swap3A_1503 = arith.index_cast %swap3A_1501 : i32 to index
        %swap3A_1504 = arith.index_cast %swap3A_1502 : i32 to index
        %swap3A_1505 = arith.index_cast %mul3A_1500 : i32 to index
        %swap3A_1506 = tpu.vector_load %arg10[%swap3A_1503, %swap3A_1504, %swap3A_1505] {strides = array<i32>} : memref<2x25x128xf32, #tpu.memory_space<vmem>>, vector<1x1x16xf32>,
        %swap3A_1507 = vector.shape_cast %swap3A_1506 : vector<1x1x16xf32> to vector<16xf32>
        %swap3A_1508 = vector.shape_cast %mul3A_1498 : vector<16xf32> to vector<1x1x16xf32>
        tpu.vector_store %arg10[%swap3A_1503, %swap3A_1504, %swap3A_1505], %swap3A_1508 {strides = array<i32>} : memref<2x25x128xf32, #tpu.memory_space<vmem>>, vector<1x1x16xf32>,
        %add3A_1509 = arith.constant 4 : i32
        %add3A_1510 = vector.broadcast %add3A_1509 : i32 to vector<16xi32>
        %add3A_1511 = arith.addi %sub3A_1411, %add3A_1510 : vector<16xi32>
        %mul3A_1512 = arith.constant 16 : i32
        %mul3A_1513 = arith.muli %scan3A_1256, %mul3A_1512 : i32
        %swap3A_1514 = arith.constant 0 : i32
        %swap3A_1515 = arith.constant 4 : i32
        %swap3A_1516 = arith.index_cast %swap3A_1514 : i32 to index
        %swap3A_1517 = arith.index_cast %swap3A_1515 : i32 to index
        %swap3A_1518 = arith.index_cast %mul3A_1513 : i32 to index
        %swap3A_1519 = tpu.vector_load %arg9[%swap3A_1516, %swap3A_1517, %swap3A_1518] {strides = array<i32>} : memref<2x25x128xi32, #tpu.memory_space<vmem>>, vector<1x1x16xi32>,
        %swap3A_1520 = vector.shape_cast %swap3A_1519 : vector<1x1x16xi32> to vector<16xi32>
        %swap3A_1521 = vector.shape_cast %add3A_1511 : vector<16xi32> to vector<1x1x16xi32>
        tpu.vector_store %arg9[%swap3A_1516, %swap3A_1517, %swap3A_1518], %swap3A_1521 {strides = array<i32>} : memref<2x25x128xi32, #tpu.memory_space<vmem>>, vector<1x1x16xi32>,
        %mul3A_1522 = arith.mulf %exp3A_1340, %mul3A_1412 : vector<16xf32>
        %mul3A_1523 = arith.constant 16 : i32
        %mul3A_1524 = arith.muli %scan3A_1256, %mul3A_1523 : i32
        %swap3A_1525 = arith.constant 0 : i32
        %swap3A_1526 = arith.constant 4 : i32
        %swap3A_1527 = arith.index_cast %swap3A_1525 : i32 to index
        %swap3A_1528 = arith.index_cast %swap3A_1526 : i32 to index
        %swap3A_1529 = arith.index_cast %mul3A_1524 : i32 to index
        %swap3A_1530 = tpu.vector_load %arg10[%swap3A_1527, %swap3A_1528, %swap3A_1529] {strides = array<i32>} : memref<2x25x128xf32, #tpu.memory_space<vmem>>, vector<1x1x16xf32>,
        %swap3A_1531 = vector.shape_cast %swap3A_1530 : vector<1x1x16xf32> to vector<16xf32>
        %swap3A_1532 = vector.shape_cast %mul3A_1522 : vector<16xf32> to vector<1x1x16xf32>
        tpu.vector_store %arg10[%swap3A_1527, %swap3A_1528, %swap3A_1529], %swap3A_1532 {strides = array<i32>} : memref<2x25x128xf32, #tpu.memory_space<vmem>>, vector<1x1x16xf32>,
        %mul3A_1533 = arith.mulf %exp3A_1362, %div3A : vector<16xf32>
        %add3A_1534 = arith.constant 528 : i32
        %add3A_1535 = vector.broadcast %add3A_1534 : i32 to vector<16xi32>
        %add3A_1536 = arith.addi %sub3A_1411, %add3A_1535 : vector<16xi32>
        %mul3A_1537 = arith.constant 16 : i32
        %mul3A_1538 = arith.muli %scan3A_1256, %mul3A_1537 : i32
        %swap3A_1539 = arith.constant 0 : i32
        %swap3A_1540 = arith.constant 5 : i32
        %swap3A_1541 = arith.index_cast %swap3A_1539 : i32 to index
        %swap3A_1542 = arith.index_cast %swap3A_1540 : i32 to index
        %swap3A_1543 = arith.index_cast %mul3A_1538 : i32 to index
        %swap3A_1544 = tpu.vector_load %arg9[%swap3A_1541, %swap3A_1542, %swap3A_1543] {strides = array<i32>} : memref<2x25x128xi32, #tpu.memory_space<vmem>>, vector<1x1x16xi32>,
        %swap3A_1545 = vector.shape_cast %swap3A_1544 : vector<1x1x16xi32> to vector<16xi32>
        %swap3A_1546 = vector.shape_cast %add3A_1536 : vector<16xi32> to vector<1x1x16xi32>
        tpu.vector_store %arg9[%swap3A_1541, %swap3A_1542, %swap3A_1543], %swap3A_1546 {strides = array<i32>} : memref<2x25x128xi32, #tpu.memory_space<vmem>>, vector<1x1x16xi32>,
        %mul3A_1547 = arith.mulf %exp3A, %mul3A_1533 : vector<16xf32>
        %mul3A_1548 = arith.constant 16 : i32
        %mul3A_1549 = arith.muli %scan3A_1256, %mul3A_1548 : i32
        %swap3A_1550 = arith.constant 0 : i32
        %swap3A_1551 = arith.constant 5 : i32
        %swap3A_1552 = arith.index_cast %swap3A_1550 : i32 to index
        %swap3A_1553 = arith.index_cast %swap3A_1551 : i32 to index
        %swap3A_1554 = arith.index_cast %mul3A_1549 : i32 to index
        %swap3A_1555 = tpu.vector_load %arg10[%swap3A_1552, %swap3A_1553, %swap3A_1554] {strides = array<i32>} : memref<2x25x128xf32, #tpu.memory_space<vmem>>, vector<1x1x16xf32>,
        %swap3A_1556 = vector.shape_cast %swap3A_1555 : vector<1x1x16xf32> to vector<16xf32>
        %swap3A_1557 = vector.shape_cast %mul3A_1547 : vector<16xf32> to vector<1x1x16xf32>
        tpu.vector_store %arg10[%swap3A_1552, %swap3A_1553, %swap3A_1554], %swap3A_1557 {strides = array<i32>} : memref<2x25x128xf32, #tpu.memory_space<vmem>>, vector<1x1x16xf32>,
        %add3A_1558 = arith.constant 529 : i32
        %add3A_1559 = vector.broadcast %add3A_1558 : i32 to vector<16xi32>
        %add3A_1560 = arith.addi %sub3A_1411, %add3A_1559 : vector<16xi32>
        %mul3A_1561 = arith.constant 16 : i32
        %mul3A_1562 = arith.muli %scan3A_1256, %mul3A_1561 : i32
        %swap3A_1563 = arith.constant 0 : i32
        %swap3A_1564 = arith.constant 6 : i32
        %swap3A_1565 = arith.index_cast %swap3A_1563 : i32 to index
        %swap3A_1566 = arith.index_cast %swap3A_1564 : i32 to index
        %swap3A_1567 = arith.index_cast %mul3A_1562 : i32 to index
        %swap3A_1568 = tpu.vector_load %arg9[%swap3A_1565, %swap3A_1566, %swap3A_1567] {strides = array<i32>} : memref<2x25x128xi32, #tpu.memory_space<vmem>>, vector<1x1x16xi32>,
        %swap3A_1569 = vector.shape_cast %swap3A_1568 : vector<1x1x16xi32> to vector<16xi32>
        %swap3A_1570 = vector.shape_cast %add3A_1560 : vector<16xi32> to vector<1x1x16xi32>
        tpu.vector_store %arg9[%swap3A_1565, %swap3A_1566, %swap3A_1567], %swap3A_1570 {strides = array<i32>} : memref<2x25x128xi32, #tpu.memory_space<vmem>>, vector<1x1x16xi32>,
        %mul3A_1571 = arith.mulf %exp3A_1307, %mul3A_1533 : vector<16xf32>
        %mul3A_1572 = arith.constant 16 : i32
        %mul3A_1573 = arith.muli %scan3A_1256, %mul3A_1572 : i32
        %swap3A_1574 = arith.constant 0 : i32
        %swap3A_1575 = arith.constant 6 : i32
        %swap3A_1576 = arith.index_cast %swap3A_1574 : i32 to index
        %swap3A_1577 = arith.index_cast %swap3A_1575 : i32 to index
        %swap3A_1578 = arith.index_cast %mul3A_1573 : i32 to index
        %swap3A_1579 = tpu.vector_load %arg10[%swap3A_1576, %swap3A_1577, %swap3A_1578] {strides = array<i32>} : memref<2x25x128xf32, #tpu.memory_space<vmem>>, vector<1x1x16xf32>,
        %swap3A_1580 = vector.shape_cast %swap3A_1579 : vector<1x1x16xf32> to vector<16xf32>
        %swap3A_1581 = vector.shape_cast %mul3A_1571 : vector<16xf32> to vector<1x1x16xf32>
        tpu.vector_store %arg10[%swap3A_1576, %swap3A_1577, %swap3A_1578], %swap3A_1581 {strides = array<i32>} : memref<2x25x128xf32, #tpu.memory_space<vmem>>, vector<1x1x16xf32>,
        %add3A_1582 = arith.constant 530 : i32
        %add3A_1583 = vector.broadcast %add3A_1582 : i32 to vector<16xi32>
        %add3A_1584 = arith.addi %sub3A_1411, %add3A_1583 : vector<16xi32>
        %mul3A_1585 = arith.constant 16 : i32
        %mul3A_1586 = arith.muli %scan3A_1256, %mul3A_1585 : i32
        %swap3A_1587 = arith.constant 0 : i32
        %swap3A_1588 = arith.constant 7 : i32
        %swap3A_1589 = arith.index_cast %swap3A_1587 : i32 to index
        %swap3A_1590 = arith.index_cast %swap3A_1588 : i32 to index
        %swap3A_1591 = arith.index_cast %mul3A_1586 : i32 to index
        %swap3A_1592 = tpu.vector_load %arg9[%swap3A_1589, %swap3A_1590, %swap3A_1591] {strides = array<i32>} : memref<2x25x128xi32, #tpu.memory_space<vmem>>, vector<1x1x16xi32>,
        %swap3A_1593 = vector.shape_cast %swap3A_1592 : vector<1x1x16xi32> to vector<16xi32>
        %swap3A_1594 = vector.shape_cast %add3A_1584 : vector<16xi32> to vector<1x1x16xi32>
        tpu.vector_store %arg9[%swap3A_1589, %swap3A_1590, %swap3A_1591], %swap3A_1594 {strides = array<i32>} : memref<2x25x128xi32, #tpu.memory_space<vmem>>, vector<1x1x16xi32>,
        %mul3A_1595 = arith.mulf %exp3A_1318, %mul3A_1533 : vector<16xf32>
        %mul3A_1596 = arith.constant 16 : i32
        %mul3A_1597 = arith.muli %scan3A_1256, %mul3A_1596 : i32
        %swap3A_1598 = arith.constant 0 : i32
        %swap3A_1599 = arith.constant 7 : i32
        %swap3A_1600 = arith.index_cast %swap3A_1598 : i32 to index
        %swap3A_1601 = arith.index_cast %swap3A_1599 : i32 to index
        %swap3A_1602 = arith.index_cast %mul3A_1597 : i32 to index
        %swap3A_1603 = tpu.vector_load %arg10[%swap3A_1600, %swap3A_1601, %swap3A_1602] {strides = array<i32>} : memref<2x25x128xf32, #tpu.memory_space<vmem>>, vector<1x1x16xf32>,
        %swap3A_1604 = vector.shape_cast %swap3A_1603 : vector<1x1x16xf32> to vector<16xf32>
        %swap3A_1605 = vector.shape_cast %mul3A_1595 : vector<16xf32> to vector<1x1x16xf32>
        tpu.vector_store %arg10[%swap3A_1600, %swap3A_1601, %swap3A_1602], %swap3A_1605 {strides = array<i32>} : memref<2x25x128xf32, #tpu.memory_space<vmem>>, vector<1x1x16xf32>,
        %add3A_1606 = arith.constant 531 : i32
        %add3A_1607 = vector.broadcast %add3A_1606 : i32 to vector<16xi32>
        %add3A_1608 = arith.addi %sub3A_1411, %add3A_1607 : vector<16xi32>
        %mul3A_1609 = arith.constant 16 : i32
        %mul3A_1610 = arith.muli %scan3A_1256, %mul3A_1609 : i32
        %swap3A_1611 = arith.constant 0 : i32
        %swap3A_1612 = arith.constant 8 : i32
        %swap3A_1613 = arith.index_cast %swap3A_1611 : i32 to index
        %swap3A_1614 = arith.index_cast %swap3A_1612 : i32 to index
        %swap3A_1615 = arith.index_cast %mul3A_1610 : i32 to index
        %swap3A_1616 = tpu.vector_load %arg9[%swap3A_1613, %swap3A_1614, %swap3A_1615] {strides = array<i32>} : memref<2x25x128xi32, #tpu.memory_space<vmem>>, vector<1x1x16xi32>,
        %swap3A_1617 = vector.shape_cast %swap3A_1616 : vector<1x1x16xi32> to vector<16xi32>
        %swap3A_1618 = vector.shape_cast %add3A_1608 : vector<16xi32> to vector<1x1x16xi32>
        tpu.vector_store %arg9[%swap3A_1613, %swap3A_1614, %swap3A_1615], %swap3A_1618 {strides = array<i32>} : memref<2x25x128xi32, #tpu.memory_space<vmem>>, vector<1x1x16xi32>,
        %mul3A_1619 = arith.mulf %exp3A_1329, %mul3A_1533 : vector<16xf32>
        %mul3A_1620 = arith.constant 16 : i32
        %mul3A_1621 = arith.muli %scan3A_1256, %mul3A_1620 : i32
        %swap3A_1622 = arith.constant 0 : i32
        %swap3A_1623 = arith.constant 8 : i32
        %swap3A_1624 = arith.index_cast %swap3A_1622 : i32 to index
        %swap3A_1625 = arith.index_cast %swap3A_1623 : i32 to index
        %swap3A_1626 = arith.index_cast %mul3A_1621 : i32 to index
        %swap3A_1627 = tpu.vector_load %arg10[%swap3A_1624, %swap3A_1625, %swap3A_1626] {strides = array<i32>} : memref<2x25x128xf32, #tpu.memory_space<vmem>>, vector<1x1x16xf32>,
        %swap3A_1628 = vector.shape_cast %swap3A_1627 : vector<1x1x16xf32> to vector<16xf32>
        %swap3A_1629 = vector.shape_cast %mul3A_1619 : vector<16xf32> to vector<1x1x16xf32>
        tpu.vector_store %arg10[%swap3A_1624, %swap3A_1625, %swap3A_1626], %swap3A_1629 {strides = array<i32>} : memref<2x25x128xf32, #tpu.memory_space<vmem>>, vector<1x1x16xf32>,
        %add3A_1630 = arith.constant 532 : i32
        %add3A_1631 = vector.broadcast %add3A_1630 : i32 to vector<16xi32>
        %add3A_1632 = arith.addi %sub3A_1411, %add3A_1631 : vector<16xi32>
        %mul3A_1633 = arith.constant 16 : i32
        %mul3A_1634 = arith.muli %scan3A_1256, %mul3A_1633 : i32
        %swap3A_1635 = arith.constant 0 : i32
        %swap3A_1636 = arith.constant 9 : i32
        %swap3A_1637 = arith.index_cast %swap3A_1635 : i32 to index
        %swap3A_1638 = arith.index_cast %swap3A_1636 : i32 to index
        %swap3A_1639 = arith.index_cast %mul3A_1634 : i32 to index
        %swap3A_1640 = tpu.vector_load %arg9[%swap3A_1637, %swap3A_1638, %swap3A_1639] {strides = array<i32>} : memref<2x25x128xi32, #tpu.memory_space<vmem>>, vector<1x1x16xi32>,
        %swap3A_1641 = vector.shape_cast %swap3A_1640 : vector<1x1x16xi32> to vector<16xi32>
        %swap3A_1642 = vector.shape_cast %add3A_1632 : vector<16xi32> to vector<1x1x16xi32>
        tpu.vector_store %arg9[%swap3A_1637, %swap3A_1638, %swap3A_1639], %swap3A_1642 {strides = array<i32>} : memref<2x25x128xi32, #tpu.memory_space<vmem>>, vector<1x1x16xi32>,
        %mul3A_1643 = arith.mulf %exp3A_1340, %mul3A_1533 : vector<16xf32>
        %mul3A_1644 = arith.constant 16 : i32
        %mul3A_1645 = arith.muli %scan3A_1256, %mul3A_1644 : i32
        %swap3A_1646 = arith.constant 0 : i32
        %swap3A_1647 = arith.constant 9 : i32
        %swap3A_1648 = arith.index_cast %swap3A_1646 : i32 to index
        %swap3A_1649 = arith.index_cast %swap3A_1647 : i32 to index
        %swap3A_1650 = arith.index_cast %mul3A_1645 : i32 to index
        %swap3A_1651 = tpu.vector_load %arg10[%swap3A_1648, %swap3A_1649, %swap3A_1650] {strides = array<i32>} : memref<2x25x128xf32, #tpu.memory_space<vmem>>, vector<1x1x16xf32>,
        %swap3A_1652 = vector.shape_cast %swap3A_1651 : vector<1x1x16xf32> to vector<16xf32>
        %swap3A_1653 = vector.shape_cast %mul3A_1643 : vector<16xf32> to vector<1x1x16xf32>
        tpu.vector_store %arg10[%swap3A_1648, %swap3A_1649, %swap3A_1650], %swap3A_1653 {strides = array<i32>} : memref<2x25x128xf32, #tpu.memory_space<vmem>>, vector<1x1x16xf32>,
        %mul3A_1654 = arith.mulf %exp3A_1373, %div3A : vector<16xf32>
        %add3A_1655 = arith.constant 1056 : i32
        %add3A_1656 = vector.broadcast %add3A_1655 : i32 to vector<16xi32>
        %add3A_1657 = arith.addi %sub3A_1411, %add3A_1656 : vector<16xi32>
        %mul3A_1658 = arith.constant 16 : i32
        %mul3A_1659 = arith.muli %scan3A_1256, %mul3A_1658 : i32
        %swap3A_1660 = arith.constant 0 : i32
        %swap3A_1661 = arith.constant 10 : i32
        %swap3A_1662 = arith.index_cast %swap3A_1660 : i32 to index
        %swap3A_1663 = arith.index_cast %swap3A_1661 : i32 to index
        %swap3A_1664 = arith.index_cast %mul3A_1659 : i32 to index
        %swap3A_1665 = tpu.vector_load %arg9[%swap3A_1662, %swap3A_1663, %swap3A_1664] {strides = array<i32>} : memref<2x25x128xi32, #tpu.memory_space<vmem>>, vector<1x1x16xi32>,
        %swap3A_1666 = vector.shape_cast %swap3A_1665 : vector<1x1x16xi32> to vector<16xi32>
        %swap3A_1667 = vector.shape_cast %add3A_1657 : vector<16xi32> to vector<1x1x16xi32>
        tpu.vector_store %arg9[%swap3A_1662, %swap3A_1663, %swap3A_1664], %swap3A_1667 {strides = array<i32>} : memref<2x25x128xi32, #tpu.memory_space<vmem>>, vector<1x1x16xi32>,
        %mul3A_1668 = arith.mulf %exp3A, %mul3A_1654 : vector<16xf32>
        %mul3A_1669 = arith.constant 16 : i32
        %mul3A_1670 = arith.muli %scan3A_1256, %mul3A_1669 : i32
        %swap3A_1671 = arith.constant 0 : i32
        %swap3A_1672 = arith.constant 10 : i32
        %swap3A_1673 = arith.index_cast %swap3A_1671 : i32 to index
        %swap3A_1674 = arith.index_cast %swap3A_1672 : i32 to index
        %swap3A_1675 = arith.index_cast %mul3A_1670 : i32 to index
        %swap3A_1676 = tpu.vector_load %arg10[%swap3A_1673, %swap3A_1674, %swap3A_1675] {strides = array<i32>} : memref<2x25x128xf32, #tpu.memory_space<vmem>>, vector<1x1x16xf32>,
        %swap3A_1677 = vector.shape_cast %swap3A_1676 : vector<1x1x16xf32> to vector<16xf32>
        %swap3A_1678 = vector.shape_cast %mul3A_1668 : vector<16xf32> to vector<1x1x16xf32>
        tpu.vector_store %arg10[%swap3A_1673, %swap3A_1674, %swap3A_1675], %swap3A_1678 {strides = array<i32>} : memref<2x25x128xf32, #tpu.memory_space<vmem>>, vector<1x1x16xf32>,
        %add3A_1679 = arith.constant 1057 : i32
        %add3A_1680 = vector.broadcast %add3A_1679 : i32 to vector<16xi32>
        %add3A_1681 = arith.addi %sub3A_1411, %add3A_1680 : vector<16xi32>
        %mul3A_1682 = arith.constant 16 : i32
        %mul3A_1683 = arith.muli %scan3A_1256, %mul3A_1682 : i32
        %swap3A_1684 = arith.constant 0 : i32
        %swap3A_1685 = arith.constant 11 : i32
        %swap3A_1686 = arith.index_cast %swap3A_1684 : i32 to index
        %swap3A_1687 = arith.index_cast %swap3A_1685 : i32 to index
        %swap3A_1688 = arith.index_cast %mul3A_1683 : i32 to index
        %swap3A_1689 = tpu.vector_load %arg9[%swap3A_1686, %swap3A_1687, %swap3A_1688] {strides = array<i32>} : memref<2x25x128xi32, #tpu.memory_space<vmem>>, vector<1x1x16xi32>,
        %swap3A_1690 = vector.shape_cast %swap3A_1689 : vector<1x1x16xi32> to vector<16xi32>
        %swap3A_1691 = vector.shape_cast %add3A_1681 : vector<16xi32> to vector<1x1x16xi32>
        tpu.vector_store %arg9[%swap3A_1686, %swap3A_1687, %swap3A_1688], %swap3A_1691 {strides = array<i32>} : memref<2x25x128xi32, #tpu.memory_space<vmem>>, vector<1x1x16xi32>,
        %mul3A_1692 = arith.mulf %exp3A_1307, %mul3A_1654 : vector<16xf32>
        %mul3A_1693 = arith.constant 16 : i32
        %mul3A_1694 = arith.muli %scan3A_1256, %mul3A_1693 : i32
        %swap3A_1695 = arith.constant 0 : i32
        %swap3A_1696 = arith.constant 11 : i32
        %swap3A_1697 = arith.index_cast %swap3A_1695 : i32 to index
        %swap3A_1698 = arith.index_cast %swap3A_1696 : i32 to index
        %swap3A_1699 = arith.index_cast %mul3A_1694 : i32 to index
        %swap3A_1700 = tpu.vector_load %arg10[%swap3A_1697, %swap3A_1698, %swap3A_1699] {strides = array<i32>} : memref<2x25x128xf32, #tpu.memory_space<vmem>>, vector<1x1x16xf32>,
        %swap3A_1701 = vector.shape_cast %swap3A_1700 : vector<1x1x16xf32> to vector<16xf32>
        %swap3A_1702 = vector.shape_cast %mul3A_1692 : vector<16xf32> to vector<1x1x16xf32>
        tpu.vector_store %arg10[%swap3A_1697, %swap3A_1698, %swap3A_1699], %swap3A_1702 {strides = array<i32>} : memref<2x25x128xf32, #tpu.memory_space<vmem>>, vector<1x1x16xf32>,
        %add3A_1703 = arith.constant 1058 : i32
        %add3A_1704 = vector.broadcast %add3A_1703 : i32 to vector<16xi32>
        %add3A_1705 = arith.addi %sub3A_1411, %add3A_1704 : vector<16xi32>
        %mul3A_1706 = arith.constant 16 : i32
        %mul3A_1707 = arith.muli %scan3A_1256, %mul3A_1706 : i32
        %swap3A_1708 = arith.constant 0 : i32
        %swap3A_1709 = arith.constant 12 : i32
        %swap3A_1710 = arith.index_cast %swap3A_1708 : i32 to index
        %swap3A_1711 = arith.index_cast %swap3A_1709 : i32 to index
        %swap3A_1712 = arith.index_cast %mul3A_1707 : i32 to index
        %swap3A_1713 = tpu.vector_load %arg9[%swap3A_1710, %swap3A_1711, %swap3A_1712] {strides = array<i32>} : memref<2x25x128xi32, #tpu.memory_space<vmem>>, vector<1x1x16xi32>,
        %swap3A_1714 = vector.shape_cast %swap3A_1713 : vector<1x1x16xi32> to vector<16xi32>
        %swap3A_1715 = vector.shape_cast %add3A_1705 : vector<16xi32> to vector<1x1x16xi32>
        tpu.vector_store %arg9[%swap3A_1710, %swap3A_1711, %swap3A_1712], %swap3A_1715 {strides = array<i32>} : memref<2x25x128xi32, #tpu.memory_space<vmem>>, vector<1x1x16xi32>,
        %mul3A_1716 = arith.mulf %exp3A_1318, %mul3A_1654 : vector<16xf32>
        %mul3A_1717 = arith.constant 16 : i32
        %mul3A_1718 = arith.muli %scan3A_1256, %mul3A_1717 : i32
        %swap3A_1719 = arith.constant 0 : i32
        %swap3A_1720 = arith.constant 12 : i32
        %swap3A_1721 = arith.index_cast %swap3A_1719 : i32 to index
        %swap3A_1722 = arith.index_cast %swap3A_1720 : i32 to index
        %swap3A_1723 = arith.index_cast %mul3A_1718 : i32 to index
        %swap3A_1724 = tpu.vector_load %arg10[%swap3A_1721, %swap3A_1722, %swap3A_1723] {strides = array<i32>} : memref<2x25x128xf32, #tpu.memory_space<vmem>>, vector<1x1x16xf32>,
        %swap3A_1725 = vector.shape_cast %swap3A_1724 : vector<1x1x16xf32> to vector<16xf32>
        %swap3A_1726 = vector.shape_cast %mul3A_1716 : vector<16xf32> to vector<1x1x16xf32>
        tpu.vector_store %arg10[%swap3A_1721, %swap3A_1722, %swap3A_1723], %swap3A_1726 {strides = array<i32>} : memref<2x25x128xf32, #tpu.memory_space<vmem>>, vector<1x1x16xf32>,
        %add3A_1727 = arith.constant 1059 : i32
        %add3A_1728 = vector.broadcast %add3A_1727 : i32 to vector<16xi32>
        %add3A_1729 = arith.addi %sub3A_1411, %add3A_1728 : vector<16xi32>
        %mul3A_1730 = arith.constant 16 : i32
        %mul3A_1731 = arith.muli %scan3A_1256, %mul3A_1730 : i32
        %swap3A_1732 = arith.constant 0 : i32
        %swap3A_1733 = arith.constant 13 : i32
        %swap3A_1734 = arith.index_cast %swap3A_1732 : i32 to index
        %swap3A_1735 = arith.index_cast %swap3A_1733 : i32 to index
        %swap3A_1736 = arith.index_cast %mul3A_1731 : i32 to index
        %swap3A_1737 = tpu.vector_load %arg9[%swap3A_1734, %swap3A_1735, %swap3A_1736] {strides = array<i32>} : memref<2x25x128xi32, #tpu.memory_space<vmem>>, vector<1x1x16xi32>,
        %swap3A_1738 = vector.shape_cast %swap3A_1737 : vector<1x1x16xi32> to vector<16xi32>
        %swap3A_1739 = vector.shape_cast %add3A_1729 : vector<16xi32> to vector<1x1x16xi32>
        tpu.vector_store %arg9[%swap3A_1734, %swap3A_1735, %swap3A_1736], %swap3A_1739 {strides = array<i32>} : memref<2x25x128xi32, #tpu.memory_space<vmem>>, vector<1x1x16xi32>,
        %mul3A_1740 = arith.mulf %exp3A_1329, %mul3A_1654 : vector<16xf32>
        %mul3A_1741 = arith.constant 16 : i32
        %mul3A_1742 = arith.muli %scan3A_1256, %mul3A_1741 : i32
        %swap3A_1743 = arith.constant 0 : i32
        %swap3A_1744 = arith.constant 13 : i32
        %swap3A_1745 = arith.index_cast %swap3A_1743 : i32 to index
        %swap3A_1746 = arith.index_cast %swap3A_1744 : i32 to index
        %swap3A_1747 = arith.index_cast %mul3A_1742 : i32 to index
        %swap3A_1748 = tpu.vector_load %arg10[%swap3A_1745, %swap3A_1746, %swap3A_1747] {strides = array<i32>} : memref<2x25x128xf32, #tpu.memory_space<vmem>>, vector<1x1x16xf32>,
        %swap3A_1749 = vector.shape_cast %swap3A_1748 : vector<1x1x16xf32> to vector<16xf32>
        %swap3A_1750 = vector.shape_cast %mul3A_1740 : vector<16xf32> to vector<1x1x16xf32>
        tpu.vector_store %arg10[%swap3A_1745, %swap3A_1746, %swap3A_1747], %swap3A_1750 {strides = array<i32>} : memref<2x25x128xf32, #tpu.memory_space<vmem>>, vector<1x1x16xf32>,
        %add3A_1751 = arith.constant 1060 : i32
        %add3A_1752 = vector.broadcast %add3A_1751 : i32 to vector<16xi32>
        %add3A_1753 = arith.addi %sub3A_1411, %add3A_1752 : vector<16xi32>
        %mul3A_1754 = arith.constant 16 : i32
        %mul3A_1755 = arith.muli %scan3A_1256, %mul3A_1754 : i32
        %swap3A_1756 = arith.constant 0 : i32
        %swap3A_1757 = arith.constant 14 : i32
        %swap3A_1758 = arith.index_cast %swap3A_1756 : i32 to index
        %swap3A_1759 = arith.index_cast %swap3A_1757 : i32 to index
        %swap3A_1760 = arith.index_cast %mul3A_1755 : i32 to index
        %swap3A_1761 = tpu.vector_load %arg9[%swap3A_1758, %swap3A_1759, %swap3A_1760] {strides = array<i32>} : memref<2x25x128xi32, #tpu.memory_space<vmem>>, vector<1x1x16xi32>,
        %swap3A_1762 = vector.shape_cast %swap3A_1761 : vector<1x1x16xi32> to vector<16xi32>
        %swap3A_1763 = vector.shape_cast %add3A_1753 : vector<16xi32> to vector<1x1x16xi32>
        tpu.vector_store %arg9[%swap3A_1758, %swap3A_1759, %swap3A_1760], %swap3A_1763 {strides = array<i32>} : memref<2x25x128xi32, #tpu.memory_space<vmem>>, vector<1x1x16xi32>,
        %mul3A_1764 = arith.mulf %exp3A_1340, %mul3A_1654 : vector<16xf32>
        %mul3A_1765 = arith.constant 16 : i32
        %mul3A_1766 = arith.muli %scan3A_1256, %mul3A_1765 : i32
        %swap3A_1767 = arith.constant 0 : i32
        %swap3A_1768 = arith.constant 14 : i32
        %swap3A_1769 = arith.index_cast %swap3A_1767 : i32 to index
        %swap3A_1770 = arith.index_cast %swap3A_1768 : i32 to index
        %swap3A_1771 = arith.index_cast %mul3A_1766 : i32 to index
        %swap3A_1772 = tpu.vector_load %arg10[%swap3A_1769, %swap3A_1770, %swap3A_1771] {strides = array<i32>} : memref<2x25x128xf32, #tpu.memory_space<vmem>>, vector<1x1x16xf32>,
        %swap3A_1773 = vector.shape_cast %swap3A_1772 : vector<1x1x16xf32> to vector<16xf32>
        %swap3A_1774 = vector.shape_cast %mul3A_1764 : vector<16xf32> to vector<1x1x16xf32>
        tpu.vector_store %arg10[%swap3A_1769, %swap3A_1770, %swap3A_1771], %swap3A_1774 {strides = array<i32>} : memref<2x25x128xf32, #tpu.memory_space<vmem>>, vector<1x1x16xf32>,
        %mul3A_1775 = arith.mulf %exp3A_1384, %div3A : vector<16xf32>
        %add3A_1776 = arith.constant 1584 : i32
        %add3A_1777 = vector.broadcast %add3A_1776 : i32 to vector<16xi32>
        %add3A_1778 = arith.addi %sub3A_1411, %add3A_1777 : vector<16xi32>
        %mul3A_1779 = arith.constant 16 : i32
        %mul3A_1780 = arith.muli %scan3A_1256, %mul3A_1779 : i32
        %swap3A_1781 = arith.constant 0 : i32
        %swap3A_1782 = arith.constant 15 : i32
        %swap3A_1783 = arith.index_cast %swap3A_1781 : i32 to index
        %swap3A_1784 = arith.index_cast %swap3A_1782 : i32 to index
        %swap3A_1785 = arith.index_cast %mul3A_1780 : i32 to index
        %swap3A_1786 = tpu.vector_load %arg9[%swap3A_1783, %swap3A_1784, %swap3A_1785] {strides = array<i32>} : memref<2x25x128xi32, #tpu.memory_space<vmem>>, vector<1x1x16xi32>,
        %swap3A_1787 = vector.shape_cast %swap3A_1786 : vector<1x1x16xi32> to vector<16xi32>
        %swap3A_1788 = vector.shape_cast %add3A_1778 : vector<16xi32> to vector<1x1x16xi32>
        tpu.vector_store %arg9[%swap3A_1783, %swap3A_1784, %swap3A_1785], %swap3A_1788 {strides = array<i32>} : memref<2x25x128xi32, #tpu.memory_space<vmem>>, vector<1x1x16xi32>,
        %mul3A_1789 = arith.mulf %exp3A, %mul3A_1775 : vector<16xf32>
        %mul3A_1790 = arith.constant 16 : i32
        %mul3A_1791 = arith.muli %scan3A_1256, %mul3A_1790 : i32
        %swap3A_1792 = arith.constant 0 : i32
        %swap3A_1793 = arith.constant 15 : i32
        %swap3A_1794 = arith.index_cast %swap3A_1792 : i32 to index
        %swap3A_1795 = arith.index_cast %swap3A_1793 : i32 to index
        %swap3A_1796 = arith.index_cast %mul3A_1791 : i32 to index
        %swap3A_1797 = tpu.vector_load %arg10[%swap3A_1794, %swap3A_1795, %swap3A_1796] {strides = array<i32>} : memref<2x25x128xf32, #tpu.memory_space<vmem>>, vector<1x1x16xf32>,
        %swap3A_1798 = vector.shape_cast %swap3A_1797 : vector<1x1x16xf32> to vector<16xf32>
        %swap3A_1799 = vector.shape_cast %mul3A_1789 : vector<16xf32> to vector<1x1x16xf32>
        tpu.vector_store %arg10[%swap3A_1794, %swap3A_1795, %swap3A_1796], %swap3A_1799 {strides = array<i32>} : memref<2x25x128xf32, #tpu.memory_space<vmem>>, vector<1x1x16xf32>,
        %add3A_1800 = arith.constant 1585 : i32
        %add3A_1801 = vector.broadcast %add3A_1800 : i32 to vector<16xi32>
        %add3A_1802 = arith.addi %sub3A_1411, %add3A_1801 : vector<16xi32>
        %mul3A_1803 = arith.constant 16 : i32
        %mul3A_1804 = arith.muli %scan3A_1256, %mul3A_1803 : i32
        %swap3A_1805 = arith.constant 0 : i32
        %swap3A_1806 = arith.constant 16 : i32
        %swap3A_1807 = arith.index_cast %swap3A_1805 : i32 to index
        %swap3A_1808 = arith.index_cast %swap3A_1806 : i32 to index
        %swap3A_1809 = arith.index_cast %mul3A_1804 : i32 to index
        %swap3A_1810 = tpu.vector_load %arg9[%swap3A_1807, %swap3A_1808, %swap3A_1809] {strides = array<i32>} : memref<2x25x128xi32, #tpu.memory_space<vmem>>, vector<1x1x16xi32>,
        %swap3A_1811 = vector.shape_cast %swap3A_1810 : vector<1x1x16xi32> to vector<16xi32>
        %swap3A_1812 = vector.shape_cast %add3A_1802 : vector<16xi32> to vector<1x1x16xi32>
        tpu.vector_store %arg9[%swap3A_1807, %swap3A_1808, %swap3A_1809], %swap3A_1812 {strides = array<i32>} : memref<2x25x128xi32, #tpu.memory_space<vmem>>, vector<1x1x16xi32>,
        %mul3A_1813 = arith.mulf %exp3A_1307, %mul3A_1775 : vector<16xf32>
        %mul3A_1814 = arith.constant 16 : i32
        %mul3A_1815 = arith.muli %scan3A_1256, %mul3A_1814 : i32
        %swap3A_1816 = arith.constant 0 : i32
        %swap3A_1817 = arith.constant 16 : i32
        %swap3A_1818 = arith.index_cast %swap3A_1816 : i32 to index
        %swap3A_1819 = arith.index_cast %swap3A_1817 : i32 to index
        %swap3A_1820 = arith.index_cast %mul3A_1815 : i32 to index
        %swap3A_1821 = tpu.vector_load %arg10[%swap3A_1818, %swap3A_1819, %swap3A_1820] {strides = array<i32>} : memref<2x25x128xf32, #tpu.memory_space<vmem>>, vector<1x1x16xf32>,
        %swap3A_1822 = vector.shape_cast %swap3A_1821 : vector<1x1x16xf32> to vector<16xf32>
        %swap3A_1823 = vector.shape_cast %mul3A_1813 : vector<16xf32> to vector<1x1x16xf32>
        tpu.vector_store %arg10[%swap3A_1818, %swap3A_1819, %swap3A_1820], %swap3A_1823 {strides = array<i32>} : memref<2x25x128xf32, #tpu.memory_space<vmem>>, vector<1x1x16xf32>,
        %add3A_1824 = arith.constant 1586 : i32
        %add3A_1825 = vector.broadcast %add3A_1824 : i32 to vector<16xi32>
        %add3A_1826 = arith.addi %sub3A_1411, %add3A_1825 : vector<16xi32>
        %mul3A_1827 = arith.constant 16 : i32
        %mul3A_1828 = arith.muli %scan3A_1256, %mul3A_1827 : i32
        %swap3A_1829 = arith.constant 0 : i32
        %swap3A_1830 = arith.constant 17 : i32
        %swap3A_1831 = arith.index_cast %swap3A_1829 : i32 to index
        %swap3A_1832 = arith.index_cast %swap3A_1830 : i32 to index
        %swap3A_1833 = arith.index_cast %mul3A_1828 : i32 to index
        %swap3A_1834 = tpu.vector_load %arg9[%swap3A_1831, %swap3A_1832, %swap3A_1833] {strides = array<i32>} : memref<2x25x128xi32, #tpu.memory_space<vmem>>, vector<1x1x16xi32>,
        %swap3A_1835 = vector.shape_cast %swap3A_1834 : vector<1x1x16xi32> to vector<16xi32>
        %swap3A_1836 = vector.shape_cast %add3A_1826 : vector<16xi32> to vector<1x1x16xi32>
        tpu.vector_store %arg9[%swap3A_1831, %swap3A_1832, %swap3A_1833], %swap3A_1836 {strides = array<i32>} : memref<2x25x128xi32, #tpu.memory_space<vmem>>, vector<1x1x16xi32>,
        %mul3A_1837 = arith.mulf %exp3A_1318, %mul3A_1775 : vector<16xf32>
        %mul3A_1838 = arith.constant 16 : i32
        %mul3A_1839 = arith.muli %scan3A_1256, %mul3A_1838 : i32
        %swap3A_1840 = arith.constant 0 : i32
        %swap3A_1841 = arith.constant 17 : i32
        %swap3A_1842 = arith.index_cast %swap3A_1840 : i32 to index
        %swap3A_1843 = arith.index_cast %swap3A_1841 : i32 to index
        %swap3A_1844 = arith.index_cast %mul3A_1839 : i32 to index
        %swap3A_1845 = tpu.vector_load %arg10[%swap3A_1842, %swap3A_1843, %swap3A_1844] {strides = array<i32>} : memref<2x25x128xf32, #tpu.memory_space<vmem>>, vector<1x1x16xf32>,
        %swap3A_1846 = vector.shape_cast %swap3A_1845 : vector<1x1x16xf32> to vector<16xf32>
        %swap3A_1847 = vector.shape_cast %mul3A_1837 : vector<16xf32> to vector<1x1x16xf32>
        tpu.vector_store %arg10[%swap3A_1842, %swap3A_1843, %swap3A_1844], %swap3A_1847 {strides = array<i32>} : memref<2x25x128xf32, #tpu.memory_space<vmem>>, vector<1x1x16xf32>,
        %add3A_1848 = arith.constant 1587 : i32
        %add3A_1849 = vector.broadcast %add3A_1848 : i32 to vector<16xi32>
        %add3A_1850 = arith.addi %sub3A_1411, %add3A_1849 : vector<16xi32>
        %mul3A_1851 = arith.constant 16 : i32
        %mul3A_1852 = arith.muli %scan3A_1256, %mul3A_1851 : i32
        %swap3A_1853 = arith.constant 0 : i32
        %swap3A_1854 = arith.constant 18 : i32
        %swap3A_1855 = arith.index_cast %swap3A_1853 : i32 to index
        %swap3A_1856 = arith.index_cast %swap3A_1854 : i32 to index
        %swap3A_1857 = arith.index_cast %mul3A_1852 : i32 to index
        %swap3A_1858 = tpu.vector_load %arg9[%swap3A_1855, %swap3A_1856, %swap3A_1857] {strides = array<i32>} : memref<2x25x128xi32, #tpu.memory_space<vmem>>, vector<1x1x16xi32>,
        %swap3A_1859 = vector.shape_cast %swap3A_1858 : vector<1x1x16xi32> to vector<16xi32>
        %swap3A_1860 = vector.shape_cast %add3A_1850 : vector<16xi32> to vector<1x1x16xi32>
        tpu.vector_store %arg9[%swap3A_1855, %swap3A_1856, %swap3A_1857], %swap3A_1860 {strides = array<i32>} : memref<2x25x128xi32, #tpu.memory_space<vmem>>, vector<1x1x16xi32>,
        %mul3A_1861 = arith.mulf %exp3A_1329, %mul3A_1775 : vector<16xf32>
        %mul3A_1862 = arith.constant 16 : i32
        %mul3A_1863 = arith.muli %scan3A_1256, %mul3A_1862 : i32
        %swap3A_1864 = arith.constant 0 : i32
        %swap3A_1865 = arith.constant 18 : i32
        %swap3A_1866 = arith.index_cast %swap3A_1864 : i32 to index
        %swap3A_1867 = arith.index_cast %swap3A_1865 : i32 to index
        %swap3A_1868 = arith.index_cast %mul3A_1863 : i32 to index
        %swap3A_1869 = tpu.vector_load %arg10[%swap3A_1866, %swap3A_1867, %swap3A_1868] {strides = array<i32>} : memref<2x25x128xf32, #tpu.memory_space<vmem>>, vector<1x1x16xf32>,
        %swap3A_1870 = vector.shape_cast %swap3A_1869 : vector<1x1x16xf32> to vector<16xf32>
        %swap3A_1871 = vector.shape_cast %mul3A_1861 : vector<16xf32> to vector<1x1x16xf32>
        tpu.vector_store %arg10[%swap3A_1866, %swap3A_1867, %swap3A_1868], %swap3A_1871 {strides = array<i32>} : memref<2x25x128xf32, #tpu.memory_space<vmem>>, vector<1x1x16xf32>,
        %add3A_1872 = arith.constant 1588 : i32
        %add3A_1873 = vector.broadcast %add3A_1872 : i32 to vector<16xi32>
        %add3A_1874 = arith.addi %sub3A_1411, %add3A_1873 : vector<16xi32>
        %mul3A_1875 = arith.constant 16 : i32
        %mul3A_1876 = arith.muli %scan3A_1256, %mul3A_1875 : i32
        %swap3A_1877 = arith.constant 0 : i32
        %swap3A_1878 = arith.constant 19 : i32
        %swap3A_1879 = arith.index_cast %swap3A_1877 : i32 to index
        %swap3A_1880 = arith.index_cast %swap3A_1878 : i32 to index
        %swap3A_1881 = arith.index_cast %mul3A_1876 : i32 to index
        %swap3A_1882 = tpu.vector_load %arg9[%swap3A_1879, %swap3A_1880, %swap3A_1881] {strides = array<i32>} : memref<2x25x128xi32, #tpu.memory_space<vmem>>, vector<1x1x16xi32>,
        %swap3A_1883 = vector.shape_cast %swap3A_1882 : vector<1x1x16xi32> to vector<16xi32>
        %swap3A_1884 = vector.shape_cast %add3A_1874 : vector<16xi32> to vector<1x1x16xi32>
        tpu.vector_store %arg9[%swap3A_1879, %swap3A_1880, %swap3A_1881], %swap3A_1884 {strides = array<i32>} : memref<2x25x128xi32, #tpu.memory_space<vmem>>, vector<1x1x16xi32>,
        %mul3A_1885 = arith.mulf %exp3A_1340, %mul3A_1775 : vector<16xf32>
        %mul3A_1886 = arith.constant 16 : i32
        %mul3A_1887 = arith.muli %scan3A_1256, %mul3A_1886 : i32
        %swap3A_1888 = arith.constant 0 : i32
        %swap3A_1889 = arith.constant 19 : i32
        %swap3A_1890 = arith.index_cast %swap3A_1888 : i32 to index
        %swap3A_1891 = arith.index_cast %swap3A_1889 : i32 to index
        %swap3A_1892 = arith.index_cast %mul3A_1887 : i32 to index
        %swap3A_1893 = tpu.vector_load %arg10[%swap3A_1890, %swap3A_1891, %swap3A_1892] {strides = array<i32>} : memref<2x25x128xf32, #tpu.memory_space<vmem>>, vector<1x1x16xf32>,
        %swap3A_1894 = vector.shape_cast %swap3A_1893 : vector<1x1x16xf32> to vector<16xf32>
        %swap3A_1895 = vector.shape_cast %mul3A_1885 : vector<16xf32> to vector<1x1x16xf32>
        tpu.vector_store %arg10[%swap3A_1890, %swap3A_1891, %swap3A_1892], %swap3A_1895 {strides = array<i32>} : memref<2x25x128xf32, #tpu.memory_space<vmem>>, vector<1x1x16xf32>,
        %mul3A_1896 = arith.mulf %exp3A_1395, %div3A : vector<16xf32>
        %add3A_1897 = arith.constant 2112 : i32
        %add3A_1898 = vector.broadcast %add3A_1897 : i32 to vector<16xi32>
        %add3A_1899 = arith.addi %sub3A_1411, %add3A_1898 : vector<16xi32>
        %mul3A_1900 = arith.constant 16 : i32
        %mul3A_1901 = arith.muli %scan3A_1256, %mul3A_1900 : i32
        %swap3A_1902 = arith.constant 0 : i32
        %swap3A_1903 = arith.constant 20 : i32
        %swap3A_1904 = arith.index_cast %swap3A_1902 : i32 to index
        %swap3A_1905 = arith.index_cast %swap3A_1903 : i32 to index
        %swap3A_1906 = arith.index_cast %mul3A_1901 : i32 to index
        %swap3A_1907 = tpu.vector_load %arg9[%swap3A_1904, %swap3A_1905, %swap3A_1906] {strides = array<i32>} : memref<2x25x128xi32, #tpu.memory_space<vmem>>, vector<1x1x16xi32>,
        %swap3A_1908 = vector.shape_cast %swap3A_1907 : vector<1x1x16xi32> to vector<16xi32>
        %swap3A_1909 = vector.shape_cast %add3A_1899 : vector<16xi32> to vector<1x1x16xi32>
        tpu.vector_store %arg9[%swap3A_1904, %swap3A_1905, %swap3A_1906], %swap3A_1909 {strides = array<i32>} : memref<2x25x128xi32, #tpu.memory_space<vmem>>, vector<1x1x16xi32>,
        %mul3A_1910 = arith.mulf %exp3A, %mul3A_1896 : vector<16xf32>
        %mul3A_1911 = arith.constant 16 : i32
        %mul3A_1912 = arith.muli %scan3A_1256, %mul3A_1911 : i32
        %swap3A_1913 = arith.constant 0 : i32
        %swap3A_1914 = arith.constant 20 : i32
        %swap3A_1915 = arith.index_cast %swap3A_1913 : i32 to index
        %swap3A_1916 = arith.index_cast %swap3A_1914 : i32 to index
        %swap3A_1917 = arith.index_cast %mul3A_1912 : i32 to index
        %swap3A_1918 = tpu.vector_load %arg10[%swap3A_1915, %swap3A_1916, %swap3A_1917] {strides = array<i32>} : memref<2x25x128xf32, #tpu.memory_space<vmem>>, vector<1x1x16xf32>,
        %swap3A_1919 = vector.shape_cast %swap3A_1918 : vector<1x1x16xf32> to vector<16xf32>
        %swap3A_1920 = vector.shape_cast %mul3A_1910 : vector<16xf32> to vector<1x1x16xf32>
        tpu.vector_store %arg10[%swap3A_1915, %swap3A_1916, %swap3A_1917], %swap3A_1920 {strides = array<i32>} : memref<2x25x128xf32, #tpu.memory_space<vmem>>, vector<1x1x16xf32>,
        %add3A_1921 = arith.constant 2113 : i32
        %add3A_1922 = vector.broadcast %add3A_1921 : i32 to vector<16xi32>
        %add3A_1923 = arith.addi %sub3A_1411, %add3A_1922 : vector<16xi32>
        %mul3A_1924 = arith.constant 16 : i32
        %mul3A_1925 = arith.muli %scan3A_1256, %mul3A_1924 : i32
        %swap3A_1926 = arith.constant 0 : i32
        %swap3A_1927 = arith.constant 21 : i32
        %swap3A_1928 = arith.index_cast %swap3A_1926 : i32 to index
        %swap3A_1929 = arith.index_cast %swap3A_1927 : i32 to index
        %swap3A_1930 = arith.index_cast %mul3A_1925 : i32 to index
        %swap3A_1931 = tpu.vector_load %arg9[%swap3A_1928, %swap3A_1929, %swap3A_1930] {strides = array<i32>} : memref<2x25x128xi32, #tpu.memory_space<vmem>>, vector<1x1x16xi32>,
        %swap3A_1932 = vector.shape_cast %swap3A_1931 : vector<1x1x16xi32> to vector<16xi32>
        %swap3A_1933 = vector.shape_cast %add3A_1923 : vector<16xi32> to vector<1x1x16xi32>
        tpu.vector_store %arg9[%swap3A_1928, %swap3A_1929, %swap3A_1930], %swap3A_1933 {strides = array<i32>} : memref<2x25x128xi32, #tpu.memory_space<vmem>>, vector<1x1x16xi32>,
        %mul3A_1934 = arith.mulf %exp3A_1307, %mul3A_1896 : vector<16xf32>
        %mul3A_1935 = arith.constant 16 : i32
        %mul3A_1936 = arith.muli %scan3A_1256, %mul3A_1935 : i32
        %swap3A_1937 = arith.constant 0 : i32
        %swap3A_1938 = arith.constant 21 : i32
        %swap3A_1939 = arith.index_cast %swap3A_1937 : i32 to index
        %swap3A_1940 = arith.index_cast %swap3A_1938 : i32 to index
        %swap3A_1941 = arith.index_cast %mul3A_1936 : i32 to index
        %swap3A_1942 = tpu.vector_load %arg10[%swap3A_1939, %swap3A_1940, %swap3A_1941] {strides = array<i32>} : memref<2x25x128xf32, #tpu.memory_space<vmem>>, vector<1x1x16xf32>,
        %swap3A_1943 = vector.shape_cast %swap3A_1942 : vector<1x1x16xf32> to vector<16xf32>
        %swap3A_1944 = vector.shape_cast %mul3A_1934 : vector<16xf32> to vector<1x1x16xf32>
        tpu.vector_store %arg10[%swap3A_1939, %swap3A_1940, %swap3A_1941], %swap3A_1944 {strides = array<i32>} : memref<2x25x128xf32, #tpu.memory_space<vmem>>, vector<1x1x16xf32>,
        %add3A_1945 = arith.constant 2114 : i32
        %add3A_1946 = vector.broadcast %add3A_1945 : i32 to vector<16xi32>
        %add3A_1947 = arith.addi %sub3A_1411, %add3A_1946 : vector<16xi32>
        %mul3A_1948 = arith.constant 16 : i32
        %mul3A_1949 = arith.muli %scan3A_1256, %mul3A_1948 : i32
        %swap3A_1950 = arith.constant 0 : i32
        %swap3A_1951 = arith.constant 22 : i32
        %swap3A_1952 = arith.index_cast %swap3A_1950 : i32 to index
        %swap3A_1953 = arith.index_cast %swap3A_1951 : i32 to index
        %swap3A_1954 = arith.index_cast %mul3A_1949 : i32 to index
        %swap3A_1955 = tpu.vector_load %arg9[%swap3A_1952, %swap3A_1953, %swap3A_1954] {strides = array<i32>} : memref<2x25x128xi32, #tpu.memory_space<vmem>>, vector<1x1x16xi32>,
        %swap3A_1956 = vector.shape_cast %swap3A_1955 : vector<1x1x16xi32> to vector<16xi32>
        %swap3A_1957 = vector.shape_cast %add3A_1947 : vector<16xi32> to vector<1x1x16xi32>
        tpu.vector_store %arg9[%swap3A_1952, %swap3A_1953, %swap3A_1954], %swap3A_1957 {strides = array<i32>} : memref<2x25x128xi32, #tpu.memory_space<vmem>>, vector<1x1x16xi32>,
        %mul3A_1958 = arith.mulf %exp3A_1318, %mul3A_1896 : vector<16xf32>
        %mul3A_1959 = arith.constant 16 : i32
        %mul3A_1960 = arith.muli %scan3A_1256, %mul3A_1959 : i32
        %swap3A_1961 = arith.constant 0 : i32
        %swap3A_1962 = arith.constant 22 : i32
        %swap3A_1963 = arith.index_cast %swap3A_1961 : i32 to index
        %swap3A_1964 = arith.index_cast %swap3A_1962 : i32 to index
        %swap3A_1965 = arith.index_cast %mul3A_1960 : i32 to index
        %swap3A_1966 = tpu.vector_load %arg10[%swap3A_1963, %swap3A_1964, %swap3A_1965] {strides = array<i32>} : memref<2x25x128xf32, #tpu.memory_space<vmem>>, vector<1x1x16xf32>,
        %swap3A_1967 = vector.shape_cast %swap3A_1966 : vector<1x1x16xf32> to vector<16xf32>
        %swap3A_1968 = vector.shape_cast %mul3A_1958 : vector<16xf32> to vector<1x1x16xf32>
        tpu.vector_store %arg10[%swap3A_1963, %swap3A_1964, %swap3A_1965], %swap3A_1968 {strides = array<i32>} : memref<2x25x128xf32, #tpu.memory_space<vmem>>, vector<1x1x16xf32>,
        %add3A_1969 = arith.constant 2115 : i32
        %add3A_1970 = vector.broadcast %add3A_1969 : i32 to vector<16xi32>
        %add3A_1971 = arith.addi %sub3A_1411, %add3A_1970 : vector<16xi32>
        %mul3A_1972 = arith.constant 16 : i32
        %mul3A_1973 = arith.muli %scan3A_1256, %mul3A_1972 : i32
        %swap3A_1974 = arith.constant 0 : i32
        %swap3A_1975 = arith.constant 23 : i32
        %swap3A_1976 = arith.index_cast %swap3A_1974 : i32 to index
        %swap3A_1977 = arith.index_cast %swap3A_1975 : i32 to index
        %swap3A_1978 = arith.index_cast %mul3A_1973 : i32 to index
        %swap3A_1979 = tpu.vector_load %arg9[%swap3A_1976, %swap3A_1977, %swap3A_1978] {strides = array<i32>} : memref<2x25x128xi32, #tpu.memory_space<vmem>>, vector<1x1x16xi32>,
        %swap3A_1980 = vector.shape_cast %swap3A_1979 : vector<1x1x16xi32> to vector<16xi32>
        %swap3A_1981 = vector.shape_cast %add3A_1971 : vector<16xi32> to vector<1x1x16xi32>
        tpu.vector_store %arg9[%swap3A_1976, %swap3A_1977, %swap3A_1978], %swap3A_1981 {strides = array<i32>} : memref<2x25x128xi32, #tpu.memory_space<vmem>>, vector<1x1x16xi32>,
        %mul3A_1982 = arith.mulf %exp3A_1329, %mul3A_1896 : vector<16xf32>
        %mul3A_1983 = arith.constant 16 : i32
        %mul3A_1984 = arith.muli %scan3A_1256, %mul3A_1983 : i32
        %swap3A_1985 = arith.constant 0 : i32
        %swap3A_1986 = arith.constant 23 : i32
        %swap3A_1987 = arith.index_cast %swap3A_1985 : i32 to index
        %swap3A_1988 = arith.index_cast %swap3A_1986 : i32 to index
        %swap3A_1989 = arith.index_cast %mul3A_1984 : i32 to index
        %swap3A_1990 = tpu.vector_load %arg10[%swap3A_1987, %swap3A_1988, %swap3A_1989] {strides = array<i32>} : memref<2x25x128xf32, #tpu.memory_space<vmem>>, vector<1x1x16xf32>,
        %swap3A_1991 = vector.shape_cast %swap3A_1990 : vector<1x1x16xf32> to vector<16xf32>
        %swap3A_1992 = vector.shape_cast %mul3A_1982 : vector<16xf32> to vector<1x1x16xf32>
        tpu.vector_store %arg10[%swap3A_1987, %swap3A_1988, %swap3A_1989], %swap3A_1992 {strides = array<i32>} : memref<2x25x128xf32, #tpu.memory_space<vmem>>, vector<1x1x16xf32>,
        %add3A_1993 = arith.constant 2116 : i32
        %add3A_1994 = vector.broadcast %add3A_1993 : i32 to vector<16xi32>
        %add3A_1995 = arith.addi %sub3A_1411, %add3A_1994 : vector<16xi32>
        %mul3A_1996 = arith.constant 16 : i32
        %mul3A_1997 = arith.muli %scan3A_1256, %mul3A_1996 : i32
        %swap3A_1998 = arith.constant 0 : i32
        %swap3A_1999 = arith.constant 24 : i32
        %swap3A_2000 = arith.index_cast %swap3A_1998 : i32 to index
        %swap3A_2001 = arith.index_cast %swap3A_1999 : i32 to index
        %swap3A_2002 = arith.index_cast %mul3A_1997 : i32 to index
        %swap3A_2003 = tpu.vector_load %arg9[%swap3A_2000, %swap3A_2001, %swap3A_2002] {strides = array<i32>} : memref<2x25x128xi32, #tpu.memory_space<vmem>>, vector<1x1x16xi32>,
        %swap3A_2004 = vector.shape_cast %swap3A_2003 : vector<1x1x16xi32> to vector<16xi32>
        %swap3A_2005 = vector.shape_cast %add3A_1995 : vector<16xi32> to vector<1x1x16xi32>
        tpu.vector_store %arg9[%swap3A_2000, %swap3A_2001, %swap3A_2002], %swap3A_2005 {strides = array<i32>} : memref<2x25x128xi32, #tpu.memory_space<vmem>>, vector<1x1x16xi32>,
        %mul3A_2006 = arith.mulf %exp3A_1340, %mul3A_1896 : vector<16xf32>
        %mul3A_2007 = arith.constant 16 : i32
        %mul3A_2008 = arith.muli %scan3A_1256, %mul3A_2007 : i32
        %swap3A_2009 = arith.constant 0 : i32
        %swap3A_2010 = arith.constant 24 : i32
        %swap3A_2011 = arith.index_cast %swap3A_2009 : i32 to index
        %swap3A_2012 = arith.index_cast %swap3A_2010 : i32 to index
        %swap3A_2013 = arith.index_cast %mul3A_2008 : i32 to index
        %swap3A_2014 = tpu.vector_load %arg10[%swap3A_2011, %swap3A_2012, %swap3A_2013] {strides = array<i32>} : memref<2x25x128xf32, #tpu.memory_space<vmem>>, vector<1x1x16xf32>,
        %swap3A_2015 = vector.shape_cast %swap3A_2014 : vector<1x1x16xf32> to vector<16xf32>
        %swap3A_2016 = vector.shape_cast %mul3A_2006 : vector<16xf32> to vector<1x1x16xf32>
        tpu.vector_store %arg10[%swap3A_2011, %swap3A_2012, %swap3A_2013], %swap3A_2016 {strides = array<i32>} : memref<2x25x128xf32, #tpu.memory_space<vmem>>, vector<1x1x16xf32>,
      }
      %scan3A_641 = arith.constant 8 : i32
      %dma_start3A = arith.constant 0 : i32
      %dma_start3A_642 = arith.constant 0 : i32
      %dma_start3A_643 = arith.constant 0 : i32
      %dma_start3A_644 = arith.constant 0 : i32
      %dma_start3A_645 = arith.constant 0 : i32
      %dma_start3A_646 = tpu.memref_slice %arg10[%dma_start3A, %dma_start3A_642, %dma_start3A_645] : memref<2x25x128xf32, #tpu.memory_space<vmem>> -> memref<1x1x128xf32, #tpu.memory_space<vmem>>
      %dma_start3A_647 = tpu.memref_squeeze %dma_start3A_646 : memref<1x1x128xf32, #tpu.memory_space<vmem>> -> memref<128xf32, #tpu.memory_space<vmem>>
      %dma_start3A_648 = arith.constant 0 : i32
      %dma_start3A_649 = tpu.memref_slice %arg9[%dma_start3A_643, %dma_start3A_644, %dma_start3A_648] : memref<2x25x128xi32, #tpu.memory_space<vmem>> -> memref<1x1x128xi32, #tpu.memory_space<vmem>>
      %dma_start3A_650 = tpu.memref_squeeze %dma_start3A_649 : memref<1x1x128xi32, #tpu.memory_space<vmem>> -> memref<128xi32, #tpu.memory_space<vmem>>
      %dma_start3A_651 = arith.constant 0 : i32
      %dma_start3A_652 = tpu.memref_slice %arg12[%dma_start3A_651] : memref<278784xf32, #tpu.memory_space<vmem_shared>> -> memref<278784xf32, #tpu.memory_space<vmem_shared>>
      tpu.enqueue_indirect_dma source(%dma_start3A_647 : memref<128xf32, #tpu.memory_space<vmem>>) target(%dma_start3A_652 : memref<278784xf32, #tpu.memory_space<vmem_shared>>) offsets(%dma_start3A_650 : memref<128xi32, #tpu.memory_space<vmem>>) semaphore(%arg13 : memref<!tpu.dma_semaphore, #tpu.memory_space<semaphore_mem>>) {add = true}
      %dma_start3A_653 = arith.constant 0 : i32
      %dma_start3A_654 = arith.constant 1 : i32
      %dma_start3A_655 = arith.constant 0 : i32
      %dma_start3A_656 = arith.constant 1 : i32
      %dma_start3A_657 = arith.constant 0 : i32
      %dma_start3A_658 = tpu.memref_slice %arg10[%dma_start3A_653, %dma_start3A_654, %dma_start3A_657] : memref<2x25x128xf32, #tpu.memory_space<vmem>> -> memref<1x1x128xf32, #tpu.memory_space<vmem>>
      %dma_start3A_659 = tpu.memref_squeeze %dma_start3A_658 : memref<1x1x128xf32, #tpu.memory_space<vmem>> -> memref<128xf32, #tpu.memory_space<vmem>>
      %dma_start3A_660 = arith.constant 0 : i32
      %dma_start3A_661 = tpu.memref_slice %arg9[%dma_start3A_655, %dma_start3A_656, %dma_start3A_660] : memref<2x25x128xi32, #tpu.memory_space<vmem>> -> memref<1x1x128xi32, #tpu.memory_space<vmem>>
      %dma_start3A_662 = tpu.memref_squeeze %dma_start3A_661 : memref<1x1x128xi32, #tpu.memory_space<vmem>> -> memref<128xi32, #tpu.memory_space<vmem>>
      %dma_start3A_663 = arith.constant 0 : i32
      %dma_start3A_664 = tpu.memref_slice %arg12[%dma_start3A_663] : memref<278784xf32, #tpu.memory_space<vmem_shared>> -> memref<278784xf32, #tpu.memory_space<vmem_shared>>
      tpu.enqueue_indirect_dma source(%dma_start3A_659 : memref<128xf32, #tpu.memory_space<vmem>>) target(%dma_start3A_664 : memref<278784xf32, #tpu.memory_space<vmem_shared>>) offsets(%dma_start3A_662 : memref<128xi32, #tpu.memory_space<vmem>>) semaphore(%arg13 : memref<!tpu.dma_semaphore, #tpu.memory_space<semaphore_mem>>) {add = true}
      %dma_start3A_665 = arith.constant 0 : i32
      %dma_start3A_666 = arith.constant 2 : i32
      %dma_start3A_667 = arith.constant 0 : i32
      %dma_start3A_668 = arith.constant 2 : i32
      %dma_start3A_669 = arith.constant 0 : i32
      %dma_start3A_670 = tpu.memref_slice %arg10[%dma_start3A_665, %dma_start3A_666, %dma_start3A_669] : memref<2x25x128xf32, #tpu.memory_space<vmem>> -> memref<1x1x128xf32, #tpu.memory_space<vmem>>
      %dma_start3A_671 = tpu.memref_squeeze %dma_start3A_670 : memref<1x1x128xf32, #tpu.memory_space<vmem>> -> memref<128xf32, #tpu.memory_space<vmem>>
      %dma_start3A_672 = arith.constant 0 : i32
      %dma_start3A_673 = tpu.memref_slice %arg9[%dma_start3A_667, %dma_start3A_668, %dma_start3A_672] : memref<2x25x128xi32, #tpu.memory_space<vmem>> -> memref<1x1x128xi32, #tpu.memory_space<vmem>>
      %dma_start3A_674 = tpu.memref_squeeze %dma_start3A_673 : memref<1x1x128xi32, #tpu.memory_space<vmem>> -> memref<128xi32, #tpu.memory_space<vmem>>
      %dma_start3A_675 = arith.constant 0 : i32
      %dma_start3A_676 = tpu.memref_slice %arg12[%dma_start3A_675] : memref<278784xf32, #tpu.memory_space<vmem_shared>> -> memref<278784xf32, #tpu.memory_space<vmem_shared>>
      tpu.enqueue_indirect_dma source(%dma_start3A_671 : memref<128xf32, #tpu.memory_space<vmem>>) target(%dma_start3A_676 : memref<278784xf32, #tpu.memory_space<vmem_shared>>) offsets(%dma_start3A_674 : memref<128xi32, #tpu.memory_space<vmem>>) semaphore(%arg13 : memref<!tpu.dma_semaphore, #tpu.memory_space<semaphore_mem>>) {add = true}
      %dma_start3A_677 = arith.constant 0 : i32
      %dma_start3A_678 = arith.constant 3 : i32
      %dma_start3A_679 = arith.constant 0 : i32
      %dma_start3A_680 = arith.constant 3 : i32
      %dma_start3A_681 = arith.constant 0 : i32
      %dma_start3A_682 = tpu.memref_slice %arg10[%dma_start3A_677, %dma_start3A_678, %dma_start3A_681] : memref<2x25x128xf32, #tpu.memory_space<vmem>> -> memref<1x1x128xf32, #tpu.memory_space<vmem>>
      %dma_start3A_683 = tpu.memref_squeeze %dma_start3A_682 : memref<1x1x128xf32, #tpu.memory_space<vmem>> -> memref<128xf32, #tpu.memory_space<vmem>>
      %dma_start3A_684 = arith.constant 0 : i32
      %dma_start3A_685 = tpu.memref_slice %arg9[%dma_start3A_679, %dma_start3A_680, %dma_start3A_684] : memref<2x25x128xi32, #tpu.memory_space<vmem>> -> memref<1x1x128xi32, #tpu.memory_space<vmem>>
      %dma_start3A_686 = tpu.memref_squeeze %dma_start3A_685 : memref<1x1x128xi32, #tpu.memory_space<vmem>> -> memref<128xi32, #tpu.memory_space<vmem>>
      %dma_start3A_687 = arith.constant 0 : i32
      %dma_start3A_688 = tpu.memref_slice %arg12[%dma_start3A_687] : memref<278784xf32, #tpu.memory_space<vmem_shared>> -> memref<278784xf32, #tpu.memory_space<vmem_shared>>
      tpu.enqueue_indirect_dma source(%dma_start3A_683 : memref<128xf32, #tpu.memory_space<vmem>>) target(%dma_start3A_688 : memref<278784xf32, #tpu.memory_space<vmem_shared>>) offsets(%dma_start3A_686 : memref<128xi32, #tpu.memory_space<vmem>>) semaphore(%arg13 : memref<!tpu.dma_semaphore, #tpu.memory_space<semaphore_mem>>) {add = true}
      %dma_start3A_689 = arith.constant 0 : i32
      %dma_start3A_690 = arith.constant 4 : i32
      %dma_start3A_691 = arith.constant 0 : i32
      %dma_start3A_692 = arith.constant 4 : i32
      %dma_start3A_693 = arith.constant 0 : i32
      %dma_start3A_694 = tpu.memref_slice %arg10[%dma_start3A_689, %dma_start3A_690, %dma_start3A_693] : memref<2x25x128xf32, #tpu.memory_space<vmem>> -> memref<1x1x128xf32, #tpu.memory_space<vmem>>
      %dma_start3A_695 = tpu.memref_squeeze %dma_start3A_694 : memref<1x1x128xf32, #tpu.memory_space<vmem>> -> memref<128xf32, #tpu.memory_space<vmem>>
      %dma_start3A_696 = arith.constant 0 : i32
      %dma_start3A_697 = tpu.memref_slice %arg9[%dma_start3A_691, %dma_start3A_692, %dma_start3A_696] : memref<2x25x128xi32, #tpu.memory_space<vmem>> -> memref<1x1x128xi32, #tpu.memory_space<vmem>>
      %dma_start3A_698 = tpu.memref_squeeze %dma_start3A_697 : memref<1x1x128xi32, #tpu.memory_space<vmem>> -> memref<128xi32, #tpu.memory_space<vmem>>
      %dma_start3A_699 = arith.constant 0 : i32
      %dma_start3A_700 = tpu.memref_slice %arg12[%dma_start3A_699] : memref<278784xf32, #tpu.memory_space<vmem_shared>> -> memref<278784xf32, #tpu.memory_space<vmem_shared>>
      tpu.enqueue_indirect_dma source(%dma_start3A_695 : memref<128xf32, #tpu.memory_space<vmem>>) target(%dma_start3A_700 : memref<278784xf32, #tpu.memory_space<vmem_shared>>) offsets(%dma_start3A_698 : memref<128xi32, #tpu.memory_space<vmem>>) semaphore(%arg13 : memref<!tpu.dma_semaphore, #tpu.memory_space<semaphore_mem>>) {add = true}
      %dma_start3A_701 = arith.constant 0 : i32
      %dma_start3A_702 = arith.constant 5 : i32
      %dma_start3A_703 = arith.constant 0 : i32
      %dma_start3A_704 = arith.constant 5 : i32
      %dma_start3A_705 = arith.constant 0 : i32
      %dma_start3A_706 = tpu.memref_slice %arg10[%dma_start3A_701, %dma_start3A_702, %dma_start3A_705] : memref<2x25x128xf32, #tpu.memory_space<vmem>> -> memref<1x1x128xf32, #tpu.memory_space<vmem>>
      %dma_start3A_707 = tpu.memref_squeeze %dma_start3A_706 : memref<1x1x128xf32, #tpu.memory_space<vmem>> -> memref<128xf32, #tpu.memory_space<vmem>>
      %dma_start3A_708 = arith.constant 0 : i32
      %dma_start3A_709 = tpu.memref_slice %arg9[%dma_start3A_703, %dma_start3A_704, %dma_start3A_708] : memref<2x25x128xi32, #tpu.memory_space<vmem>> -> memref<1x1x128xi32, #tpu.memory_space<vmem>>
      %dma_start3A_710 = tpu.memref_squeeze %dma_start3A_709 : memref<1x1x128xi32, #tpu.memory_space<vmem>> -> memref<128xi32, #tpu.memory_space<vmem>>
      %dma_start3A_711 = arith.constant 0 : i32
      %dma_start3A_712 = tpu.memref_slice %arg12[%dma_start3A_711] : memref<278784xf32, #tpu.memory_space<vmem_shared>> -> memref<278784xf32, #tpu.memory_space<vmem_shared>>
      tpu.enqueue_indirect_dma source(%dma_start3A_707 : memref<128xf32, #tpu.memory_space<vmem>>) target(%dma_start3A_712 : memref<278784xf32, #tpu.memory_space<vmem_shared>>) offsets(%dma_start3A_710 : memref<128xi32, #tpu.memory_space<vmem>>) semaphore(%arg13 : memref<!tpu.dma_semaphore, #tpu.memory_space<semaphore_mem>>) {add = true}
      %dma_start3A_713 = arith.constant 0 : i32
      %dma_start3A_714 = arith.constant 6 : i32
      %dma_start3A_715 = arith.constant 0 : i32
      %dma_start3A_716 = arith.constant 6 : i32
      %dma_start3A_717 = arith.constant 0 : i32
      %dma_start3A_718 = tpu.memref_slice %arg10[%dma_start3A_713, %dma_start3A_714, %dma_start3A_717] : memref<2x25x128xf32, #tpu.memory_space<vmem>> -> memref<1x1x128xf32, #tpu.memory_space<vmem>>
      %dma_start3A_719 = tpu.memref_squeeze %dma_start3A_718 : memref<1x1x128xf32, #tpu.memory_space<vmem>> -> memref<128xf32, #tpu.memory_space<vmem>>
      %dma_start3A_720 = arith.constant 0 : i32
      %dma_start3A_721 = tpu.memref_slice %arg9[%dma_start3A_715, %dma_start3A_716, %dma_start3A_720] : memref<2x25x128xi32, #tpu.memory_space<vmem>> -> memref<1x1x128xi32, #tpu.memory_space<vmem>>
      %dma_start3A_722 = tpu.memref_squeeze %dma_start3A_721 : memref<1x1x128xi32, #tpu.memory_space<vmem>> -> memref<128xi32, #tpu.memory_space<vmem>>
      %dma_start3A_723 = arith.constant 0 : i32
      %dma_start3A_724 = tpu.memref_slice %arg12[%dma_start3A_723] : memref<278784xf32, #tpu.memory_space<vmem_shared>> -> memref<278784xf32, #tpu.memory_space<vmem_shared>>
      tpu.enqueue_indirect_dma source(%dma_start3A_719 : memref<128xf32, #tpu.memory_space<vmem>>) target(%dma_start3A_724 : memref<278784xf32, #tpu.memory_space<vmem_shared>>) offsets(%dma_start3A_722 : memref<128xi32, #tpu.memory_space<vmem>>) semaphore(%arg13 : memref<!tpu.dma_semaphore, #tpu.memory_space<semaphore_mem>>) {add = true}
      %dma_start3A_725 = arith.constant 0 : i32
      %dma_start3A_726 = arith.constant 7 : i32
      %dma_start3A_727 = arith.constant 0 : i32
      %dma_start3A_728 = arith.constant 7 : i32
      %dma_start3A_729 = arith.constant 0 : i32
      %dma_start3A_730 = tpu.memref_slice %arg10[%dma_start3A_725, %dma_start3A_726, %dma_start3A_729] : memref<2x25x128xf32, #tpu.memory_space<vmem>> -> memref<1x1x128xf32, #tpu.memory_space<vmem>>
      %dma_start3A_731 = tpu.memref_squeeze %dma_start3A_730 : memref<1x1x128xf32, #tpu.memory_space<vmem>> -> memref<128xf32, #tpu.memory_space<vmem>>
      %dma_start3A_732 = arith.constant 0 : i32
      %dma_start3A_733 = tpu.memref_slice %arg9[%dma_start3A_727, %dma_start3A_728, %dma_start3A_732] : memref<2x25x128xi32, #tpu.memory_space<vmem>> -> memref<1x1x128xi32, #tpu.memory_space<vmem>>
      %dma_start3A_734 = tpu.memref_squeeze %dma_start3A_733 : memref<1x1x128xi32, #tpu.memory_space<vmem>> -> memref<128xi32, #tpu.memory_space<vmem>>
      %dma_start3A_735 = arith.constant 0 : i32
      %dma_start3A_736 = tpu.memref_slice %arg12[%dma_start3A_735] : memref<278784xf32, #tpu.memory_space<vmem_shared>> -> memref<278784xf32, #tpu.memory_space<vmem_shared>>
      tpu.enqueue_indirect_dma source(%dma_start3A_731 : memref<128xf32, #tpu.memory_space<vmem>>) target(%dma_start3A_736 : memref<278784xf32, #tpu.memory_space<vmem_shared>>) offsets(%dma_start3A_734 : memref<128xi32, #tpu.memory_space<vmem>>) semaphore(%arg13 : memref<!tpu.dma_semaphore, #tpu.memory_space<semaphore_mem>>) {add = true}
      %dma_start3A_737 = arith.constant 0 : i32
      %dma_start3A_738 = arith.constant 8 : i32
      %dma_start3A_739 = arith.constant 0 : i32
      %dma_start3A_740 = arith.constant 8 : i32
      %dma_start3A_741 = arith.constant 0 : i32
      %dma_start3A_742 = tpu.memref_slice %arg10[%dma_start3A_737, %dma_start3A_738, %dma_start3A_741] : memref<2x25x128xf32, #tpu.memory_space<vmem>> -> memref<1x1x128xf32, #tpu.memory_space<vmem>>
      %dma_start3A_743 = tpu.memref_squeeze %dma_start3A_742 : memref<1x1x128xf32, #tpu.memory_space<vmem>> -> memref<128xf32, #tpu.memory_space<vmem>>
      %dma_start3A_744 = arith.constant 0 : i32
      %dma_start3A_745 = tpu.memref_slice %arg9[%dma_start3A_739, %dma_start3A_740, %dma_start3A_744] : memref<2x25x128xi32, #tpu.memory_space<vmem>> -> memref<1x1x128xi32, #tpu.memory_space<vmem>>
      %dma_start3A_746 = tpu.memref_squeeze %dma_start3A_745 : memref<1x1x128xi32, #tpu.memory_space<vmem>> -> memref<128xi32, #tpu.memory_space<vmem>>
      %dma_start3A_747 = arith.constant 0 : i32
      %dma_start3A_748 = tpu.memref_slice %arg12[%dma_start3A_747] : memref<278784xf32, #tpu.memory_space<vmem_shared>> -> memref<278784xf32, #tpu.memory_space<vmem_shared>>
      tpu.enqueue_indirect_dma source(%dma_start3A_743 : memref<128xf32, #tpu.memory_space<vmem>>) target(%dma_start3A_748 : memref<278784xf32, #tpu.memory_space<vmem_shared>>) offsets(%dma_start3A_746 : memref<128xi32, #tpu.memory_space<vmem>>) semaphore(%arg13 : memref<!tpu.dma_semaphore, #tpu.memory_space<semaphore_mem>>) {add = true}
      %dma_start3A_749 = arith.constant 0 : i32
      %dma_start3A_750 = arith.constant 9 : i32
      %dma_start3A_751 = arith.constant 0 : i32
      %dma_start3A_752 = arith.constant 9 : i32
      %dma_start3A_753 = arith.constant 0 : i32
      %dma_start3A_754 = tpu.memref_slice %arg10[%dma_start3A_749, %dma_start3A_750, %dma_start3A_753] : memref<2x25x128xf32, #tpu.memory_space<vmem>> -> memref<1x1x128xf32, #tpu.memory_space<vmem>>
      %dma_start3A_755 = tpu.memref_squeeze %dma_start3A_754 : memref<1x1x128xf32, #tpu.memory_space<vmem>> -> memref<128xf32, #tpu.memory_space<vmem>>
      %dma_start3A_756 = arith.constant 0 : i32
      %dma_start3A_757 = tpu.memref_slice %arg9[%dma_start3A_751, %dma_start3A_752, %dma_start3A_756] : memref<2x25x128xi32, #tpu.memory_space<vmem>> -> memref<1x1x128xi32, #tpu.memory_space<vmem>>
      %dma_start3A_758 = tpu.memref_squeeze %dma_start3A_757 : memref<1x1x128xi32, #tpu.memory_space<vmem>> -> memref<128xi32, #tpu.memory_space<vmem>>
      %dma_start3A_759 = arith.constant 0 : i32
      %dma_start3A_760 = tpu.memref_slice %arg12[%dma_start3A_759] : memref<278784xf32, #tpu.memory_space<vmem_shared>> -> memref<278784xf32, #tpu.memory_space<vmem_shared>>
      tpu.enqueue_indirect_dma source(%dma_start3A_755 : memref<128xf32, #tpu.memory_space<vmem>>) target(%dma_start3A_760 : memref<278784xf32, #tpu.memory_space<vmem_shared>>) offsets(%dma_start3A_758 : memref<128xi32, #tpu.memory_space<vmem>>) semaphore(%arg13 : memref<!tpu.dma_semaphore, #tpu.memory_space<semaphore_mem>>) {add = true}
      %dma_start3A_761 = arith.constant 0 : i32
      %dma_start3A_762 = arith.constant 10 : i32
      %dma_start3A_763 = arith.constant 0 : i32
      %dma_start3A_764 = arith.constant 10 : i32
      %dma_start3A_765 = arith.constant 0 : i32
      %dma_start3A_766 = tpu.memref_slice %arg10[%dma_start3A_761, %dma_start3A_762, %dma_start3A_765] : memref<2x25x128xf32, #tpu.memory_space<vmem>> -> memref<1x1x128xf32, #tpu.memory_space<vmem>>
      %dma_start3A_767 = tpu.memref_squeeze %dma_start3A_766 : memref<1x1x128xf32, #tpu.memory_space<vmem>> -> memref<128xf32, #tpu.memory_space<vmem>>
      %dma_start3A_768 = arith.constant 0 : i32
      %dma_start3A_769 = tpu.memref_slice %arg9[%dma_start3A_763, %dma_start3A_764, %dma_start3A_768] : memref<2x25x128xi32, #tpu.memory_space<vmem>> -> memref<1x1x128xi32, #tpu.memory_space<vmem>>
      %dma_start3A_770 = tpu.memref_squeeze %dma_start3A_769 : memref<1x1x128xi32, #tpu.memory_space<vmem>> -> memref<128xi32, #tpu.memory_space<vmem>>
      %dma_start3A_771 = arith.constant 0 : i32
      %dma_start3A_772 = tpu.memref_slice %arg12[%dma_start3A_771] : memref<278784xf32, #tpu.memory_space<vmem_shared>> -> memref<278784xf32, #tpu.memory_space<vmem_shared>>
      tpu.enqueue_indirect_dma source(%dma_start3A_767 : memref<128xf32, #tpu.memory_space<vmem>>) target(%dma_start3A_772 : memref<278784xf32, #tpu.memory_space<vmem_shared>>) offsets(%dma_start3A_770 : memref<128xi32, #tpu.memory_space<vmem>>) semaphore(%arg13 : memref<!tpu.dma_semaphore, #tpu.memory_space<semaphore_mem>>) {add = true}
      %dma_start3A_773 = arith.constant 0 : i32
      %dma_start3A_774 = arith.constant 11 : i32
      %dma_start3A_775 = arith.constant 0 : i32
      %dma_start3A_776 = arith.constant 11 : i32
      %dma_start3A_777 = arith.constant 0 : i32
      %dma_start3A_778 = tpu.memref_slice %arg10[%dma_start3A_773, %dma_start3A_774, %dma_start3A_777] : memref<2x25x128xf32, #tpu.memory_space<vmem>> -> memref<1x1x128xf32, #tpu.memory_space<vmem>>
      %dma_start3A_779 = tpu.memref_squeeze %dma_start3A_778 : memref<1x1x128xf32, #tpu.memory_space<vmem>> -> memref<128xf32, #tpu.memory_space<vmem>>
      %dma_start3A_780 = arith.constant 0 : i32
      %dma_start3A_781 = tpu.memref_slice %arg9[%dma_start3A_775, %dma_start3A_776, %dma_start3A_780] : memref<2x25x128xi32, #tpu.memory_space<vmem>> -> memref<1x1x128xi32, #tpu.memory_space<vmem>>
      %dma_start3A_782 = tpu.memref_squeeze %dma_start3A_781 : memref<1x1x128xi32, #tpu.memory_space<vmem>> -> memref<128xi32, #tpu.memory_space<vmem>>
      %dma_start3A_783 = arith.constant 0 : i32
      %dma_start3A_784 = tpu.memref_slice %arg12[%dma_start3A_783] : memref<278784xf32, #tpu.memory_space<vmem_shared>> -> memref<278784xf32, #tpu.memory_space<vmem_shared>>
      tpu.enqueue_indirect_dma source(%dma_start3A_779 : memref<128xf32, #tpu.memory_space<vmem>>) target(%dma_start3A_784 : memref<278784xf32, #tpu.memory_space<vmem_shared>>) offsets(%dma_start3A_782 : memref<128xi32, #tpu.memory_space<vmem>>) semaphore(%arg13 : memref<!tpu.dma_semaphore, #tpu.memory_space<semaphore_mem>>) {add = true}
      %dma_start3A_785 = arith.constant 0 : i32
      %dma_start3A_786 = arith.constant 12 : i32
      %dma_start3A_787 = arith.constant 0 : i32
      %dma_start3A_788 = arith.constant 12 : i32
      %dma_start3A_789 = arith.constant 0 : i32
      %dma_start3A_790 = tpu.memref_slice %arg10[%dma_start3A_785, %dma_start3A_786, %dma_start3A_789] : memref<2x25x128xf32, #tpu.memory_space<vmem>> -> memref<1x1x128xf32, #tpu.memory_space<vmem>>
      %dma_start3A_791 = tpu.memref_squeeze %dma_start3A_790 : memref<1x1x128xf32, #tpu.memory_space<vmem>> -> memref<128xf32, #tpu.memory_space<vmem>>
      %dma_start3A_792 = arith.constant 0 : i32
      %dma_start3A_793 = tpu.memref_slice %arg9[%dma_start3A_787, %dma_start3A_788, %dma_start3A_792] : memref<2x25x128xi32, #tpu.memory_space<vmem>> -> memref<1x1x128xi32, #tpu.memory_space<vmem>>
      %dma_start3A_794 = tpu.memref_squeeze %dma_start3A_793 : memref<1x1x128xi32, #tpu.memory_space<vmem>> -> memref<128xi32, #tpu.memory_space<vmem>>
      %dma_start3A_795 = arith.constant 0 : i32
      %dma_start3A_796 = tpu.memref_slice %arg12[%dma_start3A_795] : memref<278784xf32, #tpu.memory_space<vmem_shared>> -> memref<278784xf32, #tpu.memory_space<vmem_shared>>
      tpu.enqueue_indirect_dma source(%dma_start3A_791 : memref<128xf32, #tpu.memory_space<vmem>>) target(%dma_start3A_796 : memref<278784xf32, #tpu.memory_space<vmem_shared>>) offsets(%dma_start3A_794 : memref<128xi32, #tpu.memory_space<vmem>>) semaphore(%arg13 : memref<!tpu.dma_semaphore, #tpu.memory_space<semaphore_mem>>) {add = true}
      %dma_start3A_797 = arith.constant 0 : i32
      %dma_start3A_798 = arith.constant 13 : i32
      %dma_start3A_799 = arith.constant 0 : i32
      %dma_start3A_800 = arith.constant 13 : i32
      %dma_start3A_801 = arith.constant 0 : i32
      %dma_start3A_802 = tpu.memref_slice %arg10[%dma_start3A_797, %dma_start3A_798, %dma_start3A_801] : memref<2x25x128xf32, #tpu.memory_space<vmem>> -> memref<1x1x128xf32, #tpu.memory_space<vmem>>
      %dma_start3A_803 = tpu.memref_squeeze %dma_start3A_802 : memref<1x1x128xf32, #tpu.memory_space<vmem>> -> memref<128xf32, #tpu.memory_space<vmem>>
      %dma_start3A_804 = arith.constant 0 : i32
      %dma_start3A_805 = tpu.memref_slice %arg9[%dma_start3A_799, %dma_start3A_800, %dma_start3A_804] : memref<2x25x128xi32, #tpu.memory_space<vmem>> -> memref<1x1x128xi32, #tpu.memory_space<vmem>>
      %dma_start3A_806 = tpu.memref_squeeze %dma_start3A_805 : memref<1x1x128xi32, #tpu.memory_space<vmem>> -> memref<128xi32, #tpu.memory_space<vmem>>
      %dma_start3A_807 = arith.constant 0 : i32
      %dma_start3A_808 = tpu.memref_slice %arg12[%dma_start3A_807] : memref<278784xf32, #tpu.memory_space<vmem_shared>> -> memref<278784xf32, #tpu.memory_space<vmem_shared>>
      tpu.enqueue_indirect_dma source(%dma_start3A_803 : memref<128xf32, #tpu.memory_space<vmem>>) target(%dma_start3A_808 : memref<278784xf32, #tpu.memory_space<vmem_shared>>) offsets(%dma_start3A_806 : memref<128xi32, #tpu.memory_space<vmem>>) semaphore(%arg13 : memref<!tpu.dma_semaphore, #tpu.memory_space<semaphore_mem>>) {add = true}
      %dma_start3A_809 = arith.constant 0 : i32
      %dma_start3A_810 = arith.constant 14 : i32
      %dma_start3A_811 = arith.constant 0 : i32
      %dma_start3A_812 = arith.constant 14 : i32
      %dma_start3A_813 = arith.constant 0 : i32
      %dma_start3A_814 = tpu.memref_slice %arg10[%dma_start3A_809, %dma_start3A_810, %dma_start3A_813] : memref<2x25x128xf32, #tpu.memory_space<vmem>> -> memref<1x1x128xf32, #tpu.memory_space<vmem>>
      %dma_start3A_815 = tpu.memref_squeeze %dma_start3A_814 : memref<1x1x128xf32, #tpu.memory_space<vmem>> -> memref<128xf32, #tpu.memory_space<vmem>>
      %dma_start3A_816 = arith.constant 0 : i32
      %dma_start3A_817 = tpu.memref_slice %arg9[%dma_start3A_811, %dma_start3A_812, %dma_start3A_816] : memref<2x25x128xi32, #tpu.memory_space<vmem>> -> memref<1x1x128xi32, #tpu.memory_space<vmem>>
      %dma_start3A_818 = tpu.memref_squeeze %dma_start3A_817 : memref<1x1x128xi32, #tpu.memory_space<vmem>> -> memref<128xi32, #tpu.memory_space<vmem>>
      %dma_start3A_819 = arith.constant 0 : i32
      %dma_start3A_820 = tpu.memref_slice %arg12[%dma_start3A_819] : memref<278784xf32, #tpu.memory_space<vmem_shared>> -> memref<278784xf32, #tpu.memory_space<vmem_shared>>
      tpu.enqueue_indirect_dma source(%dma_start3A_815 : memref<128xf32, #tpu.memory_space<vmem>>) target(%dma_start3A_820 : memref<278784xf32, #tpu.memory_space<vmem_shared>>) offsets(%dma_start3A_818 : memref<128xi32, #tpu.memory_space<vmem>>) semaphore(%arg13 : memref<!tpu.dma_semaphore, #tpu.memory_space<semaphore_mem>>) {add = true}
      %dma_start3A_821 = arith.constant 0 : i32
      %dma_start3A_822 = arith.constant 15 : i32
      %dma_start3A_823 = arith.constant 0 : i32
      %dma_start3A_824 = arith.constant 15 : i32
      %dma_start3A_825 = arith.constant 0 : i32
      %dma_start3A_826 = tpu.memref_slice %arg10[%dma_start3A_821, %dma_start3A_822, %dma_start3A_825] : memref<2x25x128xf32, #tpu.memory_space<vmem>> -> memref<1x1x128xf32, #tpu.memory_space<vmem>>
      %dma_start3A_827 = tpu.memref_squeeze %dma_start3A_826 : memref<1x1x128xf32, #tpu.memory_space<vmem>> -> memref<128xf32, #tpu.memory_space<vmem>>
      %dma_start3A_828 = arith.constant 0 : i32
      %dma_start3A_829 = tpu.memref_slice %arg9[%dma_start3A_823, %dma_start3A_824, %dma_start3A_828] : memref<2x25x128xi32, #tpu.memory_space<vmem>> -> memref<1x1x128xi32, #tpu.memory_space<vmem>>
      %dma_start3A_830 = tpu.memref_squeeze %dma_start3A_829 : memref<1x1x128xi32, #tpu.memory_space<vmem>> -> memref<128xi32, #tpu.memory_space<vmem>>
      %dma_start3A_831 = arith.constant 0 : i32
      %dma_start3A_832 = tpu.memref_slice %arg12[%dma_start3A_831] : memref<278784xf32, #tpu.memory_space<vmem_shared>> -> memref<278784xf32, #tpu.memory_space<vmem_shared>>
      tpu.enqueue_indirect_dma source(%dma_start3A_827 : memref<128xf32, #tpu.memory_space<vmem>>) target(%dma_start3A_832 : memref<278784xf32, #tpu.memory_space<vmem_shared>>) offsets(%dma_start3A_830 : memref<128xi32, #tpu.memory_space<vmem>>) semaphore(%arg13 : memref<!tpu.dma_semaphore, #tpu.memory_space<semaphore_mem>>) {add = true}
      %dma_start3A_833 = arith.constant 0 : i32
      %dma_start3A_834 = arith.constant 16 : i32
      %dma_start3A_835 = arith.constant 0 : i32
      %dma_start3A_836 = arith.constant 16 : i32
      %dma_start3A_837 = arith.constant 0 : i32
      %dma_start3A_838 = tpu.memref_slice %arg10[%dma_start3A_833, %dma_start3A_834, %dma_start3A_837] : memref<2x25x128xf32, #tpu.memory_space<vmem>> -> memref<1x1x128xf32, #tpu.memory_space<vmem>>
      %dma_start3A_839 = tpu.memref_squeeze %dma_start3A_838 : memref<1x1x128xf32, #tpu.memory_space<vmem>> -> memref<128xf32, #tpu.memory_space<vmem>>
      %dma_start3A_840 = arith.constant 0 : i32
      %dma_start3A_841 = tpu.memref_slice %arg9[%dma_start3A_835, %dma_start3A_836, %dma_start3A_840] : memref<2x25x128xi32, #tpu.memory_space<vmem>> -> memref<1x1x128xi32, #tpu.memory_space<vmem>>
      %dma_start3A_842 = tpu.memref_squeeze %dma_start3A_841 : memref<1x1x128xi32, #tpu.memory_space<vmem>> -> memref<128xi32, #tpu.memory_space<vmem>>
      %dma_start3A_843 = arith.constant 0 : i32
      %dma_start3A_844 = tpu.memref_slice %arg12[%dma_start3A_843] : memref<278784xf32, #tpu.memory_space<vmem_shared>> -> memref<278784xf32, #tpu.memory_space<vmem_shared>>
      tpu.enqueue_indirect_dma source(%dma_start3A_839 : memref<128xf32, #tpu.memory_space<vmem>>) target(%dma_start3A_844 : memref<278784xf32, #tpu.memory_space<vmem_shared>>) offsets(%dma_start3A_842 : memref<128xi32, #tpu.memory_space<vmem>>) semaphore(%arg13 : memref<!tpu.dma_semaphore, #tpu.memory_space<semaphore_mem>>) {add = true}
      %dma_start3A_845 = arith.constant 0 : i32
      %dma_start3A_846 = arith.constant 17 : i32
      %dma_start3A_847 = arith.constant 0 : i32
      %dma_start3A_848 = arith.constant 17 : i32
      %dma_start3A_849 = arith.constant 0 : i32
      %dma_start3A_850 = tpu.memref_slice %arg10[%dma_start3A_845, %dma_start3A_846, %dma_start3A_849] : memref<2x25x128xf32, #tpu.memory_space<vmem>> -> memref<1x1x128xf32, #tpu.memory_space<vmem>>
      %dma_start3A_851 = tpu.memref_squeeze %dma_start3A_850 : memref<1x1x128xf32, #tpu.memory_space<vmem>> -> memref<128xf32, #tpu.memory_space<vmem>>
      %dma_start3A_852 = arith.constant 0 : i32
      %dma_start3A_853 = tpu.memref_slice %arg9[%dma_start3A_847, %dma_start3A_848, %dma_start3A_852] : memref<2x25x128xi32, #tpu.memory_space<vmem>> -> memref<1x1x128xi32, #tpu.memory_space<vmem>>
      %dma_start3A_854 = tpu.memref_squeeze %dma_start3A_853 : memref<1x1x128xi32, #tpu.memory_space<vmem>> -> memref<128xi32, #tpu.memory_space<vmem>>
      %dma_start3A_855 = arith.constant 0 : i32
      %dma_start3A_856 = tpu.memref_slice %arg12[%dma_start3A_855] : memref<278784xf32, #tpu.memory_space<vmem_shared>> -> memref<278784xf32, #tpu.memory_space<vmem_shared>>
      tpu.enqueue_indirect_dma source(%dma_start3A_851 : memref<128xf32, #tpu.memory_space<vmem>>) target(%dma_start3A_856 : memref<278784xf32, #tpu.memory_space<vmem_shared>>) offsets(%dma_start3A_854 : memref<128xi32, #tpu.memory_space<vmem>>) semaphore(%arg13 : memref<!tpu.dma_semaphore, #tpu.memory_space<semaphore_mem>>) {add = true}
      %dma_start3A_857 = arith.constant 0 : i32
      %dma_start3A_858 = arith.constant 18 : i32
      %dma_start3A_859 = arith.constant 0 : i32
      %dma_start3A_860 = arith.constant 18 : i32
      %dma_start3A_861 = arith.constant 0 : i32
      %dma_start3A_862 = tpu.memref_slice %arg10[%dma_start3A_857, %dma_start3A_858, %dma_start3A_861] : memref<2x25x128xf32, #tpu.memory_space<vmem>> -> memref<1x1x128xf32, #tpu.memory_space<vmem>>
      %dma_start3A_863 = tpu.memref_squeeze %dma_start3A_862 : memref<1x1x128xf32, #tpu.memory_space<vmem>> -> memref<128xf32, #tpu.memory_space<vmem>>
      %dma_start3A_864 = arith.constant 0 : i32
      %dma_start3A_865 = tpu.memref_slice %arg9[%dma_start3A_859, %dma_start3A_860, %dma_start3A_864] : memref<2x25x128xi32, #tpu.memory_space<vmem>> -> memref<1x1x128xi32, #tpu.memory_space<vmem>>
      %dma_start3A_866 = tpu.memref_squeeze %dma_start3A_865 : memref<1x1x128xi32, #tpu.memory_space<vmem>> -> memref<128xi32, #tpu.memory_space<vmem>>
      %dma_start3A_867 = arith.constant 0 : i32
      %dma_start3A_868 = tpu.memref_slice %arg12[%dma_start3A_867] : memref<278784xf32, #tpu.memory_space<vmem_shared>> -> memref<278784xf32, #tpu.memory_space<vmem_shared>>
      tpu.enqueue_indirect_dma source(%dma_start3A_863 : memref<128xf32, #tpu.memory_space<vmem>>) target(%dma_start3A_868 : memref<278784xf32, #tpu.memory_space<vmem_shared>>) offsets(%dma_start3A_866 : memref<128xi32, #tpu.memory_space<vmem>>) semaphore(%arg13 : memref<!tpu.dma_semaphore, #tpu.memory_space<semaphore_mem>>) {add = true}
      %dma_start3A_869 = arith.constant 0 : i32
      %dma_start3A_870 = arith.constant 19 : i32
      %dma_start3A_871 = arith.constant 0 : i32
      %dma_start3A_872 = arith.constant 19 : i32
      %dma_start3A_873 = arith.constant 0 : i32
      %dma_start3A_874 = tpu.memref_slice %arg10[%dma_start3A_869, %dma_start3A_870, %dma_start3A_873] : memref<2x25x128xf32, #tpu.memory_space<vmem>> -> memref<1x1x128xf32, #tpu.memory_space<vmem>>
      %dma_start3A_875 = tpu.memref_squeeze %dma_start3A_874 : memref<1x1x128xf32, #tpu.memory_space<vmem>> -> memref<128xf32, #tpu.memory_space<vmem>>
      %dma_start3A_876 = arith.constant 0 : i32
      %dma_start3A_877 = tpu.memref_slice %arg9[%dma_start3A_871, %dma_start3A_872, %dma_start3A_876] : memref<2x25x128xi32, #tpu.memory_space<vmem>> -> memref<1x1x128xi32, #tpu.memory_space<vmem>>
      %dma_start3A_878 = tpu.memref_squeeze %dma_start3A_877 : memref<1x1x128xi32, #tpu.memory_space<vmem>> -> memref<128xi32, #tpu.memory_space<vmem>>
      %dma_start3A_879 = arith.constant 0 : i32
      %dma_start3A_880 = tpu.memref_slice %arg12[%dma_start3A_879] : memref<278784xf32, #tpu.memory_space<vmem_shared>> -> memref<278784xf32, #tpu.memory_space<vmem_shared>>
      tpu.enqueue_indirect_dma source(%dma_start3A_875 : memref<128xf32, #tpu.memory_space<vmem>>) target(%dma_start3A_880 : memref<278784xf32, #tpu.memory_space<vmem_shared>>) offsets(%dma_start3A_878 : memref<128xi32, #tpu.memory_space<vmem>>) semaphore(%arg13 : memref<!tpu.dma_semaphore, #tpu.memory_space<semaphore_mem>>) {add = true}
      %dma_start3A_881 = arith.constant 0 : i32
      %dma_start3A_882 = arith.constant 20 : i32
      %dma_start3A_883 = arith.constant 0 : i32
      %dma_start3A_884 = arith.constant 20 : i32
      %dma_start3A_885 = arith.constant 0 : i32
      %dma_start3A_886 = tpu.memref_slice %arg10[%dma_start3A_881, %dma_start3A_882, %dma_start3A_885] : memref<2x25x128xf32, #tpu.memory_space<vmem>> -> memref<1x1x128xf32, #tpu.memory_space<vmem>>
      %dma_start3A_887 = tpu.memref_squeeze %dma_start3A_886 : memref<1x1x128xf32, #tpu.memory_space<vmem>> -> memref<128xf32, #tpu.memory_space<vmem>>
      %dma_start3A_888 = arith.constant 0 : i32
      %dma_start3A_889 = tpu.memref_slice %arg9[%dma_start3A_883, %dma_start3A_884, %dma_start3A_888] : memref<2x25x128xi32, #tpu.memory_space<vmem>> -> memref<1x1x128xi32, #tpu.memory_space<vmem>>
      %dma_start3A_890 = tpu.memref_squeeze %dma_start3A_889 : memref<1x1x128xi32, #tpu.memory_space<vmem>> -> memref<128xi32, #tpu.memory_space<vmem>>
      %dma_start3A_891 = arith.constant 0 : i32
      %dma_start3A_892 = tpu.memref_slice %arg12[%dma_start3A_891] : memref<278784xf32, #tpu.memory_space<vmem_shared>> -> memref<278784xf32, #tpu.memory_space<vmem_shared>>
      tpu.enqueue_indirect_dma source(%dma_start3A_887 : memref<128xf32, #tpu.memory_space<vmem>>) target(%dma_start3A_892 : memref<278784xf32, #tpu.memory_space<vmem_shared>>) offsets(%dma_start3A_890 : memref<128xi32, #tpu.memory_space<vmem>>) semaphore(%arg13 : memref<!tpu.dma_semaphore, #tpu.memory_space<semaphore_mem>>) {add = true}
      %dma_start3A_893 = arith.constant 0 : i32
      %dma_start3A_894 = arith.constant 21 : i32
      %dma_start3A_895 = arith.constant 0 : i32
      %dma_start3A_896 = arith.constant 21 : i32
      %dma_start3A_897 = arith.constant 0 : i32
      %dma_start3A_898 = tpu.memref_slice %arg10[%dma_start3A_893, %dma_start3A_894, %dma_start3A_897] : memref<2x25x128xf32, #tpu.memory_space<vmem>> -> memref<1x1x128xf32, #tpu.memory_space<vmem>>
      %dma_start3A_899 = tpu.memref_squeeze %dma_start3A_898 : memref<1x1x128xf32, #tpu.memory_space<vmem>> -> memref<128xf32, #tpu.memory_space<vmem>>
      %dma_start3A_900 = arith.constant 0 : i32
      %dma_start3A_901 = tpu.memref_slice %arg9[%dma_start3A_895, %dma_start3A_896, %dma_start3A_900] : memref<2x25x128xi32, #tpu.memory_space<vmem>> -> memref<1x1x128xi32, #tpu.memory_space<vmem>>
      %dma_start3A_902 = tpu.memref_squeeze %dma_start3A_901 : memref<1x1x128xi32, #tpu.memory_space<vmem>> -> memref<128xi32, #tpu.memory_space<vmem>>
      %dma_start3A_903 = arith.constant 0 : i32
      %dma_start3A_904 = tpu.memref_slice %arg12[%dma_start3A_903] : memref<278784xf32, #tpu.memory_space<vmem_shared>> -> memref<278784xf32, #tpu.memory_space<vmem_shared>>
      tpu.enqueue_indirect_dma source(%dma_start3A_899 : memref<128xf32, #tpu.memory_space<vmem>>) target(%dma_start3A_904 : memref<278784xf32, #tpu.memory_space<vmem_shared>>) offsets(%dma_start3A_902 : memref<128xi32, #tpu.memory_space<vmem>>) semaphore(%arg13 : memref<!tpu.dma_semaphore, #tpu.memory_space<semaphore_mem>>) {add = true}
      %dma_start3A_905 = arith.constant 0 : i32
      %dma_start3A_906 = arith.constant 22 : i32
      %dma_start3A_907 = arith.constant 0 : i32
      %dma_start3A_908 = arith.constant 22 : i32
      %dma_start3A_909 = arith.constant 0 : i32
      %dma_start3A_910 = tpu.memref_slice %arg10[%dma_start3A_905, %dma_start3A_906, %dma_start3A_909] : memref<2x25x128xf32, #tpu.memory_space<vmem>> -> memref<1x1x128xf32, #tpu.memory_space<vmem>>
      %dma_start3A_911 = tpu.memref_squeeze %dma_start3A_910 : memref<1x1x128xf32, #tpu.memory_space<vmem>> -> memref<128xf32, #tpu.memory_space<vmem>>
      %dma_start3A_912 = arith.constant 0 : i32
      %dma_start3A_913 = tpu.memref_slice %arg9[%dma_start3A_907, %dma_start3A_908, %dma_start3A_912] : memref<2x25x128xi32, #tpu.memory_space<vmem>> -> memref<1x1x128xi32, #tpu.memory_space<vmem>>
      %dma_start3A_914 = tpu.memref_squeeze %dma_start3A_913 : memref<1x1x128xi32, #tpu.memory_space<vmem>> -> memref<128xi32, #tpu.memory_space<vmem>>
      %dma_start3A_915 = arith.constant 0 : i32
      %dma_start3A_916 = tpu.memref_slice %arg12[%dma_start3A_915] : memref<278784xf32, #tpu.memory_space<vmem_shared>> -> memref<278784xf32, #tpu.memory_space<vmem_shared>>
      tpu.enqueue_indirect_dma source(%dma_start3A_911 : memref<128xf32, #tpu.memory_space<vmem>>) target(%dma_start3A_916 : memref<278784xf32, #tpu.memory_space<vmem_shared>>) offsets(%dma_start3A_914 : memref<128xi32, #tpu.memory_space<vmem>>) semaphore(%arg13 : memref<!tpu.dma_semaphore, #tpu.memory_space<semaphore_mem>>) {add = true}
      %dma_start3A_917 = arith.constant 0 : i32
      %dma_start3A_918 = arith.constant 23 : i32
      %dma_start3A_919 = arith.constant 0 : i32
      %dma_start3A_920 = arith.constant 23 : i32
      %dma_start3A_921 = arith.constant 0 : i32
      %dma_start3A_922 = tpu.memref_slice %arg10[%dma_start3A_917, %dma_start3A_918, %dma_start3A_921] : memref<2x25x128xf32, #tpu.memory_space<vmem>> -> memref<1x1x128xf32, #tpu.memory_space<vmem>>
      %dma_start3A_923 = tpu.memref_squeeze %dma_start3A_922 : memref<1x1x128xf32, #tpu.memory_space<vmem>> -> memref<128xf32, #tpu.memory_space<vmem>>
      %dma_start3A_924 = arith.constant 0 : i32
      %dma_start3A_925 = tpu.memref_slice %arg9[%dma_start3A_919, %dma_start3A_920, %dma_start3A_924] : memref<2x25x128xi32, #tpu.memory_space<vmem>> -> memref<1x1x128xi32, #tpu.memory_space<vmem>>
      %dma_start3A_926 = tpu.memref_squeeze %dma_start3A_925 : memref<1x1x128xi32, #tpu.memory_space<vmem>> -> memref<128xi32, #tpu.memory_space<vmem>>
      %dma_start3A_927 = arith.constant 0 : i32
      %dma_start3A_928 = tpu.memref_slice %arg12[%dma_start3A_927] : memref<278784xf32, #tpu.memory_space<vmem_shared>> -> memref<278784xf32, #tpu.memory_space<vmem_shared>>
      tpu.enqueue_indirect_dma source(%dma_start3A_923 : memref<128xf32, #tpu.memory_space<vmem>>) target(%dma_start3A_928 : memref<278784xf32, #tpu.memory_space<vmem_shared>>) offsets(%dma_start3A_926 : memref<128xi32, #tpu.memory_space<vmem>>) semaphore(%arg13 : memref<!tpu.dma_semaphore, #tpu.memory_space<semaphore_mem>>) {add = true}
      %dma_start3A_929 = arith.constant 0 : i32
      %dma_start3A_930 = arith.constant 24 : i32
      %dma_start3A_931 = arith.constant 0 : i32
      %dma_start3A_932 = arith.constant 24 : i32
      %dma_start3A_933 = arith.constant 0 : i32
      %dma_start3A_934 = tpu.memref_slice %arg10[%dma_start3A_929, %dma_start3A_930, %dma_start3A_933] : memref<2x25x128xf32, #tpu.memory_space<vmem>> -> memref<1x1x128xf32, #tpu.memory_space<vmem>>
      %dma_start3A_935 = tpu.memref_squeeze %dma_start3A_934 : memref<1x1x128xf32, #tpu.memory_space<vmem>> -> memref<128xf32, #tpu.memory_space<vmem>>
      %dma_start3A_936 = arith.constant 0 : i32
      %dma_start3A_937 = tpu.memref_slice %arg9[%dma_start3A_931, %dma_start3A_932, %dma_start3A_936] : memref<2x25x128xi32, #tpu.memory_space<vmem>> -> memref<1x1x128xi32, #tpu.memory_space<vmem>>
      %dma_start3A_938 = tpu.memref_squeeze %dma_start3A_937 : memref<1x1x128xi32, #tpu.memory_space<vmem>> -> memref<128xi32, #tpu.memory_space<vmem>>
      %dma_start3A_939 = arith.constant 0 : i32
      %dma_start3A_940 = tpu.memref_slice %arg12[%dma_start3A_939] : memref<278784xf32, #tpu.memory_space<vmem_shared>> -> memref<278784xf32, #tpu.memory_space<vmem_shared>>
      tpu.enqueue_indirect_dma source(%dma_start3A_935 : memref<128xf32, #tpu.memory_space<vmem>>) target(%dma_start3A_940 : memref<278784xf32, #tpu.memory_space<vmem_shared>>) offsets(%dma_start3A_938 : memref<128xi32, #tpu.memory_space<vmem>>) semaphore(%arg13 : memref<!tpu.dma_semaphore, #tpu.memory_space<semaphore_mem>>) {add = true}
      %gt3A_941 = arith.constant 0 : i32
      %gt3A_942 = arith.cmpi sgt, %scan3A_631, %gt3A_941 : i32
      %convert_element_type3A_943 = arith.extui %gt3A_942 : i1 to i32
      %cond3A_944 = arith.constant 0 : i32
      %cond3A_945 = arith.cmpi ne, %convert_element_type3A_943, %cond3A_944 : i32
      scf.if %cond3A_945 {
        %dma_wait3A_1256 = arith.constant 1 : i32
        %dma_wait3A_1257 = arith.constant 0 : i32
        %dma_wait3A_1258 = arith.constant 1 : i32
        %dma_wait3A_1259 = arith.constant 0 : i32
        %dma_wait3A_1260 = arith.constant 0 : i32
        %dma_wait3A_1261 = tpu.memref_slice %arg10[%dma_wait3A_1256, %dma_wait3A_1257, %dma_wait3A_1260] : memref<2x25x128xf32, #tpu.memory_space<vmem>> -> memref<1x1x128xf32, #tpu.memory_space<vmem>>
        %dma_wait3A_1262 = tpu.memref_squeeze %dma_wait3A_1261 : memref<1x1x128xf32, #tpu.memory_space<vmem>> -> memref<128xf32, #tpu.memory_space<vmem>>
        %dma_wait3A_1263 = arith.constant 0 : i32
        %dma_wait3A_1264 = tpu.memref_slice %arg9[%dma_wait3A_1258, %dma_wait3A_1259, %dma_wait3A_1263] : memref<2x25x128xi32, #tpu.memory_space<vmem>> -> memref<1x1x128xi32, #tpu.memory_space<vmem>>
        %dma_wait3A_1265 = tpu.memref_squeeze %dma_wait3A_1264 : memref<1x1x128xi32, #tpu.memory_space<vmem>> -> memref<128xi32, #tpu.memory_space<vmem>>
        %dma_wait3A_1266 = arith.constant 0 : i32
        %dma_wait3A_1267 = tpu.memref_slice %arg12[%dma_wait3A_1266] : memref<278784xf32, #tpu.memory_space<vmem_shared>> -> memref<278784xf32, #tpu.memory_space<vmem_shared>>
        tpu.wait_indirect_dma semaphore(%arg14 : memref<!tpu.dma_semaphore, #tpu.memory_space<semaphore_mem>>) src(%dma_wait3A_1262 : memref<128xf32, #tpu.memory_space<vmem>>) dst(%dma_wait3A_1267 : memref<278784xf32, #tpu.memory_space<vmem_shared>>)
        %dma_wait3A_1268 = arith.constant 1 : i32
        %dma_wait3A_1269 = arith.constant 1 : i32
        %dma_wait3A_1270 = arith.constant 1 : i32
        %dma_wait3A_1271 = arith.constant 1 : i32
        %dma_wait3A_1272 = arith.constant 0 : i32
        %dma_wait3A_1273 = tpu.memref_slice %arg10[%dma_wait3A_1268, %dma_wait3A_1269, %dma_wait3A_1272] : memref<2x25x128xf32, #tpu.memory_space<vmem>> -> memref<1x1x128xf32, #tpu.memory_space<vmem>>
        %dma_wait3A_1274 = tpu.memref_squeeze %dma_wait3A_1273 : memref<1x1x128xf32, #tpu.memory_space<vmem>> -> memref<128xf32, #tpu.memory_space<vmem>>
        %dma_wait3A_1275 = arith.constant 0 : i32
        %dma_wait3A_1276 = tpu.memref_slice %arg9[%dma_wait3A_1270, %dma_wait3A_1271, %dma_wait3A_1275] : memref<2x25x128xi32, #tpu.memory_space<vmem>> -> memref<1x1x128xi32, #tpu.memory_space<vmem>>
        %dma_wait3A_1277 = tpu.memref_squeeze %dma_wait3A_1276 : memref<1x1x128xi32, #tpu.memory_space<vmem>> -> memref<128xi32, #tpu.memory_space<vmem>>
        %dma_wait3A_1278 = arith.constant 0 : i32
        %dma_wait3A_1279 = tpu.memref_slice %arg12[%dma_wait3A_1278] : memref<278784xf32, #tpu.memory_space<vmem_shared>> -> memref<278784xf32, #tpu.memory_space<vmem_shared>>
        tpu.wait_indirect_dma semaphore(%arg14 : memref<!tpu.dma_semaphore, #tpu.memory_space<semaphore_mem>>) src(%dma_wait3A_1274 : memref<128xf32, #tpu.memory_space<vmem>>) dst(%dma_wait3A_1279 : memref<278784xf32, #tpu.memory_space<vmem_shared>>)
        %dma_wait3A_1280 = arith.constant 1 : i32
        %dma_wait3A_1281 = arith.constant 2 : i32
        %dma_wait3A_1282 = arith.constant 1 : i32
        %dma_wait3A_1283 = arith.constant 2 : i32
        %dma_wait3A_1284 = arith.constant 0 : i32
        %dma_wait3A_1285 = tpu.memref_slice %arg10[%dma_wait3A_1280, %dma_wait3A_1281, %dma_wait3A_1284] : memref<2x25x128xf32, #tpu.memory_space<vmem>> -> memref<1x1x128xf32, #tpu.memory_space<vmem>>
        %dma_wait3A_1286 = tpu.memref_squeeze %dma_wait3A_1285 : memref<1x1x128xf32, #tpu.memory_space<vmem>> -> memref<128xf32, #tpu.memory_space<vmem>>
        %dma_wait3A_1287 = arith.constant 0 : i32
        %dma_wait3A_1288 = tpu.memref_slice %arg9[%dma_wait3A_1282, %dma_wait3A_1283, %dma_wait3A_1287] : memref<2x25x128xi32, #tpu.memory_space<vmem>> -> memref<1x1x128xi32, #tpu.memory_space<vmem>>
        %dma_wait3A_1289 = tpu.memref_squeeze %dma_wait3A_1288 : memref<1x1x128xi32, #tpu.memory_space<vmem>> -> memref<128xi32, #tpu.memory_space<vmem>>
        %dma_wait3A_1290 = arith.constant 0 : i32
        %dma_wait3A_1291 = tpu.memref_slice %arg12[%dma_wait3A_1290] : memref<278784xf32, #tpu.memory_space<vmem_shared>> -> memref<278784xf32, #tpu.memory_space<vmem_shared>>
        tpu.wait_indirect_dma semaphore(%arg14 : memref<!tpu.dma_semaphore, #tpu.memory_space<semaphore_mem>>) src(%dma_wait3A_1286 : memref<128xf32, #tpu.memory_space<vmem>>) dst(%dma_wait3A_1291 : memref<278784xf32, #tpu.memory_space<vmem_shared>>)
        %dma_wait3A_1292 = arith.constant 1 : i32
        %dma_wait3A_1293 = arith.constant 3 : i32
        %dma_wait3A_1294 = arith.constant 1 : i32
        %dma_wait3A_1295 = arith.constant 3 : i32
        %dma_wait3A_1296 = arith.constant 0 : i32
        %dma_wait3A_1297 = tpu.memref_slice %arg10[%dma_wait3A_1292, %dma_wait3A_1293, %dma_wait3A_1296] : memref<2x25x128xf32, #tpu.memory_space<vmem>> -> memref<1x1x128xf32, #tpu.memory_space<vmem>>
        %dma_wait3A_1298 = tpu.memref_squeeze %dma_wait3A_1297 : memref<1x1x128xf32, #tpu.memory_space<vmem>> -> memref<128xf32, #tpu.memory_space<vmem>>
        %dma_wait3A_1299 = arith.constant 0 : i32
        %dma_wait3A_1300 = tpu.memref_slice %arg9[%dma_wait3A_1294, %dma_wait3A_1295, %dma_wait3A_1299] : memref<2x25x128xi32, #tpu.memory_space<vmem>> -> memref<1x1x128xi32, #tpu.memory_space<vmem>>
        %dma_wait3A_1301 = tpu.memref_squeeze %dma_wait3A_1300 : memref<1x1x128xi32, #tpu.memory_space<vmem>> -> memref<128xi32, #tpu.memory_space<vmem>>
        %dma_wait3A_1302 = arith.constant 0 : i32
        %dma_wait3A_1303 = tpu.memref_slice %arg12[%dma_wait3A_1302] : memref<278784xf32, #tpu.memory_space<vmem_shared>> -> memref<278784xf32, #tpu.memory_space<vmem_shared>>
        tpu.wait_indirect_dma semaphore(%arg14 : memref<!tpu.dma_semaphore, #tpu.memory_space<semaphore_mem>>) src(%dma_wait3A_1298 : memref<128xf32, #tpu.memory_space<vmem>>) dst(%dma_wait3A_1303 : memref<278784xf32, #tpu.memory_space<vmem_shared>>)
        %dma_wait3A_1304 = arith.constant 1 : i32
        %dma_wait3A_1305 = arith.constant 4 : i32
        %dma_wait3A_1306 = arith.constant 1 : i32
        %dma_wait3A_1307 = arith.constant 4 : i32
        %dma_wait3A_1308 = arith.constant 0 : i32
        %dma_wait3A_1309 = tpu.memref_slice %arg10[%dma_wait3A_1304, %dma_wait3A_1305, %dma_wait3A_1308] : memref<2x25x128xf32, #tpu.memory_space<vmem>> -> memref<1x1x128xf32, #tpu.memory_space<vmem>>
        %dma_wait3A_1310 = tpu.memref_squeeze %dma_wait3A_1309 : memref<1x1x128xf32, #tpu.memory_space<vmem>> -> memref<128xf32, #tpu.memory_space<vmem>>
        %dma_wait3A_1311 = arith.constant 0 : i32
        %dma_wait3A_1312 = tpu.memref_slice %arg9[%dma_wait3A_1306, %dma_wait3A_1307, %dma_wait3A_1311] : memref<2x25x128xi32, #tpu.memory_space<vmem>> -> memref<1x1x128xi32, #tpu.memory_space<vmem>>
        %dma_wait3A_1313 = tpu.memref_squeeze %dma_wait3A_1312 : memref<1x1x128xi32, #tpu.memory_space<vmem>> -> memref<128xi32, #tpu.memory_space<vmem>>
        %dma_wait3A_1314 = arith.constant 0 : i32
        %dma_wait3A_1315 = tpu.memref_slice %arg12[%dma_wait3A_1314] : memref<278784xf32, #tpu.memory_space<vmem_shared>> -> memref<278784xf32, #tpu.memory_space<vmem_shared>>
        tpu.wait_indirect_dma semaphore(%arg14 : memref<!tpu.dma_semaphore, #tpu.memory_space<semaphore_mem>>) src(%dma_wait3A_1310 : memref<128xf32, #tpu.memory_space<vmem>>) dst(%dma_wait3A_1315 : memref<278784xf32, #tpu.memory_space<vmem_shared>>)
        %dma_wait3A_1316 = arith.constant 1 : i32
        %dma_wait3A_1317 = arith.constant 5 : i32
        %dma_wait3A_1318 = arith.constant 1 : i32
        %dma_wait3A_1319 = arith.constant 5 : i32
        %dma_wait3A_1320 = arith.constant 0 : i32
        %dma_wait3A_1321 = tpu.memref_slice %arg10[%dma_wait3A_1316, %dma_wait3A_1317, %dma_wait3A_1320] : memref<2x25x128xf32, #tpu.memory_space<vmem>> -> memref<1x1x128xf32, #tpu.memory_space<vmem>>
        %dma_wait3A_1322 = tpu.memref_squeeze %dma_wait3A_1321 : memref<1x1x128xf32, #tpu.memory_space<vmem>> -> memref<128xf32, #tpu.memory_space<vmem>>
        %dma_wait3A_1323 = arith.constant 0 : i32
        %dma_wait3A_1324 = tpu.memref_slice %arg9[%dma_wait3A_1318, %dma_wait3A_1319, %dma_wait3A_1323] : memref<2x25x128xi32, #tpu.memory_space<vmem>> -> memref<1x1x128xi32, #tpu.memory_space<vmem>>
        %dma_wait3A_1325 = tpu.memref_squeeze %dma_wait3A_1324 : memref<1x1x128xi32, #tpu.memory_space<vmem>> -> memref<128xi32, #tpu.memory_space<vmem>>
        %dma_wait3A_1326 = arith.constant 0 : i32
        %dma_wait3A_1327 = tpu.memref_slice %arg12[%dma_wait3A_1326] : memref<278784xf32, #tpu.memory_space<vmem_shared>> -> memref<278784xf32, #tpu.memory_space<vmem_shared>>
        tpu.wait_indirect_dma semaphore(%arg14 : memref<!tpu.dma_semaphore, #tpu.memory_space<semaphore_mem>>) src(%dma_wait3A_1322 : memref<128xf32, #tpu.memory_space<vmem>>) dst(%dma_wait3A_1327 : memref<278784xf32, #tpu.memory_space<vmem_shared>>)
        %dma_wait3A_1328 = arith.constant 1 : i32
        %dma_wait3A_1329 = arith.constant 6 : i32
        %dma_wait3A_1330 = arith.constant 1 : i32
        %dma_wait3A_1331 = arith.constant 6 : i32
        %dma_wait3A_1332 = arith.constant 0 : i32
        %dma_wait3A_1333 = tpu.memref_slice %arg10[%dma_wait3A_1328, %dma_wait3A_1329, %dma_wait3A_1332] : memref<2x25x128xf32, #tpu.memory_space<vmem>> -> memref<1x1x128xf32, #tpu.memory_space<vmem>>
        %dma_wait3A_1334 = tpu.memref_squeeze %dma_wait3A_1333 : memref<1x1x128xf32, #tpu.memory_space<vmem>> -> memref<128xf32, #tpu.memory_space<vmem>>
        %dma_wait3A_1335 = arith.constant 0 : i32
        %dma_wait3A_1336 = tpu.memref_slice %arg9[%dma_wait3A_1330, %dma_wait3A_1331, %dma_wait3A_1335] : memref<2x25x128xi32, #tpu.memory_space<vmem>> -> memref<1x1x128xi32, #tpu.memory_space<vmem>>
        %dma_wait3A_1337 = tpu.memref_squeeze %dma_wait3A_1336 : memref<1x1x128xi32, #tpu.memory_space<vmem>> -> memref<128xi32, #tpu.memory_space<vmem>>
        %dma_wait3A_1338 = arith.constant 0 : i32
        %dma_wait3A_1339 = tpu.memref_slice %arg12[%dma_wait3A_1338] : memref<278784xf32, #tpu.memory_space<vmem_shared>> -> memref<278784xf32, #tpu.memory_space<vmem_shared>>
        tpu.wait_indirect_dma semaphore(%arg14 : memref<!tpu.dma_semaphore, #tpu.memory_space<semaphore_mem>>) src(%dma_wait3A_1334 : memref<128xf32, #tpu.memory_space<vmem>>) dst(%dma_wait3A_1339 : memref<278784xf32, #tpu.memory_space<vmem_shared>>)
        %dma_wait3A_1340 = arith.constant 1 : i32
        %dma_wait3A_1341 = arith.constant 7 : i32
        %dma_wait3A_1342 = arith.constant 1 : i32
        %dma_wait3A_1343 = arith.constant 7 : i32
        %dma_wait3A_1344 = arith.constant 0 : i32
        %dma_wait3A_1345 = tpu.memref_slice %arg10[%dma_wait3A_1340, %dma_wait3A_1341, %dma_wait3A_1344] : memref<2x25x128xf32, #tpu.memory_space<vmem>> -> memref<1x1x128xf32, #tpu.memory_space<vmem>>
        %dma_wait3A_1346 = tpu.memref_squeeze %dma_wait3A_1345 : memref<1x1x128xf32, #tpu.memory_space<vmem>> -> memref<128xf32, #tpu.memory_space<vmem>>
        %dma_wait3A_1347 = arith.constant 0 : i32
        %dma_wait3A_1348 = tpu.memref_slice %arg9[%dma_wait3A_1342, %dma_wait3A_1343, %dma_wait3A_1347] : memref<2x25x128xi32, #tpu.memory_space<vmem>> -> memref<1x1x128xi32, #tpu.memory_space<vmem>>
        %dma_wait3A_1349 = tpu.memref_squeeze %dma_wait3A_1348 : memref<1x1x128xi32, #tpu.memory_space<vmem>> -> memref<128xi32, #tpu.memory_space<vmem>>
        %dma_wait3A_1350 = arith.constant 0 : i32
        %dma_wait3A_1351 = tpu.memref_slice %arg12[%dma_wait3A_1350] : memref<278784xf32, #tpu.memory_space<vmem_shared>> -> memref<278784xf32, #tpu.memory_space<vmem_shared>>
        tpu.wait_indirect_dma semaphore(%arg14 : memref<!tpu.dma_semaphore, #tpu.memory_space<semaphore_mem>>) src(%dma_wait3A_1346 : memref<128xf32, #tpu.memory_space<vmem>>) dst(%dma_wait3A_1351 : memref<278784xf32, #tpu.memory_space<vmem_shared>>)
        %dma_wait3A_1352 = arith.constant 1 : i32
        %dma_wait3A_1353 = arith.constant 8 : i32
        %dma_wait3A_1354 = arith.constant 1 : i32
        %dma_wait3A_1355 = arith.constant 8 : i32
        %dma_wait3A_1356 = arith.constant 0 : i32
        %dma_wait3A_1357 = tpu.memref_slice %arg10[%dma_wait3A_1352, %dma_wait3A_1353, %dma_wait3A_1356] : memref<2x25x128xf32, #tpu.memory_space<vmem>> -> memref<1x1x128xf32, #tpu.memory_space<vmem>>
        %dma_wait3A_1358 = tpu.memref_squeeze %dma_wait3A_1357 : memref<1x1x128xf32, #tpu.memory_space<vmem>> -> memref<128xf32, #tpu.memory_space<vmem>>
        %dma_wait3A_1359 = arith.constant 0 : i32
        %dma_wait3A_1360 = tpu.memref_slice %arg9[%dma_wait3A_1354, %dma_wait3A_1355, %dma_wait3A_1359] : memref<2x25x128xi32, #tpu.memory_space<vmem>> -> memref<1x1x128xi32, #tpu.memory_space<vmem>>
        %dma_wait3A_1361 = tpu.memref_squeeze %dma_wait3A_1360 : memref<1x1x128xi32, #tpu.memory_space<vmem>> -> memref<128xi32, #tpu.memory_space<vmem>>
        %dma_wait3A_1362 = arith.constant 0 : i32
        %dma_wait3A_1363 = tpu.memref_slice %arg12[%dma_wait3A_1362] : memref<278784xf32, #tpu.memory_space<vmem_shared>> -> memref<278784xf32, #tpu.memory_space<vmem_shared>>
        tpu.wait_indirect_dma semaphore(%arg14 : memref<!tpu.dma_semaphore, #tpu.memory_space<semaphore_mem>>) src(%dma_wait3A_1358 : memref<128xf32, #tpu.memory_space<vmem>>) dst(%dma_wait3A_1363 : memref<278784xf32, #tpu.memory_space<vmem_shared>>)
        %dma_wait3A_1364 = arith.constant 1 : i32
        %dma_wait3A_1365 = arith.constant 9 : i32
        %dma_wait3A_1366 = arith.constant 1 : i32
        %dma_wait3A_1367 = arith.constant 9 : i32
        %dma_wait3A_1368 = arith.constant 0 : i32
        %dma_wait3A_1369 = tpu.memref_slice %arg10[%dma_wait3A_1364, %dma_wait3A_1365, %dma_wait3A_1368] : memref<2x25x128xf32, #tpu.memory_space<vmem>> -> memref<1x1x128xf32, #tpu.memory_space<vmem>>
        %dma_wait3A_1370 = tpu.memref_squeeze %dma_wait3A_1369 : memref<1x1x128xf32, #tpu.memory_space<vmem>> -> memref<128xf32, #tpu.memory_space<vmem>>
        %dma_wait3A_1371 = arith.constant 0 : i32
        %dma_wait3A_1372 = tpu.memref_slice %arg9[%dma_wait3A_1366, %dma_wait3A_1367, %dma_wait3A_1371] : memref<2x25x128xi32, #tpu.memory_space<vmem>> -> memref<1x1x128xi32, #tpu.memory_space<vmem>>
        %dma_wait3A_1373 = tpu.memref_squeeze %dma_wait3A_1372 : memref<1x1x128xi32, #tpu.memory_space<vmem>> -> memref<128xi32, #tpu.memory_space<vmem>>
        %dma_wait3A_1374 = arith.constant 0 : i32
        %dma_wait3A_1375 = tpu.memref_slice %arg12[%dma_wait3A_1374] : memref<278784xf32, #tpu.memory_space<vmem_shared>> -> memref<278784xf32, #tpu.memory_space<vmem_shared>>
        tpu.wait_indirect_dma semaphore(%arg14 : memref<!tpu.dma_semaphore, #tpu.memory_space<semaphore_mem>>) src(%dma_wait3A_1370 : memref<128xf32, #tpu.memory_space<vmem>>) dst(%dma_wait3A_1375 : memref<278784xf32, #tpu.memory_space<vmem_shared>>)
        %dma_wait3A_1376 = arith.constant 1 : i32
        %dma_wait3A_1377 = arith.constant 10 : i32
        %dma_wait3A_1378 = arith.constant 1 : i32
        %dma_wait3A_1379 = arith.constant 10 : i32
        %dma_wait3A_1380 = arith.constant 0 : i32
        %dma_wait3A_1381 = tpu.memref_slice %arg10[%dma_wait3A_1376, %dma_wait3A_1377, %dma_wait3A_1380] : memref<2x25x128xf32, #tpu.memory_space<vmem>> -> memref<1x1x128xf32, #tpu.memory_space<vmem>>
        %dma_wait3A_1382 = tpu.memref_squeeze %dma_wait3A_1381 : memref<1x1x128xf32, #tpu.memory_space<vmem>> -> memref<128xf32, #tpu.memory_space<vmem>>
        %dma_wait3A_1383 = arith.constant 0 : i32
        %dma_wait3A_1384 = tpu.memref_slice %arg9[%dma_wait3A_1378, %dma_wait3A_1379, %dma_wait3A_1383] : memref<2x25x128xi32, #tpu.memory_space<vmem>> -> memref<1x1x128xi32, #tpu.memory_space<vmem>>
        %dma_wait3A_1385 = tpu.memref_squeeze %dma_wait3A_1384 : memref<1x1x128xi32, #tpu.memory_space<vmem>> -> memref<128xi32, #tpu.memory_space<vmem>>
        %dma_wait3A_1386 = arith.constant 0 : i32
        %dma_wait3A_1387 = tpu.memref_slice %arg12[%dma_wait3A_1386] : memref<278784xf32, #tpu.memory_space<vmem_shared>> -> memref<278784xf32, #tpu.memory_space<vmem_shared>>
        tpu.wait_indirect_dma semaphore(%arg14 : memref<!tpu.dma_semaphore, #tpu.memory_space<semaphore_mem>>) src(%dma_wait3A_1382 : memref<128xf32, #tpu.memory_space<vmem>>) dst(%dma_wait3A_1387 : memref<278784xf32, #tpu.memory_space<vmem_shared>>)
        %dma_wait3A_1388 = arith.constant 1 : i32
        %dma_wait3A_1389 = arith.constant 11 : i32
        %dma_wait3A_1390 = arith.constant 1 : i32
        %dma_wait3A_1391 = arith.constant 11 : i32
        %dma_wait3A_1392 = arith.constant 0 : i32
        %dma_wait3A_1393 = tpu.memref_slice %arg10[%dma_wait3A_1388, %dma_wait3A_1389, %dma_wait3A_1392] : memref<2x25x128xf32, #tpu.memory_space<vmem>> -> memref<1x1x128xf32, #tpu.memory_space<vmem>>
        %dma_wait3A_1394 = tpu.memref_squeeze %dma_wait3A_1393 : memref<1x1x128xf32, #tpu.memory_space<vmem>> -> memref<128xf32, #tpu.memory_space<vmem>>
        %dma_wait3A_1395 = arith.constant 0 : i32
        %dma_wait3A_1396 = tpu.memref_slice %arg9[%dma_wait3A_1390, %dma_wait3A_1391, %dma_wait3A_1395] : memref<2x25x128xi32, #tpu.memory_space<vmem>> -> memref<1x1x128xi32, #tpu.memory_space<vmem>>
        %dma_wait3A_1397 = tpu.memref_squeeze %dma_wait3A_1396 : memref<1x1x128xi32, #tpu.memory_space<vmem>> -> memref<128xi32, #tpu.memory_space<vmem>>
        %dma_wait3A_1398 = arith.constant 0 : i32
        %dma_wait3A_1399 = tpu.memref_slice %arg12[%dma_wait3A_1398] : memref<278784xf32, #tpu.memory_space<vmem_shared>> -> memref<278784xf32, #tpu.memory_space<vmem_shared>>
        tpu.wait_indirect_dma semaphore(%arg14 : memref<!tpu.dma_semaphore, #tpu.memory_space<semaphore_mem>>) src(%dma_wait3A_1394 : memref<128xf32, #tpu.memory_space<vmem>>) dst(%dma_wait3A_1399 : memref<278784xf32, #tpu.memory_space<vmem_shared>>)
        %dma_wait3A_1400 = arith.constant 1 : i32
        %dma_wait3A_1401 = arith.constant 12 : i32
        %dma_wait3A_1402 = arith.constant 1 : i32
        %dma_wait3A_1403 = arith.constant 12 : i32
        %dma_wait3A_1404 = arith.constant 0 : i32
        %dma_wait3A_1405 = tpu.memref_slice %arg10[%dma_wait3A_1400, %dma_wait3A_1401, %dma_wait3A_1404] : memref<2x25x128xf32, #tpu.memory_space<vmem>> -> memref<1x1x128xf32, #tpu.memory_space<vmem>>
        %dma_wait3A_1406 = tpu.memref_squeeze %dma_wait3A_1405 : memref<1x1x128xf32, #tpu.memory_space<vmem>> -> memref<128xf32, #tpu.memory_space<vmem>>
        %dma_wait3A_1407 = arith.constant 0 : i32
        %dma_wait3A_1408 = tpu.memref_slice %arg9[%dma_wait3A_1402, %dma_wait3A_1403, %dma_wait3A_1407] : memref<2x25x128xi32, #tpu.memory_space<vmem>> -> memref<1x1x128xi32, #tpu.memory_space<vmem>>
        %dma_wait3A_1409 = tpu.memref_squeeze %dma_wait3A_1408 : memref<1x1x128xi32, #tpu.memory_space<vmem>> -> memref<128xi32, #tpu.memory_space<vmem>>
        %dma_wait3A_1410 = arith.constant 0 : i32
        %dma_wait3A_1411 = tpu.memref_slice %arg12[%dma_wait3A_1410] : memref<278784xf32, #tpu.memory_space<vmem_shared>> -> memref<278784xf32, #tpu.memory_space<vmem_shared>>
        tpu.wait_indirect_dma semaphore(%arg14 : memref<!tpu.dma_semaphore, #tpu.memory_space<semaphore_mem>>) src(%dma_wait3A_1406 : memref<128xf32, #tpu.memory_space<vmem>>) dst(%dma_wait3A_1411 : memref<278784xf32, #tpu.memory_space<vmem_shared>>)
        %dma_wait3A_1412 = arith.constant 1 : i32
        %dma_wait3A_1413 = arith.constant 13 : i32
        %dma_wait3A_1414 = arith.constant 1 : i32
        %dma_wait3A_1415 = arith.constant 13 : i32
        %dma_wait3A_1416 = arith.constant 0 : i32
        %dma_wait3A_1417 = tpu.memref_slice %arg10[%dma_wait3A_1412, %dma_wait3A_1413, %dma_wait3A_1416] : memref<2x25x128xf32, #tpu.memory_space<vmem>> -> memref<1x1x128xf32, #tpu.memory_space<vmem>>
        %dma_wait3A_1418 = tpu.memref_squeeze %dma_wait3A_1417 : memref<1x1x128xf32, #tpu.memory_space<vmem>> -> memref<128xf32, #tpu.memory_space<vmem>>
        %dma_wait3A_1419 = arith.constant 0 : i32
        %dma_wait3A_1420 = tpu.memref_slice %arg9[%dma_wait3A_1414, %dma_wait3A_1415, %dma_wait3A_1419] : memref<2x25x128xi32, #tpu.memory_space<vmem>> -> memref<1x1x128xi32, #tpu.memory_space<vmem>>
        %dma_wait3A_1421 = tpu.memref_squeeze %dma_wait3A_1420 : memref<1x1x128xi32, #tpu.memory_space<vmem>> -> memref<128xi32, #tpu.memory_space<vmem>>
        %dma_wait3A_1422 = arith.constant 0 : i32
        %dma_wait3A_1423 = tpu.memref_slice %arg12[%dma_wait3A_1422] : memref<278784xf32, #tpu.memory_space<vmem_shared>> -> memref<278784xf32, #tpu.memory_space<vmem_shared>>
        tpu.wait_indirect_dma semaphore(%arg14 : memref<!tpu.dma_semaphore, #tpu.memory_space<semaphore_mem>>) src(%dma_wait3A_1418 : memref<128xf32, #tpu.memory_space<vmem>>) dst(%dma_wait3A_1423 : memref<278784xf32, #tpu.memory_space<vmem_shared>>)
        %dma_wait3A_1424 = arith.constant 1 : i32
        %dma_wait3A_1425 = arith.constant 14 : i32
        %dma_wait3A_1426 = arith.constant 1 : i32
        %dma_wait3A_1427 = arith.constant 14 : i32
        %dma_wait3A_1428 = arith.constant 0 : i32
        %dma_wait3A_1429 = tpu.memref_slice %arg10[%dma_wait3A_1424, %dma_wait3A_1425, %dma_wait3A_1428] : memref<2x25x128xf32, #tpu.memory_space<vmem>> -> memref<1x1x128xf32, #tpu.memory_space<vmem>>
        %dma_wait3A_1430 = tpu.memref_squeeze %dma_wait3A_1429 : memref<1x1x128xf32, #tpu.memory_space<vmem>> -> memref<128xf32, #tpu.memory_space<vmem>>
        %dma_wait3A_1431 = arith.constant 0 : i32
        %dma_wait3A_1432 = tpu.memref_slice %arg9[%dma_wait3A_1426, %dma_wait3A_1427, %dma_wait3A_1431] : memref<2x25x128xi32, #tpu.memory_space<vmem>> -> memref<1x1x128xi32, #tpu.memory_space<vmem>>
        %dma_wait3A_1433 = tpu.memref_squeeze %dma_wait3A_1432 : memref<1x1x128xi32, #tpu.memory_space<vmem>> -> memref<128xi32, #tpu.memory_space<vmem>>
        %dma_wait3A_1434 = arith.constant 0 : i32
        %dma_wait3A_1435 = tpu.memref_slice %arg12[%dma_wait3A_1434] : memref<278784xf32, #tpu.memory_space<vmem_shared>> -> memref<278784xf32, #tpu.memory_space<vmem_shared>>
        tpu.wait_indirect_dma semaphore(%arg14 : memref<!tpu.dma_semaphore, #tpu.memory_space<semaphore_mem>>) src(%dma_wait3A_1430 : memref<128xf32, #tpu.memory_space<vmem>>) dst(%dma_wait3A_1435 : memref<278784xf32, #tpu.memory_space<vmem_shared>>)
        %dma_wait3A_1436 = arith.constant 1 : i32
        %dma_wait3A_1437 = arith.constant 15 : i32
        %dma_wait3A_1438 = arith.constant 1 : i32
        %dma_wait3A_1439 = arith.constant 15 : i32
        %dma_wait3A_1440 = arith.constant 0 : i32
        %dma_wait3A_1441 = tpu.memref_slice %arg10[%dma_wait3A_1436, %dma_wait3A_1437, %dma_wait3A_1440] : memref<2x25x128xf32, #tpu.memory_space<vmem>> -> memref<1x1x128xf32, #tpu.memory_space<vmem>>
        %dma_wait3A_1442 = tpu.memref_squeeze %dma_wait3A_1441 : memref<1x1x128xf32, #tpu.memory_space<vmem>> -> memref<128xf32, #tpu.memory_space<vmem>>
        %dma_wait3A_1443 = arith.constant 0 : i32
        %dma_wait3A_1444 = tpu.memref_slice %arg9[%dma_wait3A_1438, %dma_wait3A_1439, %dma_wait3A_1443] : memref<2x25x128xi32, #tpu.memory_space<vmem>> -> memref<1x1x128xi32, #tpu.memory_space<vmem>>
        %dma_wait3A_1445 = tpu.memref_squeeze %dma_wait3A_1444 : memref<1x1x128xi32, #tpu.memory_space<vmem>> -> memref<128xi32, #tpu.memory_space<vmem>>
        %dma_wait3A_1446 = arith.constant 0 : i32
        %dma_wait3A_1447 = tpu.memref_slice %arg12[%dma_wait3A_1446] : memref<278784xf32, #tpu.memory_space<vmem_shared>> -> memref<278784xf32, #tpu.memory_space<vmem_shared>>
        tpu.wait_indirect_dma semaphore(%arg14 : memref<!tpu.dma_semaphore, #tpu.memory_space<semaphore_mem>>) src(%dma_wait3A_1442 : memref<128xf32, #tpu.memory_space<vmem>>) dst(%dma_wait3A_1447 : memref<278784xf32, #tpu.memory_space<vmem_shared>>)
        %dma_wait3A_1448 = arith.constant 1 : i32
        %dma_wait3A_1449 = arith.constant 16 : i32
        %dma_wait3A_1450 = arith.constant 1 : i32
        %dma_wait3A_1451 = arith.constant 16 : i32
        %dma_wait3A_1452 = arith.constant 0 : i32
        %dma_wait3A_1453 = tpu.memref_slice %arg10[%dma_wait3A_1448, %dma_wait3A_1449, %dma_wait3A_1452] : memref<2x25x128xf32, #tpu.memory_space<vmem>> -> memref<1x1x128xf32, #tpu.memory_space<vmem>>
        %dma_wait3A_1454 = tpu.memref_squeeze %dma_wait3A_1453 : memref<1x1x128xf32, #tpu.memory_space<vmem>> -> memref<128xf32, #tpu.memory_space<vmem>>
        %dma_wait3A_1455 = arith.constant 0 : i32
        %dma_wait3A_1456 = tpu.memref_slice %arg9[%dma_wait3A_1450, %dma_wait3A_1451, %dma_wait3A_1455] : memref<2x25x128xi32, #tpu.memory_space<vmem>> -> memref<1x1x128xi32, #tpu.memory_space<vmem>>
        %dma_wait3A_1457 = tpu.memref_squeeze %dma_wait3A_1456 : memref<1x1x128xi32, #tpu.memory_space<vmem>> -> memref<128xi32, #tpu.memory_space<vmem>>
        %dma_wait3A_1458 = arith.constant 0 : i32
        %dma_wait3A_1459 = tpu.memref_slice %arg12[%dma_wait3A_1458] : memref<278784xf32, #tpu.memory_space<vmem_shared>> -> memref<278784xf32, #tpu.memory_space<vmem_shared>>
        tpu.wait_indirect_dma semaphore(%arg14 : memref<!tpu.dma_semaphore, #tpu.memory_space<semaphore_mem>>) src(%dma_wait3A_1454 : memref<128xf32, #tpu.memory_space<vmem>>) dst(%dma_wait3A_1459 : memref<278784xf32, #tpu.memory_space<vmem_shared>>)
        %dma_wait3A_1460 = arith.constant 1 : i32
        %dma_wait3A_1461 = arith.constant 17 : i32
        %dma_wait3A_1462 = arith.constant 1 : i32
        %dma_wait3A_1463 = arith.constant 17 : i32
        %dma_wait3A_1464 = arith.constant 0 : i32
        %dma_wait3A_1465 = tpu.memref_slice %arg10[%dma_wait3A_1460, %dma_wait3A_1461, %dma_wait3A_1464] : memref<2x25x128xf32, #tpu.memory_space<vmem>> -> memref<1x1x128xf32, #tpu.memory_space<vmem>>
        %dma_wait3A_1466 = tpu.memref_squeeze %dma_wait3A_1465 : memref<1x1x128xf32, #tpu.memory_space<vmem>> -> memref<128xf32, #tpu.memory_space<vmem>>
        %dma_wait3A_1467 = arith.constant 0 : i32
        %dma_wait3A_1468 = tpu.memref_slice %arg9[%dma_wait3A_1462, %dma_wait3A_1463, %dma_wait3A_1467] : memref<2x25x128xi32, #tpu.memory_space<vmem>> -> memref<1x1x128xi32, #tpu.memory_space<vmem>>
        %dma_wait3A_1469 = tpu.memref_squeeze %dma_wait3A_1468 : memref<1x1x128xi32, #tpu.memory_space<vmem>> -> memref<128xi32, #tpu.memory_space<vmem>>
        %dma_wait3A_1470 = arith.constant 0 : i32
        %dma_wait3A_1471 = tpu.memref_slice %arg12[%dma_wait3A_1470] : memref<278784xf32, #tpu.memory_space<vmem_shared>> -> memref<278784xf32, #tpu.memory_space<vmem_shared>>
        tpu.wait_indirect_dma semaphore(%arg14 : memref<!tpu.dma_semaphore, #tpu.memory_space<semaphore_mem>>) src(%dma_wait3A_1466 : memref<128xf32, #tpu.memory_space<vmem>>) dst(%dma_wait3A_1471 : memref<278784xf32, #tpu.memory_space<vmem_shared>>)
        %dma_wait3A_1472 = arith.constant 1 : i32
        %dma_wait3A_1473 = arith.constant 18 : i32
        %dma_wait3A_1474 = arith.constant 1 : i32
        %dma_wait3A_1475 = arith.constant 18 : i32
        %dma_wait3A_1476 = arith.constant 0 : i32
        %dma_wait3A_1477 = tpu.memref_slice %arg10[%dma_wait3A_1472, %dma_wait3A_1473, %dma_wait3A_1476] : memref<2x25x128xf32, #tpu.memory_space<vmem>> -> memref<1x1x128xf32, #tpu.memory_space<vmem>>
        %dma_wait3A_1478 = tpu.memref_squeeze %dma_wait3A_1477 : memref<1x1x128xf32, #tpu.memory_space<vmem>> -> memref<128xf32, #tpu.memory_space<vmem>>
        %dma_wait3A_1479 = arith.constant 0 : i32
        %dma_wait3A_1480 = tpu.memref_slice %arg9[%dma_wait3A_1474, %dma_wait3A_1475, %dma_wait3A_1479] : memref<2x25x128xi32, #tpu.memory_space<vmem>> -> memref<1x1x128xi32, #tpu.memory_space<vmem>>
        %dma_wait3A_1481 = tpu.memref_squeeze %dma_wait3A_1480 : memref<1x1x128xi32, #tpu.memory_space<vmem>> -> memref<128xi32, #tpu.memory_space<vmem>>
        %dma_wait3A_1482 = arith.constant 0 : i32
        %dma_wait3A_1483 = tpu.memref_slice %arg12[%dma_wait3A_1482] : memref<278784xf32, #tpu.memory_space<vmem_shared>> -> memref<278784xf32, #tpu.memory_space<vmem_shared>>
        tpu.wait_indirect_dma semaphore(%arg14 : memref<!tpu.dma_semaphore, #tpu.memory_space<semaphore_mem>>) src(%dma_wait3A_1478 : memref<128xf32, #tpu.memory_space<vmem>>) dst(%dma_wait3A_1483 : memref<278784xf32, #tpu.memory_space<vmem_shared>>)
        %dma_wait3A_1484 = arith.constant 1 : i32
        %dma_wait3A_1485 = arith.constant 19 : i32
        %dma_wait3A_1486 = arith.constant 1 : i32
        %dma_wait3A_1487 = arith.constant 19 : i32
        %dma_wait3A_1488 = arith.constant 0 : i32
        %dma_wait3A_1489 = tpu.memref_slice %arg10[%dma_wait3A_1484, %dma_wait3A_1485, %dma_wait3A_1488] : memref<2x25x128xf32, #tpu.memory_space<vmem>> -> memref<1x1x128xf32, #tpu.memory_space<vmem>>
        %dma_wait3A_1490 = tpu.memref_squeeze %dma_wait3A_1489 : memref<1x1x128xf32, #tpu.memory_space<vmem>> -> memref<128xf32, #tpu.memory_space<vmem>>
        %dma_wait3A_1491 = arith.constant 0 : i32
        %dma_wait3A_1492 = tpu.memref_slice %arg9[%dma_wait3A_1486, %dma_wait3A_1487, %dma_wait3A_1491] : memref<2x25x128xi32, #tpu.memory_space<vmem>> -> memref<1x1x128xi32, #tpu.memory_space<vmem>>
        %dma_wait3A_1493 = tpu.memref_squeeze %dma_wait3A_1492 : memref<1x1x128xi32, #tpu.memory_space<vmem>> -> memref<128xi32, #tpu.memory_space<vmem>>
        %dma_wait3A_1494 = arith.constant 0 : i32
        %dma_wait3A_1495 = tpu.memref_slice %arg12[%dma_wait3A_1494] : memref<278784xf32, #tpu.memory_space<vmem_shared>> -> memref<278784xf32, #tpu.memory_space<vmem_shared>>
        tpu.wait_indirect_dma semaphore(%arg14 : memref<!tpu.dma_semaphore, #tpu.memory_space<semaphore_mem>>) src(%dma_wait3A_1490 : memref<128xf32, #tpu.memory_space<vmem>>) dst(%dma_wait3A_1495 : memref<278784xf32, #tpu.memory_space<vmem_shared>>)
        %dma_wait3A_1496 = arith.constant 1 : i32
        %dma_wait3A_1497 = arith.constant 20 : i32
        %dma_wait3A_1498 = arith.constant 1 : i32
        %dma_wait3A_1499 = arith.constant 20 : i32
        %dma_wait3A_1500 = arith.constant 0 : i32
        %dma_wait3A_1501 = tpu.memref_slice %arg10[%dma_wait3A_1496, %dma_wait3A_1497, %dma_wait3A_1500] : memref<2x25x128xf32, #tpu.memory_space<vmem>> -> memref<1x1x128xf32, #tpu.memory_space<vmem>>
        %dma_wait3A_1502 = tpu.memref_squeeze %dma_wait3A_1501 : memref<1x1x128xf32, #tpu.memory_space<vmem>> -> memref<128xf32, #tpu.memory_space<vmem>>
        %dma_wait3A_1503 = arith.constant 0 : i32
        %dma_wait3A_1504 = tpu.memref_slice %arg9[%dma_wait3A_1498, %dma_wait3A_1499, %dma_wait3A_1503] : memref<2x25x128xi32, #tpu.memory_space<vmem>> -> memref<1x1x128xi32, #tpu.memory_space<vmem>>
        %dma_wait3A_1505 = tpu.memref_squeeze %dma_wait3A_1504 : memref<1x1x128xi32, #tpu.memory_space<vmem>> -> memref<128xi32, #tpu.memory_space<vmem>>
        %dma_wait3A_1506 = arith.constant 0 : i32
        %dma_wait3A_1507 = tpu.memref_slice %arg12[%dma_wait3A_1506] : memref<278784xf32, #tpu.memory_space<vmem_shared>> -> memref<278784xf32, #tpu.memory_space<vmem_shared>>
        tpu.wait_indirect_dma semaphore(%arg14 : memref<!tpu.dma_semaphore, #tpu.memory_space<semaphore_mem>>) src(%dma_wait3A_1502 : memref<128xf32, #tpu.memory_space<vmem>>) dst(%dma_wait3A_1507 : memref<278784xf32, #tpu.memory_space<vmem_shared>>)
        %dma_wait3A_1508 = arith.constant 1 : i32
        %dma_wait3A_1509 = arith.constant 21 : i32
        %dma_wait3A_1510 = arith.constant 1 : i32
        %dma_wait3A_1511 = arith.constant 21 : i32
        %dma_wait3A_1512 = arith.constant 0 : i32
        %dma_wait3A_1513 = tpu.memref_slice %arg10[%dma_wait3A_1508, %dma_wait3A_1509, %dma_wait3A_1512] : memref<2x25x128xf32, #tpu.memory_space<vmem>> -> memref<1x1x128xf32, #tpu.memory_space<vmem>>
        %dma_wait3A_1514 = tpu.memref_squeeze %dma_wait3A_1513 : memref<1x1x128xf32, #tpu.memory_space<vmem>> -> memref<128xf32, #tpu.memory_space<vmem>>
        %dma_wait3A_1515 = arith.constant 0 : i32
        %dma_wait3A_1516 = tpu.memref_slice %arg9[%dma_wait3A_1510, %dma_wait3A_1511, %dma_wait3A_1515] : memref<2x25x128xi32, #tpu.memory_space<vmem>> -> memref<1x1x128xi32, #tpu.memory_space<vmem>>
        %dma_wait3A_1517 = tpu.memref_squeeze %dma_wait3A_1516 : memref<1x1x128xi32, #tpu.memory_space<vmem>> -> memref<128xi32, #tpu.memory_space<vmem>>
        %dma_wait3A_1518 = arith.constant 0 : i32
        %dma_wait3A_1519 = tpu.memref_slice %arg12[%dma_wait3A_1518] : memref<278784xf32, #tpu.memory_space<vmem_shared>> -> memref<278784xf32, #tpu.memory_space<vmem_shared>>
        tpu.wait_indirect_dma semaphore(%arg14 : memref<!tpu.dma_semaphore, #tpu.memory_space<semaphore_mem>>) src(%dma_wait3A_1514 : memref<128xf32, #tpu.memory_space<vmem>>) dst(%dma_wait3A_1519 : memref<278784xf32, #tpu.memory_space<vmem_shared>>)
        %dma_wait3A_1520 = arith.constant 1 : i32
        %dma_wait3A_1521 = arith.constant 22 : i32
        %dma_wait3A_1522 = arith.constant 1 : i32
        %dma_wait3A_1523 = arith.constant 22 : i32
        %dma_wait3A_1524 = arith.constant 0 : i32
        %dma_wait3A_1525 = tpu.memref_slice %arg10[%dma_wait3A_1520, %dma_wait3A_1521, %dma_wait3A_1524] : memref<2x25x128xf32, #tpu.memory_space<vmem>> -> memref<1x1x128xf32, #tpu.memory_space<vmem>>
        %dma_wait3A_1526 = tpu.memref_squeeze %dma_wait3A_1525 : memref<1x1x128xf32, #tpu.memory_space<vmem>> -> memref<128xf32, #tpu.memory_space<vmem>>
        %dma_wait3A_1527 = arith.constant 0 : i32
        %dma_wait3A_1528 = tpu.memref_slice %arg9[%dma_wait3A_1522, %dma_wait3A_1523, %dma_wait3A_1527] : memref<2x25x128xi32, #tpu.memory_space<vmem>> -> memref<1x1x128xi32, #tpu.memory_space<vmem>>
        %dma_wait3A_1529 = tpu.memref_squeeze %dma_wait3A_1528 : memref<1x1x128xi32, #tpu.memory_space<vmem>> -> memref<128xi32, #tpu.memory_space<vmem>>
        %dma_wait3A_1530 = arith.constant 0 : i32
        %dma_wait3A_1531 = tpu.memref_slice %arg12[%dma_wait3A_1530] : memref<278784xf32, #tpu.memory_space<vmem_shared>> -> memref<278784xf32, #tpu.memory_space<vmem_shared>>
        tpu.wait_indirect_dma semaphore(%arg14 : memref<!tpu.dma_semaphore, #tpu.memory_space<semaphore_mem>>) src(%dma_wait3A_1526 : memref<128xf32, #tpu.memory_space<vmem>>) dst(%dma_wait3A_1531 : memref<278784xf32, #tpu.memory_space<vmem_shared>>)
        %dma_wait3A_1532 = arith.constant 1 : i32
        %dma_wait3A_1533 = arith.constant 23 : i32
        %dma_wait3A_1534 = arith.constant 1 : i32
        %dma_wait3A_1535 = arith.constant 23 : i32
        %dma_wait3A_1536 = arith.constant 0 : i32
        %dma_wait3A_1537 = tpu.memref_slice %arg10[%dma_wait3A_1532, %dma_wait3A_1533, %dma_wait3A_1536] : memref<2x25x128xf32, #tpu.memory_space<vmem>> -> memref<1x1x128xf32, #tpu.memory_space<vmem>>
        %dma_wait3A_1538 = tpu.memref_squeeze %dma_wait3A_1537 : memref<1x1x128xf32, #tpu.memory_space<vmem>> -> memref<128xf32, #tpu.memory_space<vmem>>
        %dma_wait3A_1539 = arith.constant 0 : i32
        %dma_wait3A_1540 = tpu.memref_slice %arg9[%dma_wait3A_1534, %dma_wait3A_1535, %dma_wait3A_1539] : memref<2x25x128xi32, #tpu.memory_space<vmem>> -> memref<1x1x128xi32, #tpu.memory_space<vmem>>
        %dma_wait3A_1541 = tpu.memref_squeeze %dma_wait3A_1540 : memref<1x1x128xi32, #tpu.memory_space<vmem>> -> memref<128xi32, #tpu.memory_space<vmem>>
        %dma_wait3A_1542 = arith.constant 0 : i32
        %dma_wait3A_1543 = tpu.memref_slice %arg12[%dma_wait3A_1542] : memref<278784xf32, #tpu.memory_space<vmem_shared>> -> memref<278784xf32, #tpu.memory_space<vmem_shared>>
        tpu.wait_indirect_dma semaphore(%arg14 : memref<!tpu.dma_semaphore, #tpu.memory_space<semaphore_mem>>) src(%dma_wait3A_1538 : memref<128xf32, #tpu.memory_space<vmem>>) dst(%dma_wait3A_1543 : memref<278784xf32, #tpu.memory_space<vmem_shared>>)
        %dma_wait3A_1544 = arith.constant 1 : i32
        %dma_wait3A_1545 = arith.constant 24 : i32
        %dma_wait3A_1546 = arith.constant 1 : i32
        %dma_wait3A_1547 = arith.constant 24 : i32
        %dma_wait3A_1548 = arith.constant 0 : i32
        %dma_wait3A_1549 = tpu.memref_slice %arg10[%dma_wait3A_1544, %dma_wait3A_1545, %dma_wait3A_1548] : memref<2x25x128xf32, #tpu.memory_space<vmem>> -> memref<1x1x128xf32, #tpu.memory_space<vmem>>
        %dma_wait3A_1550 = tpu.memref_squeeze %dma_wait3A_1549 : memref<1x1x128xf32, #tpu.memory_space<vmem>> -> memref<128xf32, #tpu.memory_space<vmem>>
        %dma_wait3A_1551 = arith.constant 0 : i32
        %dma_wait3A_1552 = tpu.memref_slice %arg9[%dma_wait3A_1546, %dma_wait3A_1547, %dma_wait3A_1551] : memref<2x25x128xi32, #tpu.memory_space<vmem>> -> memref<1x1x128xi32, #tpu.memory_space<vmem>>
        %dma_wait3A_1553 = tpu.memref_squeeze %dma_wait3A_1552 : memref<1x1x128xi32, #tpu.memory_space<vmem>> -> memref<128xi32, #tpu.memory_space<vmem>>
        %dma_wait3A_1554 = arith.constant 0 : i32
        %dma_wait3A_1555 = tpu.memref_slice %arg12[%dma_wait3A_1554] : memref<278784xf32, #tpu.memory_space<vmem_shared>> -> memref<278784xf32, #tpu.memory_space<vmem_shared>>
        tpu.wait_indirect_dma semaphore(%arg14 : memref<!tpu.dma_semaphore, #tpu.memory_space<semaphore_mem>>) src(%dma_wait3A_1550 : memref<128xf32, #tpu.memory_space<vmem>>) dst(%dma_wait3A_1555 : memref<278784xf32, #tpu.memory_space<vmem_shared>>)
      } else {
      }
      %mul3A_946 = arith.constant 2 : i32
      %mul3A_947 = arith.muli %mul3A_946, %scan3A_631 : i32
      %add3A_948 = arith.constant 1 : i32
      %add3A_949 = arith.addi %mul3A_947, %add3A_948 : i32
      %scan3A_950 = arith.constant 0 : i32
      %scan3A_951 = arith.constant 0 : i32
      %scan3A_952 = arith.constant 8 : i32
      %scan3A_953 = arith.addi %scan3A_951, %scan3A_952 : i32
      %scan3A_954 = arith.constant 1 : i32
      scf.for %scan3A_1256 = %scan3A_951 to %scan3A_953 step %scan3A_954  : i32 {
        %mul3A_1257 = arith.constant 128 : i32
        %mul3A_1258 = arith.muli %add3A_949, %mul3A_1257 : i32
        %mul3A_1259 = arith.constant 16 : i32
        %mul3A_1260 = arith.muli %scan3A_1256, %mul3A_1259 : i32
        %add3A_1261 = arith.addi %mul3A_1258, %mul3A_1260 : i32
        %get3A = arith.index_cast %add3A_1261 : i32 to index
        %get3A_1262 = tpu.vector_load %arg6[%get3A] {strides = array<i32>} : memref<16384xf32, #tpu.memory_space<vmem>>, vector<16xf32>,
        %get3A_1263 = vector.shape_cast %get3A_1262 : vector<16xf32> to vector<16xf32>
        %get3A_1264 = arith.index_cast %add3A_1261 : i32 to index
        %get3A_1265 = tpu.vector_load %arg7[%get3A_1264] {strides = array<i32>} : memref<16384xf32, #tpu.memory_space<vmem>>, vector<16xf32>,
        %get3A_1266 = vector.shape_cast %get3A_1265 : vector<16xf32> to vector<16xf32>
        %get3A_1267 = arith.index_cast %add3A_1261 : i32 to index
        %get3A_1268 = tpu.vector_load %arg8[%get3A_1267] {strides = array<i32>} : memref<16384xf32, #tpu.memory_space<vmem>>, vector<16xf32>,
        %get3A_1269 = vector.shape_cast %get3A_1268 : vector<16xf32> to vector<16xf32>
        %add3A_1270 = arith.constant 1.000000e+00 : f32
        %add3A_1271 = vector.broadcast %add3A_1270 : f32 to vector<16xf32>
        %add3A_1272 = arith.addf %get3A_1263, %add3A_1271 : vector<16xf32>
        %mul3A_1273 = arith.constant 5.120000e+02 : f32
        %mul3A_1274 = vector.broadcast %mul3A_1273 : f32 to vector<16xf32>
        %mul3A_1275 = arith.mulf %add3A_1272, %mul3A_1274 : vector<16xf32>
        %add3A_1276 = arith.constant 1.000000e+00 : f32
        %add3A_1277 = vector.broadcast %add3A_1276 : f32 to vector<16xf32>
        %add3A_1278 = arith.addf %get3A_1266, %add3A_1277 : vector<16xf32>
        %mul3A_1279 = arith.constant 5.120000e+02 : f32
        %mul3A_1280 = vector.broadcast %mul3A_1279 : f32 to vector<16xf32>
        %mul3A_1281 = arith.mulf %add3A_1278, %mul3A_1280 : vector<16xf32>
        %convert_element_type3A_1282 = arith.fptosi %mul3A_1275 : vector<16xf32> to vector<16xi32>
        %convert_element_type3A_1283 = arith.fptosi %mul3A_1281 : vector<16xf32> to vector<16xi32>
        %convert_element_type3A_1284 = arith.sitofp %convert_element_type3A_1282 : vector<16xi32> to vector<16xf32>
        %sub3A = arith.subf %mul3A_1275, %convert_element_type3A_1284 : vector<16xf32>
        %convert_element_type3A_1285 = arith.sitofp %convert_element_type3A_1283 : vector<16xi32> to vector<16xf32>
        %sub3A_1286 = arith.subf %mul3A_1281, %convert_element_type3A_1285 : vector<16xf32>
        %sub3A_1287 = arith.constant -2.000000e+00 : f32
        %sub3A_1288 = vector.broadcast %sub3A_1287 : f32 to vector<16xf32>
        %sub3A_1289 = arith.subf %sub3A, %sub3A_1288 : vector<16xf32>
        %mul3A_1290 = arith.constant -2.000000e+00 : f32
        %mul3A_1291 = vector.broadcast %mul3A_1290 : f32 to vector<16xf32>
        %mul3A_1292 = arith.mulf %mul3A_1291, %sub3A_1289 : vector<16xf32>
        %sub3A_1293 = arith.constant -2.000000e+00 : f32
        %sub3A_1294 = vector.broadcast %sub3A_1293 : f32 to vector<16xf32>
        %sub3A_1295 = arith.subf %sub3A, %sub3A_1294 : vector<16xf32>
        %mul3A_1296 = arith.mulf %mul3A_1292, %sub3A_1295 : vector<16xf32>
        %exp3A = math.exp %mul3A_1296 : vector<16xf32>
        %sub3A_1297 = arith.constant -1.000000e+00 : f32
        %sub3A_1298 = vector.broadcast %sub3A_1297 : f32 to vector<16xf32>
        %sub3A_1299 = arith.subf %sub3A, %sub3A_1298 : vector<16xf32>
        %mul3A_1300 = arith.constant -2.000000e+00 : f32
        %mul3A_1301 = vector.broadcast %mul3A_1300 : f32 to vector<16xf32>
        %mul3A_1302 = arith.mulf %mul3A_1301, %sub3A_1299 : vector<16xf32>
        %sub3A_1303 = arith.constant -1.000000e+00 : f32
        %sub3A_1304 = vector.broadcast %sub3A_1303 : f32 to vector<16xf32>
        %sub3A_1305 = arith.subf %sub3A, %sub3A_1304 : vector<16xf32>
        %mul3A_1306 = arith.mulf %mul3A_1302, %sub3A_1305 : vector<16xf32>
        %exp3A_1307 = math.exp %mul3A_1306 : vector<16xf32>
        %sub3A_1308 = arith.constant 0.000000e+00 : f32
        %sub3A_1309 = vector.broadcast %sub3A_1308 : f32 to vector<16xf32>
        %sub3A_1310 = arith.subf %sub3A, %sub3A_1309 : vector<16xf32>
        %mul3A_1311 = arith.constant -2.000000e+00 : f32
        %mul3A_1312 = vector.broadcast %mul3A_1311 : f32 to vector<16xf32>
        %mul3A_1313 = arith.mulf %mul3A_1312, %sub3A_1310 : vector<16xf32>
        %sub3A_1314 = arith.constant 0.000000e+00 : f32
        %sub3A_1315 = vector.broadcast %sub3A_1314 : f32 to vector<16xf32>
        %sub3A_1316 = arith.subf %sub3A, %sub3A_1315 : vector<16xf32>
        %mul3A_1317 = arith.mulf %mul3A_1313, %sub3A_1316 : vector<16xf32>
        %exp3A_1318 = math.exp %mul3A_1317 : vector<16xf32>
        %sub3A_1319 = arith.constant 1.000000e+00 : f32
        %sub3A_1320 = vector.broadcast %sub3A_1319 : f32 to vector<16xf32>
        %sub3A_1321 = arith.subf %sub3A, %sub3A_1320 : vector<16xf32>
        %mul3A_1322 = arith.constant -2.000000e+00 : f32
        %mul3A_1323 = vector.broadcast %mul3A_1322 : f32 to vector<16xf32>
        %mul3A_1324 = arith.mulf %mul3A_1323, %sub3A_1321 : vector<16xf32>
        %sub3A_1325 = arith.constant 1.000000e+00 : f32
        %sub3A_1326 = vector.broadcast %sub3A_1325 : f32 to vector<16xf32>
        %sub3A_1327 = arith.subf %sub3A, %sub3A_1326 : vector<16xf32>
        %mul3A_1328 = arith.mulf %mul3A_1324, %sub3A_1327 : vector<16xf32>
        %exp3A_1329 = math.exp %mul3A_1328 : vector<16xf32>
        %sub3A_1330 = arith.constant 2.000000e+00 : f32
        %sub3A_1331 = vector.broadcast %sub3A_1330 : f32 to vector<16xf32>
        %sub3A_1332 = arith.subf %sub3A, %sub3A_1331 : vector<16xf32>
        %mul3A_1333 = arith.constant -2.000000e+00 : f32
        %mul3A_1334 = vector.broadcast %mul3A_1333 : f32 to vector<16xf32>
        %mul3A_1335 = arith.mulf %mul3A_1334, %sub3A_1332 : vector<16xf32>
        %sub3A_1336 = arith.constant 2.000000e+00 : f32
        %sub3A_1337 = vector.broadcast %sub3A_1336 : f32 to vector<16xf32>
        %sub3A_1338 = arith.subf %sub3A, %sub3A_1337 : vector<16xf32>
        %mul3A_1339 = arith.mulf %mul3A_1335, %sub3A_1338 : vector<16xf32>
        %exp3A_1340 = math.exp %mul3A_1339 : vector<16xf32>
        %sub3A_1341 = arith.constant -2.000000e+00 : f32
        %sub3A_1342 = vector.broadcast %sub3A_1341 : f32 to vector<16xf32>
        %sub3A_1343 = arith.subf %sub3A_1286, %sub3A_1342 : vector<16xf32>
        %mul3A_1344 = arith.constant -2.000000e+00 : f32
        %mul3A_1345 = vector.broadcast %mul3A_1344 : f32 to vector<16xf32>
        %mul3A_1346 = arith.mulf %mul3A_1345, %sub3A_1343 : vector<16xf32>
        %sub3A_1347 = arith.constant -2.000000e+00 : f32
        %sub3A_1348 = vector.broadcast %sub3A_1347 : f32 to vector<16xf32>
        %sub3A_1349 = arith.subf %sub3A_1286, %sub3A_1348 : vector<16xf32>
        %mul3A_1350 = arith.mulf %mul3A_1346, %sub3A_1349 : vector<16xf32>
        %exp3A_1351 = math.exp %mul3A_1350 : vector<16xf32>
        %sub3A_1352 = arith.constant -1.000000e+00 : f32
        %sub3A_1353 = vector.broadcast %sub3A_1352 : f32 to vector<16xf32>
        %sub3A_1354 = arith.subf %sub3A_1286, %sub3A_1353 : vector<16xf32>
        %mul3A_1355 = arith.constant -2.000000e+00 : f32
        %mul3A_1356 = vector.broadcast %mul3A_1355 : f32 to vector<16xf32>
        %mul3A_1357 = arith.mulf %mul3A_1356, %sub3A_1354 : vector<16xf32>
        %sub3A_1358 = arith.constant -1.000000e+00 : f32
        %sub3A_1359 = vector.broadcast %sub3A_1358 : f32 to vector<16xf32>
        %sub3A_1360 = arith.subf %sub3A_1286, %sub3A_1359 : vector<16xf32>
        %mul3A_1361 = arith.mulf %mul3A_1357, %sub3A_1360 : vector<16xf32>
        %exp3A_1362 = math.exp %mul3A_1361 : vector<16xf32>
        %sub3A_1363 = arith.constant 0.000000e+00 : f32
        %sub3A_1364 = vector.broadcast %sub3A_1363 : f32 to vector<16xf32>
        %sub3A_1365 = arith.subf %sub3A_1286, %sub3A_1364 : vector<16xf32>
        %mul3A_1366 = arith.constant -2.000000e+00 : f32
        %mul3A_1367 = vector.broadcast %mul3A_1366 : f32 to vector<16xf32>
        %mul3A_1368 = arith.mulf %mul3A_1367, %sub3A_1365 : vector<16xf32>
        %sub3A_1369 = arith.constant 0.000000e+00 : f32
        %sub3A_1370 = vector.broadcast %sub3A_1369 : f32 to vector<16xf32>
        %sub3A_1371 = arith.subf %sub3A_1286, %sub3A_1370 : vector<16xf32>
        %mul3A_1372 = arith.mulf %mul3A_1368, %sub3A_1371 : vector<16xf32>
        %exp3A_1373 = math.exp %mul3A_1372 : vector<16xf32>
        %sub3A_1374 = arith.constant 1.000000e+00 : f32
        %sub3A_1375 = vector.broadcast %sub3A_1374 : f32 to vector<16xf32>
        %sub3A_1376 = arith.subf %sub3A_1286, %sub3A_1375 : vector<16xf32>
        %mul3A_1377 = arith.constant -2.000000e+00 : f32
        %mul3A_1378 = vector.broadcast %mul3A_1377 : f32 to vector<16xf32>
        %mul3A_1379 = arith.mulf %mul3A_1378, %sub3A_1376 : vector<16xf32>
        %sub3A_1380 = arith.constant 1.000000e+00 : f32
        %sub3A_1381 = vector.broadcast %sub3A_1380 : f32 to vector<16xf32>
        %sub3A_1382 = arith.subf %sub3A_1286, %sub3A_1381 : vector<16xf32>
        %mul3A_1383 = arith.mulf %mul3A_1379, %sub3A_1382 : vector<16xf32>
        %exp3A_1384 = math.exp %mul3A_1383 : vector<16xf32>
        %sub3A_1385 = arith.constant 2.000000e+00 : f32
        %sub3A_1386 = vector.broadcast %sub3A_1385 : f32 to vector<16xf32>
        %sub3A_1387 = arith.subf %sub3A_1286, %sub3A_1386 : vector<16xf32>
        %mul3A_1388 = arith.constant -2.000000e+00 : f32
        %mul3A_1389 = vector.broadcast %mul3A_1388 : f32 to vector<16xf32>
        %mul3A_1390 = arith.mulf %mul3A_1389, %sub3A_1387 : vector<16xf32>
        %sub3A_1391 = arith.constant 2.000000e+00 : f32
        %sub3A_1392 = vector.broadcast %sub3A_1391 : f32 to vector<16xf32>
        %sub3A_1393 = arith.subf %sub3A_1286, %sub3A_1392 : vector<16xf32>
        %mul3A_1394 = arith.mulf %mul3A_1390, %sub3A_1393 : vector<16xf32>
        %exp3A_1395 = math.exp %mul3A_1394 : vector<16xf32>
        %add3A_1396 = arith.addf %exp3A, %exp3A_1307 : vector<16xf32>
        %add3A_1397 = arith.addf %exp3A_1318, %exp3A_1329 : vector<16xf32>
        %add3A_1398 = arith.addf %add3A_1396, %add3A_1397 : vector<16xf32>
        %add3A_1399 = arith.addf %add3A_1398, %exp3A_1340 : vector<16xf32>
        %add3A_1400 = arith.addf %exp3A_1351, %exp3A_1362 : vector<16xf32>
        %add3A_1401 = arith.addf %exp3A_1373, %exp3A_1384 : vector<16xf32>
        %add3A_1402 = arith.addf %add3A_1400, %add3A_1401 : vector<16xf32>
        %add3A_1403 = arith.addf %add3A_1402, %exp3A_1395 : vector<16xf32>
        %mul3A_1404 = arith.mulf %add3A_1399, %add3A_1403 : vector<16xf32>
        %div3A = arith.divf %get3A_1269, %mul3A_1404 : vector<16xf32>
        %mul3A_1405 = arith.constant 528 : i32
        %mul3A_1406 = vector.broadcast %mul3A_1405 : i32 to vector<16xi32>
        %mul3A_1407 = arith.muli %convert_element_type3A_1283, %mul3A_1406 : vector<16xi32>
        %add3A_1408 = arith.addi %mul3A_1407, %convert_element_type3A_1282 : vector<16xi32>
        %sub3A_1409 = arith.constant 267674 : i32
        %sub3A_1410 = vector.broadcast %sub3A_1409 : i32 to vector<16xi32>
        %sub3A_1411 = arith.subi %add3A_1408, %sub3A_1410 : vector<16xi32>
        %mul3A_1412 = arith.mulf %exp3A_1351, %div3A : vector<16xf32>
        %add3A_1413 = arith.constant 0 : i32
        %add3A_1414 = vector.broadcast %add3A_1413 : i32 to vector<16xi32>
        %add3A_1415 = arith.addi %sub3A_1411, %add3A_1414 : vector<16xi32>
        %mul3A_1416 = arith.constant 16 : i32
        %mul3A_1417 = arith.muli %scan3A_1256, %mul3A_1416 : i32
        %swap3A_1418 = arith.constant 1 : i32
        %swap3A_1419 = arith.constant 0 : i32
        %swap3A_1420 = arith.index_cast %swap3A_1418 : i32 to index
        %swap3A_1421 = arith.index_cast %swap3A_1419 : i32 to index
        %swap3A_1422 = arith.index_cast %mul3A_1417 : i32 to index
        %swap3A_1423 = tpu.vector_load %arg9[%swap3A_1420, %swap3A_1421, %swap3A_1422] {strides = array<i32>} : memref<2x25x128xi32, #tpu.memory_space<vmem>>, vector<1x1x16xi32>,
        %swap3A_1424 = vector.shape_cast %swap3A_1423 : vector<1x1x16xi32> to vector<16xi32>
        %swap3A_1425 = vector.shape_cast %add3A_1415 : vector<16xi32> to vector<1x1x16xi32>
        tpu.vector_store %arg9[%swap3A_1420, %swap3A_1421, %swap3A_1422], %swap3A_1425 {strides = array<i32>} : memref<2x25x128xi32, #tpu.memory_space<vmem>>, vector<1x1x16xi32>,
        %mul3A_1426 = arith.mulf %exp3A, %mul3A_1412 : vector<16xf32>
        %mul3A_1427 = arith.constant 16 : i32
        %mul3A_1428 = arith.muli %scan3A_1256, %mul3A_1427 : i32
        %swap3A_1429 = arith.constant 1 : i32
        %swap3A_1430 = arith.constant 0 : i32
        %swap3A_1431 = arith.index_cast %swap3A_1429 : i32 to index
        %swap3A_1432 = arith.index_cast %swap3A_1430 : i32 to index
        %swap3A_1433 = arith.index_cast %mul3A_1428 : i32 to index
        %swap3A_1434 = tpu.vector_load %arg10[%swap3A_1431, %swap3A_1432, %swap3A_1433] {strides = array<i32>} : memref<2x25x128xf32, #tpu.memory_space<vmem>>, vector<1x1x16xf32>,
        %swap3A_1435 = vector.shape_cast %swap3A_1434 : vector<1x1x16xf32> to vector<16xf32>
        %swap3A_1436 = vector.shape_cast %mul3A_1426 : vector<16xf32> to vector<1x1x16xf32>
        tpu.vector_store %arg10[%swap3A_1431, %swap3A_1432, %swap3A_1433], %swap3A_1436 {strides = array<i32>} : memref<2x25x128xf32, #tpu.memory_space<vmem>>, vector<1x1x16xf32>,
        %add3A_1437 = arith.constant 1 : i32
        %add3A_1438 = vector.broadcast %add3A_1437 : i32 to vector<16xi32>
        %add3A_1439 = arith.addi %sub3A_1411, %add3A_1438 : vector<16xi32>
        %mul3A_1440 = arith.constant 16 : i32
        %mul3A_1441 = arith.muli %scan3A_1256, %mul3A_1440 : i32
        %swap3A_1442 = arith.constant 1 : i32
        %swap3A_1443 = arith.constant 1 : i32
        %swap3A_1444 = arith.index_cast %swap3A_1442 : i32 to index
        %swap3A_1445 = arith.index_cast %swap3A_1443 : i32 to index
        %swap3A_1446 = arith.index_cast %mul3A_1441 : i32 to index
        %swap3A_1447 = tpu.vector_load %arg9[%swap3A_1444, %swap3A_1445, %swap3A_1446] {strides = array<i32>} : memref<2x25x128xi32, #tpu.memory_space<vmem>>, vector<1x1x16xi32>,
        %swap3A_1448 = vector.shape_cast %swap3A_1447 : vector<1x1x16xi32> to vector<16xi32>
        %swap3A_1449 = vector.shape_cast %add3A_1439 : vector<16xi32> to vector<1x1x16xi32>
        tpu.vector_store %arg9[%swap3A_1444, %swap3A_1445, %swap3A_1446], %swap3A_1449 {strides = array<i32>} : memref<2x25x128xi32, #tpu.memory_space<vmem>>, vector<1x1x16xi32>,
        %mul3A_1450 = arith.mulf %exp3A_1307, %mul3A_1412 : vector<16xf32>
        %mul3A_1451 = arith.constant 16 : i32
        %mul3A_1452 = arith.muli %scan3A_1256, %mul3A_1451 : i32
        %swap3A_1453 = arith.constant 1 : i32
        %swap3A_1454 = arith.constant 1 : i32
        %swap3A_1455 = arith.index_cast %swap3A_1453 : i32 to index
        %swap3A_1456 = arith.index_cast %swap3A_1454 : i32 to index
        %swap3A_1457 = arith.index_cast %mul3A_1452 : i32 to index
        %swap3A_1458 = tpu.vector_load %arg10[%swap3A_1455, %swap3A_1456, %swap3A_1457] {strides = array<i32>} : memref<2x25x128xf32, #tpu.memory_space<vmem>>, vector<1x1x16xf32>,
        %swap3A_1459 = vector.shape_cast %swap3A_1458 : vector<1x1x16xf32> to vector<16xf32>
        %swap3A_1460 = vector.shape_cast %mul3A_1450 : vector<16xf32> to vector<1x1x16xf32>
        tpu.vector_store %arg10[%swap3A_1455, %swap3A_1456, %swap3A_1457], %swap3A_1460 {strides = array<i32>} : memref<2x25x128xf32, #tpu.memory_space<vmem>>, vector<1x1x16xf32>,
        %add3A_1461 = arith.constant 2 : i32
        %add3A_1462 = vector.broadcast %add3A_1461 : i32 to vector<16xi32>
        %add3A_1463 = arith.addi %sub3A_1411, %add3A_1462 : vector<16xi32>
        %mul3A_1464 = arith.constant 16 : i32
        %mul3A_1465 = arith.muli %scan3A_1256, %mul3A_1464 : i32
        %swap3A_1466 = arith.constant 1 : i32
        %swap3A_1467 = arith.constant 2 : i32
        %swap3A_1468 = arith.index_cast %swap3A_1466 : i32 to index
        %swap3A_1469 = arith.index_cast %swap3A_1467 : i32 to index
        %swap3A_1470 = arith.index_cast %mul3A_1465 : i32 to index
        %swap3A_1471 = tpu.vector_load %arg9[%swap3A_1468, %swap3A_1469, %swap3A_1470] {strides = array<i32>} : memref<2x25x128xi32, #tpu.memory_space<vmem>>, vector<1x1x16xi32>,
        %swap3A_1472 = vector.shape_cast %swap3A_1471 : vector<1x1x16xi32> to vector<16xi32>
        %swap3A_1473 = vector.shape_cast %add3A_1463 : vector<16xi32> to vector<1x1x16xi32>
        tpu.vector_store %arg9[%swap3A_1468, %swap3A_1469, %swap3A_1470], %swap3A_1473 {strides = array<i32>} : memref<2x25x128xi32, #tpu.memory_space<vmem>>, vector<1x1x16xi32>,
        %mul3A_1474 = arith.mulf %exp3A_1318, %mul3A_1412 : vector<16xf32>
        %mul3A_1475 = arith.constant 16 : i32
        %mul3A_1476 = arith.muli %scan3A_1256, %mul3A_1475 : i32
        %swap3A_1477 = arith.constant 1 : i32
        %swap3A_1478 = arith.constant 2 : i32
        %swap3A_1479 = arith.index_cast %swap3A_1477 : i32 to index
        %swap3A_1480 = arith.index_cast %swap3A_1478 : i32 to index
        %swap3A_1481 = arith.index_cast %mul3A_1476 : i32 to index
        %swap3A_1482 = tpu.vector_load %arg10[%swap3A_1479, %swap3A_1480, %swap3A_1481] {strides = array<i32>} : memref<2x25x128xf32, #tpu.memory_space<vmem>>, vector<1x1x16xf32>,
        %swap3A_1483 = vector.shape_cast %swap3A_1482 : vector<1x1x16xf32> to vector<16xf32>
        %swap3A_1484 = vector.shape_cast %mul3A_1474 : vector<16xf32> to vector<1x1x16xf32>
        tpu.vector_store %arg10[%swap3A_1479, %swap3A_1480, %swap3A_1481], %swap3A_1484 {strides = array<i32>} : memref<2x25x128xf32, #tpu.memory_space<vmem>>, vector<1x1x16xf32>,
        %add3A_1485 = arith.constant 3 : i32
        %add3A_1486 = vector.broadcast %add3A_1485 : i32 to vector<16xi32>
        %add3A_1487 = arith.addi %sub3A_1411, %add3A_1486 : vector<16xi32>
        %mul3A_1488 = arith.constant 16 : i32
        %mul3A_1489 = arith.muli %scan3A_1256, %mul3A_1488 : i32
        %swap3A_1490 = arith.constant 1 : i32
        %swap3A_1491 = arith.constant 3 : i32
        %swap3A_1492 = arith.index_cast %swap3A_1490 : i32 to index
        %swap3A_1493 = arith.index_cast %swap3A_1491 : i32 to index
        %swap3A_1494 = arith.index_cast %mul3A_1489 : i32 to index
        %swap3A_1495 = tpu.vector_load %arg9[%swap3A_1492, %swap3A_1493, %swap3A_1494] {strides = array<i32>} : memref<2x25x128xi32, #tpu.memory_space<vmem>>, vector<1x1x16xi32>,
        %swap3A_1496 = vector.shape_cast %swap3A_1495 : vector<1x1x16xi32> to vector<16xi32>
        %swap3A_1497 = vector.shape_cast %add3A_1487 : vector<16xi32> to vector<1x1x16xi32>
        tpu.vector_store %arg9[%swap3A_1492, %swap3A_1493, %swap3A_1494], %swap3A_1497 {strides = array<i32>} : memref<2x25x128xi32, #tpu.memory_space<vmem>>, vector<1x1x16xi32>,
        %mul3A_1498 = arith.mulf %exp3A_1329, %mul3A_1412 : vector<16xf32>
        %mul3A_1499 = arith.constant 16 : i32
        %mul3A_1500 = arith.muli %scan3A_1256, %mul3A_1499 : i32
        %swap3A_1501 = arith.constant 1 : i32
        %swap3A_1502 = arith.constant 3 : i32
        %swap3A_1503 = arith.index_cast %swap3A_1501 : i32 to index
        %swap3A_1504 = arith.index_cast %swap3A_1502 : i32 to index
        %swap3A_1505 = arith.index_cast %mul3A_1500 : i32 to index
        %swap3A_1506 = tpu.vector_load %arg10[%swap3A_1503, %swap3A_1504, %swap3A_1505] {strides = array<i32>} : memref<2x25x128xf32, #tpu.memory_space<vmem>>, vector<1x1x16xf32>,
        %swap3A_1507 = vector.shape_cast %swap3A_1506 : vector<1x1x16xf32> to vector<16xf32>
        %swap3A_1508 = vector.shape_cast %mul3A_1498 : vector<16xf32> to vector<1x1x16xf32>
        tpu.vector_store %arg10[%swap3A_1503, %swap3A_1504, %swap3A_1505], %swap3A_1508 {strides = array<i32>} : memref<2x25x128xf32, #tpu.memory_space<vmem>>, vector<1x1x16xf32>,
        %add3A_1509 = arith.constant 4 : i32
        %add3A_1510 = vector.broadcast %add3A_1509 : i32 to vector<16xi32>
        %add3A_1511 = arith.addi %sub3A_1411, %add3A_1510 : vector<16xi32>
        %mul3A_1512 = arith.constant 16 : i32
        %mul3A_1513 = arith.muli %scan3A_1256, %mul3A_1512 : i32
        %swap3A_1514 = arith.constant 1 : i32
        %swap3A_1515 = arith.constant 4 : i32
        %swap3A_1516 = arith.index_cast %swap3A_1514 : i32 to index
        %swap3A_1517 = arith.index_cast %swap3A_1515 : i32 to index
        %swap3A_1518 = arith.index_cast %mul3A_1513 : i32 to index
        %swap3A_1519 = tpu.vector_load %arg9[%swap3A_1516, %swap3A_1517, %swap3A_1518] {strides = array<i32>} : memref<2x25x128xi32, #tpu.memory_space<vmem>>, vector<1x1x16xi32>,
        %swap3A_1520 = vector.shape_cast %swap3A_1519 : vector<1x1x16xi32> to vector<16xi32>
        %swap3A_1521 = vector.shape_cast %add3A_1511 : vector<16xi32> to vector<1x1x16xi32>
        tpu.vector_store %arg9[%swap3A_1516, %swap3A_1517, %swap3A_1518], %swap3A_1521 {strides = array<i32>} : memref<2x25x128xi32, #tpu.memory_space<vmem>>, vector<1x1x16xi32>,
        %mul3A_1522 = arith.mulf %exp3A_1340, %mul3A_1412 : vector<16xf32>
        %mul3A_1523 = arith.constant 16 : i32
        %mul3A_1524 = arith.muli %scan3A_1256, %mul3A_1523 : i32
        %swap3A_1525 = arith.constant 1 : i32
        %swap3A_1526 = arith.constant 4 : i32
        %swap3A_1527 = arith.index_cast %swap3A_1525 : i32 to index
        %swap3A_1528 = arith.index_cast %swap3A_1526 : i32 to index
        %swap3A_1529 = arith.index_cast %mul3A_1524 : i32 to index
        %swap3A_1530 = tpu.vector_load %arg10[%swap3A_1527, %swap3A_1528, %swap3A_1529] {strides = array<i32>} : memref<2x25x128xf32, #tpu.memory_space<vmem>>, vector<1x1x16xf32>,
        %swap3A_1531 = vector.shape_cast %swap3A_1530 : vector<1x1x16xf32> to vector<16xf32>
        %swap3A_1532 = vector.shape_cast %mul3A_1522 : vector<16xf32> to vector<1x1x16xf32>
        tpu.vector_store %arg10[%swap3A_1527, %swap3A_1528, %swap3A_1529], %swap3A_1532 {strides = array<i32>} : memref<2x25x128xf32, #tpu.memory_space<vmem>>, vector<1x1x16xf32>,
        %mul3A_1533 = arith.mulf %exp3A_1362, %div3A : vector<16xf32>
        %add3A_1534 = arith.constant 528 : i32
        %add3A_1535 = vector.broadcast %add3A_1534 : i32 to vector<16xi32>
        %add3A_1536 = arith.addi %sub3A_1411, %add3A_1535 : vector<16xi32>
        %mul3A_1537 = arith.constant 16 : i32
        %mul3A_1538 = arith.muli %scan3A_1256, %mul3A_1537 : i32
        %swap3A_1539 = arith.constant 1 : i32
        %swap3A_1540 = arith.constant 5 : i32
        %swap3A_1541 = arith.index_cast %swap3A_1539 : i32 to index
        %swap3A_1542 = arith.index_cast %swap3A_1540 : i32 to index
        %swap3A_1543 = arith.index_cast %mul3A_1538 : i32 to index
        %swap3A_1544 = tpu.vector_load %arg9[%swap3A_1541, %swap3A_1542, %swap3A_1543] {strides = array<i32>} : memref<2x25x128xi32, #tpu.memory_space<vmem>>, vector<1x1x16xi32>,
        %swap3A_1545 = vector.shape_cast %swap3A_1544 : vector<1x1x16xi32> to vector<16xi32>
        %swap3A_1546 = vector.shape_cast %add3A_1536 : vector<16xi32> to vector<1x1x16xi32>
        tpu.vector_store %arg9[%swap3A_1541, %swap3A_1542, %swap3A_1543], %swap3A_1546 {strides = array<i32>} : memref<2x25x128xi32, #tpu.memory_space<vmem>>, vector<1x1x16xi32>,
        %mul3A_1547 = arith.mulf %exp3A, %mul3A_1533 : vector<16xf32>
        %mul3A_1548 = arith.constant 16 : i32
        %mul3A_1549 = arith.muli %scan3A_1256, %mul3A_1548 : i32
        %swap3A_1550 = arith.constant 1 : i32
        %swap3A_1551 = arith.constant 5 : i32
        %swap3A_1552 = arith.index_cast %swap3A_1550 : i32 to index
        %swap3A_1553 = arith.index_cast %swap3A_1551 : i32 to index
        %swap3A_1554 = arith.index_cast %mul3A_1549 : i32 to index
        %swap3A_1555 = tpu.vector_load %arg10[%swap3A_1552, %swap3A_1553, %swap3A_1554] {strides = array<i32>} : memref<2x25x128xf32, #tpu.memory_space<vmem>>, vector<1x1x16xf32>,
        %swap3A_1556 = vector.shape_cast %swap3A_1555 : vector<1x1x16xf32> to vector<16xf32>
        %swap3A_1557 = vector.shape_cast %mul3A_1547 : vector<16xf32> to vector<1x1x16xf32>
        tpu.vector_store %arg10[%swap3A_1552, %swap3A_1553, %swap3A_1554], %swap3A_1557 {strides = array<i32>} : memref<2x25x128xf32, #tpu.memory_space<vmem>>, vector<1x1x16xf32>,
        %add3A_1558 = arith.constant 529 : i32
        %add3A_1559 = vector.broadcast %add3A_1558 : i32 to vector<16xi32>
        %add3A_1560 = arith.addi %sub3A_1411, %add3A_1559 : vector<16xi32>
        %mul3A_1561 = arith.constant 16 : i32
        %mul3A_1562 = arith.muli %scan3A_1256, %mul3A_1561 : i32
        %swap3A_1563 = arith.constant 1 : i32
        %swap3A_1564 = arith.constant 6 : i32
        %swap3A_1565 = arith.index_cast %swap3A_1563 : i32 to index
        %swap3A_1566 = arith.index_cast %swap3A_1564 : i32 to index
        %swap3A_1567 = arith.index_cast %mul3A_1562 : i32 to index
        %swap3A_1568 = tpu.vector_load %arg9[%swap3A_1565, %swap3A_1566, %swap3A_1567] {strides = array<i32>} : memref<2x25x128xi32, #tpu.memory_space<vmem>>, vector<1x1x16xi32>,
        %swap3A_1569 = vector.shape_cast %swap3A_1568 : vector<1x1x16xi32> to vector<16xi32>
        %swap3A_1570 = vector.shape_cast %add3A_1560 : vector<16xi32> to vector<1x1x16xi32>
        tpu.vector_store %arg9[%swap3A_1565, %swap3A_1566, %swap3A_1567], %swap3A_1570 {strides = array<i32>} : memref<2x25x128xi32, #tpu.memory_space<vmem>>, vector<1x1x16xi32>,
        %mul3A_1571 = arith.mulf %exp3A_1307, %mul3A_1533 : vector<16xf32>
        %mul3A_1572 = arith.constant 16 : i32
        %mul3A_1573 = arith.muli %scan3A_1256, %mul3A_1572 : i32
        %swap3A_1574 = arith.constant 1 : i32
        %swap3A_1575 = arith.constant 6 : i32
        %swap3A_1576 = arith.index_cast %swap3A_1574 : i32 to index
        %swap3A_1577 = arith.index_cast %swap3A_1575 : i32 to index
        %swap3A_1578 = arith.index_cast %mul3A_1573 : i32 to index
        %swap3A_1579 = tpu.vector_load %arg10[%swap3A_1576, %swap3A_1577, %swap3A_1578] {strides = array<i32>} : memref<2x25x128xf32, #tpu.memory_space<vmem>>, vector<1x1x16xf32>,
        %swap3A_1580 = vector.shape_cast %swap3A_1579 : vector<1x1x16xf32> to vector<16xf32>
        %swap3A_1581 = vector.shape_cast %mul3A_1571 : vector<16xf32> to vector<1x1x16xf32>
        tpu.vector_store %arg10[%swap3A_1576, %swap3A_1577, %swap3A_1578], %swap3A_1581 {strides = array<i32>} : memref<2x25x128xf32, #tpu.memory_space<vmem>>, vector<1x1x16xf32>,
        %add3A_1582 = arith.constant 530 : i32
        %add3A_1583 = vector.broadcast %add3A_1582 : i32 to vector<16xi32>
        %add3A_1584 = arith.addi %sub3A_1411, %add3A_1583 : vector<16xi32>
        %mul3A_1585 = arith.constant 16 : i32
        %mul3A_1586 = arith.muli %scan3A_1256, %mul3A_1585 : i32
        %swap3A_1587 = arith.constant 1 : i32
        %swap3A_1588 = arith.constant 7 : i32
        %swap3A_1589 = arith.index_cast %swap3A_1587 : i32 to index
        %swap3A_1590 = arith.index_cast %swap3A_1588 : i32 to index
        %swap3A_1591 = arith.index_cast %mul3A_1586 : i32 to index
        %swap3A_1592 = tpu.vector_load %arg9[%swap3A_1589, %swap3A_1590, %swap3A_1591] {strides = array<i32>} : memref<2x25x128xi32, #tpu.memory_space<vmem>>, vector<1x1x16xi32>,
        %swap3A_1593 = vector.shape_cast %swap3A_1592 : vector<1x1x16xi32> to vector<16xi32>
        %swap3A_1594 = vector.shape_cast %add3A_1584 : vector<16xi32> to vector<1x1x16xi32>
        tpu.vector_store %arg9[%swap3A_1589, %swap3A_1590, %swap3A_1591], %swap3A_1594 {strides = array<i32>} : memref<2x25x128xi32, #tpu.memory_space<vmem>>, vector<1x1x16xi32>,
        %mul3A_1595 = arith.mulf %exp3A_1318, %mul3A_1533 : vector<16xf32>
        %mul3A_1596 = arith.constant 16 : i32
        %mul3A_1597 = arith.muli %scan3A_1256, %mul3A_1596 : i32
        %swap3A_1598 = arith.constant 1 : i32
        %swap3A_1599 = arith.constant 7 : i32
        %swap3A_1600 = arith.index_cast %swap3A_1598 : i32 to index
        %swap3A_1601 = arith.index_cast %swap3A_1599 : i32 to index
        %swap3A_1602 = arith.index_cast %mul3A_1597 : i32 to index
        %swap3A_1603 = tpu.vector_load %arg10[%swap3A_1600, %swap3A_1601, %swap3A_1602] {strides = array<i32>} : memref<2x25x128xf32, #tpu.memory_space<vmem>>, vector<1x1x16xf32>,
        %swap3A_1604 = vector.shape_cast %swap3A_1603 : vector<1x1x16xf32> to vector<16xf32>
        %swap3A_1605 = vector.shape_cast %mul3A_1595 : vector<16xf32> to vector<1x1x16xf32>
        tpu.vector_store %arg10[%swap3A_1600, %swap3A_1601, %swap3A_1602], %swap3A_1605 {strides = array<i32>} : memref<2x25x128xf32, #tpu.memory_space<vmem>>, vector<1x1x16xf32>,
        %add3A_1606 = arith.constant 531 : i32
        %add3A_1607 = vector.broadcast %add3A_1606 : i32 to vector<16xi32>
        %add3A_1608 = arith.addi %sub3A_1411, %add3A_1607 : vector<16xi32>
        %mul3A_1609 = arith.constant 16 : i32
        %mul3A_1610 = arith.muli %scan3A_1256, %mul3A_1609 : i32
        %swap3A_1611 = arith.constant 1 : i32
        %swap3A_1612 = arith.constant 8 : i32
        %swap3A_1613 = arith.index_cast %swap3A_1611 : i32 to index
        %swap3A_1614 = arith.index_cast %swap3A_1612 : i32 to index
        %swap3A_1615 = arith.index_cast %mul3A_1610 : i32 to index
        %swap3A_1616 = tpu.vector_load %arg9[%swap3A_1613, %swap3A_1614, %swap3A_1615] {strides = array<i32>} : memref<2x25x128xi32, #tpu.memory_space<vmem>>, vector<1x1x16xi32>,
        %swap3A_1617 = vector.shape_cast %swap3A_1616 : vector<1x1x16xi32> to vector<16xi32>
        %swap3A_1618 = vector.shape_cast %add3A_1608 : vector<16xi32> to vector<1x1x16xi32>
        tpu.vector_store %arg9[%swap3A_1613, %swap3A_1614, %swap3A_1615], %swap3A_1618 {strides = array<i32>} : memref<2x25x128xi32, #tpu.memory_space<vmem>>, vector<1x1x16xi32>,
        %mul3A_1619 = arith.mulf %exp3A_1329, %mul3A_1533 : vector<16xf32>
        %mul3A_1620 = arith.constant 16 : i32
        %mul3A_1621 = arith.muli %scan3A_1256, %mul3A_1620 : i32
        %swap3A_1622 = arith.constant 1 : i32
        %swap3A_1623 = arith.constant 8 : i32
        %swap3A_1624 = arith.index_cast %swap3A_1622 : i32 to index
        %swap3A_1625 = arith.index_cast %swap3A_1623 : i32 to index
        %swap3A_1626 = arith.index_cast %mul3A_1621 : i32 to index
        %swap3A_1627 = tpu.vector_load %arg10[%swap3A_1624, %swap3A_1625, %swap3A_1626] {strides = array<i32>} : memref<2x25x128xf32, #tpu.memory_space<vmem>>, vector<1x1x16xf32>,
        %swap3A_1628 = vector.shape_cast %swap3A_1627 : vector<1x1x16xf32> to vector<16xf32>
        %swap3A_1629 = vector.shape_cast %mul3A_1619 : vector<16xf32> to vector<1x1x16xf32>
        tpu.vector_store %arg10[%swap3A_1624, %swap3A_1625, %swap3A_1626], %swap3A_1629 {strides = array<i32>} : memref<2x25x128xf32, #tpu.memory_space<vmem>>, vector<1x1x16xf32>,
        %add3A_1630 = arith.constant 532 : i32
        %add3A_1631 = vector.broadcast %add3A_1630 : i32 to vector<16xi32>
        %add3A_1632 = arith.addi %sub3A_1411, %add3A_1631 : vector<16xi32>
        %mul3A_1633 = arith.constant 16 : i32
        %mul3A_1634 = arith.muli %scan3A_1256, %mul3A_1633 : i32
        %swap3A_1635 = arith.constant 1 : i32
        %swap3A_1636 = arith.constant 9 : i32
        %swap3A_1637 = arith.index_cast %swap3A_1635 : i32 to index
        %swap3A_1638 = arith.index_cast %swap3A_1636 : i32 to index
        %swap3A_1639 = arith.index_cast %mul3A_1634 : i32 to index
        %swap3A_1640 = tpu.vector_load %arg9[%swap3A_1637, %swap3A_1638, %swap3A_1639] {strides = array<i32>} : memref<2x25x128xi32, #tpu.memory_space<vmem>>, vector<1x1x16xi32>,
        %swap3A_1641 = vector.shape_cast %swap3A_1640 : vector<1x1x16xi32> to vector<16xi32>
        %swap3A_1642 = vector.shape_cast %add3A_1632 : vector<16xi32> to vector<1x1x16xi32>
        tpu.vector_store %arg9[%swap3A_1637, %swap3A_1638, %swap3A_1639], %swap3A_1642 {strides = array<i32>} : memref<2x25x128xi32, #tpu.memory_space<vmem>>, vector<1x1x16xi32>,
        %mul3A_1643 = arith.mulf %exp3A_1340, %mul3A_1533 : vector<16xf32>
        %mul3A_1644 = arith.constant 16 : i32
        %mul3A_1645 = arith.muli %scan3A_1256, %mul3A_1644 : i32
        %swap3A_1646 = arith.constant 1 : i32
        %swap3A_1647 = arith.constant 9 : i32
        %swap3A_1648 = arith.index_cast %swap3A_1646 : i32 to index
        %swap3A_1649 = arith.index_cast %swap3A_1647 : i32 to index
        %swap3A_1650 = arith.index_cast %mul3A_1645 : i32 to index
        %swap3A_1651 = tpu.vector_load %arg10[%swap3A_1648, %swap3A_1649, %swap3A_1650] {strides = array<i32>} : memref<2x25x128xf32, #tpu.memory_space<vmem>>, vector<1x1x16xf32>,
        %swap3A_1652 = vector.shape_cast %swap3A_1651 : vector<1x1x16xf32> to vector<16xf32>
        %swap3A_1653 = vector.shape_cast %mul3A_1643 : vector<16xf32> to vector<1x1x16xf32>
        tpu.vector_store %arg10[%swap3A_1648, %swap3A_1649, %swap3A_1650], %swap3A_1653 {strides = array<i32>} : memref<2x25x128xf32, #tpu.memory_space<vmem>>, vector<1x1x16xf32>,
        %mul3A_1654 = arith.mulf %exp3A_1373, %div3A : vector<16xf32>
        %add3A_1655 = arith.constant 1056 : i32
        %add3A_1656 = vector.broadcast %add3A_1655 : i32 to vector<16xi32>
        %add3A_1657 = arith.addi %sub3A_1411, %add3A_1656 : vector<16xi32>
        %mul3A_1658 = arith.constant 16 : i32
        %mul3A_1659 = arith.muli %scan3A_1256, %mul3A_1658 : i32
        %swap3A_1660 = arith.constant 1 : i32
        %swap3A_1661 = arith.constant 10 : i32
        %swap3A_1662 = arith.index_cast %swap3A_1660 : i32 to index
        %swap3A_1663 = arith.index_cast %swap3A_1661 : i32 to index
        %swap3A_1664 = arith.index_cast %mul3A_1659 : i32 to index
        %swap3A_1665 = tpu.vector_load %arg9[%swap3A_1662, %swap3A_1663, %swap3A_1664] {strides = array<i32>} : memref<2x25x128xi32, #tpu.memory_space<vmem>>, vector<1x1x16xi32>,
        %swap3A_1666 = vector.shape_cast %swap3A_1665 : vector<1x1x16xi32> to vector<16xi32>
        %swap3A_1667 = vector.shape_cast %add3A_1657 : vector<16xi32> to vector<1x1x16xi32>
        tpu.vector_store %arg9[%swap3A_1662, %swap3A_1663, %swap3A_1664], %swap3A_1667 {strides = array<i32>} : memref<2x25x128xi32, #tpu.memory_space<vmem>>, vector<1x1x16xi32>,
        %mul3A_1668 = arith.mulf %exp3A, %mul3A_1654 : vector<16xf32>
        %mul3A_1669 = arith.constant 16 : i32
        %mul3A_1670 = arith.muli %scan3A_1256, %mul3A_1669 : i32
        %swap3A_1671 = arith.constant 1 : i32
        %swap3A_1672 = arith.constant 10 : i32
        %swap3A_1673 = arith.index_cast %swap3A_1671 : i32 to index
        %swap3A_1674 = arith.index_cast %swap3A_1672 : i32 to index
        %swap3A_1675 = arith.index_cast %mul3A_1670 : i32 to index
        %swap3A_1676 = tpu.vector_load %arg10[%swap3A_1673, %swap3A_1674, %swap3A_1675] {strides = array<i32>} : memref<2x25x128xf32, #tpu.memory_space<vmem>>, vector<1x1x16xf32>,
        %swap3A_1677 = vector.shape_cast %swap3A_1676 : vector<1x1x16xf32> to vector<16xf32>
        %swap3A_1678 = vector.shape_cast %mul3A_1668 : vector<16xf32> to vector<1x1x16xf32>
        tpu.vector_store %arg10[%swap3A_1673, %swap3A_1674, %swap3A_1675], %swap3A_1678 {strides = array<i32>} : memref<2x25x128xf32, #tpu.memory_space<vmem>>, vector<1x1x16xf32>,
        %add3A_1679 = arith.constant 1057 : i32
        %add3A_1680 = vector.broadcast %add3A_1679 : i32 to vector<16xi32>
        %add3A_1681 = arith.addi %sub3A_1411, %add3A_1680 : vector<16xi32>
        %mul3A_1682 = arith.constant 16 : i32
        %mul3A_1683 = arith.muli %scan3A_1256, %mul3A_1682 : i32
        %swap3A_1684 = arith.constant 1 : i32
        %swap3A_1685 = arith.constant 11 : i32
        %swap3A_1686 = arith.index_cast %swap3A_1684 : i32 to index
        %swap3A_1687 = arith.index_cast %swap3A_1685 : i32 to index
        %swap3A_1688 = arith.index_cast %mul3A_1683 : i32 to index
        %swap3A_1689 = tpu.vector_load %arg9[%swap3A_1686, %swap3A_1687, %swap3A_1688] {strides = array<i32>} : memref<2x25x128xi32, #tpu.memory_space<vmem>>, vector<1x1x16xi32>,
        %swap3A_1690 = vector.shape_cast %swap3A_1689 : vector<1x1x16xi32> to vector<16xi32>
        %swap3A_1691 = vector.shape_cast %add3A_1681 : vector<16xi32> to vector<1x1x16xi32>
        tpu.vector_store %arg9[%swap3A_1686, %swap3A_1687, %swap3A_1688], %swap3A_1691 {strides = array<i32>} : memref<2x25x128xi32, #tpu.memory_space<vmem>>, vector<1x1x16xi32>,
        %mul3A_1692 = arith.mulf %exp3A_1307, %mul3A_1654 : vector<16xf32>
        %mul3A_1693 = arith.constant 16 : i32
        %mul3A_1694 = arith.muli %scan3A_1256, %mul3A_1693 : i32
        %swap3A_1695 = arith.constant 1 : i32
        %swap3A_1696 = arith.constant 11 : i32
        %swap3A_1697 = arith.index_cast %swap3A_1695 : i32 to index
        %swap3A_1698 = arith.index_cast %swap3A_1696 : i32 to index
        %swap3A_1699 = arith.index_cast %mul3A_1694 : i32 to index
        %swap3A_1700 = tpu.vector_load %arg10[%swap3A_1697, %swap3A_1698, %swap3A_1699] {strides = array<i32>} : memref<2x25x128xf32, #tpu.memory_space<vmem>>, vector<1x1x16xf32>,
        %swap3A_1701 = vector.shape_cast %swap3A_1700 : vector<1x1x16xf32> to vector<16xf32>
        %swap3A_1702 = vector.shape_cast %mul3A_1692 : vector<16xf32> to vector<1x1x16xf32>
        tpu.vector_store %arg10[%swap3A_1697, %swap3A_1698, %swap3A_1699], %swap3A_1702 {strides = array<i32>} : memref<2x25x128xf32, #tpu.memory_space<vmem>>, vector<1x1x16xf32>,
        %add3A_1703 = arith.constant 1058 : i32
        %add3A_1704 = vector.broadcast %add3A_1703 : i32 to vector<16xi32>
        %add3A_1705 = arith.addi %sub3A_1411, %add3A_1704 : vector<16xi32>
        %mul3A_1706 = arith.constant 16 : i32
        %mul3A_1707 = arith.muli %scan3A_1256, %mul3A_1706 : i32
        %swap3A_1708 = arith.constant 1 : i32
        %swap3A_1709 = arith.constant 12 : i32
        %swap3A_1710 = arith.index_cast %swap3A_1708 : i32 to index
        %swap3A_1711 = arith.index_cast %swap3A_1709 : i32 to index
        %swap3A_1712 = arith.index_cast %mul3A_1707 : i32 to index
        %swap3A_1713 = tpu.vector_load %arg9[%swap3A_1710, %swap3A_1711, %swap3A_1712] {strides = array<i32>} : memref<2x25x128xi32, #tpu.memory_space<vmem>>, vector<1x1x16xi32>,
        %swap3A_1714 = vector.shape_cast %swap3A_1713 : vector<1x1x16xi32> to vector<16xi32>
        %swap3A_1715 = vector.shape_cast %add3A_1705 : vector<16xi32> to vector<1x1x16xi32>
        tpu.vector_store %arg9[%swap3A_1710, %swap3A_1711, %swap3A_1712], %swap3A_1715 {strides = array<i32>} : memref<2x25x128xi32, #tpu.memory_space<vmem>>, vector<1x1x16xi32>,
        %mul3A_1716 = arith.mulf %exp3A_1318, %mul3A_1654 : vector<16xf32>
        %mul3A_1717 = arith.constant 16 : i32
        %mul3A_1718 = arith.muli %scan3A_1256, %mul3A_1717 : i32
        %swap3A_1719 = arith.constant 1 : i32
        %swap3A_1720 = arith.constant 12 : i32
        %swap3A_1721 = arith.index_cast %swap3A_1719 : i32 to index
        %swap3A_1722 = arith.index_cast %swap3A_1720 : i32 to index
        %swap3A_1723 = arith.index_cast %mul3A_1718 : i32 to index
        %swap3A_1724 = tpu.vector_load %arg10[%swap3A_1721, %swap3A_1722, %swap3A_1723] {strides = array<i32>} : memref<2x25x128xf32, #tpu.memory_space<vmem>>, vector<1x1x16xf32>,
        %swap3A_1725 = vector.shape_cast %swap3A_1724 : vector<1x1x16xf32> to vector<16xf32>
        %swap3A_1726 = vector.shape_cast %mul3A_1716 : vector<16xf32> to vector<1x1x16xf32>
        tpu.vector_store %arg10[%swap3A_1721, %swap3A_1722, %swap3A_1723], %swap3A_1726 {strides = array<i32>} : memref<2x25x128xf32, #tpu.memory_space<vmem>>, vector<1x1x16xf32>,
        %add3A_1727 = arith.constant 1059 : i32
        %add3A_1728 = vector.broadcast %add3A_1727 : i32 to vector<16xi32>
        %add3A_1729 = arith.addi %sub3A_1411, %add3A_1728 : vector<16xi32>
        %mul3A_1730 = arith.constant 16 : i32
        %mul3A_1731 = arith.muli %scan3A_1256, %mul3A_1730 : i32
        %swap3A_1732 = arith.constant 1 : i32
        %swap3A_1733 = arith.constant 13 : i32
        %swap3A_1734 = arith.index_cast %swap3A_1732 : i32 to index
        %swap3A_1735 = arith.index_cast %swap3A_1733 : i32 to index
        %swap3A_1736 = arith.index_cast %mul3A_1731 : i32 to index
        %swap3A_1737 = tpu.vector_load %arg9[%swap3A_1734, %swap3A_1735, %swap3A_1736] {strides = array<i32>} : memref<2x25x128xi32, #tpu.memory_space<vmem>>, vector<1x1x16xi32>,
        %swap3A_1738 = vector.shape_cast %swap3A_1737 : vector<1x1x16xi32> to vector<16xi32>
        %swap3A_1739 = vector.shape_cast %add3A_1729 : vector<16xi32> to vector<1x1x16xi32>
        tpu.vector_store %arg9[%swap3A_1734, %swap3A_1735, %swap3A_1736], %swap3A_1739 {strides = array<i32>} : memref<2x25x128xi32, #tpu.memory_space<vmem>>, vector<1x1x16xi32>,
        %mul3A_1740 = arith.mulf %exp3A_1329, %mul3A_1654 : vector<16xf32>
        %mul3A_1741 = arith.constant 16 : i32
        %mul3A_1742 = arith.muli %scan3A_1256, %mul3A_1741 : i32
        %swap3A_1743 = arith.constant 1 : i32
        %swap3A_1744 = arith.constant 13 : i32
        %swap3A_1745 = arith.index_cast %swap3A_1743 : i32 to index
        %swap3A_1746 = arith.index_cast %swap3A_1744 : i32 to index
        %swap3A_1747 = arith.index_cast %mul3A_1742 : i32 to index
        %swap3A_1748 = tpu.vector_load %arg10[%swap3A_1745, %swap3A_1746, %swap3A_1747] {strides = array<i32>} : memref<2x25x128xf32, #tpu.memory_space<vmem>>, vector<1x1x16xf32>,
        %swap3A_1749 = vector.shape_cast %swap3A_1748 : vector<1x1x16xf32> to vector<16xf32>
        %swap3A_1750 = vector.shape_cast %mul3A_1740 : vector<16xf32> to vector<1x1x16xf32>
        tpu.vector_store %arg10[%swap3A_1745, %swap3A_1746, %swap3A_1747], %swap3A_1750 {strides = array<i32>} : memref<2x25x128xf32, #tpu.memory_space<vmem>>, vector<1x1x16xf32>,
        %add3A_1751 = arith.constant 1060 : i32
        %add3A_1752 = vector.broadcast %add3A_1751 : i32 to vector<16xi32>
        %add3A_1753 = arith.addi %sub3A_1411, %add3A_1752 : vector<16xi32>
        %mul3A_1754 = arith.constant 16 : i32
        %mul3A_1755 = arith.muli %scan3A_1256, %mul3A_1754 : i32
        %swap3A_1756 = arith.constant 1 : i32
        %swap3A_1757 = arith.constant 14 : i32
        %swap3A_1758 = arith.index_cast %swap3A_1756 : i32 to index
        %swap3A_1759 = arith.index_cast %swap3A_1757 : i32 to index
        %swap3A_1760 = arith.index_cast %mul3A_1755 : i32 to index
        %swap3A_1761 = tpu.vector_load %arg9[%swap3A_1758, %swap3A_1759, %swap3A_1760] {strides = array<i32>} : memref<2x25x128xi32, #tpu.memory_space<vmem>>, vector<1x1x16xi32>,
        %swap3A_1762 = vector.shape_cast %swap3A_1761 : vector<1x1x16xi32> to vector<16xi32>
        %swap3A_1763 = vector.shape_cast %add3A_1753 : vector<16xi32> to vector<1x1x16xi32>
        tpu.vector_store %arg9[%swap3A_1758, %swap3A_1759, %swap3A_1760], %swap3A_1763 {strides = array<i32>} : memref<2x25x128xi32, #tpu.memory_space<vmem>>, vector<1x1x16xi32>,
        %mul3A_1764 = arith.mulf %exp3A_1340, %mul3A_1654 : vector<16xf32>
        %mul3A_1765 = arith.constant 16 : i32
        %mul3A_1766 = arith.muli %scan3A_1256, %mul3A_1765 : i32
        %swap3A_1767 = arith.constant 1 : i32
        %swap3A_1768 = arith.constant 14 : i32
        %swap3A_1769 = arith.index_cast %swap3A_1767 : i32 to index
        %swap3A_1770 = arith.index_cast %swap3A_1768 : i32 to index
        %swap3A_1771 = arith.index_cast %mul3A_1766 : i32 to index
        %swap3A_1772 = tpu.vector_load %arg10[%swap3A_1769, %swap3A_1770, %swap3A_1771] {strides = array<i32>} : memref<2x25x128xf32, #tpu.memory_space<vmem>>, vector<1x1x16xf32>,
        %swap3A_1773 = vector.shape_cast %swap3A_1772 : vector<1x1x16xf32> to vector<16xf32>
        %swap3A_1774 = vector.shape_cast %mul3A_1764 : vector<16xf32> to vector<1x1x16xf32>
        tpu.vector_store %arg10[%swap3A_1769, %swap3A_1770, %swap3A_1771], %swap3A_1774 {strides = array<i32>} : memref<2x25x128xf32, #tpu.memory_space<vmem>>, vector<1x1x16xf32>,
        %mul3A_1775 = arith.mulf %exp3A_1384, %div3A : vector<16xf32>
        %add3A_1776 = arith.constant 1584 : i32
        %add3A_1777 = vector.broadcast %add3A_1776 : i32 to vector<16xi32>
        %add3A_1778 = arith.addi %sub3A_1411, %add3A_1777 : vector<16xi32>
        %mul3A_1779 = arith.constant 16 : i32
        %mul3A_1780 = arith.muli %scan3A_1256, %mul3A_1779 : i32
        %swap3A_1781 = arith.constant 1 : i32
        %swap3A_1782 = arith.constant 15 : i32
        %swap3A_1783 = arith.index_cast %swap3A_1781 : i32 to index
        %swap3A_1784 = arith.index_cast %swap3A_1782 : i32 to index
        %swap3A_1785 = arith.index_cast %mul3A_1780 : i32 to index
        %swap3A_1786 = tpu.vector_load %arg9[%swap3A_1783, %swap3A_1784, %swap3A_1785] {strides = array<i32>} : memref<2x25x128xi32, #tpu.memory_space<vmem>>, vector<1x1x16xi32>,
        %swap3A_1787 = vector.shape_cast %swap3A_1786 : vector<1x1x16xi32> to vector<16xi32>
        %swap3A_1788 = vector.shape_cast %add3A_1778 : vector<16xi32> to vector<1x1x16xi32>
        tpu.vector_store %arg9[%swap3A_1783, %swap3A_1784, %swap3A_1785], %swap3A_1788 {strides = array<i32>} : memref<2x25x128xi32, #tpu.memory_space<vmem>>, vector<1x1x16xi32>,
        %mul3A_1789 = arith.mulf %exp3A, %mul3A_1775 : vector<16xf32>
        %mul3A_1790 = arith.constant 16 : i32
        %mul3A_1791 = arith.muli %scan3A_1256, %mul3A_1790 : i32
        %swap3A_1792 = arith.constant 1 : i32
        %swap3A_1793 = arith.constant 15 : i32
        %swap3A_1794 = arith.index_cast %swap3A_1792 : i32 to index
        %swap3A_1795 = arith.index_cast %swap3A_1793 : i32 to index
        %swap3A_1796 = arith.index_cast %mul3A_1791 : i32 to index
        %swap3A_1797 = tpu.vector_load %arg10[%swap3A_1794, %swap3A_1795, %swap3A_1796] {strides = array<i32>} : memref<2x25x128xf32, #tpu.memory_space<vmem>>, vector<1x1x16xf32>,
        %swap3A_1798 = vector.shape_cast %swap3A_1797 : vector<1x1x16xf32> to vector<16xf32>
        %swap3A_1799 = vector.shape_cast %mul3A_1789 : vector<16xf32> to vector<1x1x16xf32>
        tpu.vector_store %arg10[%swap3A_1794, %swap3A_1795, %swap3A_1796], %swap3A_1799 {strides = array<i32>} : memref<2x25x128xf32, #tpu.memory_space<vmem>>, vector<1x1x16xf32>,
        %add3A_1800 = arith.constant 1585 : i32
        %add3A_1801 = vector.broadcast %add3A_1800 : i32 to vector<16xi32>
        %add3A_1802 = arith.addi %sub3A_1411, %add3A_1801 : vector<16xi32>
        %mul3A_1803 = arith.constant 16 : i32
        %mul3A_1804 = arith.muli %scan3A_1256, %mul3A_1803 : i32
        %swap3A_1805 = arith.constant 1 : i32
        %swap3A_1806 = arith.constant 16 : i32
        %swap3A_1807 = arith.index_cast %swap3A_1805 : i32 to index
        %swap3A_1808 = arith.index_cast %swap3A_1806 : i32 to index
        %swap3A_1809 = arith.index_cast %mul3A_1804 : i32 to index
        %swap3A_1810 = tpu.vector_load %arg9[%swap3A_1807, %swap3A_1808, %swap3A_1809] {strides = array<i32>} : memref<2x25x128xi32, #tpu.memory_space<vmem>>, vector<1x1x16xi32>,
        %swap3A_1811 = vector.shape_cast %swap3A_1810 : vector<1x1x16xi32> to vector<16xi32>
        %swap3A_1812 = vector.shape_cast %add3A_1802 : vector<16xi32> to vector<1x1x16xi32>
        tpu.vector_store %arg9[%swap3A_1807, %swap3A_1808, %swap3A_1809], %swap3A_1812 {strides = array<i32>} : memref<2x25x128xi32, #tpu.memory_space<vmem>>, vector<1x1x16xi32>,
        %mul3A_1813 = arith.mulf %exp3A_1307, %mul3A_1775 : vector<16xf32>
        %mul3A_1814 = arith.constant 16 : i32
        %mul3A_1815 = arith.muli %scan3A_1256, %mul3A_1814 : i32
        %swap3A_1816 = arith.constant 1 : i32
        %swap3A_1817 = arith.constant 16 : i32
        %swap3A_1818 = arith.index_cast %swap3A_1816 : i32 to index
        %swap3A_1819 = arith.index_cast %swap3A_1817 : i32 to index
        %swap3A_1820 = arith.index_cast %mul3A_1815 : i32 to index
        %swap3A_1821 = tpu.vector_load %arg10[%swap3A_1818, %swap3A_1819, %swap3A_1820] {strides = array<i32>} : memref<2x25x128xf32, #tpu.memory_space<vmem>>, vector<1x1x16xf32>,
        %swap3A_1822 = vector.shape_cast %swap3A_1821 : vector<1x1x16xf32> to vector<16xf32>
        %swap3A_1823 = vector.shape_cast %mul3A_1813 : vector<16xf32> to vector<1x1x16xf32>
        tpu.vector_store %arg10[%swap3A_1818, %swap3A_1819, %swap3A_1820], %swap3A_1823 {strides = array<i32>} : memref<2x25x128xf32, #tpu.memory_space<vmem>>, vector<1x1x16xf32>,
        %add3A_1824 = arith.constant 1586 : i32
        %add3A_1825 = vector.broadcast %add3A_1824 : i32 to vector<16xi32>
        %add3A_1826 = arith.addi %sub3A_1411, %add3A_1825 : vector<16xi32>
        %mul3A_1827 = arith.constant 16 : i32
        %mul3A_1828 = arith.muli %scan3A_1256, %mul3A_1827 : i32
        %swap3A_1829 = arith.constant 1 : i32
        %swap3A_1830 = arith.constant 17 : i32
        %swap3A_1831 = arith.index_cast %swap3A_1829 : i32 to index
        %swap3A_1832 = arith.index_cast %swap3A_1830 : i32 to index
        %swap3A_1833 = arith.index_cast %mul3A_1828 : i32 to index
        %swap3A_1834 = tpu.vector_load %arg9[%swap3A_1831, %swap3A_1832, %swap3A_1833] {strides = array<i32>} : memref<2x25x128xi32, #tpu.memory_space<vmem>>, vector<1x1x16xi32>,
        %swap3A_1835 = vector.shape_cast %swap3A_1834 : vector<1x1x16xi32> to vector<16xi32>
        %swap3A_1836 = vector.shape_cast %add3A_1826 : vector<16xi32> to vector<1x1x16xi32>
        tpu.vector_store %arg9[%swap3A_1831, %swap3A_1832, %swap3A_1833], %swap3A_1836 {strides = array<i32>} : memref<2x25x128xi32, #tpu.memory_space<vmem>>, vector<1x1x16xi32>,
        %mul3A_1837 = arith.mulf %exp3A_1318, %mul3A_1775 : vector<16xf32>
        %mul3A_1838 = arith.constant 16 : i32
        %mul3A_1839 = arith.muli %scan3A_1256, %mul3A_1838 : i32
        %swap3A_1840 = arith.constant 1 : i32
        %swap3A_1841 = arith.constant 17 : i32
        %swap3A_1842 = arith.index_cast %swap3A_1840 : i32 to index
        %swap3A_1843 = arith.index_cast %swap3A_1841 : i32 to index
        %swap3A_1844 = arith.index_cast %mul3A_1839 : i32 to index
        %swap3A_1845 = tpu.vector_load %arg10[%swap3A_1842, %swap3A_1843, %swap3A_1844] {strides = array<i32>} : memref<2x25x128xf32, #tpu.memory_space<vmem>>, vector<1x1x16xf32>,
        %swap3A_1846 = vector.shape_cast %swap3A_1845 : vector<1x1x16xf32> to vector<16xf32>
        %swap3A_1847 = vector.shape_cast %mul3A_1837 : vector<16xf32> to vector<1x1x16xf32>
        tpu.vector_store %arg10[%swap3A_1842, %swap3A_1843, %swap3A_1844], %swap3A_1847 {strides = array<i32>} : memref<2x25x128xf32, #tpu.memory_space<vmem>>, vector<1x1x16xf32>,
        %add3A_1848 = arith.constant 1587 : i32
        %add3A_1849 = vector.broadcast %add3A_1848 : i32 to vector<16xi32>
        %add3A_1850 = arith.addi %sub3A_1411, %add3A_1849 : vector<16xi32>
        %mul3A_1851 = arith.constant 16 : i32
        %mul3A_1852 = arith.muli %scan3A_1256, %mul3A_1851 : i32
        %swap3A_1853 = arith.constant 1 : i32
        %swap3A_1854 = arith.constant 18 : i32
        %swap3A_1855 = arith.index_cast %swap3A_1853 : i32 to index
        %swap3A_1856 = arith.index_cast %swap3A_1854 : i32 to index
        %swap3A_1857 = arith.index_cast %mul3A_1852 : i32 to index
        %swap3A_1858 = tpu.vector_load %arg9[%swap3A_1855, %swap3A_1856, %swap3A_1857] {strides = array<i32>} : memref<2x25x128xi32, #tpu.memory_space<vmem>>, vector<1x1x16xi32>,
        %swap3A_1859 = vector.shape_cast %swap3A_1858 : vector<1x1x16xi32> to vector<16xi32>
        %swap3A_1860 = vector.shape_cast %add3A_1850 : vector<16xi32> to vector<1x1x16xi32>
        tpu.vector_store %arg9[%swap3A_1855, %swap3A_1856, %swap3A_1857], %swap3A_1860 {strides = array<i32>} : memref<2x25x128xi32, #tpu.memory_space<vmem>>, vector<1x1x16xi32>,
        %mul3A_1861 = arith.mulf %exp3A_1329, %mul3A_1775 : vector<16xf32>
        %mul3A_1862 = arith.constant 16 : i32
        %mul3A_1863 = arith.muli %scan3A_1256, %mul3A_1862 : i32
        %swap3A_1864 = arith.constant 1 : i32
        %swap3A_1865 = arith.constant 18 : i32
        %swap3A_1866 = arith.index_cast %swap3A_1864 : i32 to index
        %swap3A_1867 = arith.index_cast %swap3A_1865 : i32 to index
        %swap3A_1868 = arith.index_cast %mul3A_1863 : i32 to index
        %swap3A_1869 = tpu.vector_load %arg10[%swap3A_1866, %swap3A_1867, %swap3A_1868] {strides = array<i32>} : memref<2x25x128xf32, #tpu.memory_space<vmem>>, vector<1x1x16xf32>,
        %swap3A_1870 = vector.shape_cast %swap3A_1869 : vector<1x1x16xf32> to vector<16xf32>
        %swap3A_1871 = vector.shape_cast %mul3A_1861 : vector<16xf32> to vector<1x1x16xf32>
        tpu.vector_store %arg10[%swap3A_1866, %swap3A_1867, %swap3A_1868], %swap3A_1871 {strides = array<i32>} : memref<2x25x128xf32, #tpu.memory_space<vmem>>, vector<1x1x16xf32>,
        %add3A_1872 = arith.constant 1588 : i32
        %add3A_1873 = vector.broadcast %add3A_1872 : i32 to vector<16xi32>
        %add3A_1874 = arith.addi %sub3A_1411, %add3A_1873 : vector<16xi32>
        %mul3A_1875 = arith.constant 16 : i32
        %mul3A_1876 = arith.muli %scan3A_1256, %mul3A_1875 : i32
        %swap3A_1877 = arith.constant 1 : i32
        %swap3A_1878 = arith.constant 19 : i32
        %swap3A_1879 = arith.index_cast %swap3A_1877 : i32 to index
        %swap3A_1880 = arith.index_cast %swap3A_1878 : i32 to index
        %swap3A_1881 = arith.index_cast %mul3A_1876 : i32 to index
        %swap3A_1882 = tpu.vector_load %arg9[%swap3A_1879, %swap3A_1880, %swap3A_1881] {strides = array<i32>} : memref<2x25x128xi32, #tpu.memory_space<vmem>>, vector<1x1x16xi32>,
        %swap3A_1883 = vector.shape_cast %swap3A_1882 : vector<1x1x16xi32> to vector<16xi32>
        %swap3A_1884 = vector.shape_cast %add3A_1874 : vector<16xi32> to vector<1x1x16xi32>
        tpu.vector_store %arg9[%swap3A_1879, %swap3A_1880, %swap3A_1881], %swap3A_1884 {strides = array<i32>} : memref<2x25x128xi32, #tpu.memory_space<vmem>>, vector<1x1x16xi32>,
        %mul3A_1885 = arith.mulf %exp3A_1340, %mul3A_1775 : vector<16xf32>
        %mul3A_1886 = arith.constant 16 : i32
        %mul3A_1887 = arith.muli %scan3A_1256, %mul3A_1886 : i32
        %swap3A_1888 = arith.constant 1 : i32
        %swap3A_1889 = arith.constant 19 : i32
        %swap3A_1890 = arith.index_cast %swap3A_1888 : i32 to index
        %swap3A_1891 = arith.index_cast %swap3A_1889 : i32 to index
        %swap3A_1892 = arith.index_cast %mul3A_1887 : i32 to index
        %swap3A_1893 = tpu.vector_load %arg10[%swap3A_1890, %swap3A_1891, %swap3A_1892] {strides = array<i32>} : memref<2x25x128xf32, #tpu.memory_space<vmem>>, vector<1x1x16xf32>,
        %swap3A_1894 = vector.shape_cast %swap3A_1893 : vector<1x1x16xf32> to vector<16xf32>
        %swap3A_1895 = vector.shape_cast %mul3A_1885 : vector<16xf32> to vector<1x1x16xf32>
        tpu.vector_store %arg10[%swap3A_1890, %swap3A_1891, %swap3A_1892], %swap3A_1895 {strides = array<i32>} : memref<2x25x128xf32, #tpu.memory_space<vmem>>, vector<1x1x16xf32>,
        %mul3A_1896 = arith.mulf %exp3A_1395, %div3A : vector<16xf32>
        %add3A_1897 = arith.constant 2112 : i32
        %add3A_1898 = vector.broadcast %add3A_1897 : i32 to vector<16xi32>
        %add3A_1899 = arith.addi %sub3A_1411, %add3A_1898 : vector<16xi32>
        %mul3A_1900 = arith.constant 16 : i32
        %mul3A_1901 = arith.muli %scan3A_1256, %mul3A_1900 : i32
        %swap3A_1902 = arith.constant 1 : i32
        %swap3A_1903 = arith.constant 20 : i32
        %swap3A_1904 = arith.index_cast %swap3A_1902 : i32 to index
        %swap3A_1905 = arith.index_cast %swap3A_1903 : i32 to index
        %swap3A_1906 = arith.index_cast %mul3A_1901 : i32 to index
        %swap3A_1907 = tpu.vector_load %arg9[%swap3A_1904, %swap3A_1905, %swap3A_1906] {strides = array<i32>} : memref<2x25x128xi32, #tpu.memory_space<vmem>>, vector<1x1x16xi32>,
        %swap3A_1908 = vector.shape_cast %swap3A_1907 : vector<1x1x16xi32> to vector<16xi32>
        %swap3A_1909 = vector.shape_cast %add3A_1899 : vector<16xi32> to vector<1x1x16xi32>
        tpu.vector_store %arg9[%swap3A_1904, %swap3A_1905, %swap3A_1906], %swap3A_1909 {strides = array<i32>} : memref<2x25x128xi32, #tpu.memory_space<vmem>>, vector<1x1x16xi32>,
        %mul3A_1910 = arith.mulf %exp3A, %mul3A_1896 : vector<16xf32>
        %mul3A_1911 = arith.constant 16 : i32
        %mul3A_1912 = arith.muli %scan3A_1256, %mul3A_1911 : i32
        %swap3A_1913 = arith.constant 1 : i32
        %swap3A_1914 = arith.constant 20 : i32
        %swap3A_1915 = arith.index_cast %swap3A_1913 : i32 to index
        %swap3A_1916 = arith.index_cast %swap3A_1914 : i32 to index
        %swap3A_1917 = arith.index_cast %mul3A_1912 : i32 to index
        %swap3A_1918 = tpu.vector_load %arg10[%swap3A_1915, %swap3A_1916, %swap3A_1917] {strides = array<i32>} : memref<2x25x128xf32, #tpu.memory_space<vmem>>, vector<1x1x16xf32>,
        %swap3A_1919 = vector.shape_cast %swap3A_1918 : vector<1x1x16xf32> to vector<16xf32>
        %swap3A_1920 = vector.shape_cast %mul3A_1910 : vector<16xf32> to vector<1x1x16xf32>
        tpu.vector_store %arg10[%swap3A_1915, %swap3A_1916, %swap3A_1917], %swap3A_1920 {strides = array<i32>} : memref<2x25x128xf32, #tpu.memory_space<vmem>>, vector<1x1x16xf32>,
        %add3A_1921 = arith.constant 2113 : i32
        %add3A_1922 = vector.broadcast %add3A_1921 : i32 to vector<16xi32>
        %add3A_1923 = arith.addi %sub3A_1411, %add3A_1922 : vector<16xi32>
        %mul3A_1924 = arith.constant 16 : i32
        %mul3A_1925 = arith.muli %scan3A_1256, %mul3A_1924 : i32
        %swap3A_1926 = arith.constant 1 : i32
        %swap3A_1927 = arith.constant 21 : i32
        %swap3A_1928 = arith.index_cast %swap3A_1926 : i32 to index
        %swap3A_1929 = arith.index_cast %swap3A_1927 : i32 to index
        %swap3A_1930 = arith.index_cast %mul3A_1925 : i32 to index
        %swap3A_1931 = tpu.vector_load %arg9[%swap3A_1928, %swap3A_1929, %swap3A_1930] {strides = array<i32>} : memref<2x25x128xi32, #tpu.memory_space<vmem>>, vector<1x1x16xi32>,
        %swap3A_1932 = vector.shape_cast %swap3A_1931 : vector<1x1x16xi32> to vector<16xi32>
        %swap3A_1933 = vector.shape_cast %add3A_1923 : vector<16xi32> to vector<1x1x16xi32>
        tpu.vector_store %arg9[%swap3A_1928, %swap3A_1929, %swap3A_1930], %swap3A_1933 {strides = array<i32>} : memref<2x25x128xi32, #tpu.memory_space<vmem>>, vector<1x1x16xi32>,
        %mul3A_1934 = arith.mulf %exp3A_1307, %mul3A_1896 : vector<16xf32>
        %mul3A_1935 = arith.constant 16 : i32
        %mul3A_1936 = arith.muli %scan3A_1256, %mul3A_1935 : i32
        %swap3A_1937 = arith.constant 1 : i32
        %swap3A_1938 = arith.constant 21 : i32
        %swap3A_1939 = arith.index_cast %swap3A_1937 : i32 to index
        %swap3A_1940 = arith.index_cast %swap3A_1938 : i32 to index
        %swap3A_1941 = arith.index_cast %mul3A_1936 : i32 to index
        %swap3A_1942 = tpu.vector_load %arg10[%swap3A_1939, %swap3A_1940, %swap3A_1941] {strides = array<i32>} : memref<2x25x128xf32, #tpu.memory_space<vmem>>, vector<1x1x16xf32>,
        %swap3A_1943 = vector.shape_cast %swap3A_1942 : vector<1x1x16xf32> to vector<16xf32>
        %swap3A_1944 = vector.shape_cast %mul3A_1934 : vector<16xf32> to vector<1x1x16xf32>
        tpu.vector_store %arg10[%swap3A_1939, %swap3A_1940, %swap3A_1941], %swap3A_1944 {strides = array<i32>} : memref<2x25x128xf32, #tpu.memory_space<vmem>>, vector<1x1x16xf32>,
        %add3A_1945 = arith.constant 2114 : i32
        %add3A_1946 = vector.broadcast %add3A_1945 : i32 to vector<16xi32>
        %add3A_1947 = arith.addi %sub3A_1411, %add3A_1946 : vector<16xi32>
        %mul3A_1948 = arith.constant 16 : i32
        %mul3A_1949 = arith.muli %scan3A_1256, %mul3A_1948 : i32
        %swap3A_1950 = arith.constant 1 : i32
        %swap3A_1951 = arith.constant 22 : i32
        %swap3A_1952 = arith.index_cast %swap3A_1950 : i32 to index
        %swap3A_1953 = arith.index_cast %swap3A_1951 : i32 to index
        %swap3A_1954 = arith.index_cast %mul3A_1949 : i32 to index
        %swap3A_1955 = tpu.vector_load %arg9[%swap3A_1952, %swap3A_1953, %swap3A_1954] {strides = array<i32>} : memref<2x25x128xi32, #tpu.memory_space<vmem>>, vector<1x1x16xi32>,
        %swap3A_1956 = vector.shape_cast %swap3A_1955 : vector<1x1x16xi32> to vector<16xi32>
        %swap3A_1957 = vector.shape_cast %add3A_1947 : vector<16xi32> to vector<1x1x16xi32>
        tpu.vector_store %arg9[%swap3A_1952, %swap3A_1953, %swap3A_1954], %swap3A_1957 {strides = array<i32>} : memref<2x25x128xi32, #tpu.memory_space<vmem>>, vector<1x1x16xi32>,
        %mul3A_1958 = arith.mulf %exp3A_1318, %mul3A_1896 : vector<16xf32>
        %mul3A_1959 = arith.constant 16 : i32
        %mul3A_1960 = arith.muli %scan3A_1256, %mul3A_1959 : i32
        %swap3A_1961 = arith.constant 1 : i32
        %swap3A_1962 = arith.constant 22 : i32
        %swap3A_1963 = arith.index_cast %swap3A_1961 : i32 to index
        %swap3A_1964 = arith.index_cast %swap3A_1962 : i32 to index
        %swap3A_1965 = arith.index_cast %mul3A_1960 : i32 to index
        %swap3A_1966 = tpu.vector_load %arg10[%swap3A_1963, %swap3A_1964, %swap3A_1965] {strides = array<i32>} : memref<2x25x128xf32, #tpu.memory_space<vmem>>, vector<1x1x16xf32>,
        %swap3A_1967 = vector.shape_cast %swap3A_1966 : vector<1x1x16xf32> to vector<16xf32>
        %swap3A_1968 = vector.shape_cast %mul3A_1958 : vector<16xf32> to vector<1x1x16xf32>
        tpu.vector_store %arg10[%swap3A_1963, %swap3A_1964, %swap3A_1965], %swap3A_1968 {strides = array<i32>} : memref<2x25x128xf32, #tpu.memory_space<vmem>>, vector<1x1x16xf32>,
        %add3A_1969 = arith.constant 2115 : i32
        %add3A_1970 = vector.broadcast %add3A_1969 : i32 to vector<16xi32>
        %add3A_1971 = arith.addi %sub3A_1411, %add3A_1970 : vector<16xi32>
        %mul3A_1972 = arith.constant 16 : i32
        %mul3A_1973 = arith.muli %scan3A_1256, %mul3A_1972 : i32
        %swap3A_1974 = arith.constant 1 : i32
        %swap3A_1975 = arith.constant 23 : i32
        %swap3A_1976 = arith.index_cast %swap3A_1974 : i32 to index
        %swap3A_1977 = arith.index_cast %swap3A_1975 : i32 to index
        %swap3A_1978 = arith.index_cast %mul3A_1973 : i32 to index
        %swap3A_1979 = tpu.vector_load %arg9[%swap3A_1976, %swap3A_1977, %swap3A_1978] {strides = array<i32>} : memref<2x25x128xi32, #tpu.memory_space<vmem>>, vector<1x1x16xi32>,
        %swap3A_1980 = vector.shape_cast %swap3A_1979 : vector<1x1x16xi32> to vector<16xi32>
        %swap3A_1981 = vector.shape_cast %add3A_1971 : vector<16xi32> to vector<1x1x16xi32>
        tpu.vector_store %arg9[%swap3A_1976, %swap3A_1977, %swap3A_1978], %swap3A_1981 {strides = array<i32>} : memref<2x25x128xi32, #tpu.memory_space<vmem>>, vector<1x1x16xi32>,
        %mul3A_1982 = arith.mulf %exp3A_1329, %mul3A_1896 : vector<16xf32>
        %mul3A_1983 = arith.constant 16 : i32
        %mul3A_1984 = arith.muli %scan3A_1256, %mul3A_1983 : i32
        %swap3A_1985 = arith.constant 1 : i32
        %swap3A_1986 = arith.constant 23 : i32
        %swap3A_1987 = arith.index_cast %swap3A_1985 : i32 to index
        %swap3A_1988 = arith.index_cast %swap3A_1986 : i32 to index
        %swap3A_1989 = arith.index_cast %mul3A_1984 : i32 to index
        %swap3A_1990 = tpu.vector_load %arg10[%swap3A_1987, %swap3A_1988, %swap3A_1989] {strides = array<i32>} : memref<2x25x128xf32, #tpu.memory_space<vmem>>, vector<1x1x16xf32>,
        %swap3A_1991 = vector.shape_cast %swap3A_1990 : vector<1x1x16xf32> to vector<16xf32>
        %swap3A_1992 = vector.shape_cast %mul3A_1982 : vector<16xf32> to vector<1x1x16xf32>
        tpu.vector_store %arg10[%swap3A_1987, %swap3A_1988, %swap3A_1989], %swap3A_1992 {strides = array<i32>} : memref<2x25x128xf32, #tpu.memory_space<vmem>>, vector<1x1x16xf32>,
        %add3A_1993 = arith.constant 2116 : i32
        %add3A_1994 = vector.broadcast %add3A_1993 : i32 to vector<16xi32>
        %add3A_1995 = arith.addi %sub3A_1411, %add3A_1994 : vector<16xi32>
        %mul3A_1996 = arith.constant 16 : i32
        %mul3A_1997 = arith.muli %scan3A_1256, %mul3A_1996 : i32
        %swap3A_1998 = arith.constant 1 : i32
        %swap3A_1999 = arith.constant 24 : i32
        %swap3A_2000 = arith.index_cast %swap3A_1998 : i32 to index
        %swap3A_2001 = arith.index_cast %swap3A_1999 : i32 to index
        %swap3A_2002 = arith.index_cast %mul3A_1997 : i32 to index
        %swap3A_2003 = tpu.vector_load %arg9[%swap3A_2000, %swap3A_2001, %swap3A_2002] {strides = array<i32>} : memref<2x25x128xi32, #tpu.memory_space<vmem>>, vector<1x1x16xi32>,
        %swap3A_2004 = vector.shape_cast %swap3A_2003 : vector<1x1x16xi32> to vector<16xi32>
        %swap3A_2005 = vector.shape_cast %add3A_1995 : vector<16xi32> to vector<1x1x16xi32>
        tpu.vector_store %arg9[%swap3A_2000, %swap3A_2001, %swap3A_2002], %swap3A_2005 {strides = array<i32>} : memref<2x25x128xi32, #tpu.memory_space<vmem>>, vector<1x1x16xi32>,
        %mul3A_2006 = arith.mulf %exp3A_1340, %mul3A_1896 : vector<16xf32>
        %mul3A_2007 = arith.constant 16 : i32
        %mul3A_2008 = arith.muli %scan3A_1256, %mul3A_2007 : i32
        %swap3A_2009 = arith.constant 1 : i32
        %swap3A_2010 = arith.constant 24 : i32
        %swap3A_2011 = arith.index_cast %swap3A_2009 : i32 to index
        %swap3A_2012 = arith.index_cast %swap3A_2010 : i32 to index
        %swap3A_2013 = arith.index_cast %mul3A_2008 : i32 to index
        %swap3A_2014 = tpu.vector_load %arg10[%swap3A_2011, %swap3A_2012, %swap3A_2013] {strides = array<i32>} : memref<2x25x128xf32, #tpu.memory_space<vmem>>, vector<1x1x16xf32>,
        %swap3A_2015 = vector.shape_cast %swap3A_2014 : vector<1x1x16xf32> to vector<16xf32>
        %swap3A_2016 = vector.shape_cast %mul3A_2006 : vector<16xf32> to vector<1x1x16xf32>
        tpu.vector_store %arg10[%swap3A_2011, %swap3A_2012, %swap3A_2013], %swap3A_2016 {strides = array<i32>} : memref<2x25x128xf32, #tpu.memory_space<vmem>>, vector<1x1x16xf32>,
      }
      %scan3A_955 = arith.constant 8 : i32
      %dma_start3A_956 = arith.constant 1 : i32
      %dma_start3A_957 = arith.constant 0 : i32
      %dma_start3A_958 = arith.constant 1 : i32
      %dma_start3A_959 = arith.constant 0 : i32
      %dma_start3A_960 = arith.constant 0 : i32
      %dma_start3A_961 = tpu.memref_slice %arg10[%dma_start3A_956, %dma_start3A_957, %dma_start3A_960] : memref<2x25x128xf32, #tpu.memory_space<vmem>> -> memref<1x1x128xf32, #tpu.memory_space<vmem>>
      %dma_start3A_962 = tpu.memref_squeeze %dma_start3A_961 : memref<1x1x128xf32, #tpu.memory_space<vmem>> -> memref<128xf32, #tpu.memory_space<vmem>>
      %dma_start3A_963 = arith.constant 0 : i32
      %dma_start3A_964 = tpu.memref_slice %arg9[%dma_start3A_958, %dma_start3A_959, %dma_start3A_963] : memref<2x25x128xi32, #tpu.memory_space<vmem>> -> memref<1x1x128xi32, #tpu.memory_space<vmem>>
      %dma_start3A_965 = tpu.memref_squeeze %dma_start3A_964 : memref<1x1x128xi32, #tpu.memory_space<vmem>> -> memref<128xi32, #tpu.memory_space<vmem>>
      %dma_start3A_966 = arith.constant 0 : i32
      %dma_start3A_967 = tpu.memref_slice %arg12[%dma_start3A_966] : memref<278784xf32, #tpu.memory_space<vmem_shared>> -> memref<278784xf32, #tpu.memory_space<vmem_shared>>
      tpu.enqueue_indirect_dma source(%dma_start3A_962 : memref<128xf32, #tpu.memory_space<vmem>>) target(%dma_start3A_967 : memref<278784xf32, #tpu.memory_space<vmem_shared>>) offsets(%dma_start3A_965 : memref<128xi32, #tpu.memory_space<vmem>>) semaphore(%arg14 : memref<!tpu.dma_semaphore, #tpu.memory_space<semaphore_mem>>) {add = true}
      %dma_start3A_968 = arith.constant 1 : i32
      %dma_start3A_969 = arith.constant 1 : i32
      %dma_start3A_970 = arith.constant 1 : i32
      %dma_start3A_971 = arith.constant 1 : i32
      %dma_start3A_972 = arith.constant 0 : i32
      %dma_start3A_973 = tpu.memref_slice %arg10[%dma_start3A_968, %dma_start3A_969, %dma_start3A_972] : memref<2x25x128xf32, #tpu.memory_space<vmem>> -> memref<1x1x128xf32, #tpu.memory_space<vmem>>
      %dma_start3A_974 = tpu.memref_squeeze %dma_start3A_973 : memref<1x1x128xf32, #tpu.memory_space<vmem>> -> memref<128xf32, #tpu.memory_space<vmem>>
      %dma_start3A_975 = arith.constant 0 : i32
      %dma_start3A_976 = tpu.memref_slice %arg9[%dma_start3A_970, %dma_start3A_971, %dma_start3A_975] : memref<2x25x128xi32, #tpu.memory_space<vmem>> -> memref<1x1x128xi32, #tpu.memory_space<vmem>>
      %dma_start3A_977 = tpu.memref_squeeze %dma_start3A_976 : memref<1x1x128xi32, #tpu.memory_space<vmem>> -> memref<128xi32, #tpu.memory_space<vmem>>
      %dma_start3A_978 = arith.constant 0 : i32
      %dma_start3A_979 = tpu.memref_slice %arg12[%dma_start3A_978] : memref<278784xf32, #tpu.memory_space<vmem_shared>> -> memref<278784xf32, #tpu.memory_space<vmem_shared>>
      tpu.enqueue_indirect_dma source(%dma_start3A_974 : memref<128xf32, #tpu.memory_space<vmem>>) target(%dma_start3A_979 : memref<278784xf32, #tpu.memory_space<vmem_shared>>) offsets(%dma_start3A_977 : memref<128xi32, #tpu.memory_space<vmem>>) semaphore(%arg14 : memref<!tpu.dma_semaphore, #tpu.memory_space<semaphore_mem>>) {add = true}
      %dma_start3A_980 = arith.constant 1 : i32
      %dma_start3A_981 = arith.constant 2 : i32
      %dma_start3A_982 = arith.constant 1 : i32
      %dma_start3A_983 = arith.constant 2 : i32
      %dma_start3A_984 = arith.constant 0 : i32
      %dma_start3A_985 = tpu.memref_slice %arg10[%dma_start3A_980, %dma_start3A_981, %dma_start3A_984] : memref<2x25x128xf32, #tpu.memory_space<vmem>> -> memref<1x1x128xf32, #tpu.memory_space<vmem>>
      %dma_start3A_986 = tpu.memref_squeeze %dma_start3A_985 : memref<1x1x128xf32, #tpu.memory_space<vmem>> -> memref<128xf32, #tpu.memory_space<vmem>>
      %dma_start3A_987 = arith.constant 0 : i32
      %dma_start3A_988 = tpu.memref_slice %arg9[%dma_start3A_982, %dma_start3A_983, %dma_start3A_987] : memref<2x25x128xi32, #tpu.memory_space<vmem>> -> memref<1x1x128xi32, #tpu.memory_space<vmem>>
      %dma_start3A_989 = tpu.memref_squeeze %dma_start3A_988 : memref<1x1x128xi32, #tpu.memory_space<vmem>> -> memref<128xi32, #tpu.memory_space<vmem>>
      %dma_start3A_990 = arith.constant 0 : i32
      %dma_start3A_991 = tpu.memref_slice %arg12[%dma_start3A_990] : memref<278784xf32, #tpu.memory_space<vmem_shared>> -> memref<278784xf32, #tpu.memory_space<vmem_shared>>
      tpu.enqueue_indirect_dma source(%dma_start3A_986 : memref<128xf32, #tpu.memory_space<vmem>>) target(%dma_start3A_991 : memref<278784xf32, #tpu.memory_space<vmem_shared>>) offsets(%dma_start3A_989 : memref<128xi32, #tpu.memory_space<vmem>>) semaphore(%arg14 : memref<!tpu.dma_semaphore, #tpu.memory_space<semaphore_mem>>) {add = true}
      %dma_start3A_992 = arith.constant 1 : i32
      %dma_start3A_993 = arith.constant 3 : i32
      %dma_start3A_994 = arith.constant 1 : i32
      %dma_start3A_995 = arith.constant 3 : i32
      %dma_start3A_996 = arith.constant 0 : i32
      %dma_start3A_997 = tpu.memref_slice %arg10[%dma_start3A_992, %dma_start3A_993, %dma_start3A_996] : memref<2x25x128xf32, #tpu.memory_space<vmem>> -> memref<1x1x128xf32, #tpu.memory_space<vmem>>
      %dma_start3A_998 = tpu.memref_squeeze %dma_start3A_997 : memref<1x1x128xf32, #tpu.memory_space<vmem>> -> memref<128xf32, #tpu.memory_space<vmem>>
      %dma_start3A_999 = arith.constant 0 : i32
      %dma_start3A_1000 = tpu.memref_slice %arg9[%dma_start3A_994, %dma_start3A_995, %dma_start3A_999] : memref<2x25x128xi32, #tpu.memory_space<vmem>> -> memref<1x1x128xi32, #tpu.memory_space<vmem>>
      %dma_start3A_1001 = tpu.memref_squeeze %dma_start3A_1000 : memref<1x1x128xi32, #tpu.memory_space<vmem>> -> memref<128xi32, #tpu.memory_space<vmem>>
      %dma_start3A_1002 = arith.constant 0 : i32
      %dma_start3A_1003 = tpu.memref_slice %arg12[%dma_start3A_1002] : memref<278784xf32, #tpu.memory_space<vmem_shared>> -> memref<278784xf32, #tpu.memory_space<vmem_shared>>
      tpu.enqueue_indirect_dma source(%dma_start3A_998 : memref<128xf32, #tpu.memory_space<vmem>>) target(%dma_start3A_1003 : memref<278784xf32, #tpu.memory_space<vmem_shared>>) offsets(%dma_start3A_1001 : memref<128xi32, #tpu.memory_space<vmem>>) semaphore(%arg14 : memref<!tpu.dma_semaphore, #tpu.memory_space<semaphore_mem>>) {add = true}
      %dma_start3A_1004 = arith.constant 1 : i32
      %dma_start3A_1005 = arith.constant 4 : i32
      %dma_start3A_1006 = arith.constant 1 : i32
      %dma_start3A_1007 = arith.constant 4 : i32
      %dma_start3A_1008 = arith.constant 0 : i32
      %dma_start3A_1009 = tpu.memref_slice %arg10[%dma_start3A_1004, %dma_start3A_1005, %dma_start3A_1008] : memref<2x25x128xf32, #tpu.memory_space<vmem>> -> memref<1x1x128xf32, #tpu.memory_space<vmem>>
      %dma_start3A_1010 = tpu.memref_squeeze %dma_start3A_1009 : memref<1x1x128xf32, #tpu.memory_space<vmem>> -> memref<128xf32, #tpu.memory_space<vmem>>
      %dma_start3A_1011 = arith.constant 0 : i32
      %dma_start3A_1012 = tpu.memref_slice %arg9[%dma_start3A_1006, %dma_start3A_1007, %dma_start3A_1011] : memref<2x25x128xi32, #tpu.memory_space<vmem>> -> memref<1x1x128xi32, #tpu.memory_space<vmem>>
      %dma_start3A_1013 = tpu.memref_squeeze %dma_start3A_1012 : memref<1x1x128xi32, #tpu.memory_space<vmem>> -> memref<128xi32, #tpu.memory_space<vmem>>
      %dma_start3A_1014 = arith.constant 0 : i32
      %dma_start3A_1015 = tpu.memref_slice %arg12[%dma_start3A_1014] : memref<278784xf32, #tpu.memory_space<vmem_shared>> -> memref<278784xf32, #tpu.memory_space<vmem_shared>>
      tpu.enqueue_indirect_dma source(%dma_start3A_1010 : memref<128xf32, #tpu.memory_space<vmem>>) target(%dma_start3A_1015 : memref<278784xf32, #tpu.memory_space<vmem_shared>>) offsets(%dma_start3A_1013 : memref<128xi32, #tpu.memory_space<vmem>>) semaphore(%arg14 : memref<!tpu.dma_semaphore, #tpu.memory_space<semaphore_mem>>) {add = true}
      %dma_start3A_1016 = arith.constant 1 : i32
      %dma_start3A_1017 = arith.constant 5 : i32
      %dma_start3A_1018 = arith.constant 1 : i32
      %dma_start3A_1019 = arith.constant 5 : i32
      %dma_start3A_1020 = arith.constant 0 : i32
      %dma_start3A_1021 = tpu.memref_slice %arg10[%dma_start3A_1016, %dma_start3A_1017, %dma_start3A_1020] : memref<2x25x128xf32, #tpu.memory_space<vmem>> -> memref<1x1x128xf32, #tpu.memory_space<vmem>>
      %dma_start3A_1022 = tpu.memref_squeeze %dma_start3A_1021 : memref<1x1x128xf32, #tpu.memory_space<vmem>> -> memref<128xf32, #tpu.memory_space<vmem>>
      %dma_start3A_1023 = arith.constant 0 : i32
      %dma_start3A_1024 = tpu.memref_slice %arg9[%dma_start3A_1018, %dma_start3A_1019, %dma_start3A_1023] : memref<2x25x128xi32, #tpu.memory_space<vmem>> -> memref<1x1x128xi32, #tpu.memory_space<vmem>>
      %dma_start3A_1025 = tpu.memref_squeeze %dma_start3A_1024 : memref<1x1x128xi32, #tpu.memory_space<vmem>> -> memref<128xi32, #tpu.memory_space<vmem>>
      %dma_start3A_1026 = arith.constant 0 : i32
      %dma_start3A_1027 = tpu.memref_slice %arg12[%dma_start3A_1026] : memref<278784xf32, #tpu.memory_space<vmem_shared>> -> memref<278784xf32, #tpu.memory_space<vmem_shared>>
      tpu.enqueue_indirect_dma source(%dma_start3A_1022 : memref<128xf32, #tpu.memory_space<vmem>>) target(%dma_start3A_1027 : memref<278784xf32, #tpu.memory_space<vmem_shared>>) offsets(%dma_start3A_1025 : memref<128xi32, #tpu.memory_space<vmem>>) semaphore(%arg14 : memref<!tpu.dma_semaphore, #tpu.memory_space<semaphore_mem>>) {add = true}
      %dma_start3A_1028 = arith.constant 1 : i32
      %dma_start3A_1029 = arith.constant 6 : i32
      %dma_start3A_1030 = arith.constant 1 : i32
      %dma_start3A_1031 = arith.constant 6 : i32
      %dma_start3A_1032 = arith.constant 0 : i32
      %dma_start3A_1033 = tpu.memref_slice %arg10[%dma_start3A_1028, %dma_start3A_1029, %dma_start3A_1032] : memref<2x25x128xf32, #tpu.memory_space<vmem>> -> memref<1x1x128xf32, #tpu.memory_space<vmem>>
      %dma_start3A_1034 = tpu.memref_squeeze %dma_start3A_1033 : memref<1x1x128xf32, #tpu.memory_space<vmem>> -> memref<128xf32, #tpu.memory_space<vmem>>
      %dma_start3A_1035 = arith.constant 0 : i32
      %dma_start3A_1036 = tpu.memref_slice %arg9[%dma_start3A_1030, %dma_start3A_1031, %dma_start3A_1035] : memref<2x25x128xi32, #tpu.memory_space<vmem>> -> memref<1x1x128xi32, #tpu.memory_space<vmem>>
      %dma_start3A_1037 = tpu.memref_squeeze %dma_start3A_1036 : memref<1x1x128xi32, #tpu.memory_space<vmem>> -> memref<128xi32, #tpu.memory_space<vmem>>
      %dma_start3A_1038 = arith.constant 0 : i32
      %dma_start3A_1039 = tpu.memref_slice %arg12[%dma_start3A_1038] : memref<278784xf32, #tpu.memory_space<vmem_shared>> -> memref<278784xf32, #tpu.memory_space<vmem_shared>>
      tpu.enqueue_indirect_dma source(%dma_start3A_1034 : memref<128xf32, #tpu.memory_space<vmem>>) target(%dma_start3A_1039 : memref<278784xf32, #tpu.memory_space<vmem_shared>>) offsets(%dma_start3A_1037 : memref<128xi32, #tpu.memory_space<vmem>>) semaphore(%arg14 : memref<!tpu.dma_semaphore, #tpu.memory_space<semaphore_mem>>) {add = true}
      %dma_start3A_1040 = arith.constant 1 : i32
      %dma_start3A_1041 = arith.constant 7 : i32
      %dma_start3A_1042 = arith.constant 1 : i32
      %dma_start3A_1043 = arith.constant 7 : i32
      %dma_start3A_1044 = arith.constant 0 : i32
      %dma_start3A_1045 = tpu.memref_slice %arg10[%dma_start3A_1040, %dma_start3A_1041, %dma_start3A_1044] : memref<2x25x128xf32, #tpu.memory_space<vmem>> -> memref<1x1x128xf32, #tpu.memory_space<vmem>>
      %dma_start3A_1046 = tpu.memref_squeeze %dma_start3A_1045 : memref<1x1x128xf32, #tpu.memory_space<vmem>> -> memref<128xf32, #tpu.memory_space<vmem>>
      %dma_start3A_1047 = arith.constant 0 : i32
      %dma_start3A_1048 = tpu.memref_slice %arg9[%dma_start3A_1042, %dma_start3A_1043, %dma_start3A_1047] : memref<2x25x128xi32, #tpu.memory_space<vmem>> -> memref<1x1x128xi32, #tpu.memory_space<vmem>>
      %dma_start3A_1049 = tpu.memref_squeeze %dma_start3A_1048 : memref<1x1x128xi32, #tpu.memory_space<vmem>> -> memref<128xi32, #tpu.memory_space<vmem>>
      %dma_start3A_1050 = arith.constant 0 : i32
      %dma_start3A_1051 = tpu.memref_slice %arg12[%dma_start3A_1050] : memref<278784xf32, #tpu.memory_space<vmem_shared>> -> memref<278784xf32, #tpu.memory_space<vmem_shared>>
      tpu.enqueue_indirect_dma source(%dma_start3A_1046 : memref<128xf32, #tpu.memory_space<vmem>>) target(%dma_start3A_1051 : memref<278784xf32, #tpu.memory_space<vmem_shared>>) offsets(%dma_start3A_1049 : memref<128xi32, #tpu.memory_space<vmem>>) semaphore(%arg14 : memref<!tpu.dma_semaphore, #tpu.memory_space<semaphore_mem>>) {add = true}
      %dma_start3A_1052 = arith.constant 1 : i32
      %dma_start3A_1053 = arith.constant 8 : i32
      %dma_start3A_1054 = arith.constant 1 : i32
      %dma_start3A_1055 = arith.constant 8 : i32
      %dma_start3A_1056 = arith.constant 0 : i32
      %dma_start3A_1057 = tpu.memref_slice %arg10[%dma_start3A_1052, %dma_start3A_1053, %dma_start3A_1056] : memref<2x25x128xf32, #tpu.memory_space<vmem>> -> memref<1x1x128xf32, #tpu.memory_space<vmem>>
      %dma_start3A_1058 = tpu.memref_squeeze %dma_start3A_1057 : memref<1x1x128xf32, #tpu.memory_space<vmem>> -> memref<128xf32, #tpu.memory_space<vmem>>
      %dma_start3A_1059 = arith.constant 0 : i32
      %dma_start3A_1060 = tpu.memref_slice %arg9[%dma_start3A_1054, %dma_start3A_1055, %dma_start3A_1059] : memref<2x25x128xi32, #tpu.memory_space<vmem>> -> memref<1x1x128xi32, #tpu.memory_space<vmem>>
      %dma_start3A_1061 = tpu.memref_squeeze %dma_start3A_1060 : memref<1x1x128xi32, #tpu.memory_space<vmem>> -> memref<128xi32, #tpu.memory_space<vmem>>
      %dma_start3A_1062 = arith.constant 0 : i32
      %dma_start3A_1063 = tpu.memref_slice %arg12[%dma_start3A_1062] : memref<278784xf32, #tpu.memory_space<vmem_shared>> -> memref<278784xf32, #tpu.memory_space<vmem_shared>>
      tpu.enqueue_indirect_dma source(%dma_start3A_1058 : memref<128xf32, #tpu.memory_space<vmem>>) target(%dma_start3A_1063 : memref<278784xf32, #tpu.memory_space<vmem_shared>>) offsets(%dma_start3A_1061 : memref<128xi32, #tpu.memory_space<vmem>>) semaphore(%arg14 : memref<!tpu.dma_semaphore, #tpu.memory_space<semaphore_mem>>) {add = true}
      %dma_start3A_1064 = arith.constant 1 : i32
      %dma_start3A_1065 = arith.constant 9 : i32
      %dma_start3A_1066 = arith.constant 1 : i32
      %dma_start3A_1067 = arith.constant 9 : i32
      %dma_start3A_1068 = arith.constant 0 : i32
      %dma_start3A_1069 = tpu.memref_slice %arg10[%dma_start3A_1064, %dma_start3A_1065, %dma_start3A_1068] : memref<2x25x128xf32, #tpu.memory_space<vmem>> -> memref<1x1x128xf32, #tpu.memory_space<vmem>>
      %dma_start3A_1070 = tpu.memref_squeeze %dma_start3A_1069 : memref<1x1x128xf32, #tpu.memory_space<vmem>> -> memref<128xf32, #tpu.memory_space<vmem>>
      %dma_start3A_1071 = arith.constant 0 : i32
      %dma_start3A_1072 = tpu.memref_slice %arg9[%dma_start3A_1066, %dma_start3A_1067, %dma_start3A_1071] : memref<2x25x128xi32, #tpu.memory_space<vmem>> -> memref<1x1x128xi32, #tpu.memory_space<vmem>>
      %dma_start3A_1073 = tpu.memref_squeeze %dma_start3A_1072 : memref<1x1x128xi32, #tpu.memory_space<vmem>> -> memref<128xi32, #tpu.memory_space<vmem>>
      %dma_start3A_1074 = arith.constant 0 : i32
      %dma_start3A_1075 = tpu.memref_slice %arg12[%dma_start3A_1074] : memref<278784xf32, #tpu.memory_space<vmem_shared>> -> memref<278784xf32, #tpu.memory_space<vmem_shared>>
      tpu.enqueue_indirect_dma source(%dma_start3A_1070 : memref<128xf32, #tpu.memory_space<vmem>>) target(%dma_start3A_1075 : memref<278784xf32, #tpu.memory_space<vmem_shared>>) offsets(%dma_start3A_1073 : memref<128xi32, #tpu.memory_space<vmem>>) semaphore(%arg14 : memref<!tpu.dma_semaphore, #tpu.memory_space<semaphore_mem>>) {add = true}
      %dma_start3A_1076 = arith.constant 1 : i32
      %dma_start3A_1077 = arith.constant 10 : i32
      %dma_start3A_1078 = arith.constant 1 : i32
      %dma_start3A_1079 = arith.constant 10 : i32
      %dma_start3A_1080 = arith.constant 0 : i32
      %dma_start3A_1081 = tpu.memref_slice %arg10[%dma_start3A_1076, %dma_start3A_1077, %dma_start3A_1080] : memref<2x25x128xf32, #tpu.memory_space<vmem>> -> memref<1x1x128xf32, #tpu.memory_space<vmem>>
      %dma_start3A_1082 = tpu.memref_squeeze %dma_start3A_1081 : memref<1x1x128xf32, #tpu.memory_space<vmem>> -> memref<128xf32, #tpu.memory_space<vmem>>
      %dma_start3A_1083 = arith.constant 0 : i32
      %dma_start3A_1084 = tpu.memref_slice %arg9[%dma_start3A_1078, %dma_start3A_1079, %dma_start3A_1083] : memref<2x25x128xi32, #tpu.memory_space<vmem>> -> memref<1x1x128xi32, #tpu.memory_space<vmem>>
      %dma_start3A_1085 = tpu.memref_squeeze %dma_start3A_1084 : memref<1x1x128xi32, #tpu.memory_space<vmem>> -> memref<128xi32, #tpu.memory_space<vmem>>
      %dma_start3A_1086 = arith.constant 0 : i32
      %dma_start3A_1087 = tpu.memref_slice %arg12[%dma_start3A_1086] : memref<278784xf32, #tpu.memory_space<vmem_shared>> -> memref<278784xf32, #tpu.memory_space<vmem_shared>>
      tpu.enqueue_indirect_dma source(%dma_start3A_1082 : memref<128xf32, #tpu.memory_space<vmem>>) target(%dma_start3A_1087 : memref<278784xf32, #tpu.memory_space<vmem_shared>>) offsets(%dma_start3A_1085 : memref<128xi32, #tpu.memory_space<vmem>>) semaphore(%arg14 : memref<!tpu.dma_semaphore, #tpu.memory_space<semaphore_mem>>) {add = true}
      %dma_start3A_1088 = arith.constant 1 : i32
      %dma_start3A_1089 = arith.constant 11 : i32
      %dma_start3A_1090 = arith.constant 1 : i32
      %dma_start3A_1091 = arith.constant 11 : i32
      %dma_start3A_1092 = arith.constant 0 : i32
      %dma_start3A_1093 = tpu.memref_slice %arg10[%dma_start3A_1088, %dma_start3A_1089, %dma_start3A_1092] : memref<2x25x128xf32, #tpu.memory_space<vmem>> -> memref<1x1x128xf32, #tpu.memory_space<vmem>>
      %dma_start3A_1094 = tpu.memref_squeeze %dma_start3A_1093 : memref<1x1x128xf32, #tpu.memory_space<vmem>> -> memref<128xf32, #tpu.memory_space<vmem>>
      %dma_start3A_1095 = arith.constant 0 : i32
      %dma_start3A_1096 = tpu.memref_slice %arg9[%dma_start3A_1090, %dma_start3A_1091, %dma_start3A_1095] : memref<2x25x128xi32, #tpu.memory_space<vmem>> -> memref<1x1x128xi32, #tpu.memory_space<vmem>>
      %dma_start3A_1097 = tpu.memref_squeeze %dma_start3A_1096 : memref<1x1x128xi32, #tpu.memory_space<vmem>> -> memref<128xi32, #tpu.memory_space<vmem>>
      %dma_start3A_1098 = arith.constant 0 : i32
      %dma_start3A_1099 = tpu.memref_slice %arg12[%dma_start3A_1098] : memref<278784xf32, #tpu.memory_space<vmem_shared>> -> memref<278784xf32, #tpu.memory_space<vmem_shared>>
      tpu.enqueue_indirect_dma source(%dma_start3A_1094 : memref<128xf32, #tpu.memory_space<vmem>>) target(%dma_start3A_1099 : memref<278784xf32, #tpu.memory_space<vmem_shared>>) offsets(%dma_start3A_1097 : memref<128xi32, #tpu.memory_space<vmem>>) semaphore(%arg14 : memref<!tpu.dma_semaphore, #tpu.memory_space<semaphore_mem>>) {add = true}
      %dma_start3A_1100 = arith.constant 1 : i32
      %dma_start3A_1101 = arith.constant 12 : i32
      %dma_start3A_1102 = arith.constant 1 : i32
      %dma_start3A_1103 = arith.constant 12 : i32
      %dma_start3A_1104 = arith.constant 0 : i32
      %dma_start3A_1105 = tpu.memref_slice %arg10[%dma_start3A_1100, %dma_start3A_1101, %dma_start3A_1104] : memref<2x25x128xf32, #tpu.memory_space<vmem>> -> memref<1x1x128xf32, #tpu.memory_space<vmem>>
      %dma_start3A_1106 = tpu.memref_squeeze %dma_start3A_1105 : memref<1x1x128xf32, #tpu.memory_space<vmem>> -> memref<128xf32, #tpu.memory_space<vmem>>
      %dma_start3A_1107 = arith.constant 0 : i32
      %dma_start3A_1108 = tpu.memref_slice %arg9[%dma_start3A_1102, %dma_start3A_1103, %dma_start3A_1107] : memref<2x25x128xi32, #tpu.memory_space<vmem>> -> memref<1x1x128xi32, #tpu.memory_space<vmem>>
      %dma_start3A_1109 = tpu.memref_squeeze %dma_start3A_1108 : memref<1x1x128xi32, #tpu.memory_space<vmem>> -> memref<128xi32, #tpu.memory_space<vmem>>
      %dma_start3A_1110 = arith.constant 0 : i32
      %dma_start3A_1111 = tpu.memref_slice %arg12[%dma_start3A_1110] : memref<278784xf32, #tpu.memory_space<vmem_shared>> -> memref<278784xf32, #tpu.memory_space<vmem_shared>>
      tpu.enqueue_indirect_dma source(%dma_start3A_1106 : memref<128xf32, #tpu.memory_space<vmem>>) target(%dma_start3A_1111 : memref<278784xf32, #tpu.memory_space<vmem_shared>>) offsets(%dma_start3A_1109 : memref<128xi32, #tpu.memory_space<vmem>>) semaphore(%arg14 : memref<!tpu.dma_semaphore, #tpu.memory_space<semaphore_mem>>) {add = true}
      %dma_start3A_1112 = arith.constant 1 : i32
      %dma_start3A_1113 = arith.constant 13 : i32
      %dma_start3A_1114 = arith.constant 1 : i32
      %dma_start3A_1115 = arith.constant 13 : i32
      %dma_start3A_1116 = arith.constant 0 : i32
      %dma_start3A_1117 = tpu.memref_slice %arg10[%dma_start3A_1112, %dma_start3A_1113, %dma_start3A_1116] : memref<2x25x128xf32, #tpu.memory_space<vmem>> -> memref<1x1x128xf32, #tpu.memory_space<vmem>>
      %dma_start3A_1118 = tpu.memref_squeeze %dma_start3A_1117 : memref<1x1x128xf32, #tpu.memory_space<vmem>> -> memref<128xf32, #tpu.memory_space<vmem>>
      %dma_start3A_1119 = arith.constant 0 : i32
      %dma_start3A_1120 = tpu.memref_slice %arg9[%dma_start3A_1114, %dma_start3A_1115, %dma_start3A_1119] : memref<2x25x128xi32, #tpu.memory_space<vmem>> -> memref<1x1x128xi32, #tpu.memory_space<vmem>>
      %dma_start3A_1121 = tpu.memref_squeeze %dma_start3A_1120 : memref<1x1x128xi32, #tpu.memory_space<vmem>> -> memref<128xi32, #tpu.memory_space<vmem>>
      %dma_start3A_1122 = arith.constant 0 : i32
      %dma_start3A_1123 = tpu.memref_slice %arg12[%dma_start3A_1122] : memref<278784xf32, #tpu.memory_space<vmem_shared>> -> memref<278784xf32, #tpu.memory_space<vmem_shared>>
      tpu.enqueue_indirect_dma source(%dma_start3A_1118 : memref<128xf32, #tpu.memory_space<vmem>>) target(%dma_start3A_1123 : memref<278784xf32, #tpu.memory_space<vmem_shared>>) offsets(%dma_start3A_1121 : memref<128xi32, #tpu.memory_space<vmem>>) semaphore(%arg14 : memref<!tpu.dma_semaphore, #tpu.memory_space<semaphore_mem>>) {add = true}
      %dma_start3A_1124 = arith.constant 1 : i32
      %dma_start3A_1125 = arith.constant 14 : i32
      %dma_start3A_1126 = arith.constant 1 : i32
      %dma_start3A_1127 = arith.constant 14 : i32
      %dma_start3A_1128 = arith.constant 0 : i32
      %dma_start3A_1129 = tpu.memref_slice %arg10[%dma_start3A_1124, %dma_start3A_1125, %dma_start3A_1128] : memref<2x25x128xf32, #tpu.memory_space<vmem>> -> memref<1x1x128xf32, #tpu.memory_space<vmem>>
      %dma_start3A_1130 = tpu.memref_squeeze %dma_start3A_1129 : memref<1x1x128xf32, #tpu.memory_space<vmem>> -> memref<128xf32, #tpu.memory_space<vmem>>
      %dma_start3A_1131 = arith.constant 0 : i32
      %dma_start3A_1132 = tpu.memref_slice %arg9[%dma_start3A_1126, %dma_start3A_1127, %dma_start3A_1131] : memref<2x25x128xi32, #tpu.memory_space<vmem>> -> memref<1x1x128xi32, #tpu.memory_space<vmem>>
      %dma_start3A_1133 = tpu.memref_squeeze %dma_start3A_1132 : memref<1x1x128xi32, #tpu.memory_space<vmem>> -> memref<128xi32, #tpu.memory_space<vmem>>
      %dma_start3A_1134 = arith.constant 0 : i32
      %dma_start3A_1135 = tpu.memref_slice %arg12[%dma_start3A_1134] : memref<278784xf32, #tpu.memory_space<vmem_shared>> -> memref<278784xf32, #tpu.memory_space<vmem_shared>>
      tpu.enqueue_indirect_dma source(%dma_start3A_1130 : memref<128xf32, #tpu.memory_space<vmem>>) target(%dma_start3A_1135 : memref<278784xf32, #tpu.memory_space<vmem_shared>>) offsets(%dma_start3A_1133 : memref<128xi32, #tpu.memory_space<vmem>>) semaphore(%arg14 : memref<!tpu.dma_semaphore, #tpu.memory_space<semaphore_mem>>) {add = true}
      %dma_start3A_1136 = arith.constant 1 : i32
      %dma_start3A_1137 = arith.constant 15 : i32
      %dma_start3A_1138 = arith.constant 1 : i32
      %dma_start3A_1139 = arith.constant 15 : i32
      %dma_start3A_1140 = arith.constant 0 : i32
      %dma_start3A_1141 = tpu.memref_slice %arg10[%dma_start3A_1136, %dma_start3A_1137, %dma_start3A_1140] : memref<2x25x128xf32, #tpu.memory_space<vmem>> -> memref<1x1x128xf32, #tpu.memory_space<vmem>>
      %dma_start3A_1142 = tpu.memref_squeeze %dma_start3A_1141 : memref<1x1x128xf32, #tpu.memory_space<vmem>> -> memref<128xf32, #tpu.memory_space<vmem>>
      %dma_start3A_1143 = arith.constant 0 : i32
      %dma_start3A_1144 = tpu.memref_slice %arg9[%dma_start3A_1138, %dma_start3A_1139, %dma_start3A_1143] : memref<2x25x128xi32, #tpu.memory_space<vmem>> -> memref<1x1x128xi32, #tpu.memory_space<vmem>>
      %dma_start3A_1145 = tpu.memref_squeeze %dma_start3A_1144 : memref<1x1x128xi32, #tpu.memory_space<vmem>> -> memref<128xi32, #tpu.memory_space<vmem>>
      %dma_start3A_1146 = arith.constant 0 : i32
      %dma_start3A_1147 = tpu.memref_slice %arg12[%dma_start3A_1146] : memref<278784xf32, #tpu.memory_space<vmem_shared>> -> memref<278784xf32, #tpu.memory_space<vmem_shared>>
      tpu.enqueue_indirect_dma source(%dma_start3A_1142 : memref<128xf32, #tpu.memory_space<vmem>>) target(%dma_start3A_1147 : memref<278784xf32, #tpu.memory_space<vmem_shared>>) offsets(%dma_start3A_1145 : memref<128xi32, #tpu.memory_space<vmem>>) semaphore(%arg14 : memref<!tpu.dma_semaphore, #tpu.memory_space<semaphore_mem>>) {add = true}
      %dma_start3A_1148 = arith.constant 1 : i32
      %dma_start3A_1149 = arith.constant 16 : i32
      %dma_start3A_1150 = arith.constant 1 : i32
      %dma_start3A_1151 = arith.constant 16 : i32
      %dma_start3A_1152 = arith.constant 0 : i32
      %dma_start3A_1153 = tpu.memref_slice %arg10[%dma_start3A_1148, %dma_start3A_1149, %dma_start3A_1152] : memref<2x25x128xf32, #tpu.memory_space<vmem>> -> memref<1x1x128xf32, #tpu.memory_space<vmem>>
      %dma_start3A_1154 = tpu.memref_squeeze %dma_start3A_1153 : memref<1x1x128xf32, #tpu.memory_space<vmem>> -> memref<128xf32, #tpu.memory_space<vmem>>
      %dma_start3A_1155 = arith.constant 0 : i32
      %dma_start3A_1156 = tpu.memref_slice %arg9[%dma_start3A_1150, %dma_start3A_1151, %dma_start3A_1155] : memref<2x25x128xi32, #tpu.memory_space<vmem>> -> memref<1x1x128xi32, #tpu.memory_space<vmem>>
      %dma_start3A_1157 = tpu.memref_squeeze %dma_start3A_1156 : memref<1x1x128xi32, #tpu.memory_space<vmem>> -> memref<128xi32, #tpu.memory_space<vmem>>
      %dma_start3A_1158 = arith.constant 0 : i32
      %dma_start3A_1159 = tpu.memref_slice %arg12[%dma_start3A_1158] : memref<278784xf32, #tpu.memory_space<vmem_shared>> -> memref<278784xf32, #tpu.memory_space<vmem_shared>>
      tpu.enqueue_indirect_dma source(%dma_start3A_1154 : memref<128xf32, #tpu.memory_space<vmem>>) target(%dma_start3A_1159 : memref<278784xf32, #tpu.memory_space<vmem_shared>>) offsets(%dma_start3A_1157 : memref<128xi32, #tpu.memory_space<vmem>>) semaphore(%arg14 : memref<!tpu.dma_semaphore, #tpu.memory_space<semaphore_mem>>) {add = true}
      %dma_start3A_1160 = arith.constant 1 : i32
      %dma_start3A_1161 = arith.constant 17 : i32
      %dma_start3A_1162 = arith.constant 1 : i32
      %dma_start3A_1163 = arith.constant 17 : i32
      %dma_start3A_1164 = arith.constant 0 : i32
      %dma_start3A_1165 = tpu.memref_slice %arg10[%dma_start3A_1160, %dma_start3A_1161, %dma_start3A_1164] : memref<2x25x128xf32, #tpu.memory_space<vmem>> -> memref<1x1x128xf32, #tpu.memory_space<vmem>>
      %dma_start3A_1166 = tpu.memref_squeeze %dma_start3A_1165 : memref<1x1x128xf32, #tpu.memory_space<vmem>> -> memref<128xf32, #tpu.memory_space<vmem>>
      %dma_start3A_1167 = arith.constant 0 : i32
      %dma_start3A_1168 = tpu.memref_slice %arg9[%dma_start3A_1162, %dma_start3A_1163, %dma_start3A_1167] : memref<2x25x128xi32, #tpu.memory_space<vmem>> -> memref<1x1x128xi32, #tpu.memory_space<vmem>>
      %dma_start3A_1169 = tpu.memref_squeeze %dma_start3A_1168 : memref<1x1x128xi32, #tpu.memory_space<vmem>> -> memref<128xi32, #tpu.memory_space<vmem>>
      %dma_start3A_1170 = arith.constant 0 : i32
      %dma_start3A_1171 = tpu.memref_slice %arg12[%dma_start3A_1170] : memref<278784xf32, #tpu.memory_space<vmem_shared>> -> memref<278784xf32, #tpu.memory_space<vmem_shared>>
      tpu.enqueue_indirect_dma source(%dma_start3A_1166 : memref<128xf32, #tpu.memory_space<vmem>>) target(%dma_start3A_1171 : memref<278784xf32, #tpu.memory_space<vmem_shared>>) offsets(%dma_start3A_1169 : memref<128xi32, #tpu.memory_space<vmem>>) semaphore(%arg14 : memref<!tpu.dma_semaphore, #tpu.memory_space<semaphore_mem>>) {add = true}
      %dma_start3A_1172 = arith.constant 1 : i32
      %dma_start3A_1173 = arith.constant 18 : i32
      %dma_start3A_1174 = arith.constant 1 : i32
      %dma_start3A_1175 = arith.constant 18 : i32
      %dma_start3A_1176 = arith.constant 0 : i32
      %dma_start3A_1177 = tpu.memref_slice %arg10[%dma_start3A_1172, %dma_start3A_1173, %dma_start3A_1176] : memref<2x25x128xf32, #tpu.memory_space<vmem>> -> memref<1x1x128xf32, #tpu.memory_space<vmem>>
      %dma_start3A_1178 = tpu.memref_squeeze %dma_start3A_1177 : memref<1x1x128xf32, #tpu.memory_space<vmem>> -> memref<128xf32, #tpu.memory_space<vmem>>
      %dma_start3A_1179 = arith.constant 0 : i32
      %dma_start3A_1180 = tpu.memref_slice %arg9[%dma_start3A_1174, %dma_start3A_1175, %dma_start3A_1179] : memref<2x25x128xi32, #tpu.memory_space<vmem>> -> memref<1x1x128xi32, #tpu.memory_space<vmem>>
      %dma_start3A_1181 = tpu.memref_squeeze %dma_start3A_1180 : memref<1x1x128xi32, #tpu.memory_space<vmem>> -> memref<128xi32, #tpu.memory_space<vmem>>
      %dma_start3A_1182 = arith.constant 0 : i32
      %dma_start3A_1183 = tpu.memref_slice %arg12[%dma_start3A_1182] : memref<278784xf32, #tpu.memory_space<vmem_shared>> -> memref<278784xf32, #tpu.memory_space<vmem_shared>>
      tpu.enqueue_indirect_dma source(%dma_start3A_1178 : memref<128xf32, #tpu.memory_space<vmem>>) target(%dma_start3A_1183 : memref<278784xf32, #tpu.memory_space<vmem_shared>>) offsets(%dma_start3A_1181 : memref<128xi32, #tpu.memory_space<vmem>>) semaphore(%arg14 : memref<!tpu.dma_semaphore, #tpu.memory_space<semaphore_mem>>) {add = true}
      %dma_start3A_1184 = arith.constant 1 : i32
      %dma_start3A_1185 = arith.constant 19 : i32
      %dma_start3A_1186 = arith.constant 1 : i32
      %dma_start3A_1187 = arith.constant 19 : i32
      %dma_start3A_1188 = arith.constant 0 : i32
      %dma_start3A_1189 = tpu.memref_slice %arg10[%dma_start3A_1184, %dma_start3A_1185, %dma_start3A_1188] : memref<2x25x128xf32, #tpu.memory_space<vmem>> -> memref<1x1x128xf32, #tpu.memory_space<vmem>>
      %dma_start3A_1190 = tpu.memref_squeeze %dma_start3A_1189 : memref<1x1x128xf32, #tpu.memory_space<vmem>> -> memref<128xf32, #tpu.memory_space<vmem>>
      %dma_start3A_1191 = arith.constant 0 : i32
      %dma_start3A_1192 = tpu.memref_slice %arg9[%dma_start3A_1186, %dma_start3A_1187, %dma_start3A_1191] : memref<2x25x128xi32, #tpu.memory_space<vmem>> -> memref<1x1x128xi32, #tpu.memory_space<vmem>>
      %dma_start3A_1193 = tpu.memref_squeeze %dma_start3A_1192 : memref<1x1x128xi32, #tpu.memory_space<vmem>> -> memref<128xi32, #tpu.memory_space<vmem>>
      %dma_start3A_1194 = arith.constant 0 : i32
      %dma_start3A_1195 = tpu.memref_slice %arg12[%dma_start3A_1194] : memref<278784xf32, #tpu.memory_space<vmem_shared>> -> memref<278784xf32, #tpu.memory_space<vmem_shared>>
      tpu.enqueue_indirect_dma source(%dma_start3A_1190 : memref<128xf32, #tpu.memory_space<vmem>>) target(%dma_start3A_1195 : memref<278784xf32, #tpu.memory_space<vmem_shared>>) offsets(%dma_start3A_1193 : memref<128xi32, #tpu.memory_space<vmem>>) semaphore(%arg14 : memref<!tpu.dma_semaphore, #tpu.memory_space<semaphore_mem>>) {add = true}
      %dma_start3A_1196 = arith.constant 1 : i32
      %dma_start3A_1197 = arith.constant 20 : i32
      %dma_start3A_1198 = arith.constant 1 : i32
      %dma_start3A_1199 = arith.constant 20 : i32
      %dma_start3A_1200 = arith.constant 0 : i32
      %dma_start3A_1201 = tpu.memref_slice %arg10[%dma_start3A_1196, %dma_start3A_1197, %dma_start3A_1200] : memref<2x25x128xf32, #tpu.memory_space<vmem>> -> memref<1x1x128xf32, #tpu.memory_space<vmem>>
      %dma_start3A_1202 = tpu.memref_squeeze %dma_start3A_1201 : memref<1x1x128xf32, #tpu.memory_space<vmem>> -> memref<128xf32, #tpu.memory_space<vmem>>
      %dma_start3A_1203 = arith.constant 0 : i32
      %dma_start3A_1204 = tpu.memref_slice %arg9[%dma_start3A_1198, %dma_start3A_1199, %dma_start3A_1203] : memref<2x25x128xi32, #tpu.memory_space<vmem>> -> memref<1x1x128xi32, #tpu.memory_space<vmem>>
      %dma_start3A_1205 = tpu.memref_squeeze %dma_start3A_1204 : memref<1x1x128xi32, #tpu.memory_space<vmem>> -> memref<128xi32, #tpu.memory_space<vmem>>
      %dma_start3A_1206 = arith.constant 0 : i32
      %dma_start3A_1207 = tpu.memref_slice %arg12[%dma_start3A_1206] : memref<278784xf32, #tpu.memory_space<vmem_shared>> -> memref<278784xf32, #tpu.memory_space<vmem_shared>>
      tpu.enqueue_indirect_dma source(%dma_start3A_1202 : memref<128xf32, #tpu.memory_space<vmem>>) target(%dma_start3A_1207 : memref<278784xf32, #tpu.memory_space<vmem_shared>>) offsets(%dma_start3A_1205 : memref<128xi32, #tpu.memory_space<vmem>>) semaphore(%arg14 : memref<!tpu.dma_semaphore, #tpu.memory_space<semaphore_mem>>) {add = true}
      %dma_start3A_1208 = arith.constant 1 : i32
      %dma_start3A_1209 = arith.constant 21 : i32
      %dma_start3A_1210 = arith.constant 1 : i32
      %dma_start3A_1211 = arith.constant 21 : i32
      %dma_start3A_1212 = arith.constant 0 : i32
      %dma_start3A_1213 = tpu.memref_slice %arg10[%dma_start3A_1208, %dma_start3A_1209, %dma_start3A_1212] : memref<2x25x128xf32, #tpu.memory_space<vmem>> -> memref<1x1x128xf32, #tpu.memory_space<vmem>>
      %dma_start3A_1214 = tpu.memref_squeeze %dma_start3A_1213 : memref<1x1x128xf32, #tpu.memory_space<vmem>> -> memref<128xf32, #tpu.memory_space<vmem>>
      %dma_start3A_1215 = arith.constant 0 : i32
      %dma_start3A_1216 = tpu.memref_slice %arg9[%dma_start3A_1210, %dma_start3A_1211, %dma_start3A_1215] : memref<2x25x128xi32, #tpu.memory_space<vmem>> -> memref<1x1x128xi32, #tpu.memory_space<vmem>>
      %dma_start3A_1217 = tpu.memref_squeeze %dma_start3A_1216 : memref<1x1x128xi32, #tpu.memory_space<vmem>> -> memref<128xi32, #tpu.memory_space<vmem>>
      %dma_start3A_1218 = arith.constant 0 : i32
      %dma_start3A_1219 = tpu.memref_slice %arg12[%dma_start3A_1218] : memref<278784xf32, #tpu.memory_space<vmem_shared>> -> memref<278784xf32, #tpu.memory_space<vmem_shared>>
      tpu.enqueue_indirect_dma source(%dma_start3A_1214 : memref<128xf32, #tpu.memory_space<vmem>>) target(%dma_start3A_1219 : memref<278784xf32, #tpu.memory_space<vmem_shared>>) offsets(%dma_start3A_1217 : memref<128xi32, #tpu.memory_space<vmem>>) semaphore(%arg14 : memref<!tpu.dma_semaphore, #tpu.memory_space<semaphore_mem>>) {add = true}
      %dma_start3A_1220 = arith.constant 1 : i32
      %dma_start3A_1221 = arith.constant 22 : i32
      %dma_start3A_1222 = arith.constant 1 : i32
      %dma_start3A_1223 = arith.constant 22 : i32
      %dma_start3A_1224 = arith.constant 0 : i32
      %dma_start3A_1225 = tpu.memref_slice %arg10[%dma_start3A_1220, %dma_start3A_1221, %dma_start3A_1224] : memref<2x25x128xf32, #tpu.memory_space<vmem>> -> memref<1x1x128xf32, #tpu.memory_space<vmem>>
      %dma_start3A_1226 = tpu.memref_squeeze %dma_start3A_1225 : memref<1x1x128xf32, #tpu.memory_space<vmem>> -> memref<128xf32, #tpu.memory_space<vmem>>
      %dma_start3A_1227 = arith.constant 0 : i32
      %dma_start3A_1228 = tpu.memref_slice %arg9[%dma_start3A_1222, %dma_start3A_1223, %dma_start3A_1227] : memref<2x25x128xi32, #tpu.memory_space<vmem>> -> memref<1x1x128xi32, #tpu.memory_space<vmem>>
      %dma_start3A_1229 = tpu.memref_squeeze %dma_start3A_1228 : memref<1x1x128xi32, #tpu.memory_space<vmem>> -> memref<128xi32, #tpu.memory_space<vmem>>
      %dma_start3A_1230 = arith.constant 0 : i32
      %dma_start3A_1231 = tpu.memref_slice %arg12[%dma_start3A_1230] : memref<278784xf32, #tpu.memory_space<vmem_shared>> -> memref<278784xf32, #tpu.memory_space<vmem_shared>>
      tpu.enqueue_indirect_dma source(%dma_start3A_1226 : memref<128xf32, #tpu.memory_space<vmem>>) target(%dma_start3A_1231 : memref<278784xf32, #tpu.memory_space<vmem_shared>>) offsets(%dma_start3A_1229 : memref<128xi32, #tpu.memory_space<vmem>>) semaphore(%arg14 : memref<!tpu.dma_semaphore, #tpu.memory_space<semaphore_mem>>) {add = true}
      %dma_start3A_1232 = arith.constant 1 : i32
      %dma_start3A_1233 = arith.constant 23 : i32
      %dma_start3A_1234 = arith.constant 1 : i32
      %dma_start3A_1235 = arith.constant 23 : i32
      %dma_start3A_1236 = arith.constant 0 : i32
      %dma_start3A_1237 = tpu.memref_slice %arg10[%dma_start3A_1232, %dma_start3A_1233, %dma_start3A_1236] : memref<2x25x128xf32, #tpu.memory_space<vmem>> -> memref<1x1x128xf32, #tpu.memory_space<vmem>>
      %dma_start3A_1238 = tpu.memref_squeeze %dma_start3A_1237 : memref<1x1x128xf32, #tpu.memory_space<vmem>> -> memref<128xf32, #tpu.memory_space<vmem>>
      %dma_start3A_1239 = arith.constant 0 : i32
      %dma_start3A_1240 = tpu.memref_slice %arg9[%dma_start3A_1234, %dma_start3A_1235, %dma_start3A_1239] : memref<2x25x128xi32, #tpu.memory_space<vmem>> -> memref<1x1x128xi32, #tpu.memory_space<vmem>>
      %dma_start3A_1241 = tpu.memref_squeeze %dma_start3A_1240 : memref<1x1x128xi32, #tpu.memory_space<vmem>> -> memref<128xi32, #tpu.memory_space<vmem>>
      %dma_start3A_1242 = arith.constant 0 : i32
      %dma_start3A_1243 = tpu.memref_slice %arg12[%dma_start3A_1242] : memref<278784xf32, #tpu.memory_space<vmem_shared>> -> memref<278784xf32, #tpu.memory_space<vmem_shared>>
      tpu.enqueue_indirect_dma source(%dma_start3A_1238 : memref<128xf32, #tpu.memory_space<vmem>>) target(%dma_start3A_1243 : memref<278784xf32, #tpu.memory_space<vmem_shared>>) offsets(%dma_start3A_1241 : memref<128xi32, #tpu.memory_space<vmem>>) semaphore(%arg14 : memref<!tpu.dma_semaphore, #tpu.memory_space<semaphore_mem>>) {add = true}
      %dma_start3A_1244 = arith.constant 1 : i32
      %dma_start3A_1245 = arith.constant 24 : i32
      %dma_start3A_1246 = arith.constant 1 : i32
      %dma_start3A_1247 = arith.constant 24 : i32
      %dma_start3A_1248 = arith.constant 0 : i32
      %dma_start3A_1249 = tpu.memref_slice %arg10[%dma_start3A_1244, %dma_start3A_1245, %dma_start3A_1248] : memref<2x25x128xf32, #tpu.memory_space<vmem>> -> memref<1x1x128xf32, #tpu.memory_space<vmem>>
      %dma_start3A_1250 = tpu.memref_squeeze %dma_start3A_1249 : memref<1x1x128xf32, #tpu.memory_space<vmem>> -> memref<128xf32, #tpu.memory_space<vmem>>
      %dma_start3A_1251 = arith.constant 0 : i32
      %dma_start3A_1252 = tpu.memref_slice %arg9[%dma_start3A_1246, %dma_start3A_1247, %dma_start3A_1251] : memref<2x25x128xi32, #tpu.memory_space<vmem>> -> memref<1x1x128xi32, #tpu.memory_space<vmem>>
      %dma_start3A_1253 = tpu.memref_squeeze %dma_start3A_1252 : memref<1x1x128xi32, #tpu.memory_space<vmem>> -> memref<128xi32, #tpu.memory_space<vmem>>
      %dma_start3A_1254 = arith.constant 0 : i32
      %dma_start3A_1255 = tpu.memref_slice %arg12[%dma_start3A_1254] : memref<278784xf32, #tpu.memory_space<vmem_shared>> -> memref<278784xf32, #tpu.memory_space<vmem_shared>>
      tpu.enqueue_indirect_dma source(%dma_start3A_1250 : memref<128xf32, #tpu.memory_space<vmem>>) target(%dma_start3A_1255 : memref<278784xf32, #tpu.memory_space<vmem_shared>>) offsets(%dma_start3A_1253 : memref<128xi32, #tpu.memory_space<vmem>>) semaphore(%arg14 : memref<!tpu.dma_semaphore, #tpu.memory_space<semaphore_mem>>) {add = true}
    }
    %scan3A_23 = arith.constant 64 : i32
    %dma_wait3A = arith.constant 0 : i32
    %dma_wait3A_24 = arith.constant 0 : i32
    %dma_wait3A_25 = arith.constant 0 : i32
    %dma_wait3A_26 = arith.constant 0 : i32
    %dma_wait3A_27 = arith.constant 0 : i32
    %dma_wait3A_28 = tpu.memref_slice %arg10[%dma_wait3A, %dma_wait3A_24, %dma_wait3A_27] : memref<2x25x128xf32, #tpu.memory_space<vmem>> -> memref<1x1x128xf32, #tpu.memory_space<vmem>>
    %dma_wait3A_29 = tpu.memref_squeeze %dma_wait3A_28 : memref<1x1x128xf32, #tpu.memory_space<vmem>> -> memref<128xf32, #tpu.memory_space<vmem>>
    %dma_wait3A_30 = arith.constant 0 : i32
    %dma_wait3A_31 = tpu.memref_slice %arg9[%dma_wait3A_25, %dma_wait3A_26, %dma_wait3A_30] : memref<2x25x128xi32, #tpu.memory_space<vmem>> -> memref<1x1x128xi32, #tpu.memory_space<vmem>>
    %dma_wait3A_32 = tpu.memref_squeeze %dma_wait3A_31 : memref<1x1x128xi32, #tpu.memory_space<vmem>> -> memref<128xi32, #tpu.memory_space<vmem>>
    %dma_wait3A_33 = arith.constant 0 : i32
    %dma_wait3A_34 = tpu.memref_slice %arg12[%dma_wait3A_33] : memref<278784xf32, #tpu.memory_space<vmem_shared>> -> memref<278784xf32, #tpu.memory_space<vmem_shared>>
    tpu.wait_indirect_dma semaphore(%arg13 : memref<!tpu.dma_semaphore, #tpu.memory_space<semaphore_mem>>) src(%dma_wait3A_29 : memref<128xf32, #tpu.memory_space<vmem>>) dst(%dma_wait3A_34 : memref<278784xf32, #tpu.memory_space<vmem_shared>>)
    %dma_wait3A_35 = arith.constant 0 : i32
    %dma_wait3A_36 = arith.constant 1 : i32
    %dma_wait3A_37 = arith.constant 0 : i32
    %dma_wait3A_38 = arith.constant 1 : i32
    %dma_wait3A_39 = arith.constant 0 : i32
    %dma_wait3A_40 = tpu.memref_slice %arg10[%dma_wait3A_35, %dma_wait3A_36, %dma_wait3A_39] : memref<2x25x128xf32, #tpu.memory_space<vmem>> -> memref<1x1x128xf32, #tpu.memory_space<vmem>>
    %dma_wait3A_41 = tpu.memref_squeeze %dma_wait3A_40 : memref<1x1x128xf32, #tpu.memory_space<vmem>> -> memref<128xf32, #tpu.memory_space<vmem>>
    %dma_wait3A_42 = arith.constant 0 : i32
    %dma_wait3A_43 = tpu.memref_slice %arg9[%dma_wait3A_37, %dma_wait3A_38, %dma_wait3A_42] : memref<2x25x128xi32, #tpu.memory_space<vmem>> -> memref<1x1x128xi32, #tpu.memory_space<vmem>>
    %dma_wait3A_44 = tpu.memref_squeeze %dma_wait3A_43 : memref<1x1x128xi32, #tpu.memory_space<vmem>> -> memref<128xi32, #tpu.memory_space<vmem>>
    %dma_wait3A_45 = arith.constant 0 : i32
    %dma_wait3A_46 = tpu.memref_slice %arg12[%dma_wait3A_45] : memref<278784xf32, #tpu.memory_space<vmem_shared>> -> memref<278784xf32, #tpu.memory_space<vmem_shared>>
    tpu.wait_indirect_dma semaphore(%arg13 : memref<!tpu.dma_semaphore, #tpu.memory_space<semaphore_mem>>) src(%dma_wait3A_41 : memref<128xf32, #tpu.memory_space<vmem>>) dst(%dma_wait3A_46 : memref<278784xf32, #tpu.memory_space<vmem_shared>>)
    %dma_wait3A_47 = arith.constant 0 : i32
    %dma_wait3A_48 = arith.constant 2 : i32
    %dma_wait3A_49 = arith.constant 0 : i32
    %dma_wait3A_50 = arith.constant 2 : i32
    %dma_wait3A_51 = arith.constant 0 : i32
    %dma_wait3A_52 = tpu.memref_slice %arg10[%dma_wait3A_47, %dma_wait3A_48, %dma_wait3A_51] : memref<2x25x128xf32, #tpu.memory_space<vmem>> -> memref<1x1x128xf32, #tpu.memory_space<vmem>>
    %dma_wait3A_53 = tpu.memref_squeeze %dma_wait3A_52 : memref<1x1x128xf32, #tpu.memory_space<vmem>> -> memref<128xf32, #tpu.memory_space<vmem>>
    %dma_wait3A_54 = arith.constant 0 : i32
    %dma_wait3A_55 = tpu.memref_slice %arg9[%dma_wait3A_49, %dma_wait3A_50, %dma_wait3A_54] : memref<2x25x128xi32, #tpu.memory_space<vmem>> -> memref<1x1x128xi32, #tpu.memory_space<vmem>>
    %dma_wait3A_56 = tpu.memref_squeeze %dma_wait3A_55 : memref<1x1x128xi32, #tpu.memory_space<vmem>> -> memref<128xi32, #tpu.memory_space<vmem>>
    %dma_wait3A_57 = arith.constant 0 : i32
    %dma_wait3A_58 = tpu.memref_slice %arg12[%dma_wait3A_57] : memref<278784xf32, #tpu.memory_space<vmem_shared>> -> memref<278784xf32, #tpu.memory_space<vmem_shared>>
    tpu.wait_indirect_dma semaphore(%arg13 : memref<!tpu.dma_semaphore, #tpu.memory_space<semaphore_mem>>) src(%dma_wait3A_53 : memref<128xf32, #tpu.memory_space<vmem>>) dst(%dma_wait3A_58 : memref<278784xf32, #tpu.memory_space<vmem_shared>>)
    %dma_wait3A_59 = arith.constant 0 : i32
    %dma_wait3A_60 = arith.constant 3 : i32
    %dma_wait3A_61 = arith.constant 0 : i32
    %dma_wait3A_62 = arith.constant 3 : i32
    %dma_wait3A_63 = arith.constant 0 : i32
    %dma_wait3A_64 = tpu.memref_slice %arg10[%dma_wait3A_59, %dma_wait3A_60, %dma_wait3A_63] : memref<2x25x128xf32, #tpu.memory_space<vmem>> -> memref<1x1x128xf32, #tpu.memory_space<vmem>>
    %dma_wait3A_65 = tpu.memref_squeeze %dma_wait3A_64 : memref<1x1x128xf32, #tpu.memory_space<vmem>> -> memref<128xf32, #tpu.memory_space<vmem>>
    %dma_wait3A_66 = arith.constant 0 : i32
    %dma_wait3A_67 = tpu.memref_slice %arg9[%dma_wait3A_61, %dma_wait3A_62, %dma_wait3A_66] : memref<2x25x128xi32, #tpu.memory_space<vmem>> -> memref<1x1x128xi32, #tpu.memory_space<vmem>>
    %dma_wait3A_68 = tpu.memref_squeeze %dma_wait3A_67 : memref<1x1x128xi32, #tpu.memory_space<vmem>> -> memref<128xi32, #tpu.memory_space<vmem>>
    %dma_wait3A_69 = arith.constant 0 : i32
    %dma_wait3A_70 = tpu.memref_slice %arg12[%dma_wait3A_69] : memref<278784xf32, #tpu.memory_space<vmem_shared>> -> memref<278784xf32, #tpu.memory_space<vmem_shared>>
    tpu.wait_indirect_dma semaphore(%arg13 : memref<!tpu.dma_semaphore, #tpu.memory_space<semaphore_mem>>) src(%dma_wait3A_65 : memref<128xf32, #tpu.memory_space<vmem>>) dst(%dma_wait3A_70 : memref<278784xf32, #tpu.memory_space<vmem_shared>>)
    %dma_wait3A_71 = arith.constant 0 : i32
    %dma_wait3A_72 = arith.constant 4 : i32
    %dma_wait3A_73 = arith.constant 0 : i32
    %dma_wait3A_74 = arith.constant 4 : i32
    %dma_wait3A_75 = arith.constant 0 : i32
    %dma_wait3A_76 = tpu.memref_slice %arg10[%dma_wait3A_71, %dma_wait3A_72, %dma_wait3A_75] : memref<2x25x128xf32, #tpu.memory_space<vmem>> -> memref<1x1x128xf32, #tpu.memory_space<vmem>>
    %dma_wait3A_77 = tpu.memref_squeeze %dma_wait3A_76 : memref<1x1x128xf32, #tpu.memory_space<vmem>> -> memref<128xf32, #tpu.memory_space<vmem>>
    %dma_wait3A_78 = arith.constant 0 : i32
    %dma_wait3A_79 = tpu.memref_slice %arg9[%dma_wait3A_73, %dma_wait3A_74, %dma_wait3A_78] : memref<2x25x128xi32, #tpu.memory_space<vmem>> -> memref<1x1x128xi32, #tpu.memory_space<vmem>>
    %dma_wait3A_80 = tpu.memref_squeeze %dma_wait3A_79 : memref<1x1x128xi32, #tpu.memory_space<vmem>> -> memref<128xi32, #tpu.memory_space<vmem>>
    %dma_wait3A_81 = arith.constant 0 : i32
    %dma_wait3A_82 = tpu.memref_slice %arg12[%dma_wait3A_81] : memref<278784xf32, #tpu.memory_space<vmem_shared>> -> memref<278784xf32, #tpu.memory_space<vmem_shared>>
    tpu.wait_indirect_dma semaphore(%arg13 : memref<!tpu.dma_semaphore, #tpu.memory_space<semaphore_mem>>) src(%dma_wait3A_77 : memref<128xf32, #tpu.memory_space<vmem>>) dst(%dma_wait3A_82 : memref<278784xf32, #tpu.memory_space<vmem_shared>>)
    %dma_wait3A_83 = arith.constant 0 : i32
    %dma_wait3A_84 = arith.constant 5 : i32
    %dma_wait3A_85 = arith.constant 0 : i32
    %dma_wait3A_86 = arith.constant 5 : i32
    %dma_wait3A_87 = arith.constant 0 : i32
    %dma_wait3A_88 = tpu.memref_slice %arg10[%dma_wait3A_83, %dma_wait3A_84, %dma_wait3A_87] : memref<2x25x128xf32, #tpu.memory_space<vmem>> -> memref<1x1x128xf32, #tpu.memory_space<vmem>>
    %dma_wait3A_89 = tpu.memref_squeeze %dma_wait3A_88 : memref<1x1x128xf32, #tpu.memory_space<vmem>> -> memref<128xf32, #tpu.memory_space<vmem>>
    %dma_wait3A_90 = arith.constant 0 : i32
    %dma_wait3A_91 = tpu.memref_slice %arg9[%dma_wait3A_85, %dma_wait3A_86, %dma_wait3A_90] : memref<2x25x128xi32, #tpu.memory_space<vmem>> -> memref<1x1x128xi32, #tpu.memory_space<vmem>>
    %dma_wait3A_92 = tpu.memref_squeeze %dma_wait3A_91 : memref<1x1x128xi32, #tpu.memory_space<vmem>> -> memref<128xi32, #tpu.memory_space<vmem>>
    %dma_wait3A_93 = arith.constant 0 : i32
    %dma_wait3A_94 = tpu.memref_slice %arg12[%dma_wait3A_93] : memref<278784xf32, #tpu.memory_space<vmem_shared>> -> memref<278784xf32, #tpu.memory_space<vmem_shared>>
    tpu.wait_indirect_dma semaphore(%arg13 : memref<!tpu.dma_semaphore, #tpu.memory_space<semaphore_mem>>) src(%dma_wait3A_89 : memref<128xf32, #tpu.memory_space<vmem>>) dst(%dma_wait3A_94 : memref<278784xf32, #tpu.memory_space<vmem_shared>>)
    %dma_wait3A_95 = arith.constant 0 : i32
    %dma_wait3A_96 = arith.constant 6 : i32
    %dma_wait3A_97 = arith.constant 0 : i32
    %dma_wait3A_98 = arith.constant 6 : i32
    %dma_wait3A_99 = arith.constant 0 : i32
    %dma_wait3A_100 = tpu.memref_slice %arg10[%dma_wait3A_95, %dma_wait3A_96, %dma_wait3A_99] : memref<2x25x128xf32, #tpu.memory_space<vmem>> -> memref<1x1x128xf32, #tpu.memory_space<vmem>>
    %dma_wait3A_101 = tpu.memref_squeeze %dma_wait3A_100 : memref<1x1x128xf32, #tpu.memory_space<vmem>> -> memref<128xf32, #tpu.memory_space<vmem>>
    %dma_wait3A_102 = arith.constant 0 : i32
    %dma_wait3A_103 = tpu.memref_slice %arg9[%dma_wait3A_97, %dma_wait3A_98, %dma_wait3A_102] : memref<2x25x128xi32, #tpu.memory_space<vmem>> -> memref<1x1x128xi32, #tpu.memory_space<vmem>>
    %dma_wait3A_104 = tpu.memref_squeeze %dma_wait3A_103 : memref<1x1x128xi32, #tpu.memory_space<vmem>> -> memref<128xi32, #tpu.memory_space<vmem>>
    %dma_wait3A_105 = arith.constant 0 : i32
    %dma_wait3A_106 = tpu.memref_slice %arg12[%dma_wait3A_105] : memref<278784xf32, #tpu.memory_space<vmem_shared>> -> memref<278784xf32, #tpu.memory_space<vmem_shared>>
    tpu.wait_indirect_dma semaphore(%arg13 : memref<!tpu.dma_semaphore, #tpu.memory_space<semaphore_mem>>) src(%dma_wait3A_101 : memref<128xf32, #tpu.memory_space<vmem>>) dst(%dma_wait3A_106 : memref<278784xf32, #tpu.memory_space<vmem_shared>>)
    %dma_wait3A_107 = arith.constant 0 : i32
    %dma_wait3A_108 = arith.constant 7 : i32
    %dma_wait3A_109 = arith.constant 0 : i32
    %dma_wait3A_110 = arith.constant 7 : i32
    %dma_wait3A_111 = arith.constant 0 : i32
    %dma_wait3A_112 = tpu.memref_slice %arg10[%dma_wait3A_107, %dma_wait3A_108, %dma_wait3A_111] : memref<2x25x128xf32, #tpu.memory_space<vmem>> -> memref<1x1x128xf32, #tpu.memory_space<vmem>>
    %dma_wait3A_113 = tpu.memref_squeeze %dma_wait3A_112 : memref<1x1x128xf32, #tpu.memory_space<vmem>> -> memref<128xf32, #tpu.memory_space<vmem>>
    %dma_wait3A_114 = arith.constant 0 : i32
    %dma_wait3A_115 = tpu.memref_slice %arg9[%dma_wait3A_109, %dma_wait3A_110, %dma_wait3A_114] : memref<2x25x128xi32, #tpu.memory_space<vmem>> -> memref<1x1x128xi32, #tpu.memory_space<vmem>>
    %dma_wait3A_116 = tpu.memref_squeeze %dma_wait3A_115 : memref<1x1x128xi32, #tpu.memory_space<vmem>> -> memref<128xi32, #tpu.memory_space<vmem>>
    %dma_wait3A_117 = arith.constant 0 : i32
    %dma_wait3A_118 = tpu.memref_slice %arg12[%dma_wait3A_117] : memref<278784xf32, #tpu.memory_space<vmem_shared>> -> memref<278784xf32, #tpu.memory_space<vmem_shared>>
    tpu.wait_indirect_dma semaphore(%arg13 : memref<!tpu.dma_semaphore, #tpu.memory_space<semaphore_mem>>) src(%dma_wait3A_113 : memref<128xf32, #tpu.memory_space<vmem>>) dst(%dma_wait3A_118 : memref<278784xf32, #tpu.memory_space<vmem_shared>>)
    %dma_wait3A_119 = arith.constant 0 : i32
    %dma_wait3A_120 = arith.constant 8 : i32
    %dma_wait3A_121 = arith.constant 0 : i32
    %dma_wait3A_122 = arith.constant 8 : i32
    %dma_wait3A_123 = arith.constant 0 : i32
    %dma_wait3A_124 = tpu.memref_slice %arg10[%dma_wait3A_119, %dma_wait3A_120, %dma_wait3A_123] : memref<2x25x128xf32, #tpu.memory_space<vmem>> -> memref<1x1x128xf32, #tpu.memory_space<vmem>>
    %dma_wait3A_125 = tpu.memref_squeeze %dma_wait3A_124 : memref<1x1x128xf32, #tpu.memory_space<vmem>> -> memref<128xf32, #tpu.memory_space<vmem>>
    %dma_wait3A_126 = arith.constant 0 : i32
    %dma_wait3A_127 = tpu.memref_slice %arg9[%dma_wait3A_121, %dma_wait3A_122, %dma_wait3A_126] : memref<2x25x128xi32, #tpu.memory_space<vmem>> -> memref<1x1x128xi32, #tpu.memory_space<vmem>>
    %dma_wait3A_128 = tpu.memref_squeeze %dma_wait3A_127 : memref<1x1x128xi32, #tpu.memory_space<vmem>> -> memref<128xi32, #tpu.memory_space<vmem>>
    %dma_wait3A_129 = arith.constant 0 : i32
    %dma_wait3A_130 = tpu.memref_slice %arg12[%dma_wait3A_129] : memref<278784xf32, #tpu.memory_space<vmem_shared>> -> memref<278784xf32, #tpu.memory_space<vmem_shared>>
    tpu.wait_indirect_dma semaphore(%arg13 : memref<!tpu.dma_semaphore, #tpu.memory_space<semaphore_mem>>) src(%dma_wait3A_125 : memref<128xf32, #tpu.memory_space<vmem>>) dst(%dma_wait3A_130 : memref<278784xf32, #tpu.memory_space<vmem_shared>>)
    %dma_wait3A_131 = arith.constant 0 : i32
    %dma_wait3A_132 = arith.constant 9 : i32
    %dma_wait3A_133 = arith.constant 0 : i32
    %dma_wait3A_134 = arith.constant 9 : i32
    %dma_wait3A_135 = arith.constant 0 : i32
    %dma_wait3A_136 = tpu.memref_slice %arg10[%dma_wait3A_131, %dma_wait3A_132, %dma_wait3A_135] : memref<2x25x128xf32, #tpu.memory_space<vmem>> -> memref<1x1x128xf32, #tpu.memory_space<vmem>>
    %dma_wait3A_137 = tpu.memref_squeeze %dma_wait3A_136 : memref<1x1x128xf32, #tpu.memory_space<vmem>> -> memref<128xf32, #tpu.memory_space<vmem>>
    %dma_wait3A_138 = arith.constant 0 : i32
    %dma_wait3A_139 = tpu.memref_slice %arg9[%dma_wait3A_133, %dma_wait3A_134, %dma_wait3A_138] : memref<2x25x128xi32, #tpu.memory_space<vmem>> -> memref<1x1x128xi32, #tpu.memory_space<vmem>>
    %dma_wait3A_140 = tpu.memref_squeeze %dma_wait3A_139 : memref<1x1x128xi32, #tpu.memory_space<vmem>> -> memref<128xi32, #tpu.memory_space<vmem>>
    %dma_wait3A_141 = arith.constant 0 : i32
    %dma_wait3A_142 = tpu.memref_slice %arg12[%dma_wait3A_141] : memref<278784xf32, #tpu.memory_space<vmem_shared>> -> memref<278784xf32, #tpu.memory_space<vmem_shared>>
    tpu.wait_indirect_dma semaphore(%arg13 : memref<!tpu.dma_semaphore, #tpu.memory_space<semaphore_mem>>) src(%dma_wait3A_137 : memref<128xf32, #tpu.memory_space<vmem>>) dst(%dma_wait3A_142 : memref<278784xf32, #tpu.memory_space<vmem_shared>>)
    %dma_wait3A_143 = arith.constant 0 : i32
    %dma_wait3A_144 = arith.constant 10 : i32
    %dma_wait3A_145 = arith.constant 0 : i32
    %dma_wait3A_146 = arith.constant 10 : i32
    %dma_wait3A_147 = arith.constant 0 : i32
    %dma_wait3A_148 = tpu.memref_slice %arg10[%dma_wait3A_143, %dma_wait3A_144, %dma_wait3A_147] : memref<2x25x128xf32, #tpu.memory_space<vmem>> -> memref<1x1x128xf32, #tpu.memory_space<vmem>>
    %dma_wait3A_149 = tpu.memref_squeeze %dma_wait3A_148 : memref<1x1x128xf32, #tpu.memory_space<vmem>> -> memref<128xf32, #tpu.memory_space<vmem>>
    %dma_wait3A_150 = arith.constant 0 : i32
    %dma_wait3A_151 = tpu.memref_slice %arg9[%dma_wait3A_145, %dma_wait3A_146, %dma_wait3A_150] : memref<2x25x128xi32, #tpu.memory_space<vmem>> -> memref<1x1x128xi32, #tpu.memory_space<vmem>>
    %dma_wait3A_152 = tpu.memref_squeeze %dma_wait3A_151 : memref<1x1x128xi32, #tpu.memory_space<vmem>> -> memref<128xi32, #tpu.memory_space<vmem>>
    %dma_wait3A_153 = arith.constant 0 : i32
    %dma_wait3A_154 = tpu.memref_slice %arg12[%dma_wait3A_153] : memref<278784xf32, #tpu.memory_space<vmem_shared>> -> memref<278784xf32, #tpu.memory_space<vmem_shared>>
    tpu.wait_indirect_dma semaphore(%arg13 : memref<!tpu.dma_semaphore, #tpu.memory_space<semaphore_mem>>) src(%dma_wait3A_149 : memref<128xf32, #tpu.memory_space<vmem>>) dst(%dma_wait3A_154 : memref<278784xf32, #tpu.memory_space<vmem_shared>>)
    %dma_wait3A_155 = arith.constant 0 : i32
    %dma_wait3A_156 = arith.constant 11 : i32
    %dma_wait3A_157 = arith.constant 0 : i32
    %dma_wait3A_158 = arith.constant 11 : i32
    %dma_wait3A_159 = arith.constant 0 : i32
    %dma_wait3A_160 = tpu.memref_slice %arg10[%dma_wait3A_155, %dma_wait3A_156, %dma_wait3A_159] : memref<2x25x128xf32, #tpu.memory_space<vmem>> -> memref<1x1x128xf32, #tpu.memory_space<vmem>>
    %dma_wait3A_161 = tpu.memref_squeeze %dma_wait3A_160 : memref<1x1x128xf32, #tpu.memory_space<vmem>> -> memref<128xf32, #tpu.memory_space<vmem>>
    %dma_wait3A_162 = arith.constant 0 : i32
    %dma_wait3A_163 = tpu.memref_slice %arg9[%dma_wait3A_157, %dma_wait3A_158, %dma_wait3A_162] : memref<2x25x128xi32, #tpu.memory_space<vmem>> -> memref<1x1x128xi32, #tpu.memory_space<vmem>>
    %dma_wait3A_164 = tpu.memref_squeeze %dma_wait3A_163 : memref<1x1x128xi32, #tpu.memory_space<vmem>> -> memref<128xi32, #tpu.memory_space<vmem>>
    %dma_wait3A_165 = arith.constant 0 : i32
    %dma_wait3A_166 = tpu.memref_slice %arg12[%dma_wait3A_165] : memref<278784xf32, #tpu.memory_space<vmem_shared>> -> memref<278784xf32, #tpu.memory_space<vmem_shared>>
    tpu.wait_indirect_dma semaphore(%arg13 : memref<!tpu.dma_semaphore, #tpu.memory_space<semaphore_mem>>) src(%dma_wait3A_161 : memref<128xf32, #tpu.memory_space<vmem>>) dst(%dma_wait3A_166 : memref<278784xf32, #tpu.memory_space<vmem_shared>>)
    %dma_wait3A_167 = arith.constant 0 : i32
    %dma_wait3A_168 = arith.constant 12 : i32
    %dma_wait3A_169 = arith.constant 0 : i32
    %dma_wait3A_170 = arith.constant 12 : i32
    %dma_wait3A_171 = arith.constant 0 : i32
    %dma_wait3A_172 = tpu.memref_slice %arg10[%dma_wait3A_167, %dma_wait3A_168, %dma_wait3A_171] : memref<2x25x128xf32, #tpu.memory_space<vmem>> -> memref<1x1x128xf32, #tpu.memory_space<vmem>>
    %dma_wait3A_173 = tpu.memref_squeeze %dma_wait3A_172 : memref<1x1x128xf32, #tpu.memory_space<vmem>> -> memref<128xf32, #tpu.memory_space<vmem>>
    %dma_wait3A_174 = arith.constant 0 : i32
    %dma_wait3A_175 = tpu.memref_slice %arg9[%dma_wait3A_169, %dma_wait3A_170, %dma_wait3A_174] : memref<2x25x128xi32, #tpu.memory_space<vmem>> -> memref<1x1x128xi32, #tpu.memory_space<vmem>>
    %dma_wait3A_176 = tpu.memref_squeeze %dma_wait3A_175 : memref<1x1x128xi32, #tpu.memory_space<vmem>> -> memref<128xi32, #tpu.memory_space<vmem>>
    %dma_wait3A_177 = arith.constant 0 : i32
    %dma_wait3A_178 = tpu.memref_slice %arg12[%dma_wait3A_177] : memref<278784xf32, #tpu.memory_space<vmem_shared>> -> memref<278784xf32, #tpu.memory_space<vmem_shared>>
    tpu.wait_indirect_dma semaphore(%arg13 : memref<!tpu.dma_semaphore, #tpu.memory_space<semaphore_mem>>) src(%dma_wait3A_173 : memref<128xf32, #tpu.memory_space<vmem>>) dst(%dma_wait3A_178 : memref<278784xf32, #tpu.memory_space<vmem_shared>>)
    %dma_wait3A_179 = arith.constant 0 : i32
    %dma_wait3A_180 = arith.constant 13 : i32
    %dma_wait3A_181 = arith.constant 0 : i32
    %dma_wait3A_182 = arith.constant 13 : i32
    %dma_wait3A_183 = arith.constant 0 : i32
    %dma_wait3A_184 = tpu.memref_slice %arg10[%dma_wait3A_179, %dma_wait3A_180, %dma_wait3A_183] : memref<2x25x128xf32, #tpu.memory_space<vmem>> -> memref<1x1x128xf32, #tpu.memory_space<vmem>>
    %dma_wait3A_185 = tpu.memref_squeeze %dma_wait3A_184 : memref<1x1x128xf32, #tpu.memory_space<vmem>> -> memref<128xf32, #tpu.memory_space<vmem>>
    %dma_wait3A_186 = arith.constant 0 : i32
    %dma_wait3A_187 = tpu.memref_slice %arg9[%dma_wait3A_181, %dma_wait3A_182, %dma_wait3A_186] : memref<2x25x128xi32, #tpu.memory_space<vmem>> -> memref<1x1x128xi32, #tpu.memory_space<vmem>>
    %dma_wait3A_188 = tpu.memref_squeeze %dma_wait3A_187 : memref<1x1x128xi32, #tpu.memory_space<vmem>> -> memref<128xi32, #tpu.memory_space<vmem>>
    %dma_wait3A_189 = arith.constant 0 : i32
    %dma_wait3A_190 = tpu.memref_slice %arg12[%dma_wait3A_189] : memref<278784xf32, #tpu.memory_space<vmem_shared>> -> memref<278784xf32, #tpu.memory_space<vmem_shared>>
    tpu.wait_indirect_dma semaphore(%arg13 : memref<!tpu.dma_semaphore, #tpu.memory_space<semaphore_mem>>) src(%dma_wait3A_185 : memref<128xf32, #tpu.memory_space<vmem>>) dst(%dma_wait3A_190 : memref<278784xf32, #tpu.memory_space<vmem_shared>>)
    %dma_wait3A_191 = arith.constant 0 : i32
    %dma_wait3A_192 = arith.constant 14 : i32
    %dma_wait3A_193 = arith.constant 0 : i32
    %dma_wait3A_194 = arith.constant 14 : i32
    %dma_wait3A_195 = arith.constant 0 : i32
    %dma_wait3A_196 = tpu.memref_slice %arg10[%dma_wait3A_191, %dma_wait3A_192, %dma_wait3A_195] : memref<2x25x128xf32, #tpu.memory_space<vmem>> -> memref<1x1x128xf32, #tpu.memory_space<vmem>>
    %dma_wait3A_197 = tpu.memref_squeeze %dma_wait3A_196 : memref<1x1x128xf32, #tpu.memory_space<vmem>> -> memref<128xf32, #tpu.memory_space<vmem>>
    %dma_wait3A_198 = arith.constant 0 : i32
    %dma_wait3A_199 = tpu.memref_slice %arg9[%dma_wait3A_193, %dma_wait3A_194, %dma_wait3A_198] : memref<2x25x128xi32, #tpu.memory_space<vmem>> -> memref<1x1x128xi32, #tpu.memory_space<vmem>>
    %dma_wait3A_200 = tpu.memref_squeeze %dma_wait3A_199 : memref<1x1x128xi32, #tpu.memory_space<vmem>> -> memref<128xi32, #tpu.memory_space<vmem>>
    %dma_wait3A_201 = arith.constant 0 : i32
    %dma_wait3A_202 = tpu.memref_slice %arg12[%dma_wait3A_201] : memref<278784xf32, #tpu.memory_space<vmem_shared>> -> memref<278784xf32, #tpu.memory_space<vmem_shared>>
    tpu.wait_indirect_dma semaphore(%arg13 : memref<!tpu.dma_semaphore, #tpu.memory_space<semaphore_mem>>) src(%dma_wait3A_197 : memref<128xf32, #tpu.memory_space<vmem>>) dst(%dma_wait3A_202 : memref<278784xf32, #tpu.memory_space<vmem_shared>>)
    %dma_wait3A_203 = arith.constant 0 : i32
    %dma_wait3A_204 = arith.constant 15 : i32
    %dma_wait3A_205 = arith.constant 0 : i32
    %dma_wait3A_206 = arith.constant 15 : i32
    %dma_wait3A_207 = arith.constant 0 : i32
    %dma_wait3A_208 = tpu.memref_slice %arg10[%dma_wait3A_203, %dma_wait3A_204, %dma_wait3A_207] : memref<2x25x128xf32, #tpu.memory_space<vmem>> -> memref<1x1x128xf32, #tpu.memory_space<vmem>>
    %dma_wait3A_209 = tpu.memref_squeeze %dma_wait3A_208 : memref<1x1x128xf32, #tpu.memory_space<vmem>> -> memref<128xf32, #tpu.memory_space<vmem>>
    %dma_wait3A_210 = arith.constant 0 : i32
    %dma_wait3A_211 = tpu.memref_slice %arg9[%dma_wait3A_205, %dma_wait3A_206, %dma_wait3A_210] : memref<2x25x128xi32, #tpu.memory_space<vmem>> -> memref<1x1x128xi32, #tpu.memory_space<vmem>>
    %dma_wait3A_212 = tpu.memref_squeeze %dma_wait3A_211 : memref<1x1x128xi32, #tpu.memory_space<vmem>> -> memref<128xi32, #tpu.memory_space<vmem>>
    %dma_wait3A_213 = arith.constant 0 : i32
    %dma_wait3A_214 = tpu.memref_slice %arg12[%dma_wait3A_213] : memref<278784xf32, #tpu.memory_space<vmem_shared>> -> memref<278784xf32, #tpu.memory_space<vmem_shared>>
    tpu.wait_indirect_dma semaphore(%arg13 : memref<!tpu.dma_semaphore, #tpu.memory_space<semaphore_mem>>) src(%dma_wait3A_209 : memref<128xf32, #tpu.memory_space<vmem>>) dst(%dma_wait3A_214 : memref<278784xf32, #tpu.memory_space<vmem_shared>>)
    %dma_wait3A_215 = arith.constant 0 : i32
    %dma_wait3A_216 = arith.constant 16 : i32
    %dma_wait3A_217 = arith.constant 0 : i32
    %dma_wait3A_218 = arith.constant 16 : i32
    %dma_wait3A_219 = arith.constant 0 : i32
    %dma_wait3A_220 = tpu.memref_slice %arg10[%dma_wait3A_215, %dma_wait3A_216, %dma_wait3A_219] : memref<2x25x128xf32, #tpu.memory_space<vmem>> -> memref<1x1x128xf32, #tpu.memory_space<vmem>>
    %dma_wait3A_221 = tpu.memref_squeeze %dma_wait3A_220 : memref<1x1x128xf32, #tpu.memory_space<vmem>> -> memref<128xf32, #tpu.memory_space<vmem>>
    %dma_wait3A_222 = arith.constant 0 : i32
    %dma_wait3A_223 = tpu.memref_slice %arg9[%dma_wait3A_217, %dma_wait3A_218, %dma_wait3A_222] : memref<2x25x128xi32, #tpu.memory_space<vmem>> -> memref<1x1x128xi32, #tpu.memory_space<vmem>>
    %dma_wait3A_224 = tpu.memref_squeeze %dma_wait3A_223 : memref<1x1x128xi32, #tpu.memory_space<vmem>> -> memref<128xi32, #tpu.memory_space<vmem>>
    %dma_wait3A_225 = arith.constant 0 : i32
    %dma_wait3A_226 = tpu.memref_slice %arg12[%dma_wait3A_225] : memref<278784xf32, #tpu.memory_space<vmem_shared>> -> memref<278784xf32, #tpu.memory_space<vmem_shared>>
    tpu.wait_indirect_dma semaphore(%arg13 : memref<!tpu.dma_semaphore, #tpu.memory_space<semaphore_mem>>) src(%dma_wait3A_221 : memref<128xf32, #tpu.memory_space<vmem>>) dst(%dma_wait3A_226 : memref<278784xf32, #tpu.memory_space<vmem_shared>>)
    %dma_wait3A_227 = arith.constant 0 : i32
    %dma_wait3A_228 = arith.constant 17 : i32
    %dma_wait3A_229 = arith.constant 0 : i32
    %dma_wait3A_230 = arith.constant 17 : i32
    %dma_wait3A_231 = arith.constant 0 : i32
    %dma_wait3A_232 = tpu.memref_slice %arg10[%dma_wait3A_227, %dma_wait3A_228, %dma_wait3A_231] : memref<2x25x128xf32, #tpu.memory_space<vmem>> -> memref<1x1x128xf32, #tpu.memory_space<vmem>>
    %dma_wait3A_233 = tpu.memref_squeeze %dma_wait3A_232 : memref<1x1x128xf32, #tpu.memory_space<vmem>> -> memref<128xf32, #tpu.memory_space<vmem>>
    %dma_wait3A_234 = arith.constant 0 : i32
    %dma_wait3A_235 = tpu.memref_slice %arg9[%dma_wait3A_229, %dma_wait3A_230, %dma_wait3A_234] : memref<2x25x128xi32, #tpu.memory_space<vmem>> -> memref<1x1x128xi32, #tpu.memory_space<vmem>>
    %dma_wait3A_236 = tpu.memref_squeeze %dma_wait3A_235 : memref<1x1x128xi32, #tpu.memory_space<vmem>> -> memref<128xi32, #tpu.memory_space<vmem>>
    %dma_wait3A_237 = arith.constant 0 : i32
    %dma_wait3A_238 = tpu.memref_slice %arg12[%dma_wait3A_237] : memref<278784xf32, #tpu.memory_space<vmem_shared>> -> memref<278784xf32, #tpu.memory_space<vmem_shared>>
    tpu.wait_indirect_dma semaphore(%arg13 : memref<!tpu.dma_semaphore, #tpu.memory_space<semaphore_mem>>) src(%dma_wait3A_233 : memref<128xf32, #tpu.memory_space<vmem>>) dst(%dma_wait3A_238 : memref<278784xf32, #tpu.memory_space<vmem_shared>>)
    %dma_wait3A_239 = arith.constant 0 : i32
    %dma_wait3A_240 = arith.constant 18 : i32
    %dma_wait3A_241 = arith.constant 0 : i32
    %dma_wait3A_242 = arith.constant 18 : i32
    %dma_wait3A_243 = arith.constant 0 : i32
    %dma_wait3A_244 = tpu.memref_slice %arg10[%dma_wait3A_239, %dma_wait3A_240, %dma_wait3A_243] : memref<2x25x128xf32, #tpu.memory_space<vmem>> -> memref<1x1x128xf32, #tpu.memory_space<vmem>>
    %dma_wait3A_245 = tpu.memref_squeeze %dma_wait3A_244 : memref<1x1x128xf32, #tpu.memory_space<vmem>> -> memref<128xf32, #tpu.memory_space<vmem>>
    %dma_wait3A_246 = arith.constant 0 : i32
    %dma_wait3A_247 = tpu.memref_slice %arg9[%dma_wait3A_241, %dma_wait3A_242, %dma_wait3A_246] : memref<2x25x128xi32, #tpu.memory_space<vmem>> -> memref<1x1x128xi32, #tpu.memory_space<vmem>>
    %dma_wait3A_248 = tpu.memref_squeeze %dma_wait3A_247 : memref<1x1x128xi32, #tpu.memory_space<vmem>> -> memref<128xi32, #tpu.memory_space<vmem>>
    %dma_wait3A_249 = arith.constant 0 : i32
    %dma_wait3A_250 = tpu.memref_slice %arg12[%dma_wait3A_249] : memref<278784xf32, #tpu.memory_space<vmem_shared>> -> memref<278784xf32, #tpu.memory_space<vmem_shared>>
    tpu.wait_indirect_dma semaphore(%arg13 : memref<!tpu.dma_semaphore, #tpu.memory_space<semaphore_mem>>) src(%dma_wait3A_245 : memref<128xf32, #tpu.memory_space<vmem>>) dst(%dma_wait3A_250 : memref<278784xf32, #tpu.memory_space<vmem_shared>>)
    %dma_wait3A_251 = arith.constant 0 : i32
    %dma_wait3A_252 = arith.constant 19 : i32
    %dma_wait3A_253 = arith.constant 0 : i32
    %dma_wait3A_254 = arith.constant 19 : i32
    %dma_wait3A_255 = arith.constant 0 : i32
    %dma_wait3A_256 = tpu.memref_slice %arg10[%dma_wait3A_251, %dma_wait3A_252, %dma_wait3A_255] : memref<2x25x128xf32, #tpu.memory_space<vmem>> -> memref<1x1x128xf32, #tpu.memory_space<vmem>>
    %dma_wait3A_257 = tpu.memref_squeeze %dma_wait3A_256 : memref<1x1x128xf32, #tpu.memory_space<vmem>> -> memref<128xf32, #tpu.memory_space<vmem>>
    %dma_wait3A_258 = arith.constant 0 : i32
    %dma_wait3A_259 = tpu.memref_slice %arg9[%dma_wait3A_253, %dma_wait3A_254, %dma_wait3A_258] : memref<2x25x128xi32, #tpu.memory_space<vmem>> -> memref<1x1x128xi32, #tpu.memory_space<vmem>>
    %dma_wait3A_260 = tpu.memref_squeeze %dma_wait3A_259 : memref<1x1x128xi32, #tpu.memory_space<vmem>> -> memref<128xi32, #tpu.memory_space<vmem>>
    %dma_wait3A_261 = arith.constant 0 : i32
    %dma_wait3A_262 = tpu.memref_slice %arg12[%dma_wait3A_261] : memref<278784xf32, #tpu.memory_space<vmem_shared>> -> memref<278784xf32, #tpu.memory_space<vmem_shared>>
    tpu.wait_indirect_dma semaphore(%arg13 : memref<!tpu.dma_semaphore, #tpu.memory_space<semaphore_mem>>) src(%dma_wait3A_257 : memref<128xf32, #tpu.memory_space<vmem>>) dst(%dma_wait3A_262 : memref<278784xf32, #tpu.memory_space<vmem_shared>>)
    %dma_wait3A_263 = arith.constant 0 : i32
    %dma_wait3A_264 = arith.constant 20 : i32
    %dma_wait3A_265 = arith.constant 0 : i32
    %dma_wait3A_266 = arith.constant 20 : i32
    %dma_wait3A_267 = arith.constant 0 : i32
    %dma_wait3A_268 = tpu.memref_slice %arg10[%dma_wait3A_263, %dma_wait3A_264, %dma_wait3A_267] : memref<2x25x128xf32, #tpu.memory_space<vmem>> -> memref<1x1x128xf32, #tpu.memory_space<vmem>>
    %dma_wait3A_269 = tpu.memref_squeeze %dma_wait3A_268 : memref<1x1x128xf32, #tpu.memory_space<vmem>> -> memref<128xf32, #tpu.memory_space<vmem>>
    %dma_wait3A_270 = arith.constant 0 : i32
    %dma_wait3A_271 = tpu.memref_slice %arg9[%dma_wait3A_265, %dma_wait3A_266, %dma_wait3A_270] : memref<2x25x128xi32, #tpu.memory_space<vmem>> -> memref<1x1x128xi32, #tpu.memory_space<vmem>>
    %dma_wait3A_272 = tpu.memref_squeeze %dma_wait3A_271 : memref<1x1x128xi32, #tpu.memory_space<vmem>> -> memref<128xi32, #tpu.memory_space<vmem>>
    %dma_wait3A_273 = arith.constant 0 : i32
    %dma_wait3A_274 = tpu.memref_slice %arg12[%dma_wait3A_273] : memref<278784xf32, #tpu.memory_space<vmem_shared>> -> memref<278784xf32, #tpu.memory_space<vmem_shared>>
    tpu.wait_indirect_dma semaphore(%arg13 : memref<!tpu.dma_semaphore, #tpu.memory_space<semaphore_mem>>) src(%dma_wait3A_269 : memref<128xf32, #tpu.memory_space<vmem>>) dst(%dma_wait3A_274 : memref<278784xf32, #tpu.memory_space<vmem_shared>>)
    %dma_wait3A_275 = arith.constant 0 : i32
    %dma_wait3A_276 = arith.constant 21 : i32
    %dma_wait3A_277 = arith.constant 0 : i32
    %dma_wait3A_278 = arith.constant 21 : i32
    %dma_wait3A_279 = arith.constant 0 : i32
    %dma_wait3A_280 = tpu.memref_slice %arg10[%dma_wait3A_275, %dma_wait3A_276, %dma_wait3A_279] : memref<2x25x128xf32, #tpu.memory_space<vmem>> -> memref<1x1x128xf32, #tpu.memory_space<vmem>>
    %dma_wait3A_281 = tpu.memref_squeeze %dma_wait3A_280 : memref<1x1x128xf32, #tpu.memory_space<vmem>> -> memref<128xf32, #tpu.memory_space<vmem>>
    %dma_wait3A_282 = arith.constant 0 : i32
    %dma_wait3A_283 = tpu.memref_slice %arg9[%dma_wait3A_277, %dma_wait3A_278, %dma_wait3A_282] : memref<2x25x128xi32, #tpu.memory_space<vmem>> -> memref<1x1x128xi32, #tpu.memory_space<vmem>>
    %dma_wait3A_284 = tpu.memref_squeeze %dma_wait3A_283 : memref<1x1x128xi32, #tpu.memory_space<vmem>> -> memref<128xi32, #tpu.memory_space<vmem>>
    %dma_wait3A_285 = arith.constant 0 : i32
    %dma_wait3A_286 = tpu.memref_slice %arg12[%dma_wait3A_285] : memref<278784xf32, #tpu.memory_space<vmem_shared>> -> memref<278784xf32, #tpu.memory_space<vmem_shared>>
    tpu.wait_indirect_dma semaphore(%arg13 : memref<!tpu.dma_semaphore, #tpu.memory_space<semaphore_mem>>) src(%dma_wait3A_281 : memref<128xf32, #tpu.memory_space<vmem>>) dst(%dma_wait3A_286 : memref<278784xf32, #tpu.memory_space<vmem_shared>>)
    %dma_wait3A_287 = arith.constant 0 : i32
    %dma_wait3A_288 = arith.constant 22 : i32
    %dma_wait3A_289 = arith.constant 0 : i32
    %dma_wait3A_290 = arith.constant 22 : i32
    %dma_wait3A_291 = arith.constant 0 : i32
    %dma_wait3A_292 = tpu.memref_slice %arg10[%dma_wait3A_287, %dma_wait3A_288, %dma_wait3A_291] : memref<2x25x128xf32, #tpu.memory_space<vmem>> -> memref<1x1x128xf32, #tpu.memory_space<vmem>>
    %dma_wait3A_293 = tpu.memref_squeeze %dma_wait3A_292 : memref<1x1x128xf32, #tpu.memory_space<vmem>> -> memref<128xf32, #tpu.memory_space<vmem>>
    %dma_wait3A_294 = arith.constant 0 : i32
    %dma_wait3A_295 = tpu.memref_slice %arg9[%dma_wait3A_289, %dma_wait3A_290, %dma_wait3A_294] : memref<2x25x128xi32, #tpu.memory_space<vmem>> -> memref<1x1x128xi32, #tpu.memory_space<vmem>>
    %dma_wait3A_296 = tpu.memref_squeeze %dma_wait3A_295 : memref<1x1x128xi32, #tpu.memory_space<vmem>> -> memref<128xi32, #tpu.memory_space<vmem>>
    %dma_wait3A_297 = arith.constant 0 : i32
    %dma_wait3A_298 = tpu.memref_slice %arg12[%dma_wait3A_297] : memref<278784xf32, #tpu.memory_space<vmem_shared>> -> memref<278784xf32, #tpu.memory_space<vmem_shared>>
    tpu.wait_indirect_dma semaphore(%arg13 : memref<!tpu.dma_semaphore, #tpu.memory_space<semaphore_mem>>) src(%dma_wait3A_293 : memref<128xf32, #tpu.memory_space<vmem>>) dst(%dma_wait3A_298 : memref<278784xf32, #tpu.memory_space<vmem_shared>>)
    %dma_wait3A_299 = arith.constant 0 : i32
    %dma_wait3A_300 = arith.constant 23 : i32
    %dma_wait3A_301 = arith.constant 0 : i32
    %dma_wait3A_302 = arith.constant 23 : i32
    %dma_wait3A_303 = arith.constant 0 : i32
    %dma_wait3A_304 = tpu.memref_slice %arg10[%dma_wait3A_299, %dma_wait3A_300, %dma_wait3A_303] : memref<2x25x128xf32, #tpu.memory_space<vmem>> -> memref<1x1x128xf32, #tpu.memory_space<vmem>>
    %dma_wait3A_305 = tpu.memref_squeeze %dma_wait3A_304 : memref<1x1x128xf32, #tpu.memory_space<vmem>> -> memref<128xf32, #tpu.memory_space<vmem>>
    %dma_wait3A_306 = arith.constant 0 : i32
    %dma_wait3A_307 = tpu.memref_slice %arg9[%dma_wait3A_301, %dma_wait3A_302, %dma_wait3A_306] : memref<2x25x128xi32, #tpu.memory_space<vmem>> -> memref<1x1x128xi32, #tpu.memory_space<vmem>>
    %dma_wait3A_308 = tpu.memref_squeeze %dma_wait3A_307 : memref<1x1x128xi32, #tpu.memory_space<vmem>> -> memref<128xi32, #tpu.memory_space<vmem>>
    %dma_wait3A_309 = arith.constant 0 : i32
    %dma_wait3A_310 = tpu.memref_slice %arg12[%dma_wait3A_309] : memref<278784xf32, #tpu.memory_space<vmem_shared>> -> memref<278784xf32, #tpu.memory_space<vmem_shared>>
    tpu.wait_indirect_dma semaphore(%arg13 : memref<!tpu.dma_semaphore, #tpu.memory_space<semaphore_mem>>) src(%dma_wait3A_305 : memref<128xf32, #tpu.memory_space<vmem>>) dst(%dma_wait3A_310 : memref<278784xf32, #tpu.memory_space<vmem_shared>>)
    %dma_wait3A_311 = arith.constant 0 : i32
    %dma_wait3A_312 = arith.constant 24 : i32
    %dma_wait3A_313 = arith.constant 0 : i32
    %dma_wait3A_314 = arith.constant 24 : i32
    %dma_wait3A_315 = arith.constant 0 : i32
    %dma_wait3A_316 = tpu.memref_slice %arg10[%dma_wait3A_311, %dma_wait3A_312, %dma_wait3A_315] : memref<2x25x128xf32, #tpu.memory_space<vmem>> -> memref<1x1x128xf32, #tpu.memory_space<vmem>>
    %dma_wait3A_317 = tpu.memref_squeeze %dma_wait3A_316 : memref<1x1x128xf32, #tpu.memory_space<vmem>> -> memref<128xf32, #tpu.memory_space<vmem>>
    %dma_wait3A_318 = arith.constant 0 : i32
    %dma_wait3A_319 = tpu.memref_slice %arg9[%dma_wait3A_313, %dma_wait3A_314, %dma_wait3A_318] : memref<2x25x128xi32, #tpu.memory_space<vmem>> -> memref<1x1x128xi32, #tpu.memory_space<vmem>>
    %dma_wait3A_320 = tpu.memref_squeeze %dma_wait3A_319 : memref<1x1x128xi32, #tpu.memory_space<vmem>> -> memref<128xi32, #tpu.memory_space<vmem>>
    %dma_wait3A_321 = arith.constant 0 : i32
    %dma_wait3A_322 = tpu.memref_slice %arg12[%dma_wait3A_321] : memref<278784xf32, #tpu.memory_space<vmem_shared>> -> memref<278784xf32, #tpu.memory_space<vmem_shared>>
    tpu.wait_indirect_dma semaphore(%arg13 : memref<!tpu.dma_semaphore, #tpu.memory_space<semaphore_mem>>) src(%dma_wait3A_317 : memref<128xf32, #tpu.memory_space<vmem>>) dst(%dma_wait3A_322 : memref<278784xf32, #tpu.memory_space<vmem_shared>>)
    %dma_wait3A_323 = arith.constant 1 : i32
    %dma_wait3A_324 = arith.constant 0 : i32
    %dma_wait3A_325 = arith.constant 1 : i32
    %dma_wait3A_326 = arith.constant 0 : i32
    %dma_wait3A_327 = arith.constant 0 : i32
    %dma_wait3A_328 = tpu.memref_slice %arg10[%dma_wait3A_323, %dma_wait3A_324, %dma_wait3A_327] : memref<2x25x128xf32, #tpu.memory_space<vmem>> -> memref<1x1x128xf32, #tpu.memory_space<vmem>>
    %dma_wait3A_329 = tpu.memref_squeeze %dma_wait3A_328 : memref<1x1x128xf32, #tpu.memory_space<vmem>> -> memref<128xf32, #tpu.memory_space<vmem>>
    %dma_wait3A_330 = arith.constant 0 : i32
    %dma_wait3A_331 = tpu.memref_slice %arg9[%dma_wait3A_325, %dma_wait3A_326, %dma_wait3A_330] : memref<2x25x128xi32, #tpu.memory_space<vmem>> -> memref<1x1x128xi32, #tpu.memory_space<vmem>>
    %dma_wait3A_332 = tpu.memref_squeeze %dma_wait3A_331 : memref<1x1x128xi32, #tpu.memory_space<vmem>> -> memref<128xi32, #tpu.memory_space<vmem>>
    %dma_wait3A_333 = arith.constant 0 : i32
    %dma_wait3A_334 = tpu.memref_slice %arg12[%dma_wait3A_333] : memref<278784xf32, #tpu.memory_space<vmem_shared>> -> memref<278784xf32, #tpu.memory_space<vmem_shared>>
    tpu.wait_indirect_dma semaphore(%arg14 : memref<!tpu.dma_semaphore, #tpu.memory_space<semaphore_mem>>) src(%dma_wait3A_329 : memref<128xf32, #tpu.memory_space<vmem>>) dst(%dma_wait3A_334 : memref<278784xf32, #tpu.memory_space<vmem_shared>>)
    %dma_wait3A_335 = arith.constant 1 : i32
    %dma_wait3A_336 = arith.constant 1 : i32
    %dma_wait3A_337 = arith.constant 1 : i32
    %dma_wait3A_338 = arith.constant 1 : i32
    %dma_wait3A_339 = arith.constant 0 : i32
    %dma_wait3A_340 = tpu.memref_slice %arg10[%dma_wait3A_335, %dma_wait3A_336, %dma_wait3A_339] : memref<2x25x128xf32, #tpu.memory_space<vmem>> -> memref<1x1x128xf32, #tpu.memory_space<vmem>>
    %dma_wait3A_341 = tpu.memref_squeeze %dma_wait3A_340 : memref<1x1x128xf32, #tpu.memory_space<vmem>> -> memref<128xf32, #tpu.memory_space<vmem>>
    %dma_wait3A_342 = arith.constant 0 : i32
    %dma_wait3A_343 = tpu.memref_slice %arg9[%dma_wait3A_337, %dma_wait3A_338, %dma_wait3A_342] : memref<2x25x128xi32, #tpu.memory_space<vmem>> -> memref<1x1x128xi32, #tpu.memory_space<vmem>>
    %dma_wait3A_344 = tpu.memref_squeeze %dma_wait3A_343 : memref<1x1x128xi32, #tpu.memory_space<vmem>> -> memref<128xi32, #tpu.memory_space<vmem>>
    %dma_wait3A_345 = arith.constant 0 : i32
    %dma_wait3A_346 = tpu.memref_slice %arg12[%dma_wait3A_345] : memref<278784xf32, #tpu.memory_space<vmem_shared>> -> memref<278784xf32, #tpu.memory_space<vmem_shared>>
    tpu.wait_indirect_dma semaphore(%arg14 : memref<!tpu.dma_semaphore, #tpu.memory_space<semaphore_mem>>) src(%dma_wait3A_341 : memref<128xf32, #tpu.memory_space<vmem>>) dst(%dma_wait3A_346 : memref<278784xf32, #tpu.memory_space<vmem_shared>>)
    %dma_wait3A_347 = arith.constant 1 : i32
    %dma_wait3A_348 = arith.constant 2 : i32
    %dma_wait3A_349 = arith.constant 1 : i32
    %dma_wait3A_350 = arith.constant 2 : i32
    %dma_wait3A_351 = arith.constant 0 : i32
    %dma_wait3A_352 = tpu.memref_slice %arg10[%dma_wait3A_347, %dma_wait3A_348, %dma_wait3A_351] : memref<2x25x128xf32, #tpu.memory_space<vmem>> -> memref<1x1x128xf32, #tpu.memory_space<vmem>>
    %dma_wait3A_353 = tpu.memref_squeeze %dma_wait3A_352 : memref<1x1x128xf32, #tpu.memory_space<vmem>> -> memref<128xf32, #tpu.memory_space<vmem>>
    %dma_wait3A_354 = arith.constant 0 : i32
    %dma_wait3A_355 = tpu.memref_slice %arg9[%dma_wait3A_349, %dma_wait3A_350, %dma_wait3A_354] : memref<2x25x128xi32, #tpu.memory_space<vmem>> -> memref<1x1x128xi32, #tpu.memory_space<vmem>>
    %dma_wait3A_356 = tpu.memref_squeeze %dma_wait3A_355 : memref<1x1x128xi32, #tpu.memory_space<vmem>> -> memref<128xi32, #tpu.memory_space<vmem>>
    %dma_wait3A_357 = arith.constant 0 : i32
    %dma_wait3A_358 = tpu.memref_slice %arg12[%dma_wait3A_357] : memref<278784xf32, #tpu.memory_space<vmem_shared>> -> memref<278784xf32, #tpu.memory_space<vmem_shared>>
    tpu.wait_indirect_dma semaphore(%arg14 : memref<!tpu.dma_semaphore, #tpu.memory_space<semaphore_mem>>) src(%dma_wait3A_353 : memref<128xf32, #tpu.memory_space<vmem>>) dst(%dma_wait3A_358 : memref<278784xf32, #tpu.memory_space<vmem_shared>>)
    %dma_wait3A_359 = arith.constant 1 : i32
    %dma_wait3A_360 = arith.constant 3 : i32
    %dma_wait3A_361 = arith.constant 1 : i32
    %dma_wait3A_362 = arith.constant 3 : i32
    %dma_wait3A_363 = arith.constant 0 : i32
    %dma_wait3A_364 = tpu.memref_slice %arg10[%dma_wait3A_359, %dma_wait3A_360, %dma_wait3A_363] : memref<2x25x128xf32, #tpu.memory_space<vmem>> -> memref<1x1x128xf32, #tpu.memory_space<vmem>>
    %dma_wait3A_365 = tpu.memref_squeeze %dma_wait3A_364 : memref<1x1x128xf32, #tpu.memory_space<vmem>> -> memref<128xf32, #tpu.memory_space<vmem>>
    %dma_wait3A_366 = arith.constant 0 : i32
    %dma_wait3A_367 = tpu.memref_slice %arg9[%dma_wait3A_361, %dma_wait3A_362, %dma_wait3A_366] : memref<2x25x128xi32, #tpu.memory_space<vmem>> -> memref<1x1x128xi32, #tpu.memory_space<vmem>>
    %dma_wait3A_368 = tpu.memref_squeeze %dma_wait3A_367 : memref<1x1x128xi32, #tpu.memory_space<vmem>> -> memref<128xi32, #tpu.memory_space<vmem>>
    %dma_wait3A_369 = arith.constant 0 : i32
    %dma_wait3A_370 = tpu.memref_slice %arg12[%dma_wait3A_369] : memref<278784xf32, #tpu.memory_space<vmem_shared>> -> memref<278784xf32, #tpu.memory_space<vmem_shared>>
    tpu.wait_indirect_dma semaphore(%arg14 : memref<!tpu.dma_semaphore, #tpu.memory_space<semaphore_mem>>) src(%dma_wait3A_365 : memref<128xf32, #tpu.memory_space<vmem>>) dst(%dma_wait3A_370 : memref<278784xf32, #tpu.memory_space<vmem_shared>>)
    %dma_wait3A_371 = arith.constant 1 : i32
    %dma_wait3A_372 = arith.constant 4 : i32
    %dma_wait3A_373 = arith.constant 1 : i32
    %dma_wait3A_374 = arith.constant 4 : i32
    %dma_wait3A_375 = arith.constant 0 : i32
    %dma_wait3A_376 = tpu.memref_slice %arg10[%dma_wait3A_371, %dma_wait3A_372, %dma_wait3A_375] : memref<2x25x128xf32, #tpu.memory_space<vmem>> -> memref<1x1x128xf32, #tpu.memory_space<vmem>>
    %dma_wait3A_377 = tpu.memref_squeeze %dma_wait3A_376 : memref<1x1x128xf32, #tpu.memory_space<vmem>> -> memref<128xf32, #tpu.memory_space<vmem>>
    %dma_wait3A_378 = arith.constant 0 : i32
    %dma_wait3A_379 = tpu.memref_slice %arg9[%dma_wait3A_373, %dma_wait3A_374, %dma_wait3A_378] : memref<2x25x128xi32, #tpu.memory_space<vmem>> -> memref<1x1x128xi32, #tpu.memory_space<vmem>>
    %dma_wait3A_380 = tpu.memref_squeeze %dma_wait3A_379 : memref<1x1x128xi32, #tpu.memory_space<vmem>> -> memref<128xi32, #tpu.memory_space<vmem>>
    %dma_wait3A_381 = arith.constant 0 : i32
    %dma_wait3A_382 = tpu.memref_slice %arg12[%dma_wait3A_381] : memref<278784xf32, #tpu.memory_space<vmem_shared>> -> memref<278784xf32, #tpu.memory_space<vmem_shared>>
    tpu.wait_indirect_dma semaphore(%arg14 : memref<!tpu.dma_semaphore, #tpu.memory_space<semaphore_mem>>) src(%dma_wait3A_377 : memref<128xf32, #tpu.memory_space<vmem>>) dst(%dma_wait3A_382 : memref<278784xf32, #tpu.memory_space<vmem_shared>>)
    %dma_wait3A_383 = arith.constant 1 : i32
    %dma_wait3A_384 = arith.constant 5 : i32
    %dma_wait3A_385 = arith.constant 1 : i32
    %dma_wait3A_386 = arith.constant 5 : i32
    %dma_wait3A_387 = arith.constant 0 : i32
    %dma_wait3A_388 = tpu.memref_slice %arg10[%dma_wait3A_383, %dma_wait3A_384, %dma_wait3A_387] : memref<2x25x128xf32, #tpu.memory_space<vmem>> -> memref<1x1x128xf32, #tpu.memory_space<vmem>>
    %dma_wait3A_389 = tpu.memref_squeeze %dma_wait3A_388 : memref<1x1x128xf32, #tpu.memory_space<vmem>> -> memref<128xf32, #tpu.memory_space<vmem>>
    %dma_wait3A_390 = arith.constant 0 : i32
    %dma_wait3A_391 = tpu.memref_slice %arg9[%dma_wait3A_385, %dma_wait3A_386, %dma_wait3A_390] : memref<2x25x128xi32, #tpu.memory_space<vmem>> -> memref<1x1x128xi32, #tpu.memory_space<vmem>>
    %dma_wait3A_392 = tpu.memref_squeeze %dma_wait3A_391 : memref<1x1x128xi32, #tpu.memory_space<vmem>> -> memref<128xi32, #tpu.memory_space<vmem>>
    %dma_wait3A_393 = arith.constant 0 : i32
    %dma_wait3A_394 = tpu.memref_slice %arg12[%dma_wait3A_393] : memref<278784xf32, #tpu.memory_space<vmem_shared>> -> memref<278784xf32, #tpu.memory_space<vmem_shared>>
    tpu.wait_indirect_dma semaphore(%arg14 : memref<!tpu.dma_semaphore, #tpu.memory_space<semaphore_mem>>) src(%dma_wait3A_389 : memref<128xf32, #tpu.memory_space<vmem>>) dst(%dma_wait3A_394 : memref<278784xf32, #tpu.memory_space<vmem_shared>>)
    %dma_wait3A_395 = arith.constant 1 : i32
    %dma_wait3A_396 = arith.constant 6 : i32
    %dma_wait3A_397 = arith.constant 1 : i32
    %dma_wait3A_398 = arith.constant 6 : i32
    %dma_wait3A_399 = arith.constant 0 : i32
    %dma_wait3A_400 = tpu.memref_slice %arg10[%dma_wait3A_395, %dma_wait3A_396, %dma_wait3A_399] : memref<2x25x128xf32, #tpu.memory_space<vmem>> -> memref<1x1x128xf32, #tpu.memory_space<vmem>>
    %dma_wait3A_401 = tpu.memref_squeeze %dma_wait3A_400 : memref<1x1x128xf32, #tpu.memory_space<vmem>> -> memref<128xf32, #tpu.memory_space<vmem>>
    %dma_wait3A_402 = arith.constant 0 : i32
    %dma_wait3A_403 = tpu.memref_slice %arg9[%dma_wait3A_397, %dma_wait3A_398, %dma_wait3A_402] : memref<2x25x128xi32, #tpu.memory_space<vmem>> -> memref<1x1x128xi32, #tpu.memory_space<vmem>>
    %dma_wait3A_404 = tpu.memref_squeeze %dma_wait3A_403 : memref<1x1x128xi32, #tpu.memory_space<vmem>> -> memref<128xi32, #tpu.memory_space<vmem>>
    %dma_wait3A_405 = arith.constant 0 : i32
    %dma_wait3A_406 = tpu.memref_slice %arg12[%dma_wait3A_405] : memref<278784xf32, #tpu.memory_space<vmem_shared>> -> memref<278784xf32, #tpu.memory_space<vmem_shared>>
    tpu.wait_indirect_dma semaphore(%arg14 : memref<!tpu.dma_semaphore, #tpu.memory_space<semaphore_mem>>) src(%dma_wait3A_401 : memref<128xf32, #tpu.memory_space<vmem>>) dst(%dma_wait3A_406 : memref<278784xf32, #tpu.memory_space<vmem_shared>>)
    %dma_wait3A_407 = arith.constant 1 : i32
    %dma_wait3A_408 = arith.constant 7 : i32
    %dma_wait3A_409 = arith.constant 1 : i32
    %dma_wait3A_410 = arith.constant 7 : i32
    %dma_wait3A_411 = arith.constant 0 : i32
    %dma_wait3A_412 = tpu.memref_slice %arg10[%dma_wait3A_407, %dma_wait3A_408, %dma_wait3A_411] : memref<2x25x128xf32, #tpu.memory_space<vmem>> -> memref<1x1x128xf32, #tpu.memory_space<vmem>>
    %dma_wait3A_413 = tpu.memref_squeeze %dma_wait3A_412 : memref<1x1x128xf32, #tpu.memory_space<vmem>> -> memref<128xf32, #tpu.memory_space<vmem>>
    %dma_wait3A_414 = arith.constant 0 : i32
    %dma_wait3A_415 = tpu.memref_slice %arg9[%dma_wait3A_409, %dma_wait3A_410, %dma_wait3A_414] : memref<2x25x128xi32, #tpu.memory_space<vmem>> -> memref<1x1x128xi32, #tpu.memory_space<vmem>>
    %dma_wait3A_416 = tpu.memref_squeeze %dma_wait3A_415 : memref<1x1x128xi32, #tpu.memory_space<vmem>> -> memref<128xi32, #tpu.memory_space<vmem>>
    %dma_wait3A_417 = arith.constant 0 : i32
    %dma_wait3A_418 = tpu.memref_slice %arg12[%dma_wait3A_417] : memref<278784xf32, #tpu.memory_space<vmem_shared>> -> memref<278784xf32, #tpu.memory_space<vmem_shared>>
    tpu.wait_indirect_dma semaphore(%arg14 : memref<!tpu.dma_semaphore, #tpu.memory_space<semaphore_mem>>) src(%dma_wait3A_413 : memref<128xf32, #tpu.memory_space<vmem>>) dst(%dma_wait3A_418 : memref<278784xf32, #tpu.memory_space<vmem_shared>>)
    %dma_wait3A_419 = arith.constant 1 : i32
    %dma_wait3A_420 = arith.constant 8 : i32
    %dma_wait3A_421 = arith.constant 1 : i32
    %dma_wait3A_422 = arith.constant 8 : i32
    %dma_wait3A_423 = arith.constant 0 : i32
    %dma_wait3A_424 = tpu.memref_slice %arg10[%dma_wait3A_419, %dma_wait3A_420, %dma_wait3A_423] : memref<2x25x128xf32, #tpu.memory_space<vmem>> -> memref<1x1x128xf32, #tpu.memory_space<vmem>>
    %dma_wait3A_425 = tpu.memref_squeeze %dma_wait3A_424 : memref<1x1x128xf32, #tpu.memory_space<vmem>> -> memref<128xf32, #tpu.memory_space<vmem>>
    %dma_wait3A_426 = arith.constant 0 : i32
    %dma_wait3A_427 = tpu.memref_slice %arg9[%dma_wait3A_421, %dma_wait3A_422, %dma_wait3A_426] : memref<2x25x128xi32, #tpu.memory_space<vmem>> -> memref<1x1x128xi32, #tpu.memory_space<vmem>>
    %dma_wait3A_428 = tpu.memref_squeeze %dma_wait3A_427 : memref<1x1x128xi32, #tpu.memory_space<vmem>> -> memref<128xi32, #tpu.memory_space<vmem>>
    %dma_wait3A_429 = arith.constant 0 : i32
    %dma_wait3A_430 = tpu.memref_slice %arg12[%dma_wait3A_429] : memref<278784xf32, #tpu.memory_space<vmem_shared>> -> memref<278784xf32, #tpu.memory_space<vmem_shared>>
    tpu.wait_indirect_dma semaphore(%arg14 : memref<!tpu.dma_semaphore, #tpu.memory_space<semaphore_mem>>) src(%dma_wait3A_425 : memref<128xf32, #tpu.memory_space<vmem>>) dst(%dma_wait3A_430 : memref<278784xf32, #tpu.memory_space<vmem_shared>>)
    %dma_wait3A_431 = arith.constant 1 : i32
    %dma_wait3A_432 = arith.constant 9 : i32
    %dma_wait3A_433 = arith.constant 1 : i32
    %dma_wait3A_434 = arith.constant 9 : i32
    %dma_wait3A_435 = arith.constant 0 : i32
    %dma_wait3A_436 = tpu.memref_slice %arg10[%dma_wait3A_431, %dma_wait3A_432, %dma_wait3A_435] : memref<2x25x128xf32, #tpu.memory_space<vmem>> -> memref<1x1x128xf32, #tpu.memory_space<vmem>>
    %dma_wait3A_437 = tpu.memref_squeeze %dma_wait3A_436 : memref<1x1x128xf32, #tpu.memory_space<vmem>> -> memref<128xf32, #tpu.memory_space<vmem>>
    %dma_wait3A_438 = arith.constant 0 : i32
    %dma_wait3A_439 = tpu.memref_slice %arg9[%dma_wait3A_433, %dma_wait3A_434, %dma_wait3A_438] : memref<2x25x128xi32, #tpu.memory_space<vmem>> -> memref<1x1x128xi32, #tpu.memory_space<vmem>>
    %dma_wait3A_440 = tpu.memref_squeeze %dma_wait3A_439 : memref<1x1x128xi32, #tpu.memory_space<vmem>> -> memref<128xi32, #tpu.memory_space<vmem>>
    %dma_wait3A_441 = arith.constant 0 : i32
    %dma_wait3A_442 = tpu.memref_slice %arg12[%dma_wait3A_441] : memref<278784xf32, #tpu.memory_space<vmem_shared>> -> memref<278784xf32, #tpu.memory_space<vmem_shared>>
    tpu.wait_indirect_dma semaphore(%arg14 : memref<!tpu.dma_semaphore, #tpu.memory_space<semaphore_mem>>) src(%dma_wait3A_437 : memref<128xf32, #tpu.memory_space<vmem>>) dst(%dma_wait3A_442 : memref<278784xf32, #tpu.memory_space<vmem_shared>>)
    %dma_wait3A_443 = arith.constant 1 : i32
    %dma_wait3A_444 = arith.constant 10 : i32
    %dma_wait3A_445 = arith.constant 1 : i32
    %dma_wait3A_446 = arith.constant 10 : i32
    %dma_wait3A_447 = arith.constant 0 : i32
    %dma_wait3A_448 = tpu.memref_slice %arg10[%dma_wait3A_443, %dma_wait3A_444, %dma_wait3A_447] : memref<2x25x128xf32, #tpu.memory_space<vmem>> -> memref<1x1x128xf32, #tpu.memory_space<vmem>>
    %dma_wait3A_449 = tpu.memref_squeeze %dma_wait3A_448 : memref<1x1x128xf32, #tpu.memory_space<vmem>> -> memref<128xf32, #tpu.memory_space<vmem>>
    %dma_wait3A_450 = arith.constant 0 : i32
    %dma_wait3A_451 = tpu.memref_slice %arg9[%dma_wait3A_445, %dma_wait3A_446, %dma_wait3A_450] : memref<2x25x128xi32, #tpu.memory_space<vmem>> -> memref<1x1x128xi32, #tpu.memory_space<vmem>>
    %dma_wait3A_452 = tpu.memref_squeeze %dma_wait3A_451 : memref<1x1x128xi32, #tpu.memory_space<vmem>> -> memref<128xi32, #tpu.memory_space<vmem>>
    %dma_wait3A_453 = arith.constant 0 : i32
    %dma_wait3A_454 = tpu.memref_slice %arg12[%dma_wait3A_453] : memref<278784xf32, #tpu.memory_space<vmem_shared>> -> memref<278784xf32, #tpu.memory_space<vmem_shared>>
    tpu.wait_indirect_dma semaphore(%arg14 : memref<!tpu.dma_semaphore, #tpu.memory_space<semaphore_mem>>) src(%dma_wait3A_449 : memref<128xf32, #tpu.memory_space<vmem>>) dst(%dma_wait3A_454 : memref<278784xf32, #tpu.memory_space<vmem_shared>>)
    %dma_wait3A_455 = arith.constant 1 : i32
    %dma_wait3A_456 = arith.constant 11 : i32
    %dma_wait3A_457 = arith.constant 1 : i32
    %dma_wait3A_458 = arith.constant 11 : i32
    %dma_wait3A_459 = arith.constant 0 : i32
    %dma_wait3A_460 = tpu.memref_slice %arg10[%dma_wait3A_455, %dma_wait3A_456, %dma_wait3A_459] : memref<2x25x128xf32, #tpu.memory_space<vmem>> -> memref<1x1x128xf32, #tpu.memory_space<vmem>>
    %dma_wait3A_461 = tpu.memref_squeeze %dma_wait3A_460 : memref<1x1x128xf32, #tpu.memory_space<vmem>> -> memref<128xf32, #tpu.memory_space<vmem>>
    %dma_wait3A_462 = arith.constant 0 : i32
    %dma_wait3A_463 = tpu.memref_slice %arg9[%dma_wait3A_457, %dma_wait3A_458, %dma_wait3A_462] : memref<2x25x128xi32, #tpu.memory_space<vmem>> -> memref<1x1x128xi32, #tpu.memory_space<vmem>>
    %dma_wait3A_464 = tpu.memref_squeeze %dma_wait3A_463 : memref<1x1x128xi32, #tpu.memory_space<vmem>> -> memref<128xi32, #tpu.memory_space<vmem>>
    %dma_wait3A_465 = arith.constant 0 : i32
    %dma_wait3A_466 = tpu.memref_slice %arg12[%dma_wait3A_465] : memref<278784xf32, #tpu.memory_space<vmem_shared>> -> memref<278784xf32, #tpu.memory_space<vmem_shared>>
    tpu.wait_indirect_dma semaphore(%arg14 : memref<!tpu.dma_semaphore, #tpu.memory_space<semaphore_mem>>) src(%dma_wait3A_461 : memref<128xf32, #tpu.memory_space<vmem>>) dst(%dma_wait3A_466 : memref<278784xf32, #tpu.memory_space<vmem_shared>>)
    %dma_wait3A_467 = arith.constant 1 : i32
    %dma_wait3A_468 = arith.constant 12 : i32
    %dma_wait3A_469 = arith.constant 1 : i32
    %dma_wait3A_470 = arith.constant 12 : i32
    %dma_wait3A_471 = arith.constant 0 : i32
    %dma_wait3A_472 = tpu.memref_slice %arg10[%dma_wait3A_467, %dma_wait3A_468, %dma_wait3A_471] : memref<2x25x128xf32, #tpu.memory_space<vmem>> -> memref<1x1x128xf32, #tpu.memory_space<vmem>>
    %dma_wait3A_473 = tpu.memref_squeeze %dma_wait3A_472 : memref<1x1x128xf32, #tpu.memory_space<vmem>> -> memref<128xf32, #tpu.memory_space<vmem>>
    %dma_wait3A_474 = arith.constant 0 : i32
    %dma_wait3A_475 = tpu.memref_slice %arg9[%dma_wait3A_469, %dma_wait3A_470, %dma_wait3A_474] : memref<2x25x128xi32, #tpu.memory_space<vmem>> -> memref<1x1x128xi32, #tpu.memory_space<vmem>>
    %dma_wait3A_476 = tpu.memref_squeeze %dma_wait3A_475 : memref<1x1x128xi32, #tpu.memory_space<vmem>> -> memref<128xi32, #tpu.memory_space<vmem>>
    %dma_wait3A_477 = arith.constant 0 : i32
    %dma_wait3A_478 = tpu.memref_slice %arg12[%dma_wait3A_477] : memref<278784xf32, #tpu.memory_space<vmem_shared>> -> memref<278784xf32, #tpu.memory_space<vmem_shared>>
    tpu.wait_indirect_dma semaphore(%arg14 : memref<!tpu.dma_semaphore, #tpu.memory_space<semaphore_mem>>) src(%dma_wait3A_473 : memref<128xf32, #tpu.memory_space<vmem>>) dst(%dma_wait3A_478 : memref<278784xf32, #tpu.memory_space<vmem_shared>>)
    %dma_wait3A_479 = arith.constant 1 : i32
    %dma_wait3A_480 = arith.constant 13 : i32
    %dma_wait3A_481 = arith.constant 1 : i32
    %dma_wait3A_482 = arith.constant 13 : i32
    %dma_wait3A_483 = arith.constant 0 : i32
    %dma_wait3A_484 = tpu.memref_slice %arg10[%dma_wait3A_479, %dma_wait3A_480, %dma_wait3A_483] : memref<2x25x128xf32, #tpu.memory_space<vmem>> -> memref<1x1x128xf32, #tpu.memory_space<vmem>>
    %dma_wait3A_485 = tpu.memref_squeeze %dma_wait3A_484 : memref<1x1x128xf32, #tpu.memory_space<vmem>> -> memref<128xf32, #tpu.memory_space<vmem>>
    %dma_wait3A_486 = arith.constant 0 : i32
    %dma_wait3A_487 = tpu.memref_slice %arg9[%dma_wait3A_481, %dma_wait3A_482, %dma_wait3A_486] : memref<2x25x128xi32, #tpu.memory_space<vmem>> -> memref<1x1x128xi32, #tpu.memory_space<vmem>>
    %dma_wait3A_488 = tpu.memref_squeeze %dma_wait3A_487 : memref<1x1x128xi32, #tpu.memory_space<vmem>> -> memref<128xi32, #tpu.memory_space<vmem>>
    %dma_wait3A_489 = arith.constant 0 : i32
    %dma_wait3A_490 = tpu.memref_slice %arg12[%dma_wait3A_489] : memref<278784xf32, #tpu.memory_space<vmem_shared>> -> memref<278784xf32, #tpu.memory_space<vmem_shared>>
    tpu.wait_indirect_dma semaphore(%arg14 : memref<!tpu.dma_semaphore, #tpu.memory_space<semaphore_mem>>) src(%dma_wait3A_485 : memref<128xf32, #tpu.memory_space<vmem>>) dst(%dma_wait3A_490 : memref<278784xf32, #tpu.memory_space<vmem_shared>>)
    %dma_wait3A_491 = arith.constant 1 : i32
    %dma_wait3A_492 = arith.constant 14 : i32
    %dma_wait3A_493 = arith.constant 1 : i32
    %dma_wait3A_494 = arith.constant 14 : i32
    %dma_wait3A_495 = arith.constant 0 : i32
    %dma_wait3A_496 = tpu.memref_slice %arg10[%dma_wait3A_491, %dma_wait3A_492, %dma_wait3A_495] : memref<2x25x128xf32, #tpu.memory_space<vmem>> -> memref<1x1x128xf32, #tpu.memory_space<vmem>>
    %dma_wait3A_497 = tpu.memref_squeeze %dma_wait3A_496 : memref<1x1x128xf32, #tpu.memory_space<vmem>> -> memref<128xf32, #tpu.memory_space<vmem>>
    %dma_wait3A_498 = arith.constant 0 : i32
    %dma_wait3A_499 = tpu.memref_slice %arg9[%dma_wait3A_493, %dma_wait3A_494, %dma_wait3A_498] : memref<2x25x128xi32, #tpu.memory_space<vmem>> -> memref<1x1x128xi32, #tpu.memory_space<vmem>>
    %dma_wait3A_500 = tpu.memref_squeeze %dma_wait3A_499 : memref<1x1x128xi32, #tpu.memory_space<vmem>> -> memref<128xi32, #tpu.memory_space<vmem>>
    %dma_wait3A_501 = arith.constant 0 : i32
    %dma_wait3A_502 = tpu.memref_slice %arg12[%dma_wait3A_501] : memref<278784xf32, #tpu.memory_space<vmem_shared>> -> memref<278784xf32, #tpu.memory_space<vmem_shared>>
    tpu.wait_indirect_dma semaphore(%arg14 : memref<!tpu.dma_semaphore, #tpu.memory_space<semaphore_mem>>) src(%dma_wait3A_497 : memref<128xf32, #tpu.memory_space<vmem>>) dst(%dma_wait3A_502 : memref<278784xf32, #tpu.memory_space<vmem_shared>>)
    %dma_wait3A_503 = arith.constant 1 : i32
    %dma_wait3A_504 = arith.constant 15 : i32
    %dma_wait3A_505 = arith.constant 1 : i32
    %dma_wait3A_506 = arith.constant 15 : i32
    %dma_wait3A_507 = arith.constant 0 : i32
    %dma_wait3A_508 = tpu.memref_slice %arg10[%dma_wait3A_503, %dma_wait3A_504, %dma_wait3A_507] : memref<2x25x128xf32, #tpu.memory_space<vmem>> -> memref<1x1x128xf32, #tpu.memory_space<vmem>>
    %dma_wait3A_509 = tpu.memref_squeeze %dma_wait3A_508 : memref<1x1x128xf32, #tpu.memory_space<vmem>> -> memref<128xf32, #tpu.memory_space<vmem>>
    %dma_wait3A_510 = arith.constant 0 : i32
    %dma_wait3A_511 = tpu.memref_slice %arg9[%dma_wait3A_505, %dma_wait3A_506, %dma_wait3A_510] : memref<2x25x128xi32, #tpu.memory_space<vmem>> -> memref<1x1x128xi32, #tpu.memory_space<vmem>>
    %dma_wait3A_512 = tpu.memref_squeeze %dma_wait3A_511 : memref<1x1x128xi32, #tpu.memory_space<vmem>> -> memref<128xi32, #tpu.memory_space<vmem>>
    %dma_wait3A_513 = arith.constant 0 : i32
    %dma_wait3A_514 = tpu.memref_slice %arg12[%dma_wait3A_513] : memref<278784xf32, #tpu.memory_space<vmem_shared>> -> memref<278784xf32, #tpu.memory_space<vmem_shared>>
    tpu.wait_indirect_dma semaphore(%arg14 : memref<!tpu.dma_semaphore, #tpu.memory_space<semaphore_mem>>) src(%dma_wait3A_509 : memref<128xf32, #tpu.memory_space<vmem>>) dst(%dma_wait3A_514 : memref<278784xf32, #tpu.memory_space<vmem_shared>>)
    %dma_wait3A_515 = arith.constant 1 : i32
    %dma_wait3A_516 = arith.constant 16 : i32
    %dma_wait3A_517 = arith.constant 1 : i32
    %dma_wait3A_518 = arith.constant 16 : i32
    %dma_wait3A_519 = arith.constant 0 : i32
    %dma_wait3A_520 = tpu.memref_slice %arg10[%dma_wait3A_515, %dma_wait3A_516, %dma_wait3A_519] : memref<2x25x128xf32, #tpu.memory_space<vmem>> -> memref<1x1x128xf32, #tpu.memory_space<vmem>>
    %dma_wait3A_521 = tpu.memref_squeeze %dma_wait3A_520 : memref<1x1x128xf32, #tpu.memory_space<vmem>> -> memref<128xf32, #tpu.memory_space<vmem>>
    %dma_wait3A_522 = arith.constant 0 : i32
    %dma_wait3A_523 = tpu.memref_slice %arg9[%dma_wait3A_517, %dma_wait3A_518, %dma_wait3A_522] : memref<2x25x128xi32, #tpu.memory_space<vmem>> -> memref<1x1x128xi32, #tpu.memory_space<vmem>>
    %dma_wait3A_524 = tpu.memref_squeeze %dma_wait3A_523 : memref<1x1x128xi32, #tpu.memory_space<vmem>> -> memref<128xi32, #tpu.memory_space<vmem>>
    %dma_wait3A_525 = arith.constant 0 : i32
    %dma_wait3A_526 = tpu.memref_slice %arg12[%dma_wait3A_525] : memref<278784xf32, #tpu.memory_space<vmem_shared>> -> memref<278784xf32, #tpu.memory_space<vmem_shared>>
    tpu.wait_indirect_dma semaphore(%arg14 : memref<!tpu.dma_semaphore, #tpu.memory_space<semaphore_mem>>) src(%dma_wait3A_521 : memref<128xf32, #tpu.memory_space<vmem>>) dst(%dma_wait3A_526 : memref<278784xf32, #tpu.memory_space<vmem_shared>>)
    %dma_wait3A_527 = arith.constant 1 : i32
    %dma_wait3A_528 = arith.constant 17 : i32
    %dma_wait3A_529 = arith.constant 1 : i32
    %dma_wait3A_530 = arith.constant 17 : i32
    %dma_wait3A_531 = arith.constant 0 : i32
    %dma_wait3A_532 = tpu.memref_slice %arg10[%dma_wait3A_527, %dma_wait3A_528, %dma_wait3A_531] : memref<2x25x128xf32, #tpu.memory_space<vmem>> -> memref<1x1x128xf32, #tpu.memory_space<vmem>>
    %dma_wait3A_533 = tpu.memref_squeeze %dma_wait3A_532 : memref<1x1x128xf32, #tpu.memory_space<vmem>> -> memref<128xf32, #tpu.memory_space<vmem>>
    %dma_wait3A_534 = arith.constant 0 : i32
    %dma_wait3A_535 = tpu.memref_slice %arg9[%dma_wait3A_529, %dma_wait3A_530, %dma_wait3A_534] : memref<2x25x128xi32, #tpu.memory_space<vmem>> -> memref<1x1x128xi32, #tpu.memory_space<vmem>>
    %dma_wait3A_536 = tpu.memref_squeeze %dma_wait3A_535 : memref<1x1x128xi32, #tpu.memory_space<vmem>> -> memref<128xi32, #tpu.memory_space<vmem>>
    %dma_wait3A_537 = arith.constant 0 : i32
    %dma_wait3A_538 = tpu.memref_slice %arg12[%dma_wait3A_537] : memref<278784xf32, #tpu.memory_space<vmem_shared>> -> memref<278784xf32, #tpu.memory_space<vmem_shared>>
    tpu.wait_indirect_dma semaphore(%arg14 : memref<!tpu.dma_semaphore, #tpu.memory_space<semaphore_mem>>) src(%dma_wait3A_533 : memref<128xf32, #tpu.memory_space<vmem>>) dst(%dma_wait3A_538 : memref<278784xf32, #tpu.memory_space<vmem_shared>>)
    %dma_wait3A_539 = arith.constant 1 : i32
    %dma_wait3A_540 = arith.constant 18 : i32
    %dma_wait3A_541 = arith.constant 1 : i32
    %dma_wait3A_542 = arith.constant 18 : i32
    %dma_wait3A_543 = arith.constant 0 : i32
    %dma_wait3A_544 = tpu.memref_slice %arg10[%dma_wait3A_539, %dma_wait3A_540, %dma_wait3A_543] : memref<2x25x128xf32, #tpu.memory_space<vmem>> -> memref<1x1x128xf32, #tpu.memory_space<vmem>>
    %dma_wait3A_545 = tpu.memref_squeeze %dma_wait3A_544 : memref<1x1x128xf32, #tpu.memory_space<vmem>> -> memref<128xf32, #tpu.memory_space<vmem>>
    %dma_wait3A_546 = arith.constant 0 : i32
    %dma_wait3A_547 = tpu.memref_slice %arg9[%dma_wait3A_541, %dma_wait3A_542, %dma_wait3A_546] : memref<2x25x128xi32, #tpu.memory_space<vmem>> -> memref<1x1x128xi32, #tpu.memory_space<vmem>>
    %dma_wait3A_548 = tpu.memref_squeeze %dma_wait3A_547 : memref<1x1x128xi32, #tpu.memory_space<vmem>> -> memref<128xi32, #tpu.memory_space<vmem>>
    %dma_wait3A_549 = arith.constant 0 : i32
    %dma_wait3A_550 = tpu.memref_slice %arg12[%dma_wait3A_549] : memref<278784xf32, #tpu.memory_space<vmem_shared>> -> memref<278784xf32, #tpu.memory_space<vmem_shared>>
    tpu.wait_indirect_dma semaphore(%arg14 : memref<!tpu.dma_semaphore, #tpu.memory_space<semaphore_mem>>) src(%dma_wait3A_545 : memref<128xf32, #tpu.memory_space<vmem>>) dst(%dma_wait3A_550 : memref<278784xf32, #tpu.memory_space<vmem_shared>>)
    %dma_wait3A_551 = arith.constant 1 : i32
    %dma_wait3A_552 = arith.constant 19 : i32
    %dma_wait3A_553 = arith.constant 1 : i32
    %dma_wait3A_554 = arith.constant 19 : i32
    %dma_wait3A_555 = arith.constant 0 : i32
    %dma_wait3A_556 = tpu.memref_slice %arg10[%dma_wait3A_551, %dma_wait3A_552, %dma_wait3A_555] : memref<2x25x128xf32, #tpu.memory_space<vmem>> -> memref<1x1x128xf32, #tpu.memory_space<vmem>>
    %dma_wait3A_557 = tpu.memref_squeeze %dma_wait3A_556 : memref<1x1x128xf32, #tpu.memory_space<vmem>> -> memref<128xf32, #tpu.memory_space<vmem>>
    %dma_wait3A_558 = arith.constant 0 : i32
    %dma_wait3A_559 = tpu.memref_slice %arg9[%dma_wait3A_553, %dma_wait3A_554, %dma_wait3A_558] : memref<2x25x128xi32, #tpu.memory_space<vmem>> -> memref<1x1x128xi32, #tpu.memory_space<vmem>>
    %dma_wait3A_560 = tpu.memref_squeeze %dma_wait3A_559 : memref<1x1x128xi32, #tpu.memory_space<vmem>> -> memref<128xi32, #tpu.memory_space<vmem>>
    %dma_wait3A_561 = arith.constant 0 : i32
    %dma_wait3A_562 = tpu.memref_slice %arg12[%dma_wait3A_561] : memref<278784xf32, #tpu.memory_space<vmem_shared>> -> memref<278784xf32, #tpu.memory_space<vmem_shared>>
    tpu.wait_indirect_dma semaphore(%arg14 : memref<!tpu.dma_semaphore, #tpu.memory_space<semaphore_mem>>) src(%dma_wait3A_557 : memref<128xf32, #tpu.memory_space<vmem>>) dst(%dma_wait3A_562 : memref<278784xf32, #tpu.memory_space<vmem_shared>>)
    %dma_wait3A_563 = arith.constant 1 : i32
    %dma_wait3A_564 = arith.constant 20 : i32
    %dma_wait3A_565 = arith.constant 1 : i32
    %dma_wait3A_566 = arith.constant 20 : i32
    %dma_wait3A_567 = arith.constant 0 : i32
    %dma_wait3A_568 = tpu.memref_slice %arg10[%dma_wait3A_563, %dma_wait3A_564, %dma_wait3A_567] : memref<2x25x128xf32, #tpu.memory_space<vmem>> -> memref<1x1x128xf32, #tpu.memory_space<vmem>>
    %dma_wait3A_569 = tpu.memref_squeeze %dma_wait3A_568 : memref<1x1x128xf32, #tpu.memory_space<vmem>> -> memref<128xf32, #tpu.memory_space<vmem>>
    %dma_wait3A_570 = arith.constant 0 : i32
    %dma_wait3A_571 = tpu.memref_slice %arg9[%dma_wait3A_565, %dma_wait3A_566, %dma_wait3A_570] : memref<2x25x128xi32, #tpu.memory_space<vmem>> -> memref<1x1x128xi32, #tpu.memory_space<vmem>>
    %dma_wait3A_572 = tpu.memref_squeeze %dma_wait3A_571 : memref<1x1x128xi32, #tpu.memory_space<vmem>> -> memref<128xi32, #tpu.memory_space<vmem>>
    %dma_wait3A_573 = arith.constant 0 : i32
    %dma_wait3A_574 = tpu.memref_slice %arg12[%dma_wait3A_573] : memref<278784xf32, #tpu.memory_space<vmem_shared>> -> memref<278784xf32, #tpu.memory_space<vmem_shared>>
    tpu.wait_indirect_dma semaphore(%arg14 : memref<!tpu.dma_semaphore, #tpu.memory_space<semaphore_mem>>) src(%dma_wait3A_569 : memref<128xf32, #tpu.memory_space<vmem>>) dst(%dma_wait3A_574 : memref<278784xf32, #tpu.memory_space<vmem_shared>>)
    %dma_wait3A_575 = arith.constant 1 : i32
    %dma_wait3A_576 = arith.constant 21 : i32
    %dma_wait3A_577 = arith.constant 1 : i32
    %dma_wait3A_578 = arith.constant 21 : i32
    %dma_wait3A_579 = arith.constant 0 : i32
    %dma_wait3A_580 = tpu.memref_slice %arg10[%dma_wait3A_575, %dma_wait3A_576, %dma_wait3A_579] : memref<2x25x128xf32, #tpu.memory_space<vmem>> -> memref<1x1x128xf32, #tpu.memory_space<vmem>>
    %dma_wait3A_581 = tpu.memref_squeeze %dma_wait3A_580 : memref<1x1x128xf32, #tpu.memory_space<vmem>> -> memref<128xf32, #tpu.memory_space<vmem>>
    %dma_wait3A_582 = arith.constant 0 : i32
    %dma_wait3A_583 = tpu.memref_slice %arg9[%dma_wait3A_577, %dma_wait3A_578, %dma_wait3A_582] : memref<2x25x128xi32, #tpu.memory_space<vmem>> -> memref<1x1x128xi32, #tpu.memory_space<vmem>>
    %dma_wait3A_584 = tpu.memref_squeeze %dma_wait3A_583 : memref<1x1x128xi32, #tpu.memory_space<vmem>> -> memref<128xi32, #tpu.memory_space<vmem>>
    %dma_wait3A_585 = arith.constant 0 : i32
    %dma_wait3A_586 = tpu.memref_slice %arg12[%dma_wait3A_585] : memref<278784xf32, #tpu.memory_space<vmem_shared>> -> memref<278784xf32, #tpu.memory_space<vmem_shared>>
    tpu.wait_indirect_dma semaphore(%arg14 : memref<!tpu.dma_semaphore, #tpu.memory_space<semaphore_mem>>) src(%dma_wait3A_581 : memref<128xf32, #tpu.memory_space<vmem>>) dst(%dma_wait3A_586 : memref<278784xf32, #tpu.memory_space<vmem_shared>>)
    %dma_wait3A_587 = arith.constant 1 : i32
    %dma_wait3A_588 = arith.constant 22 : i32
    %dma_wait3A_589 = arith.constant 1 : i32
    %dma_wait3A_590 = arith.constant 22 : i32
    %dma_wait3A_591 = arith.constant 0 : i32
    %dma_wait3A_592 = tpu.memref_slice %arg10[%dma_wait3A_587, %dma_wait3A_588, %dma_wait3A_591] : memref<2x25x128xf32, #tpu.memory_space<vmem>> -> memref<1x1x128xf32, #tpu.memory_space<vmem>>
    %dma_wait3A_593 = tpu.memref_squeeze %dma_wait3A_592 : memref<1x1x128xf32, #tpu.memory_space<vmem>> -> memref<128xf32, #tpu.memory_space<vmem>>
    %dma_wait3A_594 = arith.constant 0 : i32
    %dma_wait3A_595 = tpu.memref_slice %arg9[%dma_wait3A_589, %dma_wait3A_590, %dma_wait3A_594] : memref<2x25x128xi32, #tpu.memory_space<vmem>> -> memref<1x1x128xi32, #tpu.memory_space<vmem>>
    %dma_wait3A_596 = tpu.memref_squeeze %dma_wait3A_595 : memref<1x1x128xi32, #tpu.memory_space<vmem>> -> memref<128xi32, #tpu.memory_space<vmem>>
    %dma_wait3A_597 = arith.constant 0 : i32
    %dma_wait3A_598 = tpu.memref_slice %arg12[%dma_wait3A_597] : memref<278784xf32, #tpu.memory_space<vmem_shared>> -> memref<278784xf32, #tpu.memory_space<vmem_shared>>
    tpu.wait_indirect_dma semaphore(%arg14 : memref<!tpu.dma_semaphore, #tpu.memory_space<semaphore_mem>>) src(%dma_wait3A_593 : memref<128xf32, #tpu.memory_space<vmem>>) dst(%dma_wait3A_598 : memref<278784xf32, #tpu.memory_space<vmem_shared>>)
    %dma_wait3A_599 = arith.constant 1 : i32
    %dma_wait3A_600 = arith.constant 23 : i32
    %dma_wait3A_601 = arith.constant 1 : i32
    %dma_wait3A_602 = arith.constant 23 : i32
    %dma_wait3A_603 = arith.constant 0 : i32
    %dma_wait3A_604 = tpu.memref_slice %arg10[%dma_wait3A_599, %dma_wait3A_600, %dma_wait3A_603] : memref<2x25x128xf32, #tpu.memory_space<vmem>> -> memref<1x1x128xf32, #tpu.memory_space<vmem>>
    %dma_wait3A_605 = tpu.memref_squeeze %dma_wait3A_604 : memref<1x1x128xf32, #tpu.memory_space<vmem>> -> memref<128xf32, #tpu.memory_space<vmem>>
    %dma_wait3A_606 = arith.constant 0 : i32
    %dma_wait3A_607 = tpu.memref_slice %arg9[%dma_wait3A_601, %dma_wait3A_602, %dma_wait3A_606] : memref<2x25x128xi32, #tpu.memory_space<vmem>> -> memref<1x1x128xi32, #tpu.memory_space<vmem>>
    %dma_wait3A_608 = tpu.memref_squeeze %dma_wait3A_607 : memref<1x1x128xi32, #tpu.memory_space<vmem>> -> memref<128xi32, #tpu.memory_space<vmem>>
    %dma_wait3A_609 = arith.constant 0 : i32
    %dma_wait3A_610 = tpu.memref_slice %arg12[%dma_wait3A_609] : memref<278784xf32, #tpu.memory_space<vmem_shared>> -> memref<278784xf32, #tpu.memory_space<vmem_shared>>
    tpu.wait_indirect_dma semaphore(%arg14 : memref<!tpu.dma_semaphore, #tpu.memory_space<semaphore_mem>>) src(%dma_wait3A_605 : memref<128xf32, #tpu.memory_space<vmem>>) dst(%dma_wait3A_610 : memref<278784xf32, #tpu.memory_space<vmem_shared>>)
    %dma_wait3A_611 = arith.constant 1 : i32
    %dma_wait3A_612 = arith.constant 24 : i32
    %dma_wait3A_613 = arith.constant 1 : i32
    %dma_wait3A_614 = arith.constant 24 : i32
    %dma_wait3A_615 = arith.constant 0 : i32
    %dma_wait3A_616 = tpu.memref_slice %arg10[%dma_wait3A_611, %dma_wait3A_612, %dma_wait3A_615] : memref<2x25x128xf32, #tpu.memory_space<vmem>> -> memref<1x1x128xf32, #tpu.memory_space<vmem>>
    %dma_wait3A_617 = tpu.memref_squeeze %dma_wait3A_616 : memref<1x1x128xf32, #tpu.memory_space<vmem>> -> memref<128xf32, #tpu.memory_space<vmem>>
    %dma_wait3A_618 = arith.constant 0 : i32
    %dma_wait3A_619 = tpu.memref_slice %arg9[%dma_wait3A_613, %dma_wait3A_614, %dma_wait3A_618] : memref<2x25x128xi32, #tpu.memory_space<vmem>> -> memref<1x1x128xi32, #tpu.memory_space<vmem>>
    %dma_wait3A_620 = tpu.memref_squeeze %dma_wait3A_619 : memref<1x1x128xi32, #tpu.memory_space<vmem>> -> memref<128xi32, #tpu.memory_space<vmem>>
    %dma_wait3A_621 = arith.constant 0 : i32
    %dma_wait3A_622 = tpu.memref_slice %arg12[%dma_wait3A_621] : memref<278784xf32, #tpu.memory_space<vmem_shared>> -> memref<278784xf32, #tpu.memory_space<vmem_shared>>
    tpu.wait_indirect_dma semaphore(%arg14 : memref<!tpu.dma_semaphore, #tpu.memory_space<semaphore_mem>>) src(%dma_wait3A_617 : memref<128xf32, #tpu.memory_space<vmem>>) dst(%dma_wait3A_622 : memref<278784xf32, #tpu.memory_space<vmem_shared>>)
    %barrier3A_623 = arith.constant 0 : index
    tpu.barrier barrier_id(%barrier3A_623)
    %mul3A_624 = arith.constant 17424 : i32
    %mul3A_625 = arith.muli %arg1, %mul3A_624 : i32
    "tpu.region"() ({
      %run_scoped3A = tpu.sem_alloc : memref<!tpu.dma_semaphore, #tpu.memory_space<semaphore_mem>>
      %dma_start3A = tpu.memref_slice %arg12[%mul3A_625] : memref<278784xf32, #tpu.memory_space<vmem_shared>> -> memref<17424xf32, #tpu.memory_space<vmem_shared>>
      %dma_start3A_631 = tpu.memref_slice %arg12[%mul3A_625] : memref<278784xf32, #tpu.memory_space<vmem_shared>> -> memref<17424xf32, #tpu.memory_space<vmem_shared>>
      tpu.enqueue_dma source(%dma_start3A_631 : memref<17424xf32, #tpu.memory_space<vmem_shared>>) target(%arg11 : memref<17424xf32, #tpu.memory_space<vmem>>) target_semaphore(%run_scoped3A : memref<!tpu.dma_semaphore, #tpu.memory_space<semaphore_mem>>)
      %dma_wait3A_632 = tpu.memref_slice %arg12[%mul3A_625] : memref<278784xf32, #tpu.memory_space<vmem_shared>> -> memref<17424xf32, #tpu.memory_space<vmem_shared>>
      %dma_wait3A_633 = tpu.memref_slice %arg12[%mul3A_625] : memref<278784xf32, #tpu.memory_space<vmem_shared>> -> memref<17424xf32, #tpu.memory_space<vmem_shared>>
      tpu.wait_dma2 semaphore(%run_scoped3A : memref<!tpu.dma_semaphore, #tpu.memory_space<semaphore_mem>>) src(%dma_wait3A_633 : memref<17424xf32, #tpu.memory_space<vmem_shared>>) dst(%arg11 : memref<17424xf32, #tpu.memory_space<vmem>>)
      tpu.yield
    }) : () -> ()
    %mul3A_626 = arith.constant 278784 : i32
    %mul3A_627 = arith.muli %arg0, %mul3A_626 : i32
    %mul3A_628 = arith.constant 17424 : i32
    %mul3A_629 = arith.muli %arg1, %mul3A_628 : i32
    %add3A_630 = arith.addi %mul3A_627, %mul3A_629 : i32
    "tpu.region"() ({
      %run_scoped3A = tpu.sem_alloc : memref<!tpu.dma_semaphore, #tpu.memory_space<semaphore_mem>>
      %dma_start3A = tpu.memref_slice %arg5[%add3A_630] : memref<557568xf32, #tpu.memory_space<hbm>> -> memref<17424xf32, #tpu.memory_space<hbm>>
      %dma_start3A_631 = tpu.memref_slice %arg5[%add3A_630] : memref<557568xf32, #tpu.memory_space<hbm>> -> memref<17424xf32, #tpu.memory_space<hbm>>
      tpu.enqueue_dma source(%arg11 : memref<17424xf32, #tpu.memory_space<vmem>>) target(%dma_start3A_631 : memref<17424xf32, #tpu.memory_space<hbm>>) target_semaphore(%run_scoped3A : memref<!tpu.dma_semaphore, #tpu.memory_space<semaphore_mem>>)
      %dma_wait3A_632 = tpu.memref_slice %arg5[%add3A_630] : memref<557568xf32, #tpu.memory_space<hbm>> -> memref<17424xf32, #tpu.memory_space<hbm>>
      %dma_wait3A_633 = tpu.memref_slice %arg5[%add3A_630] : memref<557568xf32, #tpu.memory_space<hbm>> -> memref<17424xf32, #tpu.memory_space<hbm>>
      tpu.wait_dma2 semaphore(%run_scoped3A : memref<!tpu.dma_semaphore, #tpu.memory_space<semaphore_mem>>) src(%arg11 : memref<17424xf32, #tpu.memory_space<vmem>>) dst(%dma_wait3A_633 : memref<17424xf32, #tpu.memory_space<hbm>>)
      tpu.yield
    }) : () -> ()
    return
  }
}

module attributes {stable_mosaic.version = 14 : i64} {
  func.func @_combine_body(%arg0: memref<2x528x528xf32, #tpu.memory_space<vmem>>, %arg1: memref<1024x1024xf32, #tpu.memory_space<vmem>>) attributes {dimension_semantics = [], scalar_prefetch = 0 : i64, scratch_operands = 0 : i64, tpu.core_type = #tpu.core_type<tc>} {
    %broadcast_in_dim3A = arith.constant 0.000000e+00 : f32
    %broadcast_in_dim3A_0 = vector.broadcast %broadcast_in_dim3A : f32 to vector<1024x1024xf32>
    %swap3A = arith.constant 0 : index
    %swap3A_1 = arith.constant 0 : index
    %swap3A_2 = vector.load %arg1[%swap3A, %swap3A_1] : memref<1024x1024xf32, #tpu.memory_space<vmem>>, vector<1024x1024xf32>
    tpu.vector_store %arg1[%swap3A, %swap3A_1], %broadcast_in_dim3A_0 {strides = array<i32>} : memref<1024x1024xf32, #tpu.memory_space<vmem>>, vector<1024x1024xf32>,
    %get3A = arith.constant 0 : index
    %get3A_3 = arith.constant 0 : index
    %get3A_4 = arith.constant 0 : index
    %get3A_5 = vector.load %arg0[%get3A, %get3A_3, %get3A_4] : memref<2x528x528xf32, #tpu.memory_space<vmem>>, vector<1x520x520xf32>
    %get3A_6 = vector.shape_cast %get3A_5 : vector<1x520x520xf32> to vector<520x520xf32>
    %get3A_7 = arith.constant 1 : index
    %get3A_8 = arith.constant 0 : index
    %get3A_9 = arith.constant 0 : index
    %get3A_10 = vector.load %arg0[%get3A_7, %get3A_8, %get3A_9] : memref<2x528x528xf32, #tpu.memory_space<vmem>>, vector<1x520x520xf32>
    %get3A_11 = vector.shape_cast %get3A_10 : vector<1x520x520xf32> to vector<520x520xf32>
    %add3A = arith.addf %get3A_6, %get3A_11 : vector<520x520xf32>
    %swap3A_12 = arith.constant 504 : index
    %swap3A_13 = arith.constant 504 : index
    %swap3A_14 = vector.load %arg1[%swap3A_12, %swap3A_13] : memref<1024x1024xf32, #tpu.memory_space<vmem>>, vector<520x520xf32>
    tpu.vector_store %arg1[%swap3A_12, %swap3A_13], %add3A {strides = array<i32>} : memref<1024x1024xf32, #tpu.memory_space<vmem>>, vector<520x520xf32>,
    return
  }
}

</mosaic_0001>

<sc_bundles>
// kernel: kernel.4.cloned.1.call-start
scs
__scs_entry_jumppad:
0x0: {  	(pc) =	sbr.rel $0x88, $3  }
0x1: {  	(tag) =	ssettag $0x0;
	lr =	simm.s32 $0x1  }
0x2: {  	[smem:$0x3F9E] =	sst lr;
	_ =	strace $0xD0000000  }
0x3: {  	_ = 	snop  }
0x4: {  	_ = 	snop  }
0x5: {  	_ = 	snop  }
0x6: {  	_ = 	snop  }
0x7: {  	_ = 	snop  }
__scs_overlays_trampoline_lowered:
0x8: {  	[smem:$0x3FAD] =	sst s0  }
0x9: {  	[smem:$0x3FAE] =	sst s1  }
0xa: {  	[smem:$0x3FAF] =	sst s2  }
0xb: {  	[smem:$0x3FB0] =	sst s3  }
0xc: {  	[smem:$0x3FB1] =	sst s4  }
0xd: {  	[smem:$0x3FB2] =	sst s5  }
0xe: {  	[smem:$0x3FB3] =	sst s6  }
0xf: {  	[smem:$0x3FB4] =	sst s7  }
0x10: {  	[smem:$0x3FB5] =	sst s8  }
0x11: {  	[smem:$0x3FB6] =	sst s9;
	s0 =	simm.s32 @!p0 $0x0  }
0x12: {  	s1 =	sld [smem:$0x3F9C];
	s0 =	simm.s32 @p0 $0x1  }
0x13: {  	[smem:$0x3FB7] =	sst s0;
	s0 =	simm.s32 @!p1 $0x0  }
0x14: {  	s2 =	sld [smem:$0x3F9B];
	s0 =	simm.s32 @p1 $0x1  }
0x15: {  	[smem:$0x3FB8] =	sst s0;
	s0 =	simm.s32 @!p2 $0x0  }
0x16: {  	s3 =	sld [smem:$0x3FDB];
	s0 =	simm.s32 @p2 $0x1  }
0x17: {  	s4 =	simm.s32 $0x1BF5;
	[smem:$0x3FBA] =	sst s0  }
0x18: {  	s0 =	sld [smem:$0x3F9D];
	_ =	swait.ge [sflag:s4], $0x0  }
0x19: {  	s7 =	sld [smem:$0x3F9E]  }
0x1a: {  	s8 =	sadd.s32 $0xFFFFE003, lr  }
0x1b: {  	s9 =	sadd.s32 $0xFFFFFEF7, lr;
	s5 =	simm.s32 $0xFFFFFFFF;
	p2 =	slt.u32 s8, $0xFFFFF086  }
0x1c: {  	p1 =	slt.u32 s9, $0xF7A;
	s5 =	simm.s32 @!p2 $0x0  }
0x1d: {  	s5 =	simm.s32 @p1 $0x1;
	p0 =	seq.s32 s7, s2  }
0x1e: {  	s7 =	smul.u32 @!p0 $0xF7A, s2;
	p2 =	seq.s32 @!p0 s5, $0x0  }
0x1f: {  	s9 =	smul.u32 $0xF7A, s1;
	s8 =	simm.s32 @!p0 $0x1BF5;
	p2 =	por !p2, p0  }
0x20: {  	[sflag:s8] =	ssyncset.s32 @!p0 $0xFFFFF086;
	s6 =	sadd.s32 @!p0 s3, s7;
	s7 =	simm.s32 @!p0 $0x108  }
0x21: {  	s3 =	sadd.s32 s3, s9;
	s6 =	sadd.s32 @!p0 $0x88, s6;
	s7 =	simm.s32 @p2 $0x1082  }
0x22: {  	[simem:s7], [sflag:s8] =	dma.local @!p0 [hbm:s6], $0xF7A  }
0x23: {  	s9 =	sor.u32 $0xD0000000, s2;
	s6 =	simm.s32 $0x108;
	_ =	swait.ge @!p0 [sflag:s8], $0x0  }
0x24: {  	s3 =	sadd.s32 $0x88, s3;
	s6 =	simm.s32 @!p1 $0x1082;
	[sflag:s4] =	ssyncset.s32 $0xFFFFF086  }
0x25: {  	[simem:s6], [sflag:s4] =	dma.local [hbm:s3], $0xF7A  }
0x26: {  	[smem:$0x3F9E] =	sst s1;
	(tag) =	ssettag s2;
	_ =	strace s9  }
0x27: {  	s1 =	sld [smem:$0x3FAE]  }
0x28: {  	s2 =	sld [smem:$0x3FAF]  }
0x29: {  	s4 =	sld [smem:$0x3FB1]  }
0x2a: {  	p0 =	seq.s32 s5, $0x0;
	s5 =	sld [smem:$0x3FB2]  }
0x2b: {  	s6 =	sld [smem:$0x3FB3]  }
0x2c: {  	s7 =	sld [smem:$0x3FB4]  }
0x2d: {  	s3 =	simm.s32 $0x108;
	s8 =	sld [smem:$0x3FB5]  }
0x2e: {  	s3 =	simm.s32 @!p0 $0x1082;
	s9 =	sld [smem:$0x3FB6]  }
0x2f: {  	lr =	sadd.s32 s0, s3;
	s0 =	sld [smem:$0x3FAD]  }
0x30: {  	s3 =	sld [smem:$0x3FB0]  }
0x31: {  	[smem:$0x3FB9] =	sst s10  }
0x32: {  	s10 =	sld [smem:$0x3FB7];
	_ =	sdelay $0x3  }
0x33: {  	p0 =	seq.s32 s10, $0x1;
	s10 =	sld [smem:$0x3FB9];
	_ =	sdelay $0x3  }
0x34: {  	[smem:$0x3FB9] =	sst s10  }
0x35: {  	s10 =	sld [smem:$0x3FB8];
	_ =	sdelay $0x3  }
0x36: {  	p1 =	seq.s32 s10, $0x1;
	s10 =	sld [smem:$0x3FB9];
	_ =	sdelay $0x3  }
0x37: {  	[smem:$0x3FB9] =	sst s10  }
0x38: {  	s10 =	sld [smem:$0x3FBA]  }
0x39: {  	_ = 	snop;
	(pc) =	sbr.ind lr, $3  }
0x3a: {  	_ = 	snop  }
0x3b: {  	_ = 	snop  }
0x3c: {  	p2 =	seq.s32 s10, $0x1;
	s10 =	sld [smem:$0x3FB9]  }
0x3d: {  	_ =	shalt  }
0x3e: {  	_ =	shalt  }
0x3f: {  	_ =	shalt  }
0x40: {  	_ =	shalt  }
0x41: {  	_ =	shalt  }
0x42: {  	_ =	shalt  }
0x43: {  	_ =	shalt  }
0x44: {  	_ =	shalt  }
0x45: {  	_ =	shalt  }
0x46: {  	_ =	shalt  }
0x47: {  	_ =	shalt  }
0x48: {  	_ =	shalt  }
0x49: {  	_ =	shalt  }
0x4a: {  	_ =	shalt  }
0x4b: {  	_ =	shalt  }
0x4c: {  	_ =	shalt  }
0x4d: {  	_ =	shalt  }
0x4e: {  	_ =	shalt  }
0x4f: {  	_ =	shalt  }
0x50: {  	_ =	shalt  }
0x51: {  	_ =	shalt  }
0x52: {  	_ =	shalt  }
0x53: {  	_ =	shalt  }
0x54: {  	_ =	shalt  }
0x55: {  	_ =	shalt  }
0x56: {  	_ =	shalt  }
0x57: {  	_ =	shalt  }
0x58: {  	_ =	shalt  }
0x59: {  	_ =	shalt  }
0x5a: {  	_ =	shalt  }
0x5b: {  	_ =	shalt  }
0x5c: {  	_ =	shalt  }
0x5d: {  	_ =	shalt  }
0x5e: {  	_ =	shalt  }
0x5f: {  	_ =	shalt  }
0x60: {  	_ =	shalt  }
0x61: {  	_ =	shalt  }
0x62: {  	_ =	shalt  }
0x63: {  	_ =	shalt  }
0x64: {  	_ =	shalt  }
0x65: {  	_ =	shalt  }
0x66: {  	_ =	shalt  }
0x67: {  	_ =	shalt  }
0x68: {  	_ =	shalt  }
0x69: {  	_ =	shalt  }
0x6a: {  	_ =	shalt  }
0x6b: {  	_ =	shalt  }
0x6c: {  	_ =	shalt  }
0x6d: {  	_ =	shalt  }
0x6e: {  	_ =	shalt  }
0x6f: {  	_ =	shalt  }
0x70: {  	_ =	shalt  }
0x71: {  	_ =	shalt  }
0x72: {  	_ =	shalt  }
0x73: {  	_ =	shalt  }
0x74: {  	_ =	shalt  }
0x75: {  	_ =	shalt  }
0x76: {  	_ =	shalt  }
0x77: {  	_ =	shalt  }
0x78: {  	_ =	shalt  }
0x79: {  	_ =	shalt  }
0x7a: {  	_ =	shalt  }
0x7b: {  	_ =	shalt  }
0x7c: {  	_ =	shalt  }
0x7d: {  	_ =	shalt  }
0x7e: {  	_ =	shalt  }
0x7f: {  	_ =	shalt  }
0x80: {  	_ =	shalt  }
0x81: {  	_ =	shalt  }
0x82: {  	_ =	shalt  }
0x83: {  	_ =	shalt  }
0x84: {  	_ =	shalt  }
0x85: {  	_ =	shalt  }
0x86: {  	_ =	shalt  }
0x87: {  	_ =	shalt  }
.Lfunc_end0:
.L_simem_size_0:
called_computation_lowered:
.L_overlay_start_0:
0x88: {  	s2 =	sld [smem:$0x3FD9]  }
0x89: {  	s3 =	sld [smem:$0x3FFE];
	_ =	sdelay $0x1  }
0x8a: {  	s1 =	srdreg.scid  }
0x8b: {  	s0 =	sand.u32 $0x1, s1  }
0x8c: {  	s18 =	sshll.u32 s0, $0xA;
	s2 =	sadd.s32 s3, s2  }
0x8d: {  	s2 =	sadd.s32 s2, s18  }
0x8e: {  	[smem:$0x3FC5] =	sst s2  }
0x8f: {  	_ = 	snop  }
0x90: {  	s2 =	sld [smem:$0x3FC9]  }
0x91: {  	s19 =	sld [smem:$0x3FC8]  }
0x92: {  	s4 =	sld [smem:$0x3FC7]  }
0x93: {  	s5 =	sld [smem:$0x3FD0];
	(tm) =	ssettm $0x1  }
0x94: {  	s6 =	sld [smem:$0x3FFB];
	_ =	sdelay $0x3  }
0x95: {  	_ =	strace s6  }
0x96: {  	s6 =	sld [smem:$0x3FFC];
	_ =	sdelay $0x3  }
0x97: {  	_ =	strace s6  }
0x98: {  	s6 =	sld [smem:$0x3FFD];
	_ =	sdelay $0x3  }
0x99: {  	_ =	strace s6  }
0x9a: {  	_ =	strace $0x8FFFFFFF  }
0x9b: {  	s20 =	sld [smem:$0x3FDB];
	_ =	sdelay $0x1  }
0x9c: {  	s7 =	simm.s32 $_scs_section_size  }
0x9d: {  	s8 =	simm.s32 $_size__tile_overlayer_lowered;
	s9 =	simm.s32 $_tile_overlayer_lowered  }
0x9e: {  	s23 =	simm.s32 $0x1BFF;
	s22 =	sshll.u32 s9, $0x1;
	s6 =	sadd.s32 s7, s20  }
0x9f: {  	s10 =	simm.s32 $0x0;
	s21 =	sshll.u32 s8, $0x1;
	s8 =	sadd.s32 s22, s6  }
0xa0: {  	[timem:s10], [sflag:s23] =	dma.local [hbm:s8], s21  }
0xa1: {  	_ =	swait.ge [sflag:s23], s21  }
0xa2: {  	s7 =	ssub.s32 $0x0, s21;
	[sflag:s23] =	ssyncset.done $0x0  }
0xa3: {  	[sflag:s23] =	ssyncadd.s32 s7;
	_ =	sdelay $0x1  }
0xa4: {  	s24 =	simm.s32 $0x1B8B  }
0xa5: {  	_ =	swait.ge [sflag:s24], $0x1  }
0xa6: {  	[sflag:s24] =	ssyncset.done $0x0  }
0xa7: {  	s25 =	simm.s32 $0x1B8E;
	[sflag:s24] =	ssyncadd.s32 $0xFFFFFFFF  }
0xa8: {  	s26 =	simm.s32 $execute0_lowered;
	[smem:$0x3FD2] =	sst s25  }
0xa9: {  	s7 =	sshll.u32 s26, $0x1;
	_ =	strace $0x80000046;
	[dreg:$0x1] =	wrdreg $0xFFFFFFFF  }
0xaa: {  	s28 =	simm.s32 $_size_execute0_lowered;
	s6 =	sadd.s32 s6, s7;
	[dreg:$0x0] =	wrdreg $0x0  }
0xab: {  	s7 =	sshll.u32 s28, $0x1;
	[dreg:$0x2] =	wrdreg s6  }
0xac: {  	[dreg:$0x3] =	wrdreg s7  }
0xad: {  	[dreg:$0x4] =	wrdreg $0xC0  }
0xae: {  	_ =	task [dreg:s10], $0x5FFFF  }
0xaf: {  	[dreg:$0x1] =	wrdreg $0xFFFFFFFF  }
0xb0: {  	[dreg:$0x0] =	wrdreg $0x60  }
0xb1: {  	[dreg:$0x2] =	wrdreg s2  }
0xb2: {  	[dreg:$0x3] =	wrdreg s19  }
0xb3: {  	[dreg:$0x4] =	wrdreg s4  }
0xb4: {  	[dreg:$0x5] =	wrdreg s5  }
0xb5: {  	[dreg:$0x6] =	wrdreg $0x144800  }
0xb6: {  	[dreg:$0x7] =	wrdreg $0x9  }
0xb7: {  	_ =	task.clear_ibuf [dreg:s10], $0x8FFFF;
	_ =	strace $0x90000046  }
0xb8: {  	s29 =	simm.s32 $0x9;
	_ =	strace $0x80000048  }
0xb9: {  	_ =	swait.ge [sflag:s29], $0x1  }
0xba: {  	[sflag:s29] =	ssyncadd.s32 $0xFFFFFFFF  }
0xbb: {  	_ =	strace $0x90000048  }
0xbc: {  	_ =	sfence  }
0xbd: {  	s30 =	sld [smem:$0x0];
	_ =	sdelay $0x2  }
0xbe: {  	s31 =	sshll.u32 s1, $0xD;
	s1 =	sshrl.u32 s1, $0x2  }
0xbf: {  	s3 =	sand.u32 $0x4000, s31;
	s1 =	sadd.s32 s1, s30  }
0xc0: {  	s0 =	sor.u32 s3, s0;
	s1 =	sshll.u32 s1, $0x11  }
0xc1: {  	s0 =	sor.u32 s1, s0  }
0xc2: {  	s0 =	sadd.s32 $0x8F2B, s0  }
0xc3: {  	[sflag:s0] =	ssyncadd.remote.s32 $0x1  }
0xc4: {  	_ =	sfence.sel $0xFFFF  }
0xc5: {  	[dreg:$0x0] =	wrdreg $0xFFFFFFFF;
	(pc) =	sbr.abs _section_cstart, $3  }
0xc6: {  	[dreg:$0x1] =	wrdreg $0xFFFFFFFF  }
0xc7: {  	_ =	task.clear_ibuf [dreg:s10], $0x2FFFF;
	_ =	strace $0x9FFFFFFF  }
0xc8: {  	(tm) =	ssettm $0x7FFFFFFF  }
0xc9: {  	_ =	shalt  }
tec
execute0_lowered:
.L_overlay_start_1:
0x0: {  	(tag) =	ssettag $0x1  }
0x1: {  	s0 =	rddreg [dreg:$0x0]  }
0x2: {  	s1 =	rddreg [dreg:$0x1]  }
0x3: {  	s3 =	rddreg [dreg:$0x2]  }
0x4: {  	s4 =	rddreg [dreg:$0x3]  }
0x5: {  	s2 =	rddreg [dreg:$0x4]  }
0x6: {  	s5 =	srdreg.scid;
	s11 =	simm.s32 $0x0;
	s9 =	stileid.u32  }
0x7: {  	s14 =	simm.s32 $0x80;
	s13 =	simm.s32 $0xF800;
	s15 =	simm.s32 $0xF900  }
0x8: {  	s16 =	simm.s32 $0xD980;
	s17 =	simm.s32 $0xF980;
	s18 =	simm.s32 $0xDA00  }
0x9: {  	s19 =	simm.s32 $0xFA00;
	s20 =	simm.s32 $0xDA80;
	s21 =	simm.s32 $0xFA80  }
0xa: {  	s22 =	simm.s32 $0xDB00;
	s23 =	simm.s32 $0xFB00;
	s24 =	simm.s32 $0xDB80  }
0xb: {  	s28 =	simm.s32 $0xFC00;
	s29 =	simm.s32 $0x1;
	s30 =	simm.s32 $0x2  }
0xc: {  	s5 =	sand.u32 $0x1, s5;
	[smem:$0x7FF] =	sst s11;
	s7 =	smul.u32 $0x4410, s9  }
0xd: {  	s9 =	sshll.u32 s9, $0xB;
	s6 =	ssub.s32 $0x2, s5;
	s8 =	sshll.u32 s5, $0xF  }
0xe: {  	s5 =	smul.u32 $0x44100, s5;
	s10 =	sshrl.u32 s6, $0x1;
	s8 =	sor.u32 s9, s8  }
0xf: {  	_ =	strace $0x80000047;
	s6 =	ssub.s32 s6, s10;
	s0 =	sadd.s32 s0, s8  }
0x10: {  	s25 =	sadd.s32 s7, s5;
	s1 =	sadd.s32 s1, s8;
	s26 =	sadd.s32 s3, s8  }
0x11: {  	s5 =	sadd.s32 s7, s2;
	s3 =	simm.s32 $0xD880;
	[dreg:$0x6] =	wrdreg s0  }
0x12: {  	s7 =	simm.s32 $0xF880;
	s10 =	simm.s32 $0xD900;
	[dreg:$0x7] =	wrdreg s1  }
0x13: {  	[dreg:$0x8] =	wrdreg s26;
	s0 =	sshrl.u32 s25, $0x3;
	s31 =	smax.u32 s6, $0x1  }
0x14: {  	s6 =	simm.s32 $0x10000;
	s25 =	simm.s32 $0xFB80;
	[dreg:$0x9] =	wrdreg s5  }
0x15: {  	s26 =	simm.s32 $0xDC00;
	s0 =	sadd.s32 s4, s0;
	[dreg:$0xb] =	wrdreg s31  }
0x16: {  	v0 =	vimm.f32 $0.0e+00;
	s1 =	simm.s32 $0x0;
	s4 =	simm.s32 $0x3;
	[dreg:$0xa] =	wrdreg s0  }
.LBB2_1:
0x17: {  	[dreg:$0xc] =	wrdreg s1  }
0x18: {  	s0 =	rddreg [dreg:$0x6]  }
0x19: {  	[tilespmem:s11], [sflag:$0x3] =	stream.linear.gather [hbm4b:s0+s11], $0x4000, $0x38;
	[tilespmem:$0x18890] =	vst v63  }
0x1a: {  	_ =	swait.ge [sflag:s4], $0x4000  }
0x1b: {  	[sflag:s4] =	ssyncset.done $0x0  }
0x1c: {  	s9 =	simm.s32 $0x4000;
	s8 =	rddreg [dreg:$0x7];
	[sflag:s4] =	ssyncadd.s32 $0xFFFFC000  }
0x1d: {  	[tilespmem:s9], [sflag:$0x3] =	stream.linear.gather [hbm4b:s8+s11], $0x4000, $0x38;
	[tilespmem:$0x18890] =	vst v63  }
0x1e: {  	_ =	swait.ge [sflag:s4], $0x4000  }
0x1f: {  	[sflag:s4] =	ssyncset.done $0x0  }
0x20: {  	s31 =	simm.s32 $0x8000;
	s12 =	rddreg [dreg:$0x8];
	[sflag:s4] =	ssyncadd.s32 $0xFFFFC000  }
0x21: {  	[tilespmem:s31], [sflag:$0x3] =	stream.linear.gather [hbm4b:s12+s11], $0x4000, $0x38;
	[tilespmem:$0x18890] =	vst v63  }
0x22: {  	_ =	swait.ge [sflag:s4], $0x4000  }
0x23: {  	[sflag:s4] =	ssyncset.done $0x0  }
0x24: {  	s0 =	simm.s32 $0x10040;
	[sflag:s4] =	ssyncadd.s32 $0xFFFFC000  }
0x25: {  	[tilespmem:s0+$0xFFFFFFC0] =	vst v0  }
0x26: {  	[tilespmem:s0+$0x30] =	vst v0  }
0x27: {  	[tilespmem:s0+$0x20] =	vst v0  }
0x28: {  	[tilespmem:s0+$0x10] =	vst v0  }
0x29: {  	[tilespmem:s0+$0x0] =	vst v0  }
0x2a: {  	[tilespmem:s0+$0xFFFFFFF0] =	vst v0  }
0x2b: {  	s1 =	simm.s32 $0x0;
	[tilespmem:s0+$0xFFFFFFE0] =	vst v0  }
.LBB2_2:
0x2c: {  	s1 =	sadd.s32 $0x8, s1;
	[tilespmem:s0+$0xFFFFFFD0] =	vst v0;
	s0 =	sadd.s32 $0x80, s0  }
0x2d: {  	[tilespmem:s0+$0xFFFFFFC0] =	vst v0;
	p0 =	slt.u32 s1, $0x438  }
0x2e: {  	[tilespmem:s0+$0x30] =	vst v0  }
.Ltmp0:
0x2f: {  	[tilespmem:s0+$0x20] =	vst v0;
	(pc) =	sbr.rel @p0 .LBB2_2-.Ltmp0, $4  }
0x30: {  	[tilespmem:s0+$0x10] =	vst v0  }
0x31: {  	[tilespmem:s0+$0x0] =	vst v0  }
0x32: {  	[tilespmem:s0+$0xFFFFFFF0] =	vst v0  }
0x33: {  	[tilespmem:s0+$0xFFFFFFE0] =	vst v0  }
0x34: {  	[tilespmem:s0+$0xFFFFFFD0] =	vst v0  }
0x35: {  	[tilespmem:$0x14400] =	vst v0  }
0x36: {  	[spmem:s5] =	stream.linear.scatter [tilespmem:s6], [sflag:$0x3], $0x4410, $0x38;
	[tilespmem:$0x18890] =	vst v63  }
0x37: {  	s31 =	simm.s32 $0x0;
	_ =	swait.ge [sflag:s4], $0x4410  }
0x38: {  	s0 =	simm.s32 $0x8000;
	s1 =	simm.s32 $0x4000;
	[sflag:s4] =	ssyncset.done $0x0  }
0x39: {  	s11 =	simm.s32 $0x8080;
	s12 =	simm.s32 $0x4080;
	[sflag:s4] =	ssyncadd.s32 $0xFFFFBBF0  }
0x3a: {  	s5 =	simm.s32 $0x0;
	s4 =	simm.s32 $0x80;
	[bflag:$0x0] =	sbarrier.arrive $0xFFFF  }
.LBB2_4:
0x3b: {  	p0 =	seq.s32 s5, $0x0  }
.Ltmp1:
0x3c: {  	_ = 	snop;
	(pc) =	sbr.rel @p0 .LBB2_6-.Ltmp1, $1  }
0x3d: {  	_ =	sdelay $0x3  }
0x3e: {  	_ =	swait.ge [sflag:s29], $0x80  }
0x3f: {  	[sflag:s29] =	ssyncset.done $0x0  }
0x40: {  	[sflag:s29] =	ssyncadd.s32 $0xFFFFFF80  }
0x41: {  	_ =	swait.ge [sflag:s29], $0x80  }
0x42: {  	[sflag:s29] =	ssyncset.done $0x0  }
0x43: {  	[sflag:s29] =	ssyncadd.s32 $0xFFFFFF80  }
0x44: {  	_ =	swait.ge [sflag:s29], $0x80  }
0x45: {  	[sflag:s29] =	ssyncset.done $0x0  }
0x46: {  	[sflag:s29] =	ssyncadd.s32 $0xFFFFFF80  }
0x47: {  	_ =	swait.ge [sflag:s29], $0x80  }
0x48: {  	[sflag:s29] =	ssyncset.done $0x0  }
0x49: {  	[sflag:s29] =	ssyncadd.s32 $0xFFFFFF80  }
0x4a: {  	_ =	swait.ge [sflag:s29], $0x80  }
0x4b: {  	[sflag:s29] =	ssyncset.done $0x0  }
0x4c: {  	[sflag:s29] =	ssyncadd.s32 $0xFFFFFF80  }
0x4d: {  	_ =	swait.ge [sflag:s29], $0x80  }
0x4e: {  	[sflag:s29] =	ssyncset.done $0x0  }
0x4f: {  	[sflag:s29] =	ssyncadd.s32 $0xFFFFFF80  }
0x50: {  	_ =	swait.ge [sflag:s29], $0x80  }
0x51: {  	[sflag:s29] =	ssyncset.done $0x0  }
0x52: {  	[sflag:s29] =	ssyncadd.s32 $0xFFFFFF80  }
0x53: {  	_ =	swait.ge [sflag:s29], $0x80  }
0x54: {  	[sflag:s29] =	ssyncset.done $0x0  }
0x55: {  	[sflag:s29] =	ssyncadd.s32 $0xFFFFFF80  }
0x56: {  	_ =	swait.ge [sflag:s29], $0x80  }
0x57: {  	[sflag:s29] =	ssyncset.done $0x0  }
0x58: {  	[sflag:s29] =	ssyncadd.s32 $0xFFFFFF80  }
0x59: {  	_ =	swait.ge [sflag:s29], $0x80  }
0x5a: {  	[sflag:s29] =	ssyncset.done $0x0  }
0x5b: {  	[sflag:s29] =	ssyncadd.s32 $0xFFFFFF80  }
0x5c: {  	_ =	swait.ge [sflag:s29], $0x80  }
0x5d: {  	[sflag:s29] =	ssyncset.done $0x0  }
0x5e: {  	[sflag:s29] =	ssyncadd.s32 $0xFFFFFF80  }
0x5f: {  	_ =	swait.ge [sflag:s29], $0x80  }
0x60: {  	[sflag:s29] =	ssyncset.done $0x0  }
0x61: {  	[sflag:s29] =	ssyncadd.s32 $0xFFFFFF80  }
0x62: {  	_ =	swait.ge [sflag:s29], $0x80  }
0x63: {  	[sflag:s29] =	ssyncset.done $0x0  }
0x64: {  	[sflag:s29] =	ssyncadd.s32 $0xFFFFFF80  }
0x65: {  	_ =	swait.ge [sflag:s29], $0x80  }
0x66: {  	[sflag:s29] =	ssyncset.done $0x0  }
0x67: {  	[sflag:s29] =	ssyncadd.s32 $0xFFFFFF80  }
0x68: {  	_ =	swait.ge [sflag:s29], $0x80  }
0x69: {  	[sflag:s29] =	ssyncset.done $0x0  }
0x6a: {  	[sflag:s29] =	ssyncadd.s32 $0xFFFFFF80  }
0x6b: {  	_ =	swait.ge [sflag:s29], $0x80  }
0x6c: {  	[sflag:s29] =	ssyncset.done $0x0  }
0x6d: {  	[sflag:s29] =	ssyncadd.s32 $0xFFFFFF80  }
0x6e: {  	_ =	swait.ge [sflag:s29], $0x80  }
0x6f: {  	[sflag:s29] =	ssyncset.done $0x0  }
0x70: {  	[sflag:s29] =	ssyncadd.s32 $0xFFFFFF80  }
0x71: {  	_ =	swait.ge [sflag:s29], $0x80  }
0x72: {  	[sflag:s29] =	ssyncset.done $0x0  }
0x73: {  	[sflag:s29] =	ssyncadd.s32 $0xFFFFFF80  }
0x74: {  	_ =	swait.ge [sflag:s29], $0x80  }
0x75: {  	[sflag:s29] =	ssyncset.done $0x0  }
0x76: {  	[sflag:s29] =	ssyncadd.s32 $0xFFFFFF80  }
0x77: {  	_ =	swait.ge [sflag:s29], $0x80  }
0x78: {  	[sflag:s29] =	ssyncset.done $0x0  }
0x79: {  	[sflag:s29] =	ssyncadd.s32 $0xFFFFFF80  }
0x7a: {  	_ =	swait.ge [sflag:s29], $0x80  }
0x7b: {  	[sflag:s29] =	ssyncset.done $0x0  }
0x7c: {  	[sflag:s29] =	ssyncadd.s32 $0xFFFFFF80  }
0x7d: {  	_ =	swait.ge [sflag:s29], $0x80  }
0x7e: {  	[sflag:s29] =	ssyncset.done $0x0  }
0x7f: {  	[sflag:s29] =	ssyncadd.s32 $0xFFFFFF80  }
0x80: {  	_ =	swait.ge [sflag:s29], $0x80  }
0x81: {  	[sflag:s29] =	ssyncset.done $0x0  }
0x82: {  	[sflag:s29] =	ssyncadd.s32 $0xFFFFFF80  }
0x83: {  	_ =	swait.ge [sflag:s29], $0x80  }
0x84: {  	[sflag:s29] =	ssyncset.done $0x0  }
0x85: {  	[sflag:s29] =	ssyncadd.s32 $0xFFFFFF80  }
0x86: {  	_ =	swait.ge [sflag:s29], $0x80  }
0x87: {  	[sflag:s29] =	ssyncset.done $0x0  }
0x88: {  	[sflag:s29] =	ssyncadd.s32 $0xFFFFFF80  }
.LBB2_6:
0x89: {  	v1 =	vmov s31  }
0x8a: {  	v2 =	vmov s1;
	_ =	sdelay $0x2  }
0x8b: {  	s6 =	simm.s32 $0x0  }
0x8c: {  	v3 =	vld.idx.msk [tilespmem:v1+s6+$0x0 ss:$0x1], $0xffff  }
0x8d: {  	v4 =	vld.idx.msk [tilespmem:v2+s6+$0x0 ss:$0x1], $0xffff;
	_ =	sdelay $0x3  }
0x8e: {  	v3 =	vadd.f32 $1.000000000e+00, v3  }
0x8f: {  	v4 =	vadd.f32 $1.000000000e+00, v4  }
0x90: {  	v3 =	vmul.f32 $5.120000000e+02, v3  }
0x91: {  	v4 =	vmul.f32 $5.120000000e+02, v4  }
0x92: {  	v5 =	vtrunc.f32 v3  }
0x93: {  	v6 =	vtrunc.f32 v4;
	v5 =	vcvt.f32.s32 v5  }
0x94: {  	v6 =	vcvt.f32.s32 v6  }
0x95: {  	v7 =	vcvt.s32.f32 v5  }
0x96: {  	v8 =	vcvt.s32.f32 v6  }
0x97: {  	v7 =	vsub.f32 v3, v7  }
0x98: {  	v4 =	vsub.f32 v4, v8  }
0x99: {  	v3 =	vadd.f32 $2.000000000e+00, v7;
	v8 =	vmul.f32 $-2.000000000e+00, v7  }
0x9a: {  	v9 =	vadd.f32 $-1.000000000e+00, v7;
	v10 =	vadd.f32 $2.000000000e+00, v4;
	v12 =	vmul.f32 $-2.000000000e+00, v4  }
0x9b: {  	v13 =	vadd.f32 $1.000000000e+00, v7;
	v11 =	vmul.f32 $-2.000000000e+00, v3;
	v8 =	vmul.f32 v8, v7  }
0x9c: {  	v17 =	vadd.f32 $-1.000000000e+00, v4;
	v14 =	vmul.f32 $-2.000000000e+00, v10;
	v15 =	vmul.f32 $-2.000000000e+00, v9  }
0x9d: {  	v6 =	vmul.u32 $0x210, v6;
	v16 =	vmul.f32 $-2.000000000e+00, v13;
	v12 =	vmul.f32 v12, v4  }
0x9e: {  	v7 =	vadd.f32 $-2.000000000e+00, v7;
	v18 =	vmul.f32 $-2.000000000e+00, v17;
	v11 =	vmul.f32 v11, v3  }
0x9f: {  	v3 =	vmov s0;
	v10 =	vmul.f32 v14, v10;
	v13 =	vmul.f32 v16, v13  }
0xa0: {  	v14 =	vadd.f32 $1.000000000e+00, v4;
	v12 =	vmul.f32 $1.442695020e+00, v12;
	v54 =	vmul.f32 $-2.000000000e+00, v7  }
0xa1: {  	v21 =	vadd.s32 v5, v6;
	v8 =	vmul.f32 $1.442695020e+00, v8;
	v5 =	vmul.f32 v18, v17  }
0xa2: {  	v11 =	vmul.f32 $1.442695020e+00, v11;
	v20 =	vmul.f32 $-2.000000000e+00, v14  }
0xa3: {  	v6 =	vadd.s32 $0xFFFBEA66, v21;
	v10 =	vmul.f32 $1.442695020e+00, v10;
	v5 =	vmul.f32 $1.442695020e+00, v5  }
0xa4: {  	v19 =	vadd.f32 $-2.000000000e+00, v4;
	(erf) = vpow2.f32 v11;
	v14 =	vmul.f32 v20, v14  }
0xa5: {  	v4 =	vld.idx.msk [tilespmem:v3+s6+$0x0 ss:$0x1], $0xffff;
	[tilespmem:s6+$0xC000] =	vst v6;
	(erf) = vpow2.f32 v10;
	v6 =	vmul.f32 $1.442695020e+00, v13;
	v10 =	vadd.s32 $0xFFFBEA6A, v21  }
0xa6: {  	(erf) = vpow2.f32 v8;
	v8 =	vmul.f32 v15, v9;
	[tilespmem:s6+$0xC200] =	vst v10;
	v9 =	vadd.s32 $0xFFFBF098, v21  }
0xa7: {  	v10 =	vadd.s32 $0xFFFBF2A6, v21;
	(erf) = vpow2.f32 v6;
	v6 =	vmul.f32 $1.442695020e+00, v14;
	[tilespmem:s6+$0xC880] =	vst v9  }
0xa8: {  	[tilespmem:s6+$0xCA00] =	vst v10;
	v9 =	vadd.s32 $0xFFFBF2A7, v21;
	v8 =	vmul.f32 $1.442695020e+00, v8;
	(erf) = vpow2.f32 v12  }
0xa9: {  	v11 =	vmul.f32 $-2.000000000e+00, v19;
	[tilespmem:s6+$0xCA80] =	vst v9;
	(erf) = vpow2.f32 v6;
	v6 =	vadd.s32 $0xFFFBF2A8, v21  }
0xaa: {  	v7 =	vmul.f32 v54, v7;
	(erf) = vpow2.f32 v8;
	[tilespmem:s6+$0xCB00] =	vst v6;
	v6 =	vadd.s32 $0xFFFBF2A9, v21  }
0xab: {  	v8 =	vmul.f32 v11, v19;
	(erf) = vpow2.f32 v5;
	[tilespmem:s6+$0xCB80] =	vst v6;
	v5 =	vadd.s32 $0xFFFBF2AA, v21  }
0xac: {  	v6 =	vmul.f32 $1.442695020e+00, v7;
	v7 =	vadd.s32 $0xFFFBEA67, v21;
	[tilespmem:s6+$0xCC00] =	vst v5  }
0xad: {  	v8 =	vmul.f32 $1.442695020e+00, v8;
	[tilespmem:s6+$0xC080] =	vst v7;
	v7 =	vadd.s32 $0xFFFBEA68, v21  }
0xae: {  	[tilespmem:s6+$0xC100] =	vst v7;
	v5 =	vpop (erf);
	(erf) = vpow2.f32 v6;
	v6 =	vadd.s32 $0xFFFBEC76, v21  }
0xaf: {  	v10 =	vpop (erf);
	(erf) = vpow2.f32 v8;
	[tilespmem:s6+$0xC280] =	vst v6;
	v8 =	vadd.s32 $0xFFFBEC77, v21  }
0xb0: {  	v7 =	vpop (erf);
	[tilespmem:s6+$0xC300] =	vst v8;
	v8 =	vadd.s32 $0xFFFBEC78, v21  }
0xb1: {  	v9 =	vadd.s32 $0xFFFBEC7A, v21;
	v6 =	vpop (erf);
	[tilespmem:s6+$0xC380] =	vst v8;
	v8 =	vadd.s32 $0xFFFBEC79, v21  }
0xb2: {  	[tilespmem:s6+$0xC480] =	vst v9;
	v9 =	vadd.s32 $0xFFFBEE86, v21;
	v12 =	vpop (erf)  }
0xb3: {  	[tilespmem:s6+$0xC500] =	vst v9;
	v11 =	vpop (erf)  }
0xb4: {  	v9 =	vadd.s32 $0xFFFBEE87, v21;
	[tilespmem:s6+$0xC400] =	vst v8;
	v8 =	vpop (erf)  }
0xb5: {  	[tilespmem:s6+$0xC580] =	vst v9;
	v9 =	vadd.s32 $0xFFFBEE88, v21;
	v14 =	vadd.f32 v6, v5;
	v15 =	vadd.f32 v11, v10;
	v13 =	vpop (erf)  }
0xb6: {  	v55 =	vadd.s32 $0xFFFBEA69, v21;
	v56 =	vadd.f32 v8, v7;
	v57 =	vadd.f32 v13, v12  }
0xb7: {  	[tilespmem:s6+$0xC180] =	vst v55  }
0xb8: {  	v58 =	vadd.s32 $0xFFFBEE89, v21;
	[tilespmem:s6+$0xC600] =	vst v9;
	v9 =	vpop (erf);
	v16 =	vadd.f32 v56, v14;
	v15 =	vadd.f32 v57, v15  }
0xb9: {  	v59 =	vadd.s32 $0xFFFBEE8A, v21;
	[tilespmem:s6+$0xC680] =	vst v58;
	v14 =	vpop (erf)  }
0xba: {  	v60 =	vadd.s32 $0xFFFBF096, v21;
	[tilespmem:s6+$0xC700] =	vst v59;
	v16 =	vadd.f32 v16, v9;
	v15 =	vadd.f32 v15, v14  }
0xbb: {  	v61 =	vadd.s32 $0xFFFBF097, v21;
	[tilespmem:s6+$0xC780] =	vst v60  }
0xbc: {  	v62 =	vadd.s32 $0xFFFBF099, v21;
	[tilespmem:s6+$0xC800] =	vst v61;
	v15 =	vmul.f32 v15, v16  }
0xbd: {  	v63 =	vadd.s32 $0xFFFBF09A, v21;
	[tilespmem:s6+$0xC900] =	vst v62  }
0xbe: {  	s8 =	simm.s32 $0x40;
	[tilespmem:s6+$0xC980] =	vst v63;
	(erf) = vrcp.f32 v15  }
.LBB2_7:
0xbf: {  	_ =	sdelay $0x1  }
0xc0: {  	p1 =	sne.s32 s8, $0x1C0;
	s9 =	smov.u32 s8;
	s8 =	sadd.s32 $0x40, s8  }
0xc1: {  	_ =	sdelay $0x4  }
0xc2: {  	v15 =	vpop (erf)  }
0xc3: {  	v4 =	vmul.f32 v15, v4;
	_ =	sdelay $0x1  }
0xc4: {  	v10 =	vmul.f32 v4, v10;
	v11 =	vmul.f32 v4, v11  }
0xc5: {  	v12 =	vmul.f32 v4, v12;
	v13 =	vmul.f32 v4, v13  }
0xc6: {  	v4 =	vmul.f32 v4, v14;
	v15 =	vmul.f32 v10, v5  }
0xc7: {  	v14 =	vmul.f32 v10, v6;
	v16 =	vmul.f32 v10, v7  }
0xc8: {  	v17 =	vmul.f32 v12, v5;
	[tilespmem:s6+$0xE000] =	vst v15;
	v15 =	vmul.f32 v10, v8  }
0xc9: {  	v18 =	vmul.f32 v4, v8;
	[tilespmem:s6+$0xE080] =	vst v14;
	v14 =	vmul.f32 v4, v7  }
0xca: {  	v10 =	vmul.f32 v10, v9;
	[tilespmem:s6+$0xE180] =	vst v15;
	v15 =	vmul.f32 v12, v6  }
0xcb: {  	v19 =	vmul.f32 v4, v9;
	[tilespmem:s6+$0xE500] =	vst v17;
	v17 =	vmul.f32 v12, v7  }
0xcc: {  	v20 =	vmul.f32 v11, v5;
	v21 =	vmul.f32 v12, v8;
	[tilespmem:s6+$0xEB00] =	vst v14  }
0xcd: {  	v12 =	vmul.f32 v12, v9;
	v14 =	vmul.f32 v4, v6;
	[tilespmem:s6+$0xEC00] =	vst v19  }
0xce: {  	v19 =	vmul.f32 v13, v6;
	[tilespmem:s6+$0xE200] =	vst v10;
	v10 =	vmul.f32 v13, v5  }
0xcf: {  	v22 =	vmul.f32 v11, v7;
	v7 =	vmul.f32 v13, v7;
	[tilespmem:s6+$0xE580] =	vst v15  }
0xd0: {  	v15 =	vmul.f32 v11, v8;
	v8 =	vmul.f32 v13, v8;
	[tilespmem:s6+$0xE600] =	vst v17  }
0xd1: {  	v17 =	vmul.f32 v11, v9;
	v9 =	vmul.f32 v13, v9;
	[tilespmem:s6+$0xE680] =	vst v21  }
0xd2: {  	v4 =	vmul.f32 v4, v5;
	v6 =	vmul.f32 v11, v6;
	[tilespmem:s6+$0xE700] =	vst v12  }
0xd3: {  	[tilespmem:s6+$0xE280] =	vst v20  }
0xd4: {  	[tilespmem:s6+$0xE880] =	vst v7  }
0xd5: {  	[tilespmem:s6+$0xE780] =	vst v10  }
0xd6: {  	[tilespmem:s6+$0xE300] =	vst v6  }
0xd7: {  	[tilespmem:s6+$0xE800] =	vst v19  }
0xd8: {  	[tilespmem:s6+$0xE100] =	vst v16  }
0xd9: {  	[tilespmem:s6+$0xE380] =	vst v22  }
0xda: {  	[tilespmem:s6+$0xE900] =	vst v8  }
0xdb: {  	[tilespmem:s6+$0xE400] =	vst v15  }
0xdc: {  	[tilespmem:s6+$0xE980] =	vst v9  }
0xdd: {  	[tilespmem:s6+$0xE480] =	vst v17  }
0xde: {  	[tilespmem:s6+$0xEA80] =	vst v14  }
0xdf: {  	s9 =	sshra.s32 s9, $0x2;
	[tilespmem:s6+$0xEB80] =	vst v18  }
0xe0: {  	[tilespmem:s6+$0xEA00] =	vst v4;
	s6 =	smov.u32 s9  }
0xe1: {  	v4 =	vld.idx.msk [tilespmem:v1+s6+$0x0 ss:$0x1], $0xffff  }
0xe2: {  	v5 =	vld.idx.msk [tilespmem:v2+s6+$0x0 ss:$0x1], $0xffff;
	_ =	sdelay $0x4  }
0xe3: {  	v4 =	vadd.f32 $1.000000000e+00, v4  }
0xe4: {  	v5 =	vadd.f32 $1.000000000e+00, v5  }
0xe5: {  	v4 =	vmul.f32 $5.120000000e+02, v4  }
0xe6: {  	v5 =	vmul.f32 $5.120000000e+02, v5  }
0xe7: {  	v6 =	vtrunc.f32 v4  }
0xe8: {  	v6 =	vcvt.f32.s32 v6;
	v7 =	vtrunc.f32 v5  }
0xe9: {  	v7 =	vcvt.f32.s32 v7  }
0xea: {  	v8 =	vcvt.s32.f32 v6  }
0xeb: {  	v9 =	vcvt.s32.f32 v7;
	v7 =	vmul.u32 $0x210, v7  }
0xec: {  	v4 =	vsub.f32 v4, v8  }
0xed: {  	v5 =	vsub.f32 v5, v9;
	v9 =	vadd.s32 v6, v7  }
0xee: {  	v6 =	vadd.f32 $2.000000000e+00, v4;
	v7 =	vmul.f32 $-2.000000000e+00, v4;
	v8 =	vadd.f32 $-1.000000000e+00, v4  }
0xef: {  	v10 =	vadd.f32 $2.000000000e+00, v5;
	v11 =	vadd.f32 $1.000000000e+00, v5;
	v12 =	vmul.f32 $-2.000000000e+00, v5  }
0xf0: {  	v14 =	vadd.f32 $1.000000000e+00, v4;
	v15 =	vadd.f32 $-1.000000000e+00, v5;
	v13 =	vmul.f32 $-2.000000000e+00, v6  }
0xf1: {  	v16 =	vadd.f32 $-2.000000000e+00, v4;
	v7 =	vmul.f32 v7, v4;
	v17 =	vmul.f32 $-2.000000000e+00, v10  }
0xf2: {  	v18 =	vadd.s32 $0xFFFBEA66, v9;
	v6 =	vmul.f32 v13, v6;
	v13 =	vmul.f32 $-2.000000000e+00, v8  }
0xf3: {  	v20 =	vadd.s32 $0xFFFBEA69, v9;
	v19 =	vmul.f32 $-2.000000000e+00, v14;
	v12 =	vmul.f32 v12, v5;
	v4 =	vld.idx.msk [tilespmem:v3+s6+$0x0 ss:$0x1], $0xffff  }
0xf4: {  	v10 =	vmul.f32 v17, v10;
	v17 =	vadd.s32 $0xFFFBEA6A, v9;
	v6 =	vmul.f32 $1.442695020e+00, v6;
	[tilespmem:s6+$0xC000] =	vst v18  }
0xf5: {  	v14 =	vmul.f32 v19, v14;
	v12 =	vmul.f32 $1.442695020e+00, v12;
	v18 =	vadd.s32 $0xFFFBF2A6, v9;
	[tilespmem:s6+$0xC180] =	vst v20  }
0xf6: {  	v19 =	vmul.f32 $-2.000000000e+00, v16;
	v10 =	vmul.f32 $1.442695020e+00, v10;
	[tilespmem:s6+$0xC200] =	vst v17;
	v17 =	vadd.s32 $0xFFFBF098, v9  }
0xf7: {  	v5 =	vadd.f32 $-2.000000000e+00, v5;
	v7 =	vmul.f32 $1.442695020e+00, v7;
	v20 =	vmul.f32 $-2.000000000e+00, v15;
	[tilespmem:s6+$0xC880] =	vst v17  }
0xf8: {  	v17 =	vmul.f32 $-2.000000000e+00, v11;
	[tilespmem:s6+$0xCA00] =	vst v18;
	v18 =	vadd.s32 $0xFFFBF2A7, v9;
	(erf) = vpow2.f32 v6  }
0xf9: {  	v6 =	vmul.f32 v20, v15;
	v15 =	vmul.f32 $-2.000000000e+00, v5;
	[tilespmem:s6+$0xCA80] =	vst v18;
	v18 =	vadd.s32 $0xFFFBF2A8, v9  }
0xfa: {  	v11 =	vmul.f32 v17, v11;
	v17 =	vadd.s32 $0xFFFBF2A9, v9;
	[tilespmem:s6+$0xCB00] =	vst v18;
	(erf) = vpow2.f32 v10  }
0xfb: {  	v10 =	vmul.f32 $1.442695020e+00, v14;
	v14 =	vadd.s32 $0xFFFBF2AA, v9;
	[tilespmem:s6+$0xCB80] =	vst v17;
	(erf) = vpow2.f32 v7  }
0xfc: {  	v5 =	vmul.f32 v15, v5;
	v7 =	vmul.f32 v13, v8;
	v8 =	vadd.s32 $0xFFFBEA67, v9;
	[tilespmem:s6+$0xCC00] =	vst v14  }
0xfd: {  	v6 =	vmul.f32 $1.442695020e+00, v6;
	[tilespmem:s6+$0xC080] =	vst v8;
	v8 =	vadd.s32 $0xFFFBEA68, v9;
	(erf) = vpow2.f32 v10  }
0xfe: {  	v11 =	vmul.f32 $1.442695020e+00, v11;
	v10 =	vmul.f32 v19, v16;
	[tilespmem:s6+$0xC100] =	vst v8;
	v8 =	vadd.s32 $0xFFFBEC76, v9  }
0xff: {  	v7 =	vmul.f32 $1.442695020e+00, v7;
	[tilespmem:s6+$0xC280] =	vst v8;
	v8 =	vadd.s32 $0xFFFBEC77, v9;
	(erf) = vpow2.f32 v12  }
0x100: {  	v13 =	vadd.s32 $0xFFFBEC78, v9;
	v12 =	vmul.f32 $1.442695020e+00, v5;
	[tilespmem:s6+$0xC300] =	vst v8;
	(erf) = vpow2.f32 v11  }
0x101: {  	v8 =	vmul.f32 $1.442695020e+00, v10;
	v11 =	vadd.s32 $0xFFFBEC79, v9;
	[tilespmem:s6+$0xC380] =	vst v13;
	v5 =	vpop (erf);
	(erf) = vpow2.f32 v7  }
0x102: {  	[tilespmem:s6+$0xC400] =	vst v11;
	v11 =	vadd.s32 $0xFFFBEC7A, v9;
	(erf) = vpow2.f32 v6  }
0x103: {  	v6 =	vadd.s32 $0xFFFBEE86, v9;
	[tilespmem:s6+$0xC480] =	vst v11;
	(erf) = vpow2.f32 v8;
	v10 =	vpop (erf)  }
0x104: {  	v13 =	vadd.s32 $0xFFFBEE87, v9;
	[tilespmem:s6+$0xC500] =	vst v6;
	v7 =	vpop (erf)  }
0x105: {  	v11 =	vadd.s32 $0xFFFBEE88, v9;
	[tilespmem:s6+$0xC580] =	vst v13;
	(erf) = vpow2.f32 v12  }
0x106: {  	v8 =	vadd.s32 $0xFFFBEE89, v9;
	[tilespmem:s6+$0xC600] =	vst v11;
	v6 =	vpop (erf)  }
0x107: {  	v14 =	vadd.f32 v6, v5;
	[tilespmem:s6+$0xC680] =	vst v8;
	v8 =	vadd.s32 $0xFFFBEE8A, v9  }
0x108: {  	v13 =	vadd.s32 $0xFFFBF096, v9;
	[tilespmem:s6+$0xC700] =	vst v8;
	v12 =	vpop (erf)  }
0x109: {  	v16 =	vadd.s32 $0xFFFBF097, v9;
	[tilespmem:s6+$0xC780] =	vst v13;
	v11 =	vpop (erf)  }
0x10a: {  	v17 =	vadd.s32 $0xFFFBF099, v9;
	v15 =	vadd.f32 v11, v10;
	[tilespmem:s6+$0xC800] =	vst v16;
	v8 =	vpop (erf)  }
0x10b: {  	v18 =	vadd.s32 $0xFFFBF09A, v9;
	v16 =	vadd.f32 v8, v7;
	[tilespmem:s6+$0xC900] =	vst v17;
	v13 =	vpop (erf)  }
0x10c: {  	v17 =	vadd.f32 v13, v12;
	[tilespmem:s6+$0xC980] =	vst v18;
	v9 =	vpop (erf)  }
0x10d: {  	v16 =	vadd.f32 v16, v14  }
0x10e: {  	v15 =	vadd.f32 v17, v15;
	v14 =	vpop (erf)  }
0x10f: {  	v16 =	vadd.f32 v16, v9  }
.Ltmp2:
0x110: {  	v15 =	vadd.f32 v15, v14;
	(pc) =	sbr.rel @p1 .LBB2_7-.Ltmp2, $3  }
0x111: {  	_ = 	snop  }
0x112: {  	v15 =	vmul.f32 v15, v16;
	_ =	sdelay $0x1  }
0x113: {  	(erf) = vrcp.f32 v15  }
0x114: {  	_ =	sdelay $0x7  }
0x115: {  	v1 =	vpop (erf)  }
0x116: {  	v1 =	vmul.f32 v1, v4;
	_ =	sdelay $0x1  }
0x117: {  	v2 =	vmul.f32 v1, v10;
	_ =	sdelay $0x1  }
0x118: {  	v4 =	vmul.f32 v1, v12;
	v3 =	vmul.f32 v2, v5  }
0x119: {  	v54 =	vmul.f32 v1, v14;
	v10 =	vmul.f32 v2, v6  }
0x11a: {  	v55 =	vmul.f32 v4, v5;
	[tilespmem:s6+$0xE000] =	vst v3  }
0x11b: {  	v56 =	vmul.f32 v54, v7;
	[tilespmem:s6+$0xE080] =	vst v10  }
0x11c: {  	v11 =	vmul.f32 v1, v11;
	v57 =	vmul.f32 v2, v9;
	[tilespmem:s6+$0xE500] =	vst v55  }
0x11d: {  	v1 =	vmul.f32 v1, v13;
	v58 =	vmul.f32 v4, v6;
	[tilespmem:s6+$0xEB00] =	vst v56  }
0x11e: {  	v59 =	vmul.f32 v4, v8;
	[tilespmem:s6+$0xE200] =	vst v57  }
0x11f: {  	v60 =	vmul.f32 v1, v7;
	[tilespmem:s6+$0xE580] =	vst v58  }
0x120: {  	v61 =	vmul.f32 v1, v5;
	[tilespmem:s6+$0xE680] =	vst v59  }
0x121: {  	v62 =	vmul.f32 v1, v6;
	[tilespmem:s6+$0xE880] =	vst v60  }
0x122: {  	v3 =	vmul.f32 v2, v8;
	[tilespmem:s6+$0xE780] =	vst v61  }
0x123: {  	v63 =	vmul.f32 v1, v8;
	[tilespmem:s6+$0xE800] =	vst v62  }
0x124: {  	[tilespmem:s6+$0xE180] =	vst v3;
	v3 =	vmul.f32 v54, v9  }
0x125: {  	v1 =	vmul.f32 v1, v9;
	[tilespmem:s6+$0xE900] =	vst v63  }
0x126: {  	[tilespmem:s6+$0xEC00] =	vst v3;
	v3 =	vmul.f32 v4, v7  }
0x127: {  	v2 =	vmul.f32 v2, v7;
	[tilespmem:s6+$0xE980] =	vst v1  }
0x128: {  	[tilespmem:s6+$0xE600] =	vst v3;
	v3 =	vmul.f32 v11, v5  }
0x129: {  	v1 =	vmul.f32 v54, v8;
	[tilespmem:s6+$0xE100] =	vst v2  }
0x12a: {  	[tilespmem:s6+$0xE280] =	vst v3;
	v3 =	vmul.f32 v11, v6  }
0x12b: {  	v2 =	vmul.f32 v11, v8;
	[tilespmem:s6+$0xEB80] =	vst v1  }
0x12c: {  	[tilespmem:s6+$0xE300] =	vst v3;
	v3 =	vmul.f32 v11, v7  }
0x12d: {  	v4 =	vmul.f32 v4, v9;
	[tilespmem:s6+$0xE400] =	vst v2  }
0x12e: {  	[tilespmem:s6+$0xE380] =	vst v3;
	v3 =	vmul.f32 v11, v9  }
0x12f: {  	v2 =	vmul.f32 v54, v6;
	[tilespmem:s6+$0xE700] =	vst v4  }
0x130: {  	[tilespmem:s6+$0xE480] =	vst v3;
	v3 =	vmul.f32 v54, v5  }
0x131: {  	[tilespmem:s6+$0xEA80] =	vst v2  }
0x132: {  	s9 =	simm.s32 $0xC000;
	s8 =	simm.s32 $0xE000;
	[tilespmem:s6+$0xEA00] =	vst v3  }
0x133: {  	[spmem:s2] =	stream.indirect.scatter.add.f32 [tilespmem:s8], [sflag:$0x1], $0x1, s9, s14, $0xb8;
	[tilespmem:$0x18890] =	vst v63  }
0x134: {  	s8 =	simm.s32 $0xC080;
	s9 =	simm.s32 $0xE080  }
0x135: {  	[spmem:s2] =	stream.indirect.scatter.add.f32 [tilespmem:s9], [sflag:$0x1], $0x1, s8, s14, $0xb8;
	[tilespmem:$0x18890] =	vst v63  }
0x136: {  	s8 =	simm.s32 $0xC100;
	s9 =	simm.s32 $0xE100  }
0x137: {  	[spmem:s2] =	stream.indirect.scatter.add.f32 [tilespmem:s9], [sflag:$0x1], $0x1, s8, s14, $0xb8;
	[tilespmem:$0x18890] =	vst v63  }
0x138: {  	s8 =	simm.s32 $0xC180;
	s9 =	simm.s32 $0xE180  }
0x139: {  	[spmem:s2] =	stream.indirect.scatter.add.f32 [tilespmem:s9], [sflag:$0x1], $0x1, s8, s14, $0xb8;
	[tilespmem:$0x18890] =	vst v63  }
0x13a: {  	s8 =	simm.s32 $0xC200;
	s9 =	simm.s32 $0xE200  }
0x13b: {  	[spmem:s2] =	stream.indirect.scatter.add.f32 [tilespmem:s9], [sflag:$0x1], $0x1, s8, s14, $0xb8;
	[tilespmem:$0x18890] =	vst v63  }
0x13c: {  	s8 =	simm.s32 $0xC280;
	s9 =	simm.s32 $0xE280  }
0x13d: {  	[spmem:s2] =	stream.indirect.scatter.add.f32 [tilespmem:s9], [sflag:$0x1], $0x1, s8, s14, $0xb8;
	[tilespmem:$0x18890] =	vst v63  }
0x13e: {  	s8 =	simm.s32 $0xC300;
	s9 =	simm.s32 $0xE300  }
0x13f: {  	[spmem:s2] =	stream.indirect.scatter.add.f32 [tilespmem:s9], [sflag:$0x1], $0x1, s8, s14, $0xb8;
	[tilespmem:$0x18890] =	vst v63  }
0x140: {  	s8 =	simm.s32 $0xC380;
	s9 =	simm.s32 $0xE380  }
0x141: {  	[spmem:s2] =	stream.indirect.scatter.add.f32 [tilespmem:s9], [sflag:$0x1], $0x1, s8, s14, $0xb8;
	[tilespmem:$0x18890] =	vst v63  }
0x142: {  	s8 =	simm.s32 $0xC400;
	s9 =	simm.s32 $0xE400  }
0x143: {  	[spmem:s2] =	stream.indirect.scatter.add.f32 [tilespmem:s9], [sflag:$0x1], $0x1, s8, s14, $0xb8;
	[tilespmem:$0x18890] =	vst v63  }
0x144: {  	s8 =	simm.s32 $0xC480;
	s9 =	simm.s32 $0xE480  }
0x145: {  	[spmem:s2] =	stream.indirect.scatter.add.f32 [tilespmem:s9], [sflag:$0x1], $0x1, s8, s14, $0xb8;
	[tilespmem:$0x18890] =	vst v63  }
0x146: {  	s8 =	simm.s32 $0xC500;
	s9 =	simm.s32 $0xE500  }
0x147: {  	[spmem:s2] =	stream.indirect.scatter.add.f32 [tilespmem:s9], [sflag:$0x1], $0x1, s8, s14, $0xb8;
	[tilespmem:$0x18890] =	vst v63  }
0x148: {  	s8 =	simm.s32 $0xC580;
	s9 =	simm.s32 $0xE580  }
0x149: {  	[spmem:s2] =	stream.indirect.scatter.add.f32 [tilespmem:s9], [sflag:$0x1], $0x1, s8, s14, $0xb8;
	[tilespmem:$0x18890] =	vst v63  }
0x14a: {  	s8 =	simm.s32 $0xC600;
	s9 =	simm.s32 $0xE600  }
0x14b: {  	[spmem:s2] =	stream.indirect.scatter.add.f32 [tilespmem:s9], [sflag:$0x1], $0x1, s8, s14, $0xb8;
	[tilespmem:$0x18890] =	vst v63  }
0x14c: {  	s8 =	simm.s32 $0xC680;
	s9 =	simm.s32 $0xE680  }
0x14d: {  	[spmem:s2] =	stream.indirect.scatter.add.f32 [tilespmem:s9], [sflag:$0x1], $0x1, s8, s14, $0xb8;
	[tilespmem:$0x18890] =	vst v63  }
0x14e: {  	s8 =	simm.s32 $0xC700;
	s9 =	simm.s32 $0xE700  }
0x14f: {  	[spmem:s2] =	stream.indirect.scatter.add.f32 [tilespmem:s9], [sflag:$0x1], $0x1, s8, s14, $0xb8;
	[tilespmem:$0x18890] =	vst v63  }
0x150: {  	s8 =	simm.s32 $0xC780;
	s9 =	simm.s32 $0xE780  }
0x151: {  	[spmem:s2] =	stream.indirect.scatter.add.f32 [tilespmem:s9], [sflag:$0x1], $0x1, s8, s14, $0xb8;
	[tilespmem:$0x18890] =	vst v63  }
0x152: {  	s8 =	simm.s32 $0xC800;
	s9 =	simm.s32 $0xE800  }
0x153: {  	[spmem:s2] =	stream.indirect.scatter.add.f32 [tilespmem:s9], [sflag:$0x1], $0x1, s8, s14, $0xb8;
	[tilespmem:$0x18890] =	vst v63  }
0x154: {  	s8 =	simm.s32 $0xC880;
	s9 =	simm.s32 $0xE880  }
0x155: {  	[spmem:s2] =	stream.indirect.scatter.add.f32 [tilespmem:s9], [sflag:$0x1], $0x1, s8, s14, $0xb8;
	[tilespmem:$0x18890] =	vst v63  }
0x156: {  	s8 =	simm.s32 $0xC900;
	s9 =	simm.s32 $0xE900  }
0x157: {  	[spmem:s2] =	stream.indirect.scatter.add.f32 [tilespmem:s9], [sflag:$0x1], $0x1, s8, s14, $0xb8;
	[tilespmem:$0x18890] =	vst v63  }
0x158: {  	s8 =	simm.s32 $0xC980;
	s9 =	simm.s32 $0xE980  }
0x159: {  	[spmem:s2] =	stream.indirect.scatter.add.f32 [tilespmem:s9], [sflag:$0x1], $0x1, s8, s14, $0xb8;
	[tilespmem:$0x18890] =	vst v63  }
0x15a: {  	s8 =	simm.s32 $0xCA00;
	s9 =	simm.s32 $0xEA00  }
0x15b: {  	[spmem:s2] =	stream.indirect.scatter.add.f32 [tilespmem:s9], [sflag:$0x1], $0x1, s8, s14, $0xb8;
	[tilespmem:$0x18890] =	vst v63  }
0x15c: {  	s8 =	simm.s32 $0xCA80;
	s9 =	simm.s32 $0xEA80  }
0x15d: {  	[spmem:s2] =	stream.indirect.scatter.add.f32 [tilespmem:s9], [sflag:$0x1], $0x1, s8, s14, $0xb8;
	[tilespmem:$0x18890] =	vst v63  }
0x15e: {  	s8 =	simm.s32 $0xCB00;
	s9 =	simm.s32 $0xEB00  }
0x15f: {  	[spmem:s2] =	stream.indirect.scatter.add.f32 [tilespmem:s9], [sflag:$0x1], $0x1, s8, s14, $0xb8;
	[tilespmem:$0x18890] =	vst v63  }
.Ltmp3:
0x160: {  	_ = 	snop;
	(pc) =	sbr.rel @p0 .LBB2_10-.Ltmp3, $4  }
0x161: {  	s8 =	simm.s32 $0xCB80;
	s9 =	simm.s32 $0xEB80  }
0x162: {  	[spmem:s2] =	stream.indirect.scatter.add.f32 [tilespmem:s9], [sflag:$0x1], $0x1, s8, s14, $0xb8;
	[tilespmem:$0x18890] =	vst v63  }
0x163: {  	s8 =	simm.s32 $0xCC00;
	s9 =	simm.s32 $0xEC00  }
0x164: {  	[spmem:s2] =	stream.indirect.scatter.add.f32 [tilespmem:s9], [sflag:$0x1], $0x1, s8, s14, $0xb8;
	[tilespmem:$0x18890] =	vst v63  }
0x165: {  	_ =	swait.ge [sflag:s30], $0x80  }
0x166: {  	[sflag:s30] =	ssyncset.done $0x0  }
0x167: {  	[sflag:s30] =	ssyncadd.s32 $0xFFFFFF80  }
0x168: {  	_ =	swait.ge [sflag:s30], $0x80  }
0x169: {  	[sflag:s30] =	ssyncset.done $0x0  }
0x16a: {  	[sflag:s30] =	ssyncadd.s32 $0xFFFFFF80  }
0x16b: {  	_ =	swait.ge [sflag:s30], $0x80  }
0x16c: {  	[sflag:s30] =	ssyncset.done $0x0  }
0x16d: {  	[sflag:s30] =	ssyncadd.s32 $0xFFFFFF80  }
0x16e: {  	_ =	swait.ge [sflag:s30], $0x80  }
0x16f: {  	[sflag:s30] =	ssyncset.done $0x0  }
0x170: {  	[sflag:s30] =	ssyncadd.s32 $0xFFFFFF80  }
0x171: {  	_ =	swait.ge [sflag:s30], $0x80  }
0x172: {  	[sflag:s30] =	ssyncset.done $0x0  }
0x173: {  	[sflag:s30] =	ssyncadd.s32 $0xFFFFFF80  }
0x174: {  	_ =	swait.ge [sflag:s30], $0x80  }
0x175: {  	[sflag:s30] =	ssyncset.done $0x0  }
0x176: {  	[sflag:s30] =	ssyncadd.s32 $0xFFFFFF80  }
0x177: {  	_ =	swait.ge [sflag:s30], $0x80  }
0x178: {  	[sflag:s30] =	ssyncset.done $0x0  }
0x179: {  	[sflag:s30] =	ssyncadd.s32 $0xFFFFFF80  }
0x17a: {  	_ =	swait.ge [sflag:s30], $0x80  }
0x17b: {  	[sflag:s30] =	ssyncset.done $0x0  }
0x17c: {  	[sflag:s30] =	ssyncadd.s32 $0xFFFFFF80  }
0x17d: {  	_ =	swait.ge [sflag:s30], $0x80  }
0x17e: {  	[sflag:s30] =	ssyncset.done $0x0  }
0x17f: {  	[sflag:s30] =	ssyncadd.s32 $0xFFFFFF80  }
0x180: {  	_ =	swait.ge [sflag:s30], $0x80  }
0x181: {  	[sflag:s30] =	ssyncset.done $0x0  }
0x182: {  	[sflag:s30] =	ssyncadd.s32 $0xFFFFFF80  }
0x183: {  	_ =	swait.ge [sflag:s30], $0x80  }
0x184: {  	[sflag:s30] =	ssyncset.done $0x0  }
0x185: {  	[sflag:s30] =	ssyncadd.s32 $0xFFFFFF80  }
0x186: {  	_ =	swait.ge [sflag:s30], $0x80  }
0x187: {  	[sflag:s30] =	ssyncset.done $0x0  }
0x188: {  	[sflag:s30] =	ssyncadd.s32 $0xFFFFFF80  }
0x189: {  	_ =	swait.ge [sflag:s30], $0x80  }
0x18a: {  	[sflag:s30] =	ssyncset.done $0x0  }
0x18b: {  	[sflag:s30] =	ssyncadd.s32 $0xFFFFFF80  }
0x18c: {  	_ =	swait.ge [sflag:s30], $0x80  }
0x18d: {  	[sflag:s30] =	ssyncset.done $0x0  }
0x18e: {  	[sflag:s30] =	ssyncadd.s32 $0xFFFFFF80  }
0x18f: {  	_ =	swait.ge [sflag:s30], $0x80  }
0x190: {  	[sflag:s30] =	ssyncset.done $0x0  }
0x191: {  	[sflag:s30] =	ssyncadd.s32 $0xFFFFFF80  }
0x192: {  	_ =	swait.ge [sflag:s30], $0x80  }
0x193: {  	[sflag:s30] =	ssyncset.done $0x0  }
0x194: {  	[sflag:s30] =	ssyncadd.s32 $0xFFFFFF80  }
0x195: {  	_ =	swait.ge [sflag:s30], $0x80  }
0x196: {  	[sflag:s30] =	ssyncset.done $0x0  }
0x197: {  	[sflag:s30] =	ssyncadd.s32 $0xFFFFFF80  }
0x198: {  	_ =	swait.ge [sflag:s30], $0x80  }
0x199: {  	[sflag:s30] =	ssyncset.done $0x0  }
0x19a: {  	[sflag:s30] =	ssyncadd.s32 $0xFFFFFF80  }
0x19b: {  	_ =	swait.ge [sflag:s30], $0x80  }
0x19c: {  	[sflag:s30] =	ssyncset.done $0x0  }
0x19d: {  	[sflag:s30] =	ssyncadd.s32 $0xFFFFFF80  }
0x19e: {  	_ =	swait.ge [sflag:s30], $0x80  }
0x19f: {  	[sflag:s30] =	ssyncset.done $0x0  }
0x1a0: {  	[sflag:s30] =	ssyncadd.s32 $0xFFFFFF80  }
0x1a1: {  	_ =	swait.ge [sflag:s30], $0x80  }
0x1a2: {  	[sflag:s30] =	ssyncset.done $0x0  }
0x1a3: {  	[sflag:s30] =	ssyncadd.s32 $0xFFFFFF80  }
0x1a4: {  	_ =	swait.ge [sflag:s30], $0x80  }
0x1a5: {  	[sflag:s30] =	ssyncset.done $0x0  }
0x1a6: {  	[sflag:s30] =	ssyncadd.s32 $0xFFFFFF80  }
0x1a7: {  	_ =	swait.ge [sflag:s30], $0x80  }
0x1a8: {  	[sflag:s30] =	ssyncset.done $0x0  }
0x1a9: {  	[sflag:s30] =	ssyncadd.s32 $0xFFFFFF80  }
0x1aa: {  	_ =	swait.ge [sflag:s30], $0x80  }
0x1ab: {  	[sflag:s30] =	ssyncset.done $0x0  }
0x1ac: {  	[sflag:s30] =	ssyncadd.s32 $0xFFFFFF80  }
0x1ad: {  	_ =	swait.ge [sflag:s30], $0x80  }
0x1ae: {  	[sflag:s30] =	ssyncset.done $0x0  }
0x1af: {  	[sflag:s30] =	ssyncadd.s32 $0xFFFFFF80  }
.LBB2_10:
0x1b0: {  	v1 =	vmov s4  }
0x1b1: {  	v2 =	vmov s12;
	_ =	sdelay $0x2  }
0x1b2: {  	s6 =	simm.s32 $0x0  }
0x1b3: {  	v3 =	vld.idx.msk [tilespmem:v1+s6+$0x0 ss:$0x1], $0xffff  }
0x1b4: {  	v4 =	vld.idx.msk [tilespmem:v2+s6+$0x0 ss:$0x1], $0xffff;
	_ =	sdelay $0x3  }
0x1b5: {  	v3 =	vadd.f32 $1.000000000e+00, v3  }
0x1b6: {  	v4 =	vadd.f32 $1.000000000e+00, v4  }
0x1b7: {  	v3 =	vmul.f32 $5.120000000e+02, v3  }
0x1b8: {  	v4 =	vmul.f32 $5.120000000e+02, v4  }
0x1b9: {  	v5 =	vtrunc.f32 v3  }
0x1ba: {  	v6 =	vtrunc.f32 v4;
	v5 =	vcvt.f32.s32 v5  }
0x1bb: {  	v6 =	vcvt.f32.s32 v6  }
0x1bc: {  	v7 =	vcvt.s32.f32 v5  }
0x1bd: {  	v8 =	vcvt.s32.f32 v6  }
0x1be: {  	v7 =	vsub.f32 v3, v7  }
0x1bf: {  	v4 =	vsub.f32 v4, v8  }
0x1c0: {  	v3 =	vadd.f32 $2.000000000e+00, v7;
	v8 =	vmul.f32 $-2.000000000e+00, v7  }
0x1c1: {  	v9 =	vadd.f32 $-1.000000000e+00, v7;
	v10 =	vadd.f32 $2.000000000e+00, v4;
	v12 =	vmul.f32 $-2.000000000e+00, v4  }
0x1c2: {  	v13 =	vadd.f32 $1.000000000e+00, v7;
	v11 =	vmul.f32 $-2.000000000e+00, v3;
	v8 =	vmul.f32 v8, v7  }
0x1c3: {  	v17 =	vadd.f32 $-1.000000000e+00, v4;
	v14 =	vmul.f32 $-2.000000000e+00, v10;
	v15 =	vmul.f32 $-2.000000000e+00, v9  }
0x1c4: {  	v6 =	vmul.u32 $0x210, v6;
	v16 =	vmul.f32 $-2.000000000e+00, v13;
	v12 =	vmul.f32 v12, v4  }
0x1c5: {  	v7 =	vadd.f32 $-2.000000000e+00, v7;
	v18 =	vmul.f32 $-2.000000000e+00, v17;
	v11 =	vmul.f32 v11, v3  }
0x1c6: {  	v3 =	vmov s11;
	v10 =	vmul.f32 v14, v10;
	v13 =	vmul.f32 v16, v13  }
0x1c7: {  	v14 =	vadd.f32 $1.000000000e+00, v4;
	v12 =	vmul.f32 $1.442695020e+00, v12;
	v54 =	vmul.f32 $-2.000000000e+00, v7  }
0x1c8: {  	v21 =	vadd.s32 v5, v6;
	v8 =	vmul.f32 $1.442695020e+00, v8;
	v5 =	vmul.f32 v18, v17  }
0x1c9: {  	v11 =	vmul.f32 $1.442695020e+00, v11;
	v20 =	vmul.f32 $-2.000000000e+00, v14  }
0x1ca: {  	v6 =	vadd.s32 $0xFFFBEA66, v21;
	v10 =	vmul.f32 $1.442695020e+00, v10;
	v5 =	vmul.f32 $1.442695020e+00, v5  }
0x1cb: {  	v19 =	vadd.f32 $-2.000000000e+00, v4;
	(erf) = vpow2.f32 v11;
	v14 =	vmul.f32 v20, v14  }
0x1cc: {  	v4 =	vld.idx.msk [tilespmem:v3+s6+$0x0 ss:$0x1], $0xffff;
	[tilespmem:s6+$0xD000] =	vst v6;
	(erf) = vpow2.f32 v10;
	v6 =	vmul.f32 $1.442695020e+00, v13;
	v10 =	vadd.s32 $0xFFFBEA6A, v21  }
0x1cd: {  	(erf) = vpow2.f32 v8;
	v8 =	vmul.f32 v15, v9;
	[tilespmem:s6+$0xD200] =	vst v10;
	v9 =	vadd.s32 $0xFFFBF098, v21  }
0x1ce: {  	v10 =	vadd.s32 $0xFFFBF2A6, v21;
	(erf) = vpow2.f32 v6;
	v6 =	vmul.f32 $1.442695020e+00, v14;
	[tilespmem:s6+$0xD880] =	vst v9  }
0x1cf: {  	[tilespmem:s6+$0xDA00] =	vst v10;
	v9 =	vadd.s32 $0xFFFBF2A7, v21;
	v8 =	vmul.f32 $1.442695020e+00, v8;
	(erf) = vpow2.f32 v12  }
0x1d0: {  	v11 =	vmul.f32 $-2.000000000e+00, v19;
	[tilespmem:s6+$0xDA80] =	vst v9;
	(erf) = vpow2.f32 v6;
	v6 =	vadd.s32 $0xFFFBF2A8, v21  }
0x1d1: {  	v7 =	vmul.f32 v54, v7;
	(erf) = vpow2.f32 v8;
	[tilespmem:s6+$0xDB00] =	vst v6;
	v6 =	vadd.s32 $0xFFFBF2A9, v21  }
0x1d2: {  	v8 =	vmul.f32 v11, v19;
	(erf) = vpow2.f32 v5;
	[tilespmem:s6+$0xDB80] =	vst v6;
	v5 =	vadd.s32 $0xFFFBF2AA, v21  }
0x1d3: {  	v6 =	vmul.f32 $1.442695020e+00, v7;
	v7 =	vadd.s32 $0xFFFBEA67, v21;
	[tilespmem:s6+$0xDC00] =	vst v5  }
0x1d4: {  	v8 =	vmul.f32 $1.442695020e+00, v8;
	[tilespmem:s6+$0xD080] =	vst v7;
	v7 =	vadd.s32 $0xFFFBEA68, v21  }
0x1d5: {  	[tilespmem:s6+$0xD100] =	vst v7;
	v5 =	vpop (erf);
	(erf) = vpow2.f32 v6;
	v6 =	vadd.s32 $0xFFFBEC76, v21  }
0x1d6: {  	v10 =	vpop (erf);
	(erf) = vpow2.f32 v8;
	[tilespmem:s6+$0xD280] =	vst v6;
	v8 =	vadd.s32 $0xFFFBEC77, v21  }
0x1d7: {  	v7 =	vpop (erf);
	[tilespmem:s6+$0xD300] =	vst v8;
	v8 =	vadd.s32 $0xFFFBEC78, v21  }
0x1d8: {  	v9 =	vadd.s32 $0xFFFBEC7A, v21;
	v6 =	vpop (erf);
	[tilespmem:s6+$0xD380] =	vst v8;
	v8 =	vadd.s32 $0xFFFBEC79, v21  }
0x1d9: {  	[tilespmem:s6+$0xD480] =	vst v9;
	v9 =	vadd.s32 $0xFFFBEE86, v21;
	v12 =	vpop (erf)  }
0x1da: {  	[tilespmem:s6+$0xD500] =	vst v9;
	v11 =	vpop (erf)  }
0x1db: {  	v9 =	vadd.s32 $0xFFFBEE87, v21;
	[tilespmem:s6+$0xD400] =	vst v8;
	v8 =	vpop (erf)  }
0x1dc: {  	[tilespmem:s6+$0xD580] =	vst v9;
	v9 =	vadd.s32 $0xFFFBEE88, v21;
	v14 =	vadd.f32 v6, v5;
	v15 =	vadd.f32 v11, v10;
	v13 =	vpop (erf)  }
0x1dd: {  	v55 =	vadd.s32 $0xFFFBEA69, v21;
	v56 =	vadd.f32 v8, v7;
	v57 =	vadd.f32 v13, v12  }
0x1de: {  	[tilespmem:s6+$0xD180] =	vst v55  }
0x1df: {  	v58 =	vadd.s32 $0xFFFBEE89, v21;
	[tilespmem:s6+$0xD600] =	vst v9;
	v9 =	vpop (erf);
	v16 =	vadd.f32 v56, v14;
	v15 =	vadd.f32 v57, v15  }
0x1e0: {  	v59 =	vadd.s32 $0xFFFBEE8A, v21;
	[tilespmem:s6+$0xD680] =	vst v58;
	v14 =	vpop (erf)  }
0x1e1: {  	v60 =	vadd.s32 $0xFFFBF096, v21;
	[tilespmem:s6+$0xD700] =	vst v59;
	v16 =	vadd.f32 v16, v9;
	v15 =	vadd.f32 v15, v14  }
0x1e2: {  	v61 =	vadd.s32 $0xFFFBF097, v21;
	[tilespmem:s6+$0xD780] =	vst v60  }
0x1e3: {  	v62 =	vadd.s32 $0xFFFBF099, v21;
	[tilespmem:s6+$0xD800] =	vst v61;
	v15 =	vmul.f32 v15, v16  }
0x1e4: {  	v63 =	vadd.s32 $0xFFFBF09A, v21;
	[tilespmem:s6+$0xD900] =	vst v62  }
0x1e5: {  	s8 =	simm.s32 $0x40;
	[tilespmem:s6+$0xD980] =	vst v63;
	(erf) = vrcp.f32 v15  }
.LBB2_11:
0x1e6: {  	_ =	sdelay $0x1  }
0x1e7: {  	p0 =	sne.s32 s8, $0x1C0;
	s9 =	smov.u32 s8;
	s8 =	sadd.s32 $0x40, s8  }
0x1e8: {  	_ =	sdelay $0x4  }
0x1e9: {  	v15 =	vpop (erf)  }
0x1ea: {  	v4 =	vmul.f32 v15, v4;
	_ =	sdelay $0x1  }
0x1eb: {  	v10 =	vmul.f32 v4, v10;
	v11 =	vmul.f32 v4, v11  }
0x1ec: {  	v12 =	vmul.f32 v4, v12;
	v13 =	vmul.f32 v4, v13  }
0x1ed: {  	v4 =	vmul.f32 v4, v14;
	v15 =	vmul.f32 v10, v5  }
0x1ee: {  	v14 =	vmul.f32 v10, v6;
	v16 =	vmul.f32 v10, v7  }
0x1ef: {  	v17 =	vmul.f32 v12, v5;
	[tilespmem:s6+$0xF000] =	vst v15;
	v15 =	vmul.f32 v10, v8  }
0x1f0: {  	v18 =	vmul.f32 v4, v8;
	[tilespmem:s6+$0xF080] =	vst v14;
	v14 =	vmul.f32 v4, v7  }
0x1f1: {  	v10 =	vmul.f32 v10, v9;
	[tilespmem:s6+$0xF180] =	vst v15;
	v15 =	vmul.f32 v12, v6  }
0x1f2: {  	v19 =	vmul.f32 v4, v9;
	[tilespmem:s6+$0xF500] =	vst v17;
	v17 =	vmul.f32 v12, v7  }
0x1f3: {  	v20 =	vmul.f32 v11, v5;
	v21 =	vmul.f32 v12, v8;
	[tilespmem:s6+$0xFB00] =	vst v14  }
0x1f4: {  	v12 =	vmul.f32 v12, v9;
	v14 =	vmul.f32 v4, v6;
	[tilespmem:s6+$0xFC00] =	vst v19  }
0x1f5: {  	v19 =	vmul.f32 v13, v6;
	[tilespmem:s6+$0xF200] =	vst v10;
	v10 =	vmul.f32 v13, v5  }
0x1f6: {  	v22 =	vmul.f32 v11, v7;
	v7 =	vmul.f32 v13, v7;
	[tilespmem:s6+$0xF580] =	vst v15  }
0x1f7: {  	v15 =	vmul.f32 v11, v8;
	v8 =	vmul.f32 v13, v8;
	[tilespmem:s6+$0xF600] =	vst v17  }
0x1f8: {  	v17 =	vmul.f32 v11, v9;
	v9 =	vmul.f32 v13, v9;
	[tilespmem:s6+$0xF680] =	vst v21  }
0x1f9: {  	v4 =	vmul.f32 v4, v5;
	v6 =	vmul.f32 v11, v6;
	[tilespmem:s6+$0xF700] =	vst v12  }
0x1fa: {  	[tilespmem:s6+$0xF280] =	vst v20  }
0x1fb: {  	[tilespmem:s6+$0xF880] =	vst v7  }
0x1fc: {  	[tilespmem:s6+$0xF780] =	vst v10  }
0x1fd: {  	[tilespmem:s6+$0xF300] =	vst v6  }
0x1fe: {  	[tilespmem:s6+$0xF800] =	vst v19  }
0x1ff: {  	[tilespmem:s6+$0xF100] =	vst v16  }
0x200: {  	[tilespmem:s6+$0xF380] =	vst v22  }
0x201: {  	[tilespmem:s6+$0xF900] =	vst v8  }
0x202: {  	[tilespmem:s6+$0xF400] =	vst v15  }
0x203: {  	[tilespmem:s6+$0xF980] =	vst v9  }
0x204: {  	[tilespmem:s6+$0xF480] =	vst v17  }
0x205: {  	[tilespmem:s6+$0xFA80] =	vst v14  }
0x206: {  	s9 =	sshra.s32 s9, $0x2;
	[tilespmem:s6+$0xFB80] =	vst v18  }
0x207: {  	[tilespmem:s6+$0xFA00] =	vst v4;
	s6 =	smov.u32 s9  }
0x208: {  	v4 =	vld.idx.msk [tilespmem:v1+s6+$0x0 ss:$0x1], $0xffff  }
0x209: {  	v5 =	vld.idx.msk [tilespmem:v2+s6+$0x0 ss:$0x1], $0xffff;
	_ =	sdelay $0x4  }
0x20a: {  	v4 =	vadd.f32 $1.000000000e+00, v4  }
0x20b: {  	v5 =	vadd.f32 $1.000000000e+00, v5  }
0x20c: {  	v4 =	vmul.f32 $5.120000000e+02, v4  }
0x20d: {  	v5 =	vmul.f32 $5.120000000e+02, v5  }
0x20e: {  	v6 =	vtrunc.f32 v4  }
0x20f: {  	v6 =	vcvt.f32.s32 v6;
	v7 =	vtrunc.f32 v5  }
0x210: {  	v7 =	vcvt.f32.s32 v7  }
0x211: {  	v8 =	vcvt.s32.f32 v6  }
0x212: {  	v9 =	vcvt.s32.f32 v7;
	v7 =	vmul.u32 $0x210, v7  }
0x213: {  	v4 =	vsub.f32 v4, v8  }
0x214: {  	v5 =	vsub.f32 v5, v9;
	v9 =	vadd.s32 v6, v7  }
0x215: {  	v6 =	vadd.f32 $2.000000000e+00, v4;
	v7 =	vmul.f32 $-2.000000000e+00, v4;
	v8 =	vadd.f32 $-1.000000000e+00, v4  }
0x216: {  	v10 =	vadd.f32 $2.000000000e+00, v5;
	v11 =	vadd.f32 $1.000000000e+00, v5;
	v12 =	vmul.f32 $-2.000000000e+00, v5  }
0x217: {  	v14 =	vadd.f32 $1.000000000e+00, v4;
	v15 =	vadd.f32 $-1.000000000e+00, v5;
	v13 =	vmul.f32 $-2.000000000e+00, v6  }
0x218: {  	v16 =	vadd.f32 $-2.000000000e+00, v4;
	v7 =	vmul.f32 v7, v4;
	v17 =	vmul.f32 $-2.000000000e+00, v10  }
0x219: {  	v18 =	vadd.s32 $0xFFFBEA66, v9;
	v6 =	vmul.f32 v13, v6;
	v13 =	vmul.f32 $-2.000000000e+00, v8  }
0x21a: {  	v20 =	vadd.s32 $0xFFFBEA69, v9;
	v19 =	vmul.f32 $-2.000000000e+00, v14;
	v12 =	vmul.f32 v12, v5;
	v4 =	vld.idx.msk [tilespmem:v3+s6+$0x0 ss:$0x1], $0xffff  }
0x21b: {  	v10 =	vmul.f32 v17, v10;
	v17 =	vadd.s32 $0xFFFBEA6A, v9;
	v6 =	vmul.f32 $1.442695020e+00, v6;
	[tilespmem:s6+$0xD000] =	vst v18  }
0x21c: {  	v14 =	vmul.f32 v19, v14;
	v12 =	vmul.f32 $1.442695020e+00, v12;
	v18 =	vadd.s32 $0xFFFBF2A6, v9;
	[tilespmem:s6+$0xD180] =	vst v20  }
0x21d: {  	v19 =	vmul.f32 $-2.000000000e+00, v16;
	v10 =	vmul.f32 $1.442695020e+00, v10;
	[tilespmem:s6+$0xD200] =	vst v17;
	v17 =	vadd.s32 $0xFFFBF098, v9  }
0x21e: {  	v5 =	vadd.f32 $-2.000000000e+00, v5;
	v7 =	vmul.f32 $1.442695020e+00, v7;
	v20 =	vmul.f32 $-2.000000000e+00, v15;
	[tilespmem:s6+$0xD880] =	vst v17  }
0x21f: {  	v17 =	vmul.f32 $-2.000000000e+00, v11;
	[tilespmem:s6+$0xDA00] =	vst v18;
	v18 =	vadd.s32 $0xFFFBF2A7, v9;
	(erf) = vpow2.f32 v6  }
0x220: {  	v6 =	vmul.f32 v20, v15;
	v15 =	vmul.f32 $-2.000000000e+00, v5;
	[tilespmem:s6+$0xDA80] =	vst v18;
	v18 =	vadd.s32 $0xFFFBF2A8, v9  }
0x221: {  	v11 =	vmul.f32 v17, v11;
	v17 =	vadd.s32 $0xFFFBF2A9, v9;
	[tilespmem:s6+$0xDB00] =	vst v18;
	(erf) = vpow2.f32 v10  }
0x222: {  	v10 =	vmul.f32 $1.442695020e+00, v14;
	v14 =	vadd.s32 $0xFFFBF2AA, v9;
	[tilespmem:s6+$0xDB80] =	vst v17;
	(erf) = vpow2.f32 v7  }
0x223: {  	v5 =	vmul.f32 v15, v5;
	v7 =	vmul.f32 v13, v8;
	v8 =	vadd.s32 $0xFFFBEA67, v9;
	[tilespmem:s6+$0xDC00] =	vst v14  }
0x224: {  	v6 =	vmul.f32 $1.442695020e+00, v6;
	[tilespmem:s6+$0xD080] =	vst v8;
	v8 =	vadd.s32 $0xFFFBEA68, v9;
	(erf) = vpow2.f32 v10  }
0x225: {  	v11 =	vmul.f32 $1.442695020e+00, v11;
	v10 =	vmul.f32 v19, v16;
	[tilespmem:s6+$0xD100] =	vst v8;
	v8 =	vadd.s32 $0xFFFBEC76, v9  }
0x226: {  	v7 =	vmul.f32 $1.442695020e+00, v7;
	[tilespmem:s6+$0xD280] =	vst v8;
	v8 =	vadd.s32 $0xFFFBEC77, v9;
	(erf) = vpow2.f32 v12  }
0x227: {  	v13 =	vadd.s32 $0xFFFBEC78, v9;
	v12 =	vmul.f32 $1.442695020e+00, v5;
	[tilespmem:s6+$0xD300] =	vst v8;
	(erf) = vpow2.f32 v11  }
0x228: {  	v8 =	vmul.f32 $1.442695020e+00, v10;
	v11 =	vadd.s32 $0xFFFBEC79, v9;
	[tilespmem:s6+$0xD380] =	vst v13;
	v5 =	vpop (erf);
	(erf) = vpow2.f32 v7  }
0x229: {  	[tilespmem:s6+$0xD400] =	vst v11;
	v11 =	vadd.s32 $0xFFFBEC7A, v9;
	(erf) = vpow2.f32 v6  }
0x22a: {  	v6 =	vadd.s32 $0xFFFBEE86, v9;
	[tilespmem:s6+$0xD480] =	vst v11;
	(erf) = vpow2.f32 v8;
	v10 =	vpop (erf)  }
0x22b: {  	v13 =	vadd.s32 $0xFFFBEE87, v9;
	[tilespmem:s6+$0xD500] =	vst v6;
	v7 =	vpop (erf)  }
0x22c: {  	v11 =	vadd.s32 $0xFFFBEE88, v9;
	[tilespmem:s6+$0xD580] =	vst v13;
	(erf) = vpow2.f32 v12  }
0x22d: {  	v8 =	vadd.s32 $0xFFFBEE89, v9;
	[tilespmem:s6+$0xD600] =	vst v11;
	v6 =	vpop (erf)  }
0x22e: {  	v14 =	vadd.f32 v6, v5;
	[tilespmem:s6+$0xD680] =	vst v8;
	v8 =	vadd.s32 $0xFFFBEE8A, v9  }
0x22f: {  	v13 =	vadd.s32 $0xFFFBF096, v9;
	[tilespmem:s6+$0xD700] =	vst v8;
	v12 =	vpop (erf)  }
0x230: {  	v16 =	vadd.s32 $0xFFFBF097, v9;
	[tilespmem:s6+$0xD780] =	vst v13;
	v11 =	vpop (erf)  }
0x231: {  	v17 =	vadd.s32 $0xFFFBF099, v9;
	v15 =	vadd.f32 v11, v10;
	[tilespmem:s6+$0xD800] =	vst v16;
	v8 =	vpop (erf)  }
0x232: {  	v18 =	vadd.s32 $0xFFFBF09A, v9;
	v16 =	vadd.f32 v8, v7;
	[tilespmem:s6+$0xD900] =	vst v17;
	v13 =	vpop (erf)  }
0x233: {  	v17 =	vadd.f32 v13, v12;
	[tilespmem:s6+$0xD980] =	vst v18;
	v9 =	vpop (erf)  }
0x234: {  	v16 =	vadd.f32 v16, v14  }
0x235: {  	v15 =	vadd.f32 v17, v15;
	v14 =	vpop (erf)  }
0x236: {  	v16 =	vadd.f32 v16, v9  }
.Ltmp4:
0x237: {  	v15 =	vadd.f32 v15, v14;
	(pc) =	sbr.rel @p0 .LBB2_11-.Ltmp4, $3  }
0x238: {  	_ = 	snop  }
0x239: {  	v15 =	vmul.f32 v15, v16;
	_ =	sdelay $0x1  }
0x23a: {  	(erf) = vrcp.f32 v15  }
0x23b: {  	_ =	sdelay $0x7  }
0x23c: {  	v1 =	vpop (erf)  }
0x23d: {  	v1 =	vmul.f32 v1, v4;
	_ =	sdelay $0x1  }
0x23e: {  	v2 =	vmul.f32 v1, v10;
	_ =	sdelay $0x1  }
0x23f: {  	v4 =	vmul.f32 v1, v12;
	v3 =	vmul.f32 v2, v5  }
0x240: {  	v54 =	vmul.f32 v1, v14;
	v10 =	vmul.f32 v2, v6  }
0x241: {  	v55 =	vmul.f32 v4, v5;
	[tilespmem:s6+$0xF000] =	vst v3  }
0x242: {  	v56 =	vmul.f32 v54, v7;
	[tilespmem:s6+$0xF080] =	vst v10  }
0x243: {  	v11 =	vmul.f32 v1, v11;
	v57 =	vmul.f32 v2, v9;
	[tilespmem:s6+$0xF500] =	vst v55  }
0x244: {  	v1 =	vmul.f32 v1, v13;
	v58 =	vmul.f32 v4, v6;
	[tilespmem:s6+$0xFB00] =	vst v56  }
0x245: {  	v59 =	vmul.f32 v4, v8;
	[tilespmem:s6+$0xF200] =	vst v57  }
0x246: {  	v60 =	vmul.f32 v1, v7;
	[tilespmem:s6+$0xF580] =	vst v58  }
0x247: {  	v61 =	vmul.f32 v1, v5;
	[tilespmem:s6+$0xF680] =	vst v59  }
0x248: {  	v62 =	vmul.f32 v1, v6;
	[tilespmem:s6+$0xF880] =	vst v60  }
0x249: {  	v3 =	vmul.f32 v2, v8;
	[tilespmem:s6+$0xF780] =	vst v61  }
0x24a: {  	v63 =	vmul.f32 v1, v8;
	[tilespmem:s6+$0xF800] =	vst v62  }
0x24b: {  	[tilespmem:s6+$0xF180] =	vst v3;
	v3 =	vmul.f32 v54, v9  }
0x24c: {  	v1 =	vmul.f32 v1, v9;
	[tilespmem:s6+$0xF900] =	vst v63  }
0x24d: {  	[tilespmem:s6+$0xFC00] =	vst v3;
	v3 =	vmul.f32 v4, v7  }
0x24e: {  	v2 =	vmul.f32 v2, v7;
	[tilespmem:s6+$0xF980] =	vst v1  }
0x24f: {  	[tilespmem:s6+$0xF600] =	vst v3;
	v3 =	vmul.f32 v11, v5  }
0x250: {  	v1 =	vmul.f32 v54, v8;
	[tilespmem:s6+$0xF100] =	vst v2  }
0x251: {  	[tilespmem:s6+$0xF280] =	vst v3;
	v3 =	vmul.f32 v11, v6  }
0x252: {  	v2 =	vmul.f32 v11, v8;
	[tilespmem:s6+$0xFB80] =	vst v1  }
0x253: {  	[tilespmem:s6+$0xF300] =	vst v3;
	v3 =	vmul.f32 v11, v7  }
0x254: {  	v4 =	vmul.f32 v4, v9;
	[tilespmem:s6+$0xF400] =	vst v2  }
0x255: {  	[tilespmem:s6+$0xF380] =	vst v3;
	v3 =	vmul.f32 v11, v9  }
0x256: {  	v2 =	vmul.f32 v54, v6;
	[tilespmem:s6+$0xF700] =	vst v4  }
0x257: {  	[tilespmem:s6+$0xF480] =	vst v3;
	v3 =	vmul.f32 v54, v5  }
0x258: {  	[tilespmem:s6+$0xFA80] =	vst v2  }
0x259: {  	s9 =	simm.s32 $0xD000;
	s8 =	simm.s32 $0xF000;
	[tilespmem:s6+$0xFA00] =	vst v3  }
0x25a: {  	[spmem:s2] =	stream.indirect.scatter.add.f32 [tilespmem:s8], [sflag:$0x2], $0x1, s9, s14, $0xb8;
	[tilespmem:$0x18890] =	vst v63  }
0x25b: {  	s8 =	simm.s32 $0xD080;
	s9 =	simm.s32 $0xF080  }
0x25c: {  	[spmem:s2] =	stream.indirect.scatter.add.f32 [tilespmem:s9], [sflag:$0x2], $0x1, s8, s14, $0xb8;
	[tilespmem:$0x18890] =	vst v63  }
0x25d: {  	s8 =	simm.s32 $0xD100;
	s9 =	simm.s32 $0xF100  }
0x25e: {  	[spmem:s2] =	stream.indirect.scatter.add.f32 [tilespmem:s9], [sflag:$0x2], $0x1, s8, s14, $0xb8;
	[tilespmem:$0x18890] =	vst v63  }
0x25f: {  	s8 =	simm.s32 $0xD180;
	s9 =	simm.s32 $0xF180  }
0x260: {  	[spmem:s2] =	stream.indirect.scatter.add.f32 [tilespmem:s9], [sflag:$0x2], $0x1, s8, s14, $0xb8;
	[tilespmem:$0x18890] =	vst v63  }
0x261: {  	s8 =	simm.s32 $0xD200;
	s9 =	simm.s32 $0xF200  }
0x262: {  	[spmem:s2] =	stream.indirect.scatter.add.f32 [tilespmem:s9], [sflag:$0x2], $0x1, s8, s14, $0xb8;
	[tilespmem:$0x18890] =	vst v63  }
0x263: {  	s8 =	simm.s32 $0xD280;
	s9 =	simm.s32 $0xF280  }
0x264: {  	[spmem:s2] =	stream.indirect.scatter.add.f32 [tilespmem:s9], [sflag:$0x2], $0x1, s8, s14, $0xb8;
	[tilespmem:$0x18890] =	vst v63  }
0x265: {  	s8 =	simm.s32 $0xD300;
	s9 =	simm.s32 $0xF300  }
0x266: {  	[spmem:s2] =	stream.indirect.scatter.add.f32 [tilespmem:s9], [sflag:$0x2], $0x1, s8, s14, $0xb8;
	[tilespmem:$0x18890] =	vst v63  }
0x267: {  	s8 =	simm.s32 $0xD380;
	s9 =	simm.s32 $0xF380  }
0x268: {  	[spmem:s2] =	stream.indirect.scatter.add.f32 [tilespmem:s9], [sflag:$0x2], $0x1, s8, s14, $0xb8;
	[tilespmem:$0x18890] =	vst v63  }
0x269: {  	s8 =	simm.s32 $0xD400;
	s9 =	simm.s32 $0xF400  }
0x26a: {  	[spmem:s2] =	stream.indirect.scatter.add.f32 [tilespmem:s9], [sflag:$0x2], $0x1, s8, s14, $0xb8;
	[tilespmem:$0x18890] =	vst v63  }
0x26b: {  	s8 =	simm.s32 $0xD480;
	s9 =	simm.s32 $0xF480  }
0x26c: {  	[spmem:s2] =	stream.indirect.scatter.add.f32 [tilespmem:s9], [sflag:$0x2], $0x1, s8, s14, $0xb8;
	[tilespmem:$0x18890] =	vst v63  }
0x26d: {  	s8 =	simm.s32 $0xD500;
	s9 =	simm.s32 $0xF500  }
0x26e: {  	[spmem:s2] =	stream.indirect.scatter.add.f32 [tilespmem:s9], [sflag:$0x2], $0x1, s8, s14, $0xb8;
	[tilespmem:$0x18890] =	vst v63  }
0x26f: {  	s8 =	simm.s32 $0xD580;
	s9 =	simm.s32 $0xF580  }
0x270: {  	[spmem:s2] =	stream.indirect.scatter.add.f32 [tilespmem:s9], [sflag:$0x2], $0x1, s8, s14, $0xb8;
	[tilespmem:$0x18890] =	vst v63  }
0x271: {  	s8 =	simm.s32 $0xD600;
	s9 =	simm.s32 $0xF600  }
0x272: {  	[spmem:s2] =	stream.indirect.scatter.add.f32 [tilespmem:s9], [sflag:$0x2], $0x1, s8, s14, $0xb8;
	[tilespmem:$0x18890] =	vst v63  }
0x273: {  	s8 =	simm.s32 $0xD680;
	s9 =	simm.s32 $0xF680  }
0x274: {  	[spmem:s2] =	stream.indirect.scatter.add.f32 [tilespmem:s9], [sflag:$0x2], $0x1, s8, s14, $0xb8;
	[tilespmem:$0x18890] =	vst v63  }
0x275: {  	s8 =	simm.s32 $0xD700;
	s9 =	simm.s32 $0xF700  }
0x276: {  	[spmem:s2] =	stream.indirect.scatter.add.f32 [tilespmem:s9], [sflag:$0x2], $0x1, s8, s14, $0xb8;
	[tilespmem:$0x18890] =	vst v63  }
0x277: {  	s8 =	simm.s32 $0xD780;
	s9 =	simm.s32 $0xF780  }
0x278: {  	[spmem:s2] =	stream.indirect.scatter.add.f32 [tilespmem:s9], [sflag:$0x2], $0x1, s8, s14, $0xb8;
	[tilespmem:$0x18890] =	vst v63  }
0x279: {  	s9 =	simm.s32 $0xD800  }
0x27a: {  	[spmem:s2] =	stream.indirect.scatter.add.f32 [tilespmem:s13], [sflag:$0x2], $0x1, s9, s14, $0xb8;
	[tilespmem:$0x18890] =	vst v63  }
0x27b: {  	_ = 	snop  }
0x27c: {  	[spmem:s2] =	stream.indirect.scatter.add.f32 [tilespmem:s7], [sflag:$0x2], $0x1, s3, s14, $0xb8;
	[tilespmem:$0x18890] =	vst v63  }
0x27d: {  	_ = 	snop  }
0x27e: {  	[spmem:s2] =	stream.indirect.scatter.add.f32 [tilespmem:s15], [sflag:$0x2], $0x1, s10, s14, $0xb8;
	[tilespmem:$0x18890] =	vst v63  }
0x27f: {  	_ = 	snop  }
0x280: {  	[spmem:s2] =	stream.indirect.scatter.add.f32 [tilespmem:s17], [sflag:$0x2], $0x1, s16, s14, $0xb8;
	[tilespmem:$0x18890] =	vst v63  }
0x281: {  	_ = 	snop  }
0x282: {  	[spmem:s2] =	stream.indirect.scatter.add.f32 [tilespmem:s19], [sflag:$0x2], $0x1, s18, s14, $0xb8;
	[tilespmem:$0x18890] =	vst v63  }
0x283: {  	s5 =	sadd.s32 $0x1, s5  }
0x284: {  	[spmem:s2] =	stream.indirect.scatter.add.f32 [tilespmem:s21], [sflag:$0x2], $0x1, s20, s14, $0xb8;
	[tilespmem:$0x18890] =	vst v63  }
0x285: {  	p0 =	sne.s32 s5, $0x40  }
0x286: {  	[spmem:s2] =	stream.indirect.scatter.add.f32 [tilespmem:s23], [sflag:$0x2], $0x1, s22, s14, $0xb8;
	[tilespmem:$0x18890] =	vst v63  }
.Ltmp5:
0x287: {  	_ = 	snop;
	(pc) =	sbr.rel @p0 .LBB2_4-.Ltmp5, $4  }
0x288: {  	s0 =	sadd.s32 $0x100, s0;
	s1 =	sadd.s32 $0x100, s1;
	s31 =	sadd.s32 $0x100, s31  }
0x289: {  	[spmem:s2] =	stream.indirect.scatter.add.f32 [tilespmem:s25], [sflag:$0x2], $0x1, s24, s14, $0xb8;
	[tilespmem:$0x18890] =	vst v63  }
0x28a: {  	s11 =	sadd.s32 $0x100, s11;
	s12 =	sadd.s32 $0x100, s12;
	s4 =	sadd.s32 $0x100, s4  }
0x28b: {  	[spmem:s2] =	stream.indirect.scatter.add.f32 [tilespmem:s28], [sflag:$0x2], $0x1, s26, s14, $0xb8;
	[tilespmem:$0x18890] =	vst v63  }
0x28c: {  	_ =	swait.ge [sflag:s29], $0x80  }
0x28d: {  	[sflag:s29] =	ssyncset.done $0x0  }
0x28e: {  	[sflag:s29] =	ssyncadd.s32 $0xFFFFFF80  }
0x28f: {  	_ =	swait.ge [sflag:s29], $0x80  }
0x290: {  	[sflag:s29] =	ssyncset.done $0x0  }
0x291: {  	[sflag:s29] =	ssyncadd.s32 $0xFFFFFF80  }
0x292: {  	_ =	swait.ge [sflag:s29], $0x80  }
0x293: {  	[sflag:s29] =	ssyncset.done $0x0  }
0x294: {  	[sflag:s29] =	ssyncadd.s32 $0xFFFFFF80  }
0x295: {  	_ =	swait.ge [sflag:s29], $0x80  }
0x296: {  	[sflag:s29] =	ssyncset.done $0x0  }
0x297: {  	[sflag:s29] =	ssyncadd.s32 $0xFFFFFF80  }
0x298: {  	_ =	swait.ge [sflag:s29], $0x80  }
0x299: {  	[sflag:s29] =	ssyncset.done $0x0  }
0x29a: {  	[sflag:s29] =	ssyncadd.s32 $0xFFFFFF80  }
0x29b: {  	_ =	swait.ge [sflag:s29], $0x80  }
0x29c: {  	[sflag:s29] =	ssyncset.done $0x0  }
0x29d: {  	[sflag:s29] =	ssyncadd.s32 $0xFFFFFF80  }
0x29e: {  	_ =	swait.ge [sflag:s29], $0x80  }
0x29f: {  	[sflag:s29] =	ssyncset.done $0x0  }
0x2a0: {  	[sflag:s29] =	ssyncadd.s32 $0xFFFFFF80  }
0x2a1: {  	_ =	swait.ge [sflag:s29], $0x80  }
0x2a2: {  	[sflag:s29] =	ssyncset.done $0x0  }
0x2a3: {  	[sflag:s29] =	ssyncadd.s32 $0xFFFFFF80  }
0x2a4: {  	_ =	swait.ge [sflag:s29], $0x80  }
0x2a5: {  	[sflag:s29] =	ssyncset.done $0x0  }
0x2a6: {  	[sflag:s29] =	ssyncadd.s32 $0xFFFFFF80  }
0x2a7: {  	_ =	swait.ge [sflag:s29], $0x80  }
0x2a8: {  	[sflag:s29] =	ssyncset.done $0x0  }
0x2a9: {  	[sflag:s29] =	ssyncadd.s32 $0xFFFFFF80  }
0x2aa: {  	_ =	swait.ge [sflag:s29], $0x80  }
0x2ab: {  	[sflag:s29] =	ssyncset.done $0x0  }
0x2ac: {  	[sflag:s29] =	ssyncadd.s32 $0xFFFFFF80  }
0x2ad: {  	_ =	swait.ge [sflag:s29], $0x80  }
0x2ae: {  	[sflag:s29] =	ssyncset.done $0x0  }
0x2af: {  	[sflag:s29] =	ssyncadd.s32 $0xFFFFFF80  }
0x2b0: {  	_ =	swait.ge [sflag:s29], $0x80  }
0x2b1: {  	[sflag:s29] =	ssyncset.done $0x0  }
0x2b2: {  	[sflag:s29] =	ssyncadd.s32 $0xFFFFFF80  }
0x2b3: {  	_ =	swait.ge [sflag:s29], $0x80  }
0x2b4: {  	[sflag:s29] =	ssyncset.done $0x0  }
0x2b5: {  	[sflag:s29] =	ssyncadd.s32 $0xFFFFFF80  }
0x2b6: {  	_ =	swait.ge [sflag:s29], $0x80  }
0x2b7: {  	[sflag:s29] =	ssyncset.done $0x0  }
0x2b8: {  	[sflag:s29] =	ssyncadd.s32 $0xFFFFFF80  }
0x2b9: {  	_ =	swait.ge [sflag:s29], $0x80  }
0x2ba: {  	[sflag:s29] =	ssyncset.done $0x0  }
0x2bb: {  	[sflag:s29] =	ssyncadd.s32 $0xFFFFFF80  }
0x2bc: {  	_ =	swait.ge [sflag:s29], $0x80  }
0x2bd: {  	[sflag:s29] =	ssyncset.done $0x0  }
0x2be: {  	[sflag:s29] =	ssyncadd.s32 $0xFFFFFF80  }
0x2bf: {  	_ =	swait.ge [sflag:s29], $0x80  }
0x2c0: {  	[sflag:s29] =	ssyncset.done $0x0  }
0x2c1: {  	[sflag:s29] =	ssyncadd.s32 $0xFFFFFF80  }
0x2c2: {  	_ =	swait.ge [sflag:s29], $0x80  }
0x2c3: {  	[sflag:s29] =	ssyncset.done $0x0  }
0x2c4: {  	[sflag:s29] =	ssyncadd.s32 $0xFFFFFF80  }
0x2c5: {  	_ =	swait.ge [sflag:s29], $0x80  }
0x2c6: {  	[sflag:s29] =	ssyncset.done $0x0  }
0x2c7: {  	[sflag:s29] =	ssyncadd.s32 $0xFFFFFF80  }
0x2c8: {  	_ =	swait.ge [sflag:s29], $0x80  }
0x2c9: {  	[sflag:s29] =	ssyncset.done $0x0  }
0x2ca: {  	[sflag:s29] =	ssyncadd.s32 $0xFFFFFF80  }
0x2cb: {  	_ =	swait.ge [sflag:s29], $0x80  }
0x2cc: {  	[sflag:s29] =	ssyncset.done $0x0  }
0x2cd: {  	[sflag:s29] =	ssyncadd.s32 $0xFFFFFF80  }
0x2ce: {  	_ =	swait.ge [sflag:s29], $0x80  }
0x2cf: {  	[sflag:s29] =	ssyncset.done $0x0  }
0x2d0: {  	[sflag:s29] =	ssyncadd.s32 $0xFFFFFF80  }
0x2d1: {  	_ =	swait.ge [sflag:s29], $0x80  }
0x2d2: {  	[sflag:s29] =	ssyncset.done $0x0  }
0x2d3: {  	[sflag:s29] =	ssyncadd.s32 $0xFFFFFF80  }
0x2d4: {  	_ =	swait.ge [sflag:s29], $0x80  }
0x2d5: {  	[sflag:s29] =	ssyncset.done $0x0  }
0x2d6: {  	[sflag:s29] =	ssyncadd.s32 $0xFFFFFF80  }
0x2d7: {  	_ =	swait.ge [sflag:s30], $0x80  }
0x2d8: {  	[sflag:s30] =	ssyncset.done $0x0  }
0x2d9: {  	[sflag:s30] =	ssyncadd.s32 $0xFFFFFF80  }
0x2da: {  	_ =	swait.ge [sflag:s30], $0x80  }
0x2db: {  	[sflag:s30] =	ssyncset.done $0x0  }
0x2dc: {  	[sflag:s30] =	ssyncadd.s32 $0xFFFFFF80  }
0x2dd: {  	_ =	swait.ge [sflag:s30], $0x80  }
0x2de: {  	[sflag:s30] =	ssyncset.done $0x0  }
0x2df: {  	[sflag:s30] =	ssyncadd.s32 $0xFFFFFF80  }
0x2e0: {  	_ =	swait.ge [sflag:s30], $0x80  }
0x2e1: {  	[sflag:s30] =	ssyncset.done $0x0  }
0x2e2: {  	[sflag:s30] =	ssyncadd.s32 $0xFFFFFF80  }
0x2e3: {  	_ =	swait.ge [sflag:s30], $0x80  }
0x2e4: {  	[sflag:s30] =	ssyncset.done $0x0  }
0x2e5: {  	[sflag:s30] =	ssyncadd.s32 $0xFFFFFF80  }
0x2e6: {  	_ =	swait.ge [sflag:s30], $0x80  }
0x2e7: {  	[sflag:s30] =	ssyncset.done $0x0  }
0x2e8: {  	[sflag:s30] =	ssyncadd.s32 $0xFFFFFF80  }
0x2e9: {  	_ =	swait.ge [sflag:s30], $0x80  }
0x2ea: {  	[sflag:s30] =	ssyncset.done $0x0  }
0x2eb: {  	[sflag:s30] =	ssyncadd.s32 $0xFFFFFF80  }
0x2ec: {  	_ =	swait.ge [sflag:s30], $0x80  }
0x2ed: {  	[sflag:s30] =	ssyncset.done $0x0  }
0x2ee: {  	[sflag:s30] =	ssyncadd.s32 $0xFFFFFF80  }
0x2ef: {  	_ =	swait.ge [sflag:s30], $0x80  }
0x2f0: {  	[sflag:s30] =	ssyncset.done $0x0  }
0x2f1: {  	[sflag:s30] =	ssyncadd.s32 $0xFFFFFF80  }
0x2f2: {  	_ =	swait.ge [sflag:s30], $0x80  }
0x2f3: {  	[sflag:s30] =	ssyncset.done $0x0  }
0x2f4: {  	[sflag:s30] =	ssyncadd.s32 $0xFFFFFF80  }
0x2f5: {  	_ =	swait.ge [sflag:s30], $0x80  }
0x2f6: {  	[sflag:s30] =	ssyncset.done $0x0  }
0x2f7: {  	[sflag:s30] =	ssyncadd.s32 $0xFFFFFF80  }
0x2f8: {  	_ =	swait.ge [sflag:s30], $0x80  }
0x2f9: {  	[sflag:s30] =	ssyncset.done $0x0  }
0x2fa: {  	[sflag:s30] =	ssyncadd.s32 $0xFFFFFF80  }
0x2fb: {  	_ =	swait.ge [sflag:s30], $0x80  }
0x2fc: {  	[sflag:s30] =	ssyncset.done $0x0  }
0x2fd: {  	[sflag:s30] =	ssyncadd.s32 $0xFFFFFF80  }
0x2fe: {  	_ =	swait.ge [sflag:s30], $0x80  }
0x2ff: {  	[sflag:s30] =	ssyncset.done $0x0  }
0x300: {  	[sflag:s30] =	ssyncadd.s32 $0xFFFFFF80  }
0x301: {  	_ =	swait.ge [sflag:s30], $0x80  }
0x302: {  	[sflag:s30] =	ssyncset.done $0x0  }
0x303: {  	[sflag:s30] =	ssyncadd.s32 $0xFFFFFF80  }
0x304: {  	_ =	swait.ge [sflag:s30], $0x80  }
0x305: {  	[sflag:s30] =	ssyncset.done $0x0  }
0x306: {  	[sflag:s30] =	ssyncadd.s32 $0xFFFFFF80  }
0x307: {  	_ =	swait.ge [sflag:s30], $0x80  }
0x308: {  	[sflag:s30] =	ssyncset.done $0x0  }
0x309: {  	[sflag:s30] =	ssyncadd.s32 $0xFFFFFF80  }
0x30a: {  	_ =	swait.ge [sflag:s30], $0x80  }
0x30b: {  	[sflag:s30] =	ssyncset.done $0x0  }
0x30c: {  	[sflag:s30] =	ssyncadd.s32 $0xFFFFFF80  }
0x30d: {  	_ =	swait.ge [sflag:s30], $0x80  }
0x30e: {  	[sflag:s30] =	ssyncset.done $0x0  }
0x30f: {  	[sflag:s30] =	ssyncadd.s32 $0xFFFFFF80  }
0x310: {  	_ =	swait.ge [sflag:s30], $0x80  }
0x311: {  	[sflag:s30] =	ssyncset.done $0x0  }
0x312: {  	[sflag:s30] =	ssyncadd.s32 $0xFFFFFF80  }
0x313: {  	_ =	swait.ge [sflag:s30], $0x80  }
0x314: {  	[sflag:s30] =	ssyncset.done $0x0  }
0x315: {  	[sflag:s30] =	ssyncadd.s32 $0xFFFFFF80  }
0x316: {  	_ =	swait.ge [sflag:s30], $0x80  }
0x317: {  	[sflag:s30] =	ssyncset.done $0x0  }
0x318: {  	[sflag:s30] =	ssyncadd.s32 $0xFFFFFF80  }
0x319: {  	_ =	swait.ge [sflag:s30], $0x80  }
0x31a: {  	[sflag:s30] =	ssyncset.done $0x0  }
0x31b: {  	[sflag:s30] =	ssyncadd.s32 $0xFFFFFF80  }
0x31c: {  	_ =	swait.ge [sflag:s30], $0x80  }
0x31d: {  	[sflag:s30] =	ssyncset.done $0x0  }
0x31e: {  	[sflag:s30] =	ssyncadd.s32 $0xFFFFFF80  }
0x31f: {  	_ =	swait.ge [sflag:s30], $0x80  }
0x320: {  	[sflag:s30] =	ssyncset.done $0x0  }
0x321: {  	[sflag:s30] =	ssyncadd.s32 $0xFFFFFF80  }
0x322: {  	[bflag:$0x0] =	sbarrier.arrive $0xFFFF  }
0x323: {  	s6 =	simm.s32 $0x10000;
	s4 =	simm.s32 $0x3;
	s5 =	rddreg [dreg:$0x9]  }
0x324: {  	[tilespmem:s6], [sflag:$0x3] =	stream.linear.gather [spmem:s5], $0x4410, $0x38;
	[tilespmem:$0x18890] =	vst v63  }
0x325: {  	_ =	swait.ge [sflag:s4], $0x4410  }
0x326: {  	[sflag:s4] =	ssyncset.done $0x0  }
0x327: {  	s11 =	simm.s32 $0x0;
	s0 =	rddreg [dreg:$0xa];
	[sflag:s4] =	ssyncadd.s32 $0xFFFFBBF0  }
0x328: {  	[hbm4b:s0+s11] =	stream.linear.scatter [tilespmem:s6], [sflag:$0x3], $0x4410, $0x38;
	[tilespmem:$0x18890] =	vst v63  }
0x329: {  	_ =	swait.ge [sflag:s4], $0x4410  }
0x32a: {  	s1 =	rddreg [dreg:$0xc]  }
0x32b: {  	s31 =	rddreg [dreg:$0xb];
	s1 =	sadd.s32 $0x1, s1  }
0x32c: {  	p0 =	sne.s32 s1, s31  }
.Ltmp6:
0x32d: {  	_ = 	snop;
	(pc) =	sbr.rel @p0 .LBB2_1-.Ltmp6, $3  }
0x32e: {  	_ =	sdelay $0x1  }
0x32f: {  	[sflag:s4] =	ssyncset.done $0x0  }
0x330: {  	[sflag:s4] =	ssyncadd.s32 $0xFFFFBBF0  }
0x331: {  	_ =	sfence.sel $0x180000  }
0x332: {  	[bflag:$0x0] =	sbarrier.arrive $0xFFFF  }
0x333: {  	_ =	strace $0x90000047  }
0x334: {  	s0 =	stileid.u32;
	[bflag:$0x2] =	sbarrier.arrive $0xFFFF  }
0x335: {  	p0 =	sne.s32 s0, $0x0;
	s0 =	rddreg [dreg:$0x5]  }
0x336: {  	s0 =	sadd.s32 @!p0 $0x100000, s0  }
0x337: {  	[sflag:s0] =	ssyncadd.tile.s32 @!p0 $0x1;
	_ =	shalt  }
.Lfunc_end2:
_tile_overlayer_lowered:
.L_overlay_start_2:
0x338: {  	(tag) =	ssettag $0x2  }
0x339: {  	s0 =	rddreg [dreg:$0x0];
	s2 =	stileid.u32  }
0x33a: {  	s1 =	rddreg [dreg:$0x1];
	p0 =	sne.s32 s2, $0x0  }
0x33b: {  	s3 =	rddreg [dreg:$0x2];
	[bflag:$0x3] =	sbarrier.arrive $0xFFFF;
	s2 =	simm.s32 @!p0 $0x1C03  }
0x33c: {  	[timem:s3], [sflag:s2] =	dma.local @!p0 [hbm:s0], s1  }
0x33d: {  	s0 =	simm.s32 @!p0 $0x3  }
0x33e: {  	_ =	swait.ge @!p0 [sflag:s0], s1  }
0x33f: {  	s1 =	ssub.s32 @!p0 $0x0, s1;
	[sflag:s0] =	ssyncset.done @!p0 $0x0  }
0x340: {  	[sflag:s0] =	ssyncadd.s32 @!p0 s1  }
0x341: {  	[bflag:$0x3] =	sbarrier.arrive $0xFFFF  }
0x342: {  	_ =	shalt  }

</sc_bundles>
